<compile_context>
chip_gen: v7x
topology: tpu7x:2x2x1
jax: 0.10.2.dev20260603
libtpu: 0.0.44.dev20260713+nightly
codegen_flags: <defaults>
</compile_context>

<pallas_src>
import jax
import jax.numpy as jnp
from jax import lax
from jax.experimental import pallas as pl
from jax.experimental.pallas import tpu as pltpu
from jax.experimental.pallas import tpu_sc as plsc

N = 10000
NP = 10240
E = 320000
D = 128
H = 64
C = 16
K = 4

NC = 2
NS = 16
NWKR = NC * NS
EPW = E // NWKR
WIN = 125
NWIN = EPW // WIN
ZC = NP // NS

import functools


@functools.lru_cache(maxsize=1)
def _sc_mesh():
    return plsc.VectorSubcoreMesh(core_axis_name="c", subcore_axis_name="s",
                                  num_cores=NC, num_subcores=NS)



def _deg_body(src3_hbm, dst3_hbm, degp_hbm, src3_v, dst3_v, ones_v, zbuf_v,
              dego_sh, degi_sh, so, si):
    cid = lax.axis_index("c")
    sid = lax.axis_index("s")
    wid = sid * NC + cid

    pltpu.sync_copy(src3_hbm.at[wid], src3_v)
    pltpu.sync_copy(dst3_hbm.at[wid], dst3_v)

    def fill(k, _):
        ones_v[pl.ds(k * 16, 16)] = jnp.ones((16,), jnp.float32)
        return 0
    lax.fori_loop(0, 8, fill, 0)

    def zfill(k, _):
        zbuf_v[pl.ds(k * 16, 16)] = jnp.zeros((16,), jnp.float32)
        return 0
    lax.fori_loop(0, ZC // 16, zfill, 0)

    pltpu.sync_copy(zbuf_v, dego_sh.at[pl.ds(sid * ZC, ZC)])
    pltpu.sync_copy(zbuf_v, degi_sh.at[pl.ds(sid * ZC, ZC)])
    plsc.subcore_barrier()

    ones = ones_v.at[pl.ds(0, WIN)]

    def fire(w, _):
        pltpu.async_copy(ones, dego_sh.at[src3_v.at[w, 0]], so, add=True)
        pltpu.async_copy(ones, degi_sh.at[dst3_v.at[w, 0]], si, add=True)
        return 0
    lax.fori_loop(0, NWIN, fire, 0)

    def drain(w, _):
        pltpu.make_async_copy(ones, dego_sh.at[src3_v.at[0, 0]], so).wait()
        pltpu.make_async_copy(ones, degi_sh.at[dst3_v.at[0, 0]], si).wait()
        return 0
    lax.fori_loop(0, NWIN, drain, 0)
    plsc.subcore_barrier()

    pltpu.sync_copy(dego_sh.at[pl.ds(sid * ZC, ZC)],
                    degp_hbm.at[cid, 0, pl.ds(sid * ZC, ZC)])
    pltpu.sync_copy(degi_sh.at[pl.ds(sid * ZC, ZC)],
                    degp_hbm.at[cid, 1, pl.ds(sid * ZC, ZC)])


@functools.lru_cache(maxsize=1)
def _deg_call():
    return pl.kernel(
        _deg_body,
        out_type=jax.ShapeDtypeStruct((NC, 2, NP), jnp.float32),
        mesh=_sc_mesh(),
        compiler_params=pltpu.CompilerParams(use_tc_tiling_on_sc=False),
        scratch_types=[
            pltpu.VMEM((NWIN, 1, WIN), jnp.int32),
            pltpu.VMEM((NWIN, 1, WIN), jnp.int32),
            pltpu.VMEM((128,), jnp.float32),
            pltpu.VMEM((ZC,), jnp.float32),
            pltpu.VMEM_SHARED((NP,), jnp.float32),
            pltpu.VMEM_SHARED((NP,), jnp.float32),
            pltpu.SemaphoreType.DMA,
            pltpu.SemaphoreType.DMA,
        ],
    )


NRING = 8


def _hop_body(u_hbm, src3_hbm, dst3_hbm, zp_hbm, src3_v, dst3_v, rows_v,
              zrows_v, z_sh, *gsems):
    cid = lax.axis_index("c")
    sid = lax.axis_index("s")
    wid = sid * NC + cid

    pltpu.sync_copy(src3_hbm.at[wid], src3_v)
    pltpu.sync_copy(dst3_hbm.at[wid], dst3_v)

    def zb(k, _):
        zrows_v[k // 4, pl.ds((k % 4) * 16, 16)] = jnp.zeros((16,), jnp.float32)
        return 0
    lax.fori_loop(0, 64 * 4, zb, 0)

    def zc_body(j, _):
        pltpu.sync_copy(zrows_v, z_sh.at[pl.ds(sid * ZC + j * 64, 64)])
        return 0
    lax.fori_loop(0, ZC // 64, zc_body, 0)
    plsc.subcore_barrier()

    def gather(w, b):
        pltpu.async_copy(u_hbm.at[src3_v.at[w, 0]], rows_v.at[b], gsems[b])

    for b in range(NRING):
        gather(b, b)

    def body(i, _):
        for b in range(NRING):
            w = i * NRING + b
            pltpu.make_async_copy(u_hbm.at[src3_v.at[w, 0]],
                                  rows_v.at[b], gsems[b]).wait()
            pltpu.sync_copy(rows_v.at[b], z_sh.at[dst3_v.at[w, 0]], add=True)

            @pl.when(w + NRING < NWIN)
            def _():
                gather(w + NRING, b)
        return 0
    lax.fori_loop(0, NWIN // NRING, body, 0)
    plsc.subcore_barrier()

    pltpu.sync_copy(z_sh.at[pl.ds(sid * ZC, ZC)],
                    zp_hbm.at[cid, pl.ds(sid * ZC, ZC)])


@functools.lru_cache(maxsize=1)
def _hop_call():
    return pl.kernel(
        _hop_body,
        out_type=jax.ShapeDtypeStruct((NC, NP, H), jnp.float32),
        mesh=_sc_mesh(),
        compiler_params=pltpu.CompilerParams(use_tc_tiling_on_sc=False),
        scratch_types=[
            pltpu.VMEM((NWIN, 1, WIN), jnp.int32),
            pltpu.VMEM((NWIN, 1, WIN), jnp.int32),
            pltpu.VMEM((NRING, WIN, H), jnp.float32),
            pltpu.VMEM((64, H), jnp.float32),
            pltpu.VMEM_SHARED((NP, H), jnp.float32),
        ] + [pltpu.SemaphoreType.DMA] * NRING,
    )



def _pre_body(xp_ref, w1_ref, w2_ref, degpt_ref, u0_ref, p0_ref, w_ref, d_ref):
    dego = degpt_ref[:, 0:1] + degpt_ref[:, 2:3]
    degi = degpt_ref[:, 1:2] + degpt_ref[:, 3:4]
    s = lax.rsqrt(jnp.maximum(dego, 1.0))
    d = lax.rsqrt(jnp.maximum(degi, 1.0))
    y0 = jnp.dot(xp_ref[...], w1_ref[...], preferred_element_type=jnp.float32)
    u0_ref[...] = y0 * s
    p0_ref[...] = jnp.dot(jnp.maximum(y0, 0.0), w2_ref[...],
                          preferred_element_type=jnp.float32)
    w_ref[...] = s * d
    d_ref[...] = d


BN = 1024
NB = NP // BN


def _row_spec(minor):
    return pl.BlockSpec((BN, minor), lambda i: (i, 0))


def _full_spec(shape):
    return pl.BlockSpec(shape, lambda i: tuple(0 for _ in shape))


def _pre_call(xp, W1, W2, degpt):
    return pl.pallas_call(
        _pre_body,
        grid=(NB,),
        in_specs=[_row_spec(D), _full_spec((D, H)), _full_spec((H, C)),
                  _row_spec(4)],
        out_specs=[_row_spec(H), _row_spec(C), _row_spec(1), _row_spec(1)],
        out_shape=[
            jax.ShapeDtypeStruct((NP, H), jnp.float32),
            jax.ShapeDtypeStruct((NP, C), jnp.float32),
            jax.ShapeDtypeStruct((NP, 1), jnp.float32),
            jax.ShapeDtypeStruct((NP, 1), jnp.float32),
        ],
    )(xp, W1, W2, degpt)


def _mid_body(zp_ref, w_ref, d_ref, w2_ref, u_ref, p_ref):
    zs = zp_ref[0] + zp_ref[1]
    y = zs * d_ref[...]
    p_ref[...] = jnp.dot(jnp.maximum(y, 0.0), w2_ref[...],
                         preferred_element_type=jnp.float32)
    u_ref[...] = zs * w_ref[...]


def _mid_call(zp, w, d, W2):
    return pl.pallas_call(
        _mid_body,
        grid=(NB,),
        in_specs=[pl.BlockSpec((NC, BN, H), lambda i: (0, i, 0)),
                  _row_spec(1), _row_spec(1), _full_spec((H, C))],
        out_specs=[_row_spec(H), _row_spec(C)],
        out_shape=[
            jax.ShapeDtypeStruct((NP, H), jnp.float32),
            jax.ShapeDtypeStruct((NP, C), jnp.float32),
        ],
    )(zp, w, d, W2)


def _last_body(zp_ref, d_ref, w2_ref, wa_ref, p0_ref, p1_ref, p2_ref, p3_ref,
               out_ref):
    zs = zp_ref[0] + zp_ref[1]
    y = zs * d_ref[...]
    p4 = jnp.dot(jnp.maximum(y, 0.0), w2_ref[...],
                 preferred_element_type=jnp.float32)
    wa = wa_ref[...]
    ps = [p0_ref[...], p1_ref[...], p2_ref[...], p3_ref[...], p4]
    ats = [jnp.sum(p * wa, axis=1, keepdims=True) for p in ps]
    m = ats[0]
    for a in ats[1:]:
        m = jnp.maximum(m, a)
    es = [jnp.exp(a - m) for a in ats]
    tot = es[0] + es[1] + es[2] + es[3] + es[4]
    acc = ps[0] * es[0]
    for j in range(1, 5):
        acc = acc + ps[j] * es[j]
    out_ref[...] = acc / tot


def _last_call(zp, d, W2, wap, p0, p1, p2, p3):
    return pl.pallas_call(
        _last_body,
        grid=(NB,),
        in_specs=[pl.BlockSpec((NC, BN, H), lambda i: (0, i, 0)),
                  _row_spec(1), _full_spec((H, C)), _row_spec(C),
                  _row_spec(C), _row_spec(C), _row_spec(C), _row_spec(C)],
        out_specs=_row_spec(C),
        out_shape=jax.ShapeDtypeStruct((NP, C), jnp.float32),
    )(zp, d, W2, wap, p0, p1, p2, p3)



def kernel(x, edge_index, W1, W2, Wa):
    src3 = edge_index[0].reshape(NWKR, NWIN, 1, WIN)
    dst3 = edge_index[1].reshape(NWKR, NWIN, 1, WIN)
    xp = jnp.concatenate([x, jnp.zeros((NP - N, D), x.dtype)], axis=0)
    wap = jnp.concatenate([Wa, jnp.zeros((NP - N, C), Wa.dtype)], axis=0)

    degp = _deg_call()(src3, dst3)
    degpt = jnp.transpose(degp.reshape(NC * 2, NP))

    u, p0, w, d = _pre_call(xp, W1, W2, degpt)
    ps = [p0]
    for _ in range(K - 1):
        zp = _hop_call()(u, src3, dst3)
        u, p = _mid_call(zp, w, d, W2)
        ps.append(p)
    zp = _hop_call()(u, src3, dst3)
    logits = _last_call(zp, d, W2, wap, ps[0], ps[1], ps[2], ps[3])
    return logits[:N]

# --- scband reference (transcript-rebuilt; emitter-appended) ---
"""Pipeline reference for scband-shgrn-pr-59407987638323 (READ-ONLY COPY).

The authoritative reference and input builder live on the scoring server;
editing this copy changes nothing except your own understanding.
"""

import jax, jax.numpy as jnp
import numpy as np

N = 10000
E = 320000
D = 128
H = 64
C = 16
K = 4  # number of propagation hops; total branches = K + 1


def setup_inputs(seed: int = 0) -> dict:
    key = jax.random.key(seed)
    k1, k2, k3, k4, k5 = jax.random.split(key, 5)
    x = jax.random.normal(k1, (N, D), dtype=jnp.float32)
    edge_index = jax.random.randint(k2, (2, E), 0, N, dtype=jnp.int32)
    # glorot-uniform style scaling for learned weights
    W1 = jax.random.normal(k3, (D, H), dtype=jnp.float32) * np.sqrt(2.0 / (D + H))
    W2 = jax.random.normal(k4, (H, C), dtype=jnp.float32) * np.sqrt(2.0 / (H + C))
    # per-node attention weights, shape [N, nclasses] as in _build_attn
    Wa = jax.random.normal(k5, (N, C), dtype=jnp.float32) * np.sqrt(2.0 / (N + C))
    return {"x": x, "edge_index": edge_index, "W1": W1, "W2": W2, "Wa": Wa}


def reference(x, edge_index, W1, W2, Wa):
    src = edge_index[0]
    dst = edge_index[1]
    n = x.shape[0]
    # symmetric GCN normalization D^{-1/2} A D^{-1/2}
    deg_out = jnp.zeros((n,), dtype=x.dtype).at[src].add(1.0)
    deg_in = jnp.zeros((n,), dtype=x.dtype).at[dst].add(1.0)
    dinv_s = jax.lax.rsqrt(jnp.maximum(deg_out, 1.0))
    dinv_d = jax.lax.rsqrt(jnp.maximum(deg_in, 1.0))
    norm = dinv_s[src] * dinv_d[dst]

    def prop(h):
        msgs = h[src] * norm[:, None]
        return jnp.zeros_like(h).at[dst].add(msgs)

    # InfoPropagation_pr: list of propagated feature matrices (hops 0..K)
    propa = [x]
    h = x
    for _ in range(K):
        h = prop(h)
        propa.append(h)

    # layer_0: shared W1 + relu per hop
    Zs = [jax.nn.relu(p @ W1) for p in propa]
    # layer_last: shared W2 per hop
    lastZs = [z @ W2 for z in Zs]
    propa_result = jnp.stack(lastZs, axis=1)  # [N, K+1, C]

    # _build_attn: per-node attention over hops
    attn = jnp.einsum('nkc,nc->nk', propa_result, Wa)  # [N, K+1]
    coef = jax.nn.softmax(attn, axis=1)
    logits = jnp.sum(propa_result * coef[:, :, None], axis=1)  # [N, C]
    return logits

if __name__ == "__main__":
    import jax
    _d = setup_inputs()
    print(jax.jit(kernel)(*tuple(_d.values())))

</pallas_src>

<mosaic_0001>
#map = affine_map<(d0, d1) -> (0, 0)>
#map1 = affine_map<(d0, d1) -> (0, 0, 0, 0)>
#map2 = affine_map<(d0, d1) -> (0, 0, 0)>
module attributes {stable_mosaic.version = 14 : i64} {
  func.func @_hop_body(%arg0: i32, %arg1: i32, %arg2: memref<10240x64xf32, #tpu.memory_space<hbm>>, %arg3: memref<32x80x1x125xi32, #tpu.memory_space<hbm>>, %arg4: memref<32x80x1x125xi32, #tpu.memory_space<hbm>>, %arg5: memref<2x10240x64xf32, #tpu.memory_space<hbm>>, %arg6: memref<80x1x125xi32, #tpu.memory_space<vmem>>, %arg7: memref<80x1x125xi32, #tpu.memory_space<vmem>>, %arg8: memref<8x125x64xf32, #tpu.memory_space<vmem>>, %arg9: memref<64x64xf32, #tpu.memory_space<vmem>>, %arg10: memref<10240x64xf32, #tpu.memory_space<vmem_shared>>, %arg11: memref<!tpu.dma_semaphore, #tpu.memory_space<semaphore_mem>>, %arg12: memref<!tpu.dma_semaphore, #tpu.memory_space<semaphore_mem>>, %arg13: memref<!tpu.dma_semaphore, #tpu.memory_space<semaphore_mem>>, %arg14: memref<!tpu.dma_semaphore, #tpu.memory_space<semaphore_mem>>, %arg15: memref<!tpu.dma_semaphore, #tpu.memory_space<semaphore_mem>>, %arg16: memref<!tpu.dma_semaphore, #tpu.memory_space<semaphore_mem>>, %arg17: memref<!tpu.dma_semaphore, #tpu.memory_space<semaphore_mem>>, %arg18: memref<!tpu.dma_semaphore, #tpu.memory_space<semaphore_mem>>) attributes {dimension_semantics = [#tpu.dimension_semantics<core_parallel>, #tpu.dimension_semantics<subcore_parallel>], iteration_bounds = array<i64: 2, 16>, scalar_prefetch = 0 : i64, scratch_operands = 13 : i64, tpu.core_type = #tpu.core_type<sc_vector_subcore>, window_params = [{transform_indices = #map}, {transform_indices = #map1}, {transform_indices = #map1}, {transform_indices = #map2}]} {
    %mul3A = arith.constant 2 : i32
    %mul3A_0 = arith.muli %arg1, %mul3A : i32
    %add3A = arith.addi %mul3A_0, %arg0 : i32
    "tpu.region"() ({
      %run_scoped3A = tpu.sem_alloc : memref<!tpu.dma_semaphore, #tpu.memory_space<semaphore_mem>>
      %dma_start3A_129 = arith.constant 0 : i32
      %dma_start3A_130 = arith.constant 0 : i32
      %dma_start3A_131 = arith.constant 0 : i32
      %dma_start3A_132 = tpu.memref_slice %arg3[%add3A, %dma_start3A_129, %dma_start3A_130, %dma_start3A_131] : memref<32x80x1x125xi32, #tpu.memory_space<hbm>> -> memref<1x80x1x125xi32, #tpu.memory_space<hbm>>
      %dma_start3A_133 = tpu.memref_squeeze %dma_start3A_132 : memref<1x80x1x125xi32, #tpu.memory_space<hbm>> -> memref<80x1x125xi32, #tpu.memory_space<hbm>>
      %dma_start3A_134 = arith.constant 0 : i32
      %dma_start3A_135 = arith.constant 0 : i32
      %dma_start3A_136 = arith.constant 0 : i32
      %dma_start3A_137 = tpu.memref_slice %arg3[%add3A, %dma_start3A_134, %dma_start3A_135, %dma_start3A_136] : memref<32x80x1x125xi32, #tpu.memory_space<hbm>> -> memref<1x80x1x125xi32, #tpu.memory_space<hbm>>
      %dma_start3A_138 = tpu.memref_squeeze %dma_start3A_137 : memref<1x80x1x125xi32, #tpu.memory_space<hbm>> -> memref<80x1x125xi32, #tpu.memory_space<hbm>>
      tpu.enqueue_dma source(%dma_start3A_138 : memref<80x1x125xi32, #tpu.memory_space<hbm>>) target(%arg6 : memref<80x1x125xi32, #tpu.memory_space<vmem>>) target_semaphore(%run_scoped3A : memref<!tpu.dma_semaphore, #tpu.memory_space<semaphore_mem>>)
      %dma_wait3A = arith.constant 0 : i32
      %dma_wait3A_139 = arith.constant 0 : i32
      %dma_wait3A_140 = arith.constant 0 : i32
      %dma_wait3A_141 = tpu.memref_slice %arg3[%add3A, %dma_wait3A, %dma_wait3A_139, %dma_wait3A_140] : memref<32x80x1x125xi32, #tpu.memory_space<hbm>> -> memref<1x80x1x125xi32, #tpu.memory_space<hbm>>
      %dma_wait3A_142 = tpu.memref_squeeze %dma_wait3A_141 : memref<1x80x1x125xi32, #tpu.memory_space<hbm>> -> memref<80x1x125xi32, #tpu.memory_space<hbm>>
      %dma_wait3A_143 = arith.constant 0 : i32
      %dma_wait3A_144 = arith.constant 0 : i32
      %dma_wait3A_145 = arith.constant 0 : i32
      %dma_wait3A_146 = tpu.memref_slice %arg3[%add3A, %dma_wait3A_143, %dma_wait3A_144, %dma_wait3A_145] : memref<32x80x1x125xi32, #tpu.memory_space<hbm>> -> memref<1x80x1x125xi32, #tpu.memory_space<hbm>>
      %dma_wait3A_147 = tpu.memref_squeeze %dma_wait3A_146 : memref<1x80x1x125xi32, #tpu.memory_space<hbm>> -> memref<80x1x125xi32, #tpu.memory_space<hbm>>
      tpu.wait_dma2 semaphore(%run_scoped3A : memref<!tpu.dma_semaphore, #tpu.memory_space<semaphore_mem>>) src(%dma_wait3A_147 : memref<80x1x125xi32, #tpu.memory_space<hbm>>) dst(%arg6 : memref<80x1x125xi32, #tpu.memory_space<vmem>>)
      tpu.yield
    }) : () -> ()
    "tpu.region"() ({
      %run_scoped3A = tpu.sem_alloc : memref<!tpu.dma_semaphore, #tpu.memory_space<semaphore_mem>>
      %dma_start3A_129 = arith.constant 0 : i32
      %dma_start3A_130 = arith.constant 0 : i32
      %dma_start3A_131 = arith.constant 0 : i32
      %dma_start3A_132 = tpu.memref_slice %arg4[%add3A, %dma_start3A_129, %dma_start3A_130, %dma_start3A_131] : memref<32x80x1x125xi32, #tpu.memory_space<hbm>> -> memref<1x80x1x125xi32, #tpu.memory_space<hbm>>
      %dma_start3A_133 = tpu.memref_squeeze %dma_start3A_132 : memref<1x80x1x125xi32, #tpu.memory_space<hbm>> -> memref<80x1x125xi32, #tpu.memory_space<hbm>>
      %dma_start3A_134 = arith.constant 0 : i32
      %dma_start3A_135 = arith.constant 0 : i32
      %dma_start3A_136 = arith.constant 0 : i32
      %dma_start3A_137 = tpu.memref_slice %arg4[%add3A, %dma_start3A_134, %dma_start3A_135, %dma_start3A_136] : memref<32x80x1x125xi32, #tpu.memory_space<hbm>> -> memref<1x80x1x125xi32, #tpu.memory_space<hbm>>
      %dma_start3A_138 = tpu.memref_squeeze %dma_start3A_137 : memref<1x80x1x125xi32, #tpu.memory_space<hbm>> -> memref<80x1x125xi32, #tpu.memory_space<hbm>>
      tpu.enqueue_dma source(%dma_start3A_138 : memref<80x1x125xi32, #tpu.memory_space<hbm>>) target(%arg7 : memref<80x1x125xi32, #tpu.memory_space<vmem>>) target_semaphore(%run_scoped3A : memref<!tpu.dma_semaphore, #tpu.memory_space<semaphore_mem>>)
      %dma_wait3A = arith.constant 0 : i32
      %dma_wait3A_139 = arith.constant 0 : i32
      %dma_wait3A_140 = arith.constant 0 : i32
      %dma_wait3A_141 = tpu.memref_slice %arg4[%add3A, %dma_wait3A, %dma_wait3A_139, %dma_wait3A_140] : memref<32x80x1x125xi32, #tpu.memory_space<hbm>> -> memref<1x80x1x125xi32, #tpu.memory_space<hbm>>
      %dma_wait3A_142 = tpu.memref_squeeze %dma_wait3A_141 : memref<1x80x1x125xi32, #tpu.memory_space<hbm>> -> memref<80x1x125xi32, #tpu.memory_space<hbm>>
      %dma_wait3A_143 = arith.constant 0 : i32
      %dma_wait3A_144 = arith.constant 0 : i32
      %dma_wait3A_145 = arith.constant 0 : i32
      %dma_wait3A_146 = tpu.memref_slice %arg4[%add3A, %dma_wait3A_143, %dma_wait3A_144, %dma_wait3A_145] : memref<32x80x1x125xi32, #tpu.memory_space<hbm>> -> memref<1x80x1x125xi32, #tpu.memory_space<hbm>>
      %dma_wait3A_147 = tpu.memref_squeeze %dma_wait3A_146 : memref<1x80x1x125xi32, #tpu.memory_space<hbm>> -> memref<80x1x125xi32, #tpu.memory_space<hbm>>
      tpu.wait_dma2 semaphore(%run_scoped3A : memref<!tpu.dma_semaphore, #tpu.memory_space<semaphore_mem>>) src(%dma_wait3A_147 : memref<80x1x125xi32, #tpu.memory_space<hbm>>) dst(%arg7 : memref<80x1x125xi32, #tpu.memory_space<vmem>>)
      tpu.yield
    }) : () -> ()
    %scan3A = arith.constant 0 : i32
    %scan3A_1 = arith.constant 0 : i32
    %scan3A_2 = arith.constant 256 : i32
    %scan3A_3 = arith.addi %scan3A_1, %scan3A_2 : i32
    %scan3A_4 = arith.constant 1 : i32
    %scan3A_5 = scf.for %scan3A_129 = %scan3A_1 to %scan3A_3 step %scan3A_4 iter_args(%scan3A_130 = %scan3A) -> (i32)  : i32 {
      %broadcast_in_dim3A = arith.constant 0.000000e+00 : f32
      %broadcast_in_dim3A_131 = vector.broadcast %broadcast_in_dim3A : f32 to vector<16xf32>
      %jit3A = arith.constant 4 : i32
      %div3A = arith.divsi %scan3A_129, %jit3A : i32
      %sign3A = arith.constant 0 : i32
      %sign3A_132 = arith.cmpi sgt, %scan3A_129, %sign3A : i32
      %sign3A_133 = arith.extui %sign3A_132 : i1 to i32
      %sign3A_134 = arith.constant 0 : i32
      %sign3A_135 = arith.cmpi slt, %scan3A_129, %sign3A_134 : i32
      %sign3A_136 = arith.extui %sign3A_135 : i1 to i32
      %sign3A_137 = arith.subi %sign3A_133, %sign3A_136 : i32
      %sign3A_138 = arith.constant 0 : i32
      %sign3A_139 = arith.cmpi sgt, %jit3A, %sign3A_138 : i32
      %sign3A_140 = arith.extui %sign3A_139 : i1 to i32
      %sign3A_141 = arith.constant 0 : i32
      %sign3A_142 = arith.cmpi slt, %jit3A, %sign3A_141 : i32
      %sign3A_143 = arith.extui %sign3A_142 : i1 to i32
      %sign3A_144 = arith.subi %sign3A_140, %sign3A_143 : i32
      %ne3A = arith.cmpi ne, %sign3A_137, %sign3A_144 : i32
      %rem3A = arith.remsi %scan3A_129, %jit3A : i32
      %ne3A_145 = arith.constant 0 : i32
      %ne3A_146 = arith.cmpi ne, %rem3A, %ne3A_145 : i32
      %and3A = arith.andi %ne3A, %ne3A_146 : i1
      %sub3A = arith.constant 1 : i32
      %sub3A_147 = arith.subi %div3A, %sub3A : i32
      %select_n3A = arith.select %and3A, %sub3A_147, %div3A : i32
      %jit3A_148 = arith.constant 4 : i32
      %eq3A = arith.constant 0 : i32
      %eq3A_149 = arith.cmpi eq, %jit3A_148, %eq3A : i32
      %jit3A_150 = arith.constant 1 : i32
      %select_n3A_151 = arith.select %eq3A_149, %jit3A_150, %jit3A_148 : i32
      %rem3A_152 = arith.remsi %scan3A_129, %select_n3A_151 : i32
      %ne3A_153 = arith.constant 0 : i32
      %ne3A_154 = arith.cmpi ne, %rem3A_152, %ne3A_153 : i32
      %lt3A = arith.constant 0 : i32
      %lt3A_155 = arith.cmpi slt, %rem3A_152, %lt3A : i32
      %lt3A_156 = arith.constant 0 : i32
      %lt3A_157 = arith.cmpi slt, %select_n3A_151, %lt3A_156 : i32
      %ne3A_158 = arith.xori %lt3A_155, %lt3A_157 : i1
      %and3A_159 = arith.andi %ne3A_158, %ne3A_154 : i1
      %add3A_160 = arith.addi %rem3A_152, %select_n3A_151 : i32
      %select_n3A_161 = arith.select %and3A_159, %add3A_160, %rem3A_152 : i32
      %mul3A_162 = arith.constant 16 : i32
      %mul3A_163 = arith.muli %select_n3A_161, %mul3A_162 : i32
      %swap3A = arith.index_cast %select_n3A : i32 to index
      %swap3A_164 = arith.index_cast %mul3A_163 : i32 to index
      %swap3A_165 = tpu.vector_load %arg9[%swap3A, %swap3A_164] {strides = array<i32>} : memref<64x64xf32, #tpu.memory_space<vmem>>, vector<1x16xf32>,
      %swap3A_166 = vector.shape_cast %swap3A_165 : vector<1x16xf32> to vector<16xf32>
      %swap3A_167 = vector.shape_cast %broadcast_in_dim3A_131 : vector<16xf32> to vector<1x16xf32>
      tpu.vector_store %arg9[%swap3A, %swap3A_164], %swap3A_167 {strides = array<i32>} : memref<64x64xf32, #tpu.memory_space<vmem>>, vector<1x16xf32>,
      %scan3A_168 = arith.constant 0 : i32
      scf.yield %scan3A_168 : i32
    }
    %scan3A_6 = arith.constant 256 : i32
    %scan3A_7 = arith.constant 0 : i32
    %scan3A_8 = arith.constant 0 : i32
    %scan3A_9 = arith.constant 10 : i32
    %scan3A_10 = arith.addi %scan3A_8, %scan3A_9 : i32
    %scan3A_11 = arith.constant 1 : i32
    %scan3A_12 = scf.for %scan3A_129 = %scan3A_8 to %scan3A_10 step %scan3A_11 iter_args(%scan3A_130 = %scan3A_7) -> (i32)  : i32 {
      %mul3A_131 = arith.constant 640 : i32
      %mul3A_132 = arith.muli %arg1, %mul3A_131 : i32
      %mul3A_133 = arith.constant 64 : i32
      %mul3A_134 = arith.muli %scan3A_129, %mul3A_133 : i32
      %add3A_135 = arith.addi %mul3A_132, %mul3A_134 : i32
      "tpu.region"() ({
        %run_scoped3A = tpu.sem_alloc : memref<!tpu.dma_semaphore, #tpu.memory_space<semaphore_mem>>
        %dma_start3A_137 = arith.constant 0 : i32
        %dma_start3A_138 = tpu.memref_slice %arg10[%add3A_135, %dma_start3A_137] : memref<10240x64xf32, #tpu.memory_space<vmem_shared>> -> memref<64x64xf32, #tpu.memory_space<vmem_shared>>
        %dma_start3A_139 = arith.constant 0 : i32
        %dma_start3A_140 = tpu.memref_slice %arg10[%add3A_135, %dma_start3A_139] : memref<10240x64xf32, #tpu.memory_space<vmem_shared>> -> memref<64x64xf32, #tpu.memory_space<vmem_shared>>
        tpu.enqueue_dma source(%arg9 : memref<64x64xf32, #tpu.memory_space<vmem>>) target(%dma_start3A_140 : memref<64x64xf32, #tpu.memory_space<vmem_shared>>) target_semaphore(%run_scoped3A : memref<!tpu.dma_semaphore, #tpu.memory_space<semaphore_mem>>)
        %dma_wait3A = arith.constant 0 : i32
        %dma_wait3A_141 = tpu.memref_slice %arg10[%add3A_135, %dma_wait3A] : memref<10240x64xf32, #tpu.memory_space<vmem_shared>> -> memref<64x64xf32, #tpu.memory_space<vmem_shared>>
        %dma_wait3A_142 = arith.constant 0 : i32
        %dma_wait3A_143 = tpu.memref_slice %arg10[%add3A_135, %dma_wait3A_142] : memref<10240x64xf32, #tpu.memory_space<vmem_shared>> -> memref<64x64xf32, #tpu.memory_space<vmem_shared>>
        tpu.wait_dma2 semaphore(%run_scoped3A : memref<!tpu.dma_semaphore, #tpu.memory_space<semaphore_mem>>) src(%arg9 : memref<64x64xf32, #tpu.memory_space<vmem>>) dst(%dma_wait3A_143 : memref<64x64xf32, #tpu.memory_space<vmem_shared>>)
        tpu.yield
      }) : () -> ()
      %scan3A_136 = arith.constant 0 : i32
      scf.yield %scan3A_136 : i32
    }
    %scan3A_13 = arith.constant 10 : i32
    %barrier3A = arith.constant 0 : index
    tpu.barrier barrier_id(%barrier3A)
    %dma_start3A = arith.constant 0 : i32
    %dma_start3A_14 = arith.constant 0 : i32
    %dma_start3A_15 = arith.constant 0 : i32
    %dma_start3A_16 = arith.constant 0 : i32
    %dma_start3A_17 = arith.constant 0 : i32
    %dma_start3A_18 = tpu.memref_slice %arg8[%dma_start3A_15, %dma_start3A_16, %dma_start3A_17] : memref<8x125x64xf32, #tpu.memory_space<vmem>> -> memref<1x125x64xf32, #tpu.memory_space<vmem>>
    %dma_start3A_19 = tpu.memref_squeeze %dma_start3A_18 : memref<1x125x64xf32, #tpu.memory_space<vmem>> -> memref<125x64xf32, #tpu.memory_space<vmem>>
    %dma_start3A_20 = arith.constant 0 : i32
    %dma_start3A_21 = tpu.memref_slice %arg6[%dma_start3A, %dma_start3A_14, %dma_start3A_20] : memref<80x1x125xi32, #tpu.memory_space<vmem>> -> memref<1x1x125xi32, #tpu.memory_space<vmem>>
    %dma_start3A_22 = tpu.memref_squeeze %dma_start3A_21 : memref<1x1x125xi32, #tpu.memory_space<vmem>> -> memref<125xi32, #tpu.memory_space<vmem>>
    %dma_start3A_23 = arith.constant 0 : i32
    %dma_start3A_24 = arith.constant 0 : i32
    %dma_start3A_25 = tpu.memref_slice %arg2[%dma_start3A_23, %dma_start3A_24] : memref<10240x64xf32, #tpu.memory_space<hbm>> -> memref<10240x64xf32, #tpu.memory_space<hbm>>
    tpu.enqueue_indirect_dma source(%dma_start3A_25 : memref<10240x64xf32, #tpu.memory_space<hbm>>) target(%dma_start3A_19 : memref<125x64xf32, #tpu.memory_space<vmem>>) offsets(%dma_start3A_22 : memref<125xi32, #tpu.memory_space<vmem>>) semaphore(%arg11 : memref<!tpu.dma_semaphore, #tpu.memory_space<semaphore_mem>>)
    %dma_start3A_26 = arith.constant 1 : i32
    %dma_start3A_27 = arith.constant 0 : i32
    %dma_start3A_28 = arith.constant 1 : i32
    %dma_start3A_29 = arith.constant 0 : i32
    %dma_start3A_30 = arith.constant 0 : i32
    %dma_start3A_31 = tpu.memref_slice %arg8[%dma_start3A_28, %dma_start3A_29, %dma_start3A_30] : memref<8x125x64xf32, #tpu.memory_space<vmem>> -> memref<1x125x64xf32, #tpu.memory_space<vmem>>
    %dma_start3A_32 = tpu.memref_squeeze %dma_start3A_31 : memref<1x125x64xf32, #tpu.memory_space<vmem>> -> memref<125x64xf32, #tpu.memory_space<vmem>>
    %dma_start3A_33 = arith.constant 0 : i32
    %dma_start3A_34 = tpu.memref_slice %arg6[%dma_start3A_26, %dma_start3A_27, %dma_start3A_33] : memref<80x1x125xi32, #tpu.memory_space<vmem>> -> memref<1x1x125xi32, #tpu.memory_space<vmem>>
    %dma_start3A_35 = tpu.memref_squeeze %dma_start3A_34 : memref<1x1x125xi32, #tpu.memory_space<vmem>> -> memref<125xi32, #tpu.memory_space<vmem>>
    %dma_start3A_36 = arith.constant 0 : i32
    %dma_start3A_37 = arith.constant 0 : i32
    %dma_start3A_38 = tpu.memref_slice %arg2[%dma_start3A_36, %dma_start3A_37] : memref<10240x64xf32, #tpu.memory_space<hbm>> -> memref<10240x64xf32, #tpu.memory_space<hbm>>
    tpu.enqueue_indirect_dma source(%dma_start3A_38 : memref<10240x64xf32, #tpu.memory_space<hbm>>) target(%dma_start3A_32 : memref<125x64xf32, #tpu.memory_space<vmem>>) offsets(%dma_start3A_35 : memref<125xi32, #tpu.memory_space<vmem>>) semaphore(%arg12 : memref<!tpu.dma_semaphore, #tpu.memory_space<semaphore_mem>>)
    %dma_start3A_39 = arith.constant 2 : i32
    %dma_start3A_40 = arith.constant 0 : i32
    %dma_start3A_41 = arith.constant 2 : i32
    %dma_start3A_42 = arith.constant 0 : i32
    %dma_start3A_43 = arith.constant 0 : i32
    %dma_start3A_44 = tpu.memref_slice %arg8[%dma_start3A_41, %dma_start3A_42, %dma_start3A_43] : memref<8x125x64xf32, #tpu.memory_space<vmem>> -> memref<1x125x64xf32, #tpu.memory_space<vmem>>
    %dma_start3A_45 = tpu.memref_squeeze %dma_start3A_44 : memref<1x125x64xf32, #tpu.memory_space<vmem>> -> memref<125x64xf32, #tpu.memory_space<vmem>>
    %dma_start3A_46 = arith.constant 0 : i32
    %dma_start3A_47 = tpu.memref_slice %arg6[%dma_start3A_39, %dma_start3A_40, %dma_start3A_46] : memref<80x1x125xi32, #tpu.memory_space<vmem>> -> memref<1x1x125xi32, #tpu.memory_space<vmem>>
    %dma_start3A_48 = tpu.memref_squeeze %dma_start3A_47 : memref<1x1x125xi32, #tpu.memory_space<vmem>> -> memref<125xi32, #tpu.memory_space<vmem>>
    %dma_start3A_49 = arith.constant 0 : i32
    %dma_start3A_50 = arith.constant 0 : i32
    %dma_start3A_51 = tpu.memref_slice %arg2[%dma_start3A_49, %dma_start3A_50] : memref<10240x64xf32, #tpu.memory_space<hbm>> -> memref<10240x64xf32, #tpu.memory_space<hbm>>
    tpu.enqueue_indirect_dma source(%dma_start3A_51 : memref<10240x64xf32, #tpu.memory_space<hbm>>) target(%dma_start3A_45 : memref<125x64xf32, #tpu.memory_space<vmem>>) offsets(%dma_start3A_48 : memref<125xi32, #tpu.memory_space<vmem>>) semaphore(%arg13 : memref<!tpu.dma_semaphore, #tpu.memory_space<semaphore_mem>>)
    %dma_start3A_52 = arith.constant 3 : i32
    %dma_start3A_53 = arith.constant 0 : i32
    %dma_start3A_54 = arith.constant 3 : i32
    %dma_start3A_55 = arith.constant 0 : i32
    %dma_start3A_56 = arith.constant 0 : i32
    %dma_start3A_57 = tpu.memref_slice %arg8[%dma_start3A_54, %dma_start3A_55, %dma_start3A_56] : memref<8x125x64xf32, #tpu.memory_space<vmem>> -> memref<1x125x64xf32, #tpu.memory_space<vmem>>
    %dma_start3A_58 = tpu.memref_squeeze %dma_start3A_57 : memref<1x125x64xf32, #tpu.memory_space<vmem>> -> memref<125x64xf32, #tpu.memory_space<vmem>>
    %dma_start3A_59 = arith.constant 0 : i32
    %dma_start3A_60 = tpu.memref_slice %arg6[%dma_start3A_52, %dma_start3A_53, %dma_start3A_59] : memref<80x1x125xi32, #tpu.memory_space<vmem>> -> memref<1x1x125xi32, #tpu.memory_space<vmem>>
    %dma_start3A_61 = tpu.memref_squeeze %dma_start3A_60 : memref<1x1x125xi32, #tpu.memory_space<vmem>> -> memref<125xi32, #tpu.memory_space<vmem>>
    %dma_start3A_62 = arith.constant 0 : i32
    %dma_start3A_63 = arith.constant 0 : i32
    %dma_start3A_64 = tpu.memref_slice %arg2[%dma_start3A_62, %dma_start3A_63] : memref<10240x64xf32, #tpu.memory_space<hbm>> -> memref<10240x64xf32, #tpu.memory_space<hbm>>
    tpu.enqueue_indirect_dma source(%dma_start3A_64 : memref<10240x64xf32, #tpu.memory_space<hbm>>) target(%dma_start3A_58 : memref<125x64xf32, #tpu.memory_space<vmem>>) offsets(%dma_start3A_61 : memref<125xi32, #tpu.memory_space<vmem>>) semaphore(%arg14 : memref<!tpu.dma_semaphore, #tpu.memory_space<semaphore_mem>>)
    %dma_start3A_65 = arith.constant 4 : i32
    %dma_start3A_66 = arith.constant 0 : i32
    %dma_start3A_67 = arith.constant 4 : i32
    %dma_start3A_68 = arith.constant 0 : i32
    %dma_start3A_69 = arith.constant 0 : i32
    %dma_start3A_70 = tpu.memref_slice %arg8[%dma_start3A_67, %dma_start3A_68, %dma_start3A_69] : memref<8x125x64xf32, #tpu.memory_space<vmem>> -> memref<1x125x64xf32, #tpu.memory_space<vmem>>
    %dma_start3A_71 = tpu.memref_squeeze %dma_start3A_70 : memref<1x125x64xf32, #tpu.memory_space<vmem>> -> memref<125x64xf32, #tpu.memory_space<vmem>>
    %dma_start3A_72 = arith.constant 0 : i32
    %dma_start3A_73 = tpu.memref_slice %arg6[%dma_start3A_65, %dma_start3A_66, %dma_start3A_72] : memref<80x1x125xi32, #tpu.memory_space<vmem>> -> memref<1x1x125xi32, #tpu.memory_space<vmem>>
    %dma_start3A_74 = tpu.memref_squeeze %dma_start3A_73 : memref<1x1x125xi32, #tpu.memory_space<vmem>> -> memref<125xi32, #tpu.memory_space<vmem>>
    %dma_start3A_75 = arith.constant 0 : i32
    %dma_start3A_76 = arith.constant 0 : i32
    %dma_start3A_77 = tpu.memref_slice %arg2[%dma_start3A_75, %dma_start3A_76] : memref<10240x64xf32, #tpu.memory_space<hbm>> -> memref<10240x64xf32, #tpu.memory_space<hbm>>
    tpu.enqueue_indirect_dma source(%dma_start3A_77 : memref<10240x64xf32, #tpu.memory_space<hbm>>) target(%dma_start3A_71 : memref<125x64xf32, #tpu.memory_space<vmem>>) offsets(%dma_start3A_74 : memref<125xi32, #tpu.memory_space<vmem>>) semaphore(%arg15 : memref<!tpu.dma_semaphore, #tpu.memory_space<semaphore_mem>>)
    %dma_start3A_78 = arith.constant 5 : i32
    %dma_start3A_79 = arith.constant 0 : i32
    %dma_start3A_80 = arith.constant 5 : i32
    %dma_start3A_81 = arith.constant 0 : i32
    %dma_start3A_82 = arith.constant 0 : i32
    %dma_start3A_83 = tpu.memref_slice %arg8[%dma_start3A_80, %dma_start3A_81, %dma_start3A_82] : memref<8x125x64xf32, #tpu.memory_space<vmem>> -> memref<1x125x64xf32, #tpu.memory_space<vmem>>
    %dma_start3A_84 = tpu.memref_squeeze %dma_start3A_83 : memref<1x125x64xf32, #tpu.memory_space<vmem>> -> memref<125x64xf32, #tpu.memory_space<vmem>>
    %dma_start3A_85 = arith.constant 0 : i32
    %dma_start3A_86 = tpu.memref_slice %arg6[%dma_start3A_78, %dma_start3A_79, %dma_start3A_85] : memref<80x1x125xi32, #tpu.memory_space<vmem>> -> memref<1x1x125xi32, #tpu.memory_space<vmem>>
    %dma_start3A_87 = tpu.memref_squeeze %dma_start3A_86 : memref<1x1x125xi32, #tpu.memory_space<vmem>> -> memref<125xi32, #tpu.memory_space<vmem>>
    %dma_start3A_88 = arith.constant 0 : i32
    %dma_start3A_89 = arith.constant 0 : i32
    %dma_start3A_90 = tpu.memref_slice %arg2[%dma_start3A_88, %dma_start3A_89] : memref<10240x64xf32, #tpu.memory_space<hbm>> -> memref<10240x64xf32, #tpu.memory_space<hbm>>
    tpu.enqueue_indirect_dma source(%dma_start3A_90 : memref<10240x64xf32, #tpu.memory_space<hbm>>) target(%dma_start3A_84 : memref<125x64xf32, #tpu.memory_space<vmem>>) offsets(%dma_start3A_87 : memref<125xi32, #tpu.memory_space<vmem>>) semaphore(%arg16 : memref<!tpu.dma_semaphore, #tpu.memory_space<semaphore_mem>>)
    %dma_start3A_91 = arith.constant 6 : i32
    %dma_start3A_92 = arith.constant 0 : i32
    %dma_start3A_93 = arith.constant 6 : i32
    %dma_start3A_94 = arith.constant 0 : i32
    %dma_start3A_95 = arith.constant 0 : i32
    %dma_start3A_96 = tpu.memref_slice %arg8[%dma_start3A_93, %dma_start3A_94, %dma_start3A_95] : memref<8x125x64xf32, #tpu.memory_space<vmem>> -> memref<1x125x64xf32, #tpu.memory_space<vmem>>
    %dma_start3A_97 = tpu.memref_squeeze %dma_start3A_96 : memref<1x125x64xf32, #tpu.memory_space<vmem>> -> memref<125x64xf32, #tpu.memory_space<vmem>>
    %dma_start3A_98 = arith.constant 0 : i32
    %dma_start3A_99 = tpu.memref_slice %arg6[%dma_start3A_91, %dma_start3A_92, %dma_start3A_98] : memref<80x1x125xi32, #tpu.memory_space<vmem>> -> memref<1x1x125xi32, #tpu.memory_space<vmem>>
    %dma_start3A_100 = tpu.memref_squeeze %dma_start3A_99 : memref<1x1x125xi32, #tpu.memory_space<vmem>> -> memref<125xi32, #tpu.memory_space<vmem>>
    %dma_start3A_101 = arith.constant 0 : i32
    %dma_start3A_102 = arith.constant 0 : i32
    %dma_start3A_103 = tpu.memref_slice %arg2[%dma_start3A_101, %dma_start3A_102] : memref<10240x64xf32, #tpu.memory_space<hbm>> -> memref<10240x64xf32, #tpu.memory_space<hbm>>
    tpu.enqueue_indirect_dma source(%dma_start3A_103 : memref<10240x64xf32, #tpu.memory_space<hbm>>) target(%dma_start3A_97 : memref<125x64xf32, #tpu.memory_space<vmem>>) offsets(%dma_start3A_100 : memref<125xi32, #tpu.memory_space<vmem>>) semaphore(%arg17 : memref<!tpu.dma_semaphore, #tpu.memory_space<semaphore_mem>>)
    %dma_start3A_104 = arith.constant 7 : i32
    %dma_start3A_105 = arith.constant 0 : i32
    %dma_start3A_106 = arith.constant 7 : i32
    %dma_start3A_107 = arith.constant 0 : i32
    %dma_start3A_108 = arith.constant 0 : i32
    %dma_start3A_109 = tpu.memref_slice %arg8[%dma_start3A_106, %dma_start3A_107, %dma_start3A_108] : memref<8x125x64xf32, #tpu.memory_space<vmem>> -> memref<1x125x64xf32, #tpu.memory_space<vmem>>
    %dma_start3A_110 = tpu.memref_squeeze %dma_start3A_109 : memref<1x125x64xf32, #tpu.memory_space<vmem>> -> memref<125x64xf32, #tpu.memory_space<vmem>>
    %dma_start3A_111 = arith.constant 0 : i32
    %dma_start3A_112 = tpu.memref_slice %arg6[%dma_start3A_104, %dma_start3A_105, %dma_start3A_111] : memref<80x1x125xi32, #tpu.memory_space<vmem>> -> memref<1x1x125xi32, #tpu.memory_space<vmem>>
    %dma_start3A_113 = tpu.memref_squeeze %dma_start3A_112 : memref<1x1x125xi32, #tpu.memory_space<vmem>> -> memref<125xi32, #tpu.memory_space<vmem>>
    %dma_start3A_114 = arith.constant 0 : i32
    %dma_start3A_115 = arith.constant 0 : i32
    %dma_start3A_116 = tpu.memref_slice %arg2[%dma_start3A_114, %dma_start3A_115] : memref<10240x64xf32, #tpu.memory_space<hbm>> -> memref<10240x64xf32, #tpu.memory_space<hbm>>
    tpu.enqueue_indirect_dma source(%dma_start3A_116 : memref<10240x64xf32, #tpu.memory_space<hbm>>) target(%dma_start3A_110 : memref<125x64xf32, #tpu.memory_space<vmem>>) offsets(%dma_start3A_113 : memref<125xi32, #tpu.memory_space<vmem>>) semaphore(%arg18 : memref<!tpu.dma_semaphore, #tpu.memory_space<semaphore_mem>>)
    %scan3A_117 = arith.constant 0 : i32
    %scan3A_118 = arith.constant 0 : i32
    %scan3A_119 = arith.constant 10 : i32
    %scan3A_120 = arith.addi %scan3A_118, %scan3A_119 : i32
    %scan3A_121 = arith.constant 1 : i32
    %scan3A_122 = scf.for %scan3A_129 = %scan3A_118 to %scan3A_120 step %scan3A_121 iter_args(%scan3A_130 = %scan3A_117) -> (i32)  : i32 {
      %mul3A_131 = arith.constant 8 : i32
      %mul3A_132 = arith.muli %scan3A_129, %mul3A_131 : i32
      %add3A_133 = arith.constant 0 : i32
      %add3A_134 = arith.addi %mul3A_132, %add3A_133 : i32
      %dma_wait3A = arith.constant 0 : i32
      %dma_wait3A_135 = arith.constant 0 : i32
      %dma_wait3A_136 = arith.constant 0 : i32
      %dma_wait3A_137 = arith.constant 0 : i32
      %dma_wait3A_138 = tpu.memref_slice %arg8[%dma_wait3A_135, %dma_wait3A_136, %dma_wait3A_137] : memref<8x125x64xf32, #tpu.memory_space<vmem>> -> memref<1x125x64xf32, #tpu.memory_space<vmem>>
      %dma_wait3A_139 = tpu.memref_squeeze %dma_wait3A_138 : memref<1x125x64xf32, #tpu.memory_space<vmem>> -> memref<125x64xf32, #tpu.memory_space<vmem>>
      %dma_wait3A_140 = arith.constant 0 : i32
      %dma_wait3A_141 = tpu.memref_slice %arg6[%add3A_134, %dma_wait3A, %dma_wait3A_140] : memref<80x1x125xi32, #tpu.memory_space<vmem>> -> memref<1x1x125xi32, #tpu.memory_space<vmem>>
      %dma_wait3A_142 = tpu.memref_squeeze %dma_wait3A_141 : memref<1x1x125xi32, #tpu.memory_space<vmem>> -> memref<125xi32, #tpu.memory_space<vmem>>
      %dma_wait3A_143 = arith.constant 0 : i32
      %dma_wait3A_144 = arith.constant 0 : i32
      %dma_wait3A_145 = tpu.memref_slice %arg2[%dma_wait3A_143, %dma_wait3A_144] : memref<10240x64xf32, #tpu.memory_space<hbm>> -> memref<10240x64xf32, #tpu.memory_space<hbm>>
      tpu.wait_indirect_dma semaphore(%arg11 : memref<!tpu.dma_semaphore, #tpu.memory_space<semaphore_mem>>) src(%dma_wait3A_145 : memref<10240x64xf32, #tpu.memory_space<hbm>>) dst(%dma_wait3A_139 : memref<125x64xf32, #tpu.memory_space<vmem>>)
      %run_scoped3A = arith.constant 0 : i32
      %run_scoped3A_146 = arith.constant 0 : i32
      "tpu.region"() ({
        %run_scoped3A_327 = tpu.sem_alloc : memref<!tpu.dma_semaphore, #tpu.memory_space<semaphore_mem>>
        %dma_start3A_328 = arith.constant 0 : i32
        %dma_start3A_329 = arith.constant 0 : i32
        %dma_start3A_330 = tpu.memref_slice %arg8[%run_scoped3A, %dma_start3A_328, %dma_start3A_329] : memref<8x125x64xf32, #tpu.memory_space<vmem>> -> memref<1x125x64xf32, #tpu.memory_space<vmem>>
        %dma_start3A_331 = tpu.memref_squeeze %dma_start3A_330 : memref<1x125x64xf32, #tpu.memory_space<vmem>> -> memref<125x64xf32, #tpu.memory_space<vmem>>
        %dma_start3A_332 = arith.constant 0 : i32
        %dma_start3A_333 = tpu.memref_slice %arg7[%add3A_134, %run_scoped3A_146, %dma_start3A_332] : memref<80x1x125xi32, #tpu.memory_space<vmem>> -> memref<1x1x125xi32, #tpu.memory_space<vmem>>
        %dma_start3A_334 = tpu.memref_squeeze %dma_start3A_333 : memref<1x1x125xi32, #tpu.memory_space<vmem>> -> memref<125xi32, #tpu.memory_space<vmem>>
        %dma_start3A_335 = arith.constant 0 : i32
        %dma_start3A_336 = arith.constant 0 : i32
        %dma_start3A_337 = tpu.memref_slice %arg10[%dma_start3A_335, %dma_start3A_336] : memref<10240x64xf32, #tpu.memory_space<vmem_shared>> -> memref<10240x64xf32, #tpu.memory_space<vmem_shared>>
        tpu.enqueue_indirect_dma source(%dma_start3A_331 : memref<125x64xf32, #tpu.memory_space<vmem>>) target(%dma_start3A_337 : memref<10240x64xf32, #tpu.memory_space<vmem_shared>>) offsets(%dma_start3A_334 : memref<125xi32, #tpu.memory_space<vmem>>) semaphore(%run_scoped3A_327 : memref<!tpu.dma_semaphore, #tpu.memory_space<semaphore_mem>>) {add = true}
        %dma_wait3A_338 = arith.constant 0 : i32
        %dma_wait3A_339 = arith.constant 0 : i32
        %dma_wait3A_340 = tpu.memref_slice %arg8[%run_scoped3A, %dma_wait3A_338, %dma_wait3A_339] : memref<8x125x64xf32, #tpu.memory_space<vmem>> -> memref<1x125x64xf32, #tpu.memory_space<vmem>>
        %dma_wait3A_341 = tpu.memref_squeeze %dma_wait3A_340 : memref<1x125x64xf32, #tpu.memory_space<vmem>> -> memref<125x64xf32, #tpu.memory_space<vmem>>
        %dma_wait3A_342 = arith.constant 0 : i32
        %dma_wait3A_343 = tpu.memref_slice %arg7[%add3A_134, %run_scoped3A_146, %dma_wait3A_342] : memref<80x1x125xi32, #tpu.memory_space<vmem>> -> memref<1x1x125xi32, #tpu.memory_space<vmem>>
        %dma_wait3A_344 = tpu.memref_squeeze %dma_wait3A_343 : memref<1x1x125xi32, #tpu.memory_space<vmem>> -> memref<125xi32, #tpu.memory_space<vmem>>
        %dma_wait3A_345 = arith.constant 0 : i32
        %dma_wait3A_346 = arith.constant 0 : i32
        %dma_wait3A_347 = tpu.memref_slice %arg10[%dma_wait3A_345, %dma_wait3A_346] : memref<10240x64xf32, #tpu.memory_space<vmem_shared>> -> memref<10240x64xf32, #tpu.memory_space<vmem_shared>>
        tpu.wait_indirect_dma semaphore(%run_scoped3A_327 : memref<!tpu.dma_semaphore, #tpu.memory_space<semaphore_mem>>) src(%dma_wait3A_341 : memref<125x64xf32, #tpu.memory_space<vmem>>) dst(%dma_wait3A_347 : memref<10240x64xf32, #tpu.memory_space<vmem_shared>>)
        tpu.yield
      }) : () -> ()
      %add3A_147 = arith.constant 8 : i32
      %add3A_148 = arith.addi %add3A_134, %add3A_147 : i32
      %lt3A = arith.constant 80 : i32
      %lt3A_149 = arith.cmpi slt, %add3A_148, %lt3A : i32
      %convert_element_type3A = arith.extui %lt3A_149 : i1 to i32
      %cond3A = arith.constant 0 : i32
      %cond3A_150 = arith.cmpi ne, %convert_element_type3A, %cond3A : i32
      scf.if %cond3A_150 {
        %add3A_327 = arith.constant 8 : i32
        %add3A_328 = arith.addi %add3A_134, %add3A_327 : i32
        %dma_start3A_329 = arith.constant 0 : i32
        %dma_start3A_330 = arith.constant 0 : i32
        %dma_start3A_331 = arith.constant 0 : i32
        %dma_start3A_332 = arith.constant 0 : i32
        %dma_start3A_333 = tpu.memref_slice %arg8[%dma_start3A_330, %dma_start3A_331, %dma_start3A_332] : memref<8x125x64xf32, #tpu.memory_space<vmem>> -> memref<1x125x64xf32, #tpu.memory_space<vmem>>
        %dma_start3A_334 = tpu.memref_squeeze %dma_start3A_333 : memref<1x125x64xf32, #tpu.memory_space<vmem>> -> memref<125x64xf32, #tpu.memory_space<vmem>>
        %dma_start3A_335 = arith.constant 0 : i32
        %dma_start3A_336 = tpu.memref_slice %arg6[%add3A_328, %dma_start3A_329, %dma_start3A_335] : memref<80x1x125xi32, #tpu.memory_space<vmem>> -> memref<1x1x125xi32, #tpu.memory_space<vmem>>
        %dma_start3A_337 = tpu.memref_squeeze %dma_start3A_336 : memref<1x1x125xi32, #tpu.memory_space<vmem>> -> memref<125xi32, #tpu.memory_space<vmem>>
        %dma_start3A_338 = arith.constant 0 : i32
        %dma_start3A_339 = arith.constant 0 : i32
        %dma_start3A_340 = tpu.memref_slice %arg2[%dma_start3A_338, %dma_start3A_339] : memref<10240x64xf32, #tpu.memory_space<hbm>> -> memref<10240x64xf32, #tpu.memory_space<hbm>>
        tpu.enqueue_indirect_dma source(%dma_start3A_340 : memref<10240x64xf32, #tpu.memory_space<hbm>>) target(%dma_start3A_334 : memref<125x64xf32, #tpu.memory_space<vmem>>) offsets(%dma_start3A_337 : memref<125xi32, #tpu.memory_space<vmem>>) semaphore(%arg11 : memref<!tpu.dma_semaphore, #tpu.memory_space<semaphore_mem>>)
      } else {
      }
      %mul3A_151 = arith.constant 8 : i32
      %mul3A_152 = arith.muli %scan3A_129, %mul3A_151 : i32
      %add3A_153 = arith.constant 1 : i32
      %add3A_154 = arith.addi %mul3A_152, %add3A_153 : i32
      %dma_wait3A_155 = arith.constant 0 : i32
      %dma_wait3A_156 = arith.constant 1 : i32
      %dma_wait3A_157 = arith.constant 0 : i32
      %dma_wait3A_158 = arith.constant 0 : i32
      %dma_wait3A_159 = tpu.memref_slice %arg8[%dma_wait3A_156, %dma_wait3A_157, %dma_wait3A_158] : memref<8x125x64xf32, #tpu.memory_space<vmem>> -> memref<1x125x64xf32, #tpu.memory_space<vmem>>
      %dma_wait3A_160 = tpu.memref_squeeze %dma_wait3A_159 : memref<1x125x64xf32, #tpu.memory_space<vmem>> -> memref<125x64xf32, #tpu.memory_space<vmem>>
      %dma_wait3A_161 = arith.constant 0 : i32
      %dma_wait3A_162 = tpu.memref_slice %arg6[%add3A_154, %dma_wait3A_155, %dma_wait3A_161] : memref<80x1x125xi32, #tpu.memory_space<vmem>> -> memref<1x1x125xi32, #tpu.memory_space<vmem>>
      %dma_wait3A_163 = tpu.memref_squeeze %dma_wait3A_162 : memref<1x1x125xi32, #tpu.memory_space<vmem>> -> memref<125xi32, #tpu.memory_space<vmem>>
      %dma_wait3A_164 = arith.constant 0 : i32
      %dma_wait3A_165 = arith.constant 0 : i32
      %dma_wait3A_166 = tpu.memref_slice %arg2[%dma_wait3A_164, %dma_wait3A_165] : memref<10240x64xf32, #tpu.memory_space<hbm>> -> memref<10240x64xf32, #tpu.memory_space<hbm>>
      tpu.wait_indirect_dma semaphore(%arg12 : memref<!tpu.dma_semaphore, #tpu.memory_space<semaphore_mem>>) src(%dma_wait3A_166 : memref<10240x64xf32, #tpu.memory_space<hbm>>) dst(%dma_wait3A_160 : memref<125x64xf32, #tpu.memory_space<vmem>>)
      %run_scoped3A_167 = arith.constant 1 : i32
      %run_scoped3A_168 = arith.constant 0 : i32
      "tpu.region"() ({
        %run_scoped3A_327 = tpu.sem_alloc : memref<!tpu.dma_semaphore, #tpu.memory_space<semaphore_mem>>
        %dma_start3A_328 = arith.constant 0 : i32
        %dma_start3A_329 = arith.constant 0 : i32
        %dma_start3A_330 = tpu.memref_slice %arg8[%run_scoped3A_167, %dma_start3A_328, %dma_start3A_329] : memref<8x125x64xf32, #tpu.memory_space<vmem>> -> memref<1x125x64xf32, #tpu.memory_space<vmem>>
        %dma_start3A_331 = tpu.memref_squeeze %dma_start3A_330 : memref<1x125x64xf32, #tpu.memory_space<vmem>> -> memref<125x64xf32, #tpu.memory_space<vmem>>
        %dma_start3A_332 = arith.constant 0 : i32
        %dma_start3A_333 = tpu.memref_slice %arg7[%add3A_154, %run_scoped3A_168, %dma_start3A_332] : memref<80x1x125xi32, #tpu.memory_space<vmem>> -> memref<1x1x125xi32, #tpu.memory_space<vmem>>
        %dma_start3A_334 = tpu.memref_squeeze %dma_start3A_333 : memref<1x1x125xi32, #tpu.memory_space<vmem>> -> memref<125xi32, #tpu.memory_space<vmem>>
        %dma_start3A_335 = arith.constant 0 : i32
        %dma_start3A_336 = arith.constant 0 : i32
        %dma_start3A_337 = tpu.memref_slice %arg10[%dma_start3A_335, %dma_start3A_336] : memref<10240x64xf32, #tpu.memory_space<vmem_shared>> -> memref<10240x64xf32, #tpu.memory_space<vmem_shared>>
        tpu.enqueue_indirect_dma source(%dma_start3A_331 : memref<125x64xf32, #tpu.memory_space<vmem>>) target(%dma_start3A_337 : memref<10240x64xf32, #tpu.memory_space<vmem_shared>>) offsets(%dma_start3A_334 : memref<125xi32, #tpu.memory_space<vmem>>) semaphore(%run_scoped3A_327 : memref<!tpu.dma_semaphore, #tpu.memory_space<semaphore_mem>>) {add = true}
        %dma_wait3A_338 = arith.constant 0 : i32
        %dma_wait3A_339 = arith.constant 0 : i32
        %dma_wait3A_340 = tpu.memref_slice %arg8[%run_scoped3A_167, %dma_wait3A_338, %dma_wait3A_339] : memref<8x125x64xf32, #tpu.memory_space<vmem>> -> memref<1x125x64xf32, #tpu.memory_space<vmem>>
        %dma_wait3A_341 = tpu.memref_squeeze %dma_wait3A_340 : memref<1x125x64xf32, #tpu.memory_space<vmem>> -> memref<125x64xf32, #tpu.memory_space<vmem>>
        %dma_wait3A_342 = arith.constant 0 : i32
        %dma_wait3A_343 = tpu.memref_slice %arg7[%add3A_154, %run_scoped3A_168, %dma_wait3A_342] : memref<80x1x125xi32, #tpu.memory_space<vmem>> -> memref<1x1x125xi32, #tpu.memory_space<vmem>>
        %dma_wait3A_344 = tpu.memref_squeeze %dma_wait3A_343 : memref<1x1x125xi32, #tpu.memory_space<vmem>> -> memref<125xi32, #tpu.memory_space<vmem>>
        %dma_wait3A_345 = arith.constant 0 : i32
        %dma_wait3A_346 = arith.constant 0 : i32
        %dma_wait3A_347 = tpu.memref_slice %arg10[%dma_wait3A_345, %dma_wait3A_346] : memref<10240x64xf32, #tpu.memory_space<vmem_shared>> -> memref<10240x64xf32, #tpu.memory_space<vmem_shared>>
        tpu.wait_indirect_dma semaphore(%run_scoped3A_327 : memref<!tpu.dma_semaphore, #tpu.memory_space<semaphore_mem>>) src(%dma_wait3A_341 : memref<125x64xf32, #tpu.memory_space<vmem>>) dst(%dma_wait3A_347 : memref<10240x64xf32, #tpu.memory_space<vmem_shared>>)
        tpu.yield
      }) : () -> ()
      %add3A_169 = arith.constant 8 : i32
      %add3A_170 = arith.addi %add3A_154, %add3A_169 : i32
      %lt3A_171 = arith.constant 80 : i32
      %lt3A_172 = arith.cmpi slt, %add3A_170, %lt3A_171 : i32
      %convert_element_type3A_173 = arith.extui %lt3A_172 : i1 to i32
      %cond3A_174 = arith.constant 0 : i32
      %cond3A_175 = arith.cmpi ne, %convert_element_type3A_173, %cond3A_174 : i32
      scf.if %cond3A_175 {
        %add3A_327 = arith.constant 8 : i32
        %add3A_328 = arith.addi %add3A_154, %add3A_327 : i32
        %dma_start3A_329 = arith.constant 0 : i32
        %dma_start3A_330 = arith.constant 1 : i32
        %dma_start3A_331 = arith.constant 0 : i32
        %dma_start3A_332 = arith.constant 0 : i32
        %dma_start3A_333 = tpu.memref_slice %arg8[%dma_start3A_330, %dma_start3A_331, %dma_start3A_332] : memref<8x125x64xf32, #tpu.memory_space<vmem>> -> memref<1x125x64xf32, #tpu.memory_space<vmem>>
        %dma_start3A_334 = tpu.memref_squeeze %dma_start3A_333 : memref<1x125x64xf32, #tpu.memory_space<vmem>> -> memref<125x64xf32, #tpu.memory_space<vmem>>
        %dma_start3A_335 = arith.constant 0 : i32
        %dma_start3A_336 = tpu.memref_slice %arg6[%add3A_328, %dma_start3A_329, %dma_start3A_335] : memref<80x1x125xi32, #tpu.memory_space<vmem>> -> memref<1x1x125xi32, #tpu.memory_space<vmem>>
        %dma_start3A_337 = tpu.memref_squeeze %dma_start3A_336 : memref<1x1x125xi32, #tpu.memory_space<vmem>> -> memref<125xi32, #tpu.memory_space<vmem>>
        %dma_start3A_338 = arith.constant 0 : i32
        %dma_start3A_339 = arith.constant 0 : i32
        %dma_start3A_340 = tpu.memref_slice %arg2[%dma_start3A_338, %dma_start3A_339] : memref<10240x64xf32, #tpu.memory_space<hbm>> -> memref<10240x64xf32, #tpu.memory_space<hbm>>
        tpu.enqueue_indirect_dma source(%dma_start3A_340 : memref<10240x64xf32, #tpu.memory_space<hbm>>) target(%dma_start3A_334 : memref<125x64xf32, #tpu.memory_space<vmem>>) offsets(%dma_start3A_337 : memref<125xi32, #tpu.memory_space<vmem>>) semaphore(%arg12 : memref<!tpu.dma_semaphore, #tpu.memory_space<semaphore_mem>>)
      } else {
      }
      %mul3A_176 = arith.constant 8 : i32
      %mul3A_177 = arith.muli %scan3A_129, %mul3A_176 : i32
      %add3A_178 = arith.constant 2 : i32
      %add3A_179 = arith.addi %mul3A_177, %add3A_178 : i32
      %dma_wait3A_180 = arith.constant 0 : i32
      %dma_wait3A_181 = arith.constant 2 : i32
      %dma_wait3A_182 = arith.constant 0 : i32
      %dma_wait3A_183 = arith.constant 0 : i32
      %dma_wait3A_184 = tpu.memref_slice %arg8[%dma_wait3A_181, %dma_wait3A_182, %dma_wait3A_183] : memref<8x125x64xf32, #tpu.memory_space<vmem>> -> memref<1x125x64xf32, #tpu.memory_space<vmem>>
      %dma_wait3A_185 = tpu.memref_squeeze %dma_wait3A_184 : memref<1x125x64xf32, #tpu.memory_space<vmem>> -> memref<125x64xf32, #tpu.memory_space<vmem>>
      %dma_wait3A_186 = arith.constant 0 : i32
      %dma_wait3A_187 = tpu.memref_slice %arg6[%add3A_179, %dma_wait3A_180, %dma_wait3A_186] : memref<80x1x125xi32, #tpu.memory_space<vmem>> -> memref<1x1x125xi32, #tpu.memory_space<vmem>>
      %dma_wait3A_188 = tpu.memref_squeeze %dma_wait3A_187 : memref<1x1x125xi32, #tpu.memory_space<vmem>> -> memref<125xi32, #tpu.memory_space<vmem>>
      %dma_wait3A_189 = arith.constant 0 : i32
      %dma_wait3A_190 = arith.constant 0 : i32
      %dma_wait3A_191 = tpu.memref_slice %arg2[%dma_wait3A_189, %dma_wait3A_190] : memref<10240x64xf32, #tpu.memory_space<hbm>> -> memref<10240x64xf32, #tpu.memory_space<hbm>>
      tpu.wait_indirect_dma semaphore(%arg13 : memref<!tpu.dma_semaphore, #tpu.memory_space<semaphore_mem>>) src(%dma_wait3A_191 : memref<10240x64xf32, #tpu.memory_space<hbm>>) dst(%dma_wait3A_185 : memref<125x64xf32, #tpu.memory_space<vmem>>)
      %run_scoped3A_192 = arith.constant 2 : i32
      %run_scoped3A_193 = arith.constant 0 : i32
      "tpu.region"() ({
        %run_scoped3A_327 = tpu.sem_alloc : memref<!tpu.dma_semaphore, #tpu.memory_space<semaphore_mem>>
        %dma_start3A_328 = arith.constant 0 : i32
        %dma_start3A_329 = arith.constant 0 : i32
        %dma_start3A_330 = tpu.memref_slice %arg8[%run_scoped3A_192, %dma_start3A_328, %dma_start3A_329] : memref<8x125x64xf32, #tpu.memory_space<vmem>> -> memref<1x125x64xf32, #tpu.memory_space<vmem>>
        %dma_start3A_331 = tpu.memref_squeeze %dma_start3A_330 : memref<1x125x64xf32, #tpu.memory_space<vmem>> -> memref<125x64xf32, #tpu.memory_space<vmem>>
        %dma_start3A_332 = arith.constant 0 : i32
        %dma_start3A_333 = tpu.memref_slice %arg7[%add3A_179, %run_scoped3A_193, %dma_start3A_332] : memref<80x1x125xi32, #tpu.memory_space<vmem>> -> memref<1x1x125xi32, #tpu.memory_space<vmem>>
        %dma_start3A_334 = tpu.memref_squeeze %dma_start3A_333 : memref<1x1x125xi32, #tpu.memory_space<vmem>> -> memref<125xi32, #tpu.memory_space<vmem>>
        %dma_start3A_335 = arith.constant 0 : i32
        %dma_start3A_336 = arith.constant 0 : i32
        %dma_start3A_337 = tpu.memref_slice %arg10[%dma_start3A_335, %dma_start3A_336] : memref<10240x64xf32, #tpu.memory_space<vmem_shared>> -> memref<10240x64xf32, #tpu.memory_space<vmem_shared>>
        tpu.enqueue_indirect_dma source(%dma_start3A_331 : memref<125x64xf32, #tpu.memory_space<vmem>>) target(%dma_start3A_337 : memref<10240x64xf32, #tpu.memory_space<vmem_shared>>) offsets(%dma_start3A_334 : memref<125xi32, #tpu.memory_space<vmem>>) semaphore(%run_scoped3A_327 : memref<!tpu.dma_semaphore, #tpu.memory_space<semaphore_mem>>) {add = true}
        %dma_wait3A_338 = arith.constant 0 : i32
        %dma_wait3A_339 = arith.constant 0 : i32
        %dma_wait3A_340 = tpu.memref_slice %arg8[%run_scoped3A_192, %dma_wait3A_338, %dma_wait3A_339] : memref<8x125x64xf32, #tpu.memory_space<vmem>> -> memref<1x125x64xf32, #tpu.memory_space<vmem>>
        %dma_wait3A_341 = tpu.memref_squeeze %dma_wait3A_340 : memref<1x125x64xf32, #tpu.memory_space<vmem>> -> memref<125x64xf32, #tpu.memory_space<vmem>>
        %dma_wait3A_342 = arith.constant 0 : i32
        %dma_wait3A_343 = tpu.memref_slice %arg7[%add3A_179, %run_scoped3A_193, %dma_wait3A_342] : memref<80x1x125xi32, #tpu.memory_space<vmem>> -> memref<1x1x125xi32, #tpu.memory_space<vmem>>
        %dma_wait3A_344 = tpu.memref_squeeze %dma_wait3A_343 : memref<1x1x125xi32, #tpu.memory_space<vmem>> -> memref<125xi32, #tpu.memory_space<vmem>>
        %dma_wait3A_345 = arith.constant 0 : i32
        %dma_wait3A_346 = arith.constant 0 : i32
        %dma_wait3A_347 = tpu.memref_slice %arg10[%dma_wait3A_345, %dma_wait3A_346] : memref<10240x64xf32, #tpu.memory_space<vmem_shared>> -> memref<10240x64xf32, #tpu.memory_space<vmem_shared>>
        tpu.wait_indirect_dma semaphore(%run_scoped3A_327 : memref<!tpu.dma_semaphore, #tpu.memory_space<semaphore_mem>>) src(%dma_wait3A_341 : memref<125x64xf32, #tpu.memory_space<vmem>>) dst(%dma_wait3A_347 : memref<10240x64xf32, #tpu.memory_space<vmem_shared>>)
        tpu.yield
      }) : () -> ()
      %add3A_194 = arith.constant 8 : i32
      %add3A_195 = arith.addi %add3A_179, %add3A_194 : i32
      %lt3A_196 = arith.constant 80 : i32
      %lt3A_197 = arith.cmpi slt, %add3A_195, %lt3A_196 : i32
      %convert_element_type3A_198 = arith.extui %lt3A_197 : i1 to i32
      %cond3A_199 = arith.constant 0 : i32
      %cond3A_200 = arith.cmpi ne, %convert_element_type3A_198, %cond3A_199 : i32
      scf.if %cond3A_200 {
        %add3A_327 = arith.constant 8 : i32
        %add3A_328 = arith.addi %add3A_179, %add3A_327 : i32
        %dma_start3A_329 = arith.constant 0 : i32
        %dma_start3A_330 = arith.constant 2 : i32
        %dma_start3A_331 = arith.constant 0 : i32
        %dma_start3A_332 = arith.constant 0 : i32
        %dma_start3A_333 = tpu.memref_slice %arg8[%dma_start3A_330, %dma_start3A_331, %dma_start3A_332] : memref<8x125x64xf32, #tpu.memory_space<vmem>> -> memref<1x125x64xf32, #tpu.memory_space<vmem>>
        %dma_start3A_334 = tpu.memref_squeeze %dma_start3A_333 : memref<1x125x64xf32, #tpu.memory_space<vmem>> -> memref<125x64xf32, #tpu.memory_space<vmem>>
        %dma_start3A_335 = arith.constant 0 : i32
        %dma_start3A_336 = tpu.memref_slice %arg6[%add3A_328, %dma_start3A_329, %dma_start3A_335] : memref<80x1x125xi32, #tpu.memory_space<vmem>> -> memref<1x1x125xi32, #tpu.memory_space<vmem>>
        %dma_start3A_337 = tpu.memref_squeeze %dma_start3A_336 : memref<1x1x125xi32, #tpu.memory_space<vmem>> -> memref<125xi32, #tpu.memory_space<vmem>>
        %dma_start3A_338 = arith.constant 0 : i32
        %dma_start3A_339 = arith.constant 0 : i32
        %dma_start3A_340 = tpu.memref_slice %arg2[%dma_start3A_338, %dma_start3A_339] : memref<10240x64xf32, #tpu.memory_space<hbm>> -> memref<10240x64xf32, #tpu.memory_space<hbm>>
        tpu.enqueue_indirect_dma source(%dma_start3A_340 : memref<10240x64xf32, #tpu.memory_space<hbm>>) target(%dma_start3A_334 : memref<125x64xf32, #tpu.memory_space<vmem>>) offsets(%dma_start3A_337 : memref<125xi32, #tpu.memory_space<vmem>>) semaphore(%arg13 : memref<!tpu.dma_semaphore, #tpu.memory_space<semaphore_mem>>)
      } else {
      }
      %mul3A_201 = arith.constant 8 : i32
      %mul3A_202 = arith.muli %scan3A_129, %mul3A_201 : i32
      %add3A_203 = arith.constant 3 : i32
      %add3A_204 = arith.addi %mul3A_202, %add3A_203 : i32
      %dma_wait3A_205 = arith.constant 0 : i32
      %dma_wait3A_206 = arith.constant 3 : i32
      %dma_wait3A_207 = arith.constant 0 : i32
      %dma_wait3A_208 = arith.constant 0 : i32
      %dma_wait3A_209 = tpu.memref_slice %arg8[%dma_wait3A_206, %dma_wait3A_207, %dma_wait3A_208] : memref<8x125x64xf32, #tpu.memory_space<vmem>> -> memref<1x125x64xf32, #tpu.memory_space<vmem>>
      %dma_wait3A_210 = tpu.memref_squeeze %dma_wait3A_209 : memref<1x125x64xf32, #tpu.memory_space<vmem>> -> memref<125x64xf32, #tpu.memory_space<vmem>>
      %dma_wait3A_211 = arith.constant 0 : i32
      %dma_wait3A_212 = tpu.memref_slice %arg6[%add3A_204, %dma_wait3A_205, %dma_wait3A_211] : memref<80x1x125xi32, #tpu.memory_space<vmem>> -> memref<1x1x125xi32, #tpu.memory_space<vmem>>
      %dma_wait3A_213 = tpu.memref_squeeze %dma_wait3A_212 : memref<1x1x125xi32, #tpu.memory_space<vmem>> -> memref<125xi32, #tpu.memory_space<vmem>>
      %dma_wait3A_214 = arith.constant 0 : i32
      %dma_wait3A_215 = arith.constant 0 : i32
      %dma_wait3A_216 = tpu.memref_slice %arg2[%dma_wait3A_214, %dma_wait3A_215] : memref<10240x64xf32, #tpu.memory_space<hbm>> -> memref<10240x64xf32, #tpu.memory_space<hbm>>
      tpu.wait_indirect_dma semaphore(%arg14 : memref<!tpu.dma_semaphore, #tpu.memory_space<semaphore_mem>>) src(%dma_wait3A_216 : memref<10240x64xf32, #tpu.memory_space<hbm>>) dst(%dma_wait3A_210 : memref<125x64xf32, #tpu.memory_space<vmem>>)
      %run_scoped3A_217 = arith.constant 3 : i32
      %run_scoped3A_218 = arith.constant 0 : i32
      "tpu.region"() ({
        %run_scoped3A_327 = tpu.sem_alloc : memref<!tpu.dma_semaphore, #tpu.memory_space<semaphore_mem>>
        %dma_start3A_328 = arith.constant 0 : i32
        %dma_start3A_329 = arith.constant 0 : i32
        %dma_start3A_330 = tpu.memref_slice %arg8[%run_scoped3A_217, %dma_start3A_328, %dma_start3A_329] : memref<8x125x64xf32, #tpu.memory_space<vmem>> -> memref<1x125x64xf32, #tpu.memory_space<vmem>>
        %dma_start3A_331 = tpu.memref_squeeze %dma_start3A_330 : memref<1x125x64xf32, #tpu.memory_space<vmem>> -> memref<125x64xf32, #tpu.memory_space<vmem>>
        %dma_start3A_332 = arith.constant 0 : i32
        %dma_start3A_333 = tpu.memref_slice %arg7[%add3A_204, %run_scoped3A_218, %dma_start3A_332] : memref<80x1x125xi32, #tpu.memory_space<vmem>> -> memref<1x1x125xi32, #tpu.memory_space<vmem>>
        %dma_start3A_334 = tpu.memref_squeeze %dma_start3A_333 : memref<1x1x125xi32, #tpu.memory_space<vmem>> -> memref<125xi32, #tpu.memory_space<vmem>>
        %dma_start3A_335 = arith.constant 0 : i32
        %dma_start3A_336 = arith.constant 0 : i32
        %dma_start3A_337 = tpu.memref_slice %arg10[%dma_start3A_335, %dma_start3A_336] : memref<10240x64xf32, #tpu.memory_space<vmem_shared>> -> memref<10240x64xf32, #tpu.memory_space<vmem_shared>>
        tpu.enqueue_indirect_dma source(%dma_start3A_331 : memref<125x64xf32, #tpu.memory_space<vmem>>) target(%dma_start3A_337 : memref<10240x64xf32, #tpu.memory_space<vmem_shared>>) offsets(%dma_start3A_334 : memref<125xi32, #tpu.memory_space<vmem>>) semaphore(%run_scoped3A_327 : memref<!tpu.dma_semaphore, #tpu.memory_space<semaphore_mem>>) {add = true}
        %dma_wait3A_338 = arith.constant 0 : i32
        %dma_wait3A_339 = arith.constant 0 : i32
        %dma_wait3A_340 = tpu.memref_slice %arg8[%run_scoped3A_217, %dma_wait3A_338, %dma_wait3A_339] : memref<8x125x64xf32, #tpu.memory_space<vmem>> -> memref<1x125x64xf32, #tpu.memory_space<vmem>>
        %dma_wait3A_341 = tpu.memref_squeeze %dma_wait3A_340 : memref<1x125x64xf32, #tpu.memory_space<vmem>> -> memref<125x64xf32, #tpu.memory_space<vmem>>
        %dma_wait3A_342 = arith.constant 0 : i32
        %dma_wait3A_343 = tpu.memref_slice %arg7[%add3A_204, %run_scoped3A_218, %dma_wait3A_342] : memref<80x1x125xi32, #tpu.memory_space<vmem>> -> memref<1x1x125xi32, #tpu.memory_space<vmem>>
        %dma_wait3A_344 = tpu.memref_squeeze %dma_wait3A_343 : memref<1x1x125xi32, #tpu.memory_space<vmem>> -> memref<125xi32, #tpu.memory_space<vmem>>
        %dma_wait3A_345 = arith.constant 0 : i32
        %dma_wait3A_346 = arith.constant 0 : i32
        %dma_wait3A_347 = tpu.memref_slice %arg10[%dma_wait3A_345, %dma_wait3A_346] : memref<10240x64xf32, #tpu.memory_space<vmem_shared>> -> memref<10240x64xf32, #tpu.memory_space<vmem_shared>>
        tpu.wait_indirect_dma semaphore(%run_scoped3A_327 : memref<!tpu.dma_semaphore, #tpu.memory_space<semaphore_mem>>) src(%dma_wait3A_341 : memref<125x64xf32, #tpu.memory_space<vmem>>) dst(%dma_wait3A_347 : memref<10240x64xf32, #tpu.memory_space<vmem_shared>>)
        tpu.yield
      }) : () -> ()
      %add3A_219 = arith.constant 8 : i32
      %add3A_220 = arith.addi %add3A_204, %add3A_219 : i32
      %lt3A_221 = arith.constant 80 : i32
      %lt3A_222 = arith.cmpi slt, %add3A_220, %lt3A_221 : i32
      %convert_element_type3A_223 = arith.extui %lt3A_222 : i1 to i32
      %cond3A_224 = arith.constant 0 : i32
      %cond3A_225 = arith.cmpi ne, %convert_element_type3A_223, %cond3A_224 : i32
      scf.if %cond3A_225 {
        %add3A_327 = arith.constant 8 : i32
        %add3A_328 = arith.addi %add3A_204, %add3A_327 : i32
        %dma_start3A_329 = arith.constant 0 : i32
        %dma_start3A_330 = arith.constant 3 : i32
        %dma_start3A_331 = arith.constant 0 : i32
        %dma_start3A_332 = arith.constant 0 : i32
        %dma_start3A_333 = tpu.memref_slice %arg8[%dma_start3A_330, %dma_start3A_331, %dma_start3A_332] : memref<8x125x64xf32, #tpu.memory_space<vmem>> -> memref<1x125x64xf32, #tpu.memory_space<vmem>>
        %dma_start3A_334 = tpu.memref_squeeze %dma_start3A_333 : memref<1x125x64xf32, #tpu.memory_space<vmem>> -> memref<125x64xf32, #tpu.memory_space<vmem>>
        %dma_start3A_335 = arith.constant 0 : i32
        %dma_start3A_336 = tpu.memref_slice %arg6[%add3A_328, %dma_start3A_329, %dma_start3A_335] : memref<80x1x125xi32, #tpu.memory_space<vmem>> -> memref<1x1x125xi32, #tpu.memory_space<vmem>>
        %dma_start3A_337 = tpu.memref_squeeze %dma_start3A_336 : memref<1x1x125xi32, #tpu.memory_space<vmem>> -> memref<125xi32, #tpu.memory_space<vmem>>
        %dma_start3A_338 = arith.constant 0 : i32
        %dma_start3A_339 = arith.constant 0 : i32
        %dma_start3A_340 = tpu.memref_slice %arg2[%dma_start3A_338, %dma_start3A_339] : memref<10240x64xf32, #tpu.memory_space<hbm>> -> memref<10240x64xf32, #tpu.memory_space<hbm>>
        tpu.enqueue_indirect_dma source(%dma_start3A_340 : memref<10240x64xf32, #tpu.memory_space<hbm>>) target(%dma_start3A_334 : memref<125x64xf32, #tpu.memory_space<vmem>>) offsets(%dma_start3A_337 : memref<125xi32, #tpu.memory_space<vmem>>) semaphore(%arg14 : memref<!tpu.dma_semaphore, #tpu.memory_space<semaphore_mem>>)
      } else {
      }
      %mul3A_226 = arith.constant 8 : i32
      %mul3A_227 = arith.muli %scan3A_129, %mul3A_226 : i32
      %add3A_228 = arith.constant 4 : i32
      %add3A_229 = arith.addi %mul3A_227, %add3A_228 : i32
      %dma_wait3A_230 = arith.constant 0 : i32
      %dma_wait3A_231 = arith.constant 4 : i32
      %dma_wait3A_232 = arith.constant 0 : i32
      %dma_wait3A_233 = arith.constant 0 : i32
      %dma_wait3A_234 = tpu.memref_slice %arg8[%dma_wait3A_231, %dma_wait3A_232, %dma_wait3A_233] : memref<8x125x64xf32, #tpu.memory_space<vmem>> -> memref<1x125x64xf32, #tpu.memory_space<vmem>>
      %dma_wait3A_235 = tpu.memref_squeeze %dma_wait3A_234 : memref<1x125x64xf32, #tpu.memory_space<vmem>> -> memref<125x64xf32, #tpu.memory_space<vmem>>
      %dma_wait3A_236 = arith.constant 0 : i32
      %dma_wait3A_237 = tpu.memref_slice %arg6[%add3A_229, %dma_wait3A_230, %dma_wait3A_236] : memref<80x1x125xi32, #tpu.memory_space<vmem>> -> memref<1x1x125xi32, #tpu.memory_space<vmem>>
      %dma_wait3A_238 = tpu.memref_squeeze %dma_wait3A_237 : memref<1x1x125xi32, #tpu.memory_space<vmem>> -> memref<125xi32, #tpu.memory_space<vmem>>
      %dma_wait3A_239 = arith.constant 0 : i32
      %dma_wait3A_240 = arith.constant 0 : i32
      %dma_wait3A_241 = tpu.memref_slice %arg2[%dma_wait3A_239, %dma_wait3A_240] : memref<10240x64xf32, #tpu.memory_space<hbm>> -> memref<10240x64xf32, #tpu.memory_space<hbm>>
      tpu.wait_indirect_dma semaphore(%arg15 : memref<!tpu.dma_semaphore, #tpu.memory_space<semaphore_mem>>) src(%dma_wait3A_241 : memref<10240x64xf32, #tpu.memory_space<hbm>>) dst(%dma_wait3A_235 : memref<125x64xf32, #tpu.memory_space<vmem>>)
      %run_scoped3A_242 = arith.constant 4 : i32
      %run_scoped3A_243 = arith.constant 0 : i32
      "tpu.region"() ({
        %run_scoped3A_327 = tpu.sem_alloc : memref<!tpu.dma_semaphore, #tpu.memory_space<semaphore_mem>>
        %dma_start3A_328 = arith.constant 0 : i32
        %dma_start3A_329 = arith.constant 0 : i32
        %dma_start3A_330 = tpu.memref_slice %arg8[%run_scoped3A_242, %dma_start3A_328, %dma_start3A_329] : memref<8x125x64xf32, #tpu.memory_space<vmem>> -> memref<1x125x64xf32, #tpu.memory_space<vmem>>
        %dma_start3A_331 = tpu.memref_squeeze %dma_start3A_330 : memref<1x125x64xf32, #tpu.memory_space<vmem>> -> memref<125x64xf32, #tpu.memory_space<vmem>>
        %dma_start3A_332 = arith.constant 0 : i32
        %dma_start3A_333 = tpu.memref_slice %arg7[%add3A_229, %run_scoped3A_243, %dma_start3A_332] : memref<80x1x125xi32, #tpu.memory_space<vmem>> -> memref<1x1x125xi32, #tpu.memory_space<vmem>>
        %dma_start3A_334 = tpu.memref_squeeze %dma_start3A_333 : memref<1x1x125xi32, #tpu.memory_space<vmem>> -> memref<125xi32, #tpu.memory_space<vmem>>
        %dma_start3A_335 = arith.constant 0 : i32
        %dma_start3A_336 = arith.constant 0 : i32
        %dma_start3A_337 = tpu.memref_slice %arg10[%dma_start3A_335, %dma_start3A_336] : memref<10240x64xf32, #tpu.memory_space<vmem_shared>> -> memref<10240x64xf32, #tpu.memory_space<vmem_shared>>
        tpu.enqueue_indirect_dma source(%dma_start3A_331 : memref<125x64xf32, #tpu.memory_space<vmem>>) target(%dma_start3A_337 : memref<10240x64xf32, #tpu.memory_space<vmem_shared>>) offsets(%dma_start3A_334 : memref<125xi32, #tpu.memory_space<vmem>>) semaphore(%run_scoped3A_327 : memref<!tpu.dma_semaphore, #tpu.memory_space<semaphore_mem>>) {add = true}
        %dma_wait3A_338 = arith.constant 0 : i32
        %dma_wait3A_339 = arith.constant 0 : i32
        %dma_wait3A_340 = tpu.memref_slice %arg8[%run_scoped3A_242, %dma_wait3A_338, %dma_wait3A_339] : memref<8x125x64xf32, #tpu.memory_space<vmem>> -> memref<1x125x64xf32, #tpu.memory_space<vmem>>
        %dma_wait3A_341 = tpu.memref_squeeze %dma_wait3A_340 : memref<1x125x64xf32, #tpu.memory_space<vmem>> -> memref<125x64xf32, #tpu.memory_space<vmem>>
        %dma_wait3A_342 = arith.constant 0 : i32
        %dma_wait3A_343 = tpu.memref_slice %arg7[%add3A_229, %run_scoped3A_243, %dma_wait3A_342] : memref<80x1x125xi32, #tpu.memory_space<vmem>> -> memref<1x1x125xi32, #tpu.memory_space<vmem>>
        %dma_wait3A_344 = tpu.memref_squeeze %dma_wait3A_343 : memref<1x1x125xi32, #tpu.memory_space<vmem>> -> memref<125xi32, #tpu.memory_space<vmem>>
        %dma_wait3A_345 = arith.constant 0 : i32
        %dma_wait3A_346 = arith.constant 0 : i32
        %dma_wait3A_347 = tpu.memref_slice %arg10[%dma_wait3A_345, %dma_wait3A_346] : memref<10240x64xf32, #tpu.memory_space<vmem_shared>> -> memref<10240x64xf32, #tpu.memory_space<vmem_shared>>
        tpu.wait_indirect_dma semaphore(%run_scoped3A_327 : memref<!tpu.dma_semaphore, #tpu.memory_space<semaphore_mem>>) src(%dma_wait3A_341 : memref<125x64xf32, #tpu.memory_space<vmem>>) dst(%dma_wait3A_347 : memref<10240x64xf32, #tpu.memory_space<vmem_shared>>)
        tpu.yield
      }) : () -> ()
      %add3A_244 = arith.constant 8 : i32
      %add3A_245 = arith.addi %add3A_229, %add3A_244 : i32
      %lt3A_246 = arith.constant 80 : i32
      %lt3A_247 = arith.cmpi slt, %add3A_245, %lt3A_246 : i32
      %convert_element_type3A_248 = arith.extui %lt3A_247 : i1 to i32
      %cond3A_249 = arith.constant 0 : i32
      %cond3A_250 = arith.cmpi ne, %convert_element_type3A_248, %cond3A_249 : i32
      scf.if %cond3A_250 {
        %add3A_327 = arith.constant 8 : i32
        %add3A_328 = arith.addi %add3A_229, %add3A_327 : i32
        %dma_start3A_329 = arith.constant 0 : i32
        %dma_start3A_330 = arith.constant 4 : i32
        %dma_start3A_331 = arith.constant 0 : i32
        %dma_start3A_332 = arith.constant 0 : i32
        %dma_start3A_333 = tpu.memref_slice %arg8[%dma_start3A_330, %dma_start3A_331, %dma_start3A_332] : memref<8x125x64xf32, #tpu.memory_space<vmem>> -> memref<1x125x64xf32, #tpu.memory_space<vmem>>
        %dma_start3A_334 = tpu.memref_squeeze %dma_start3A_333 : memref<1x125x64xf32, #tpu.memory_space<vmem>> -> memref<125x64xf32, #tpu.memory_space<vmem>>
        %dma_start3A_335 = arith.constant 0 : i32
        %dma_start3A_336 = tpu.memref_slice %arg6[%add3A_328, %dma_start3A_329, %dma_start3A_335] : memref<80x1x125xi32, #tpu.memory_space<vmem>> -> memref<1x1x125xi32, #tpu.memory_space<vmem>>
        %dma_start3A_337 = tpu.memref_squeeze %dma_start3A_336 : memref<1x1x125xi32, #tpu.memory_space<vmem>> -> memref<125xi32, #tpu.memory_space<vmem>>
        %dma_start3A_338 = arith.constant 0 : i32
        %dma_start3A_339 = arith.constant 0 : i32
        %dma_start3A_340 = tpu.memref_slice %arg2[%dma_start3A_338, %dma_start3A_339] : memref<10240x64xf32, #tpu.memory_space<hbm>> -> memref<10240x64xf32, #tpu.memory_space<hbm>>
        tpu.enqueue_indirect_dma source(%dma_start3A_340 : memref<10240x64xf32, #tpu.memory_space<hbm>>) target(%dma_start3A_334 : memref<125x64xf32, #tpu.memory_space<vmem>>) offsets(%dma_start3A_337 : memref<125xi32, #tpu.memory_space<vmem>>) semaphore(%arg15 : memref<!tpu.dma_semaphore, #tpu.memory_space<semaphore_mem>>)
      } else {
      }
      %mul3A_251 = arith.constant 8 : i32
      %mul3A_252 = arith.muli %scan3A_129, %mul3A_251 : i32
      %add3A_253 = arith.constant 5 : i32
      %add3A_254 = arith.addi %mul3A_252, %add3A_253 : i32
      %dma_wait3A_255 = arith.constant 0 : i32
      %dma_wait3A_256 = arith.constant 5 : i32
      %dma_wait3A_257 = arith.constant 0 : i32
      %dma_wait3A_258 = arith.constant 0 : i32
      %dma_wait3A_259 = tpu.memref_slice %arg8[%dma_wait3A_256, %dma_wait3A_257, %dma_wait3A_258] : memref<8x125x64xf32, #tpu.memory_space<vmem>> -> memref<1x125x64xf32, #tpu.memory_space<vmem>>
      %dma_wait3A_260 = tpu.memref_squeeze %dma_wait3A_259 : memref<1x125x64xf32, #tpu.memory_space<vmem>> -> memref<125x64xf32, #tpu.memory_space<vmem>>
      %dma_wait3A_261 = arith.constant 0 : i32
      %dma_wait3A_262 = tpu.memref_slice %arg6[%add3A_254, %dma_wait3A_255, %dma_wait3A_261] : memref<80x1x125xi32, #tpu.memory_space<vmem>> -> memref<1x1x125xi32, #tpu.memory_space<vmem>>
      %dma_wait3A_263 = tpu.memref_squeeze %dma_wait3A_262 : memref<1x1x125xi32, #tpu.memory_space<vmem>> -> memref<125xi32, #tpu.memory_space<vmem>>
      %dma_wait3A_264 = arith.constant 0 : i32
      %dma_wait3A_265 = arith.constant 0 : i32
      %dma_wait3A_266 = tpu.memref_slice %arg2[%dma_wait3A_264, %dma_wait3A_265] : memref<10240x64xf32, #tpu.memory_space<hbm>> -> memref<10240x64xf32, #tpu.memory_space<hbm>>
      tpu.wait_indirect_dma semaphore(%arg16 : memref<!tpu.dma_semaphore, #tpu.memory_space<semaphore_mem>>) src(%dma_wait3A_266 : memref<10240x64xf32, #tpu.memory_space<hbm>>) dst(%dma_wait3A_260 : memref<125x64xf32, #tpu.memory_space<vmem>>)
      %run_scoped3A_267 = arith.constant 5 : i32
      %run_scoped3A_268 = arith.constant 0 : i32
      "tpu.region"() ({
        %run_scoped3A_327 = tpu.sem_alloc : memref<!tpu.dma_semaphore, #tpu.memory_space<semaphore_mem>>
        %dma_start3A_328 = arith.constant 0 : i32
        %dma_start3A_329 = arith.constant 0 : i32
        %dma_start3A_330 = tpu.memref_slice %arg8[%run_scoped3A_267, %dma_start3A_328, %dma_start3A_329] : memref<8x125x64xf32, #tpu.memory_space<vmem>> -> memref<1x125x64xf32, #tpu.memory_space<vmem>>
        %dma_start3A_331 = tpu.memref_squeeze %dma_start3A_330 : memref<1x125x64xf32, #tpu.memory_space<vmem>> -> memref<125x64xf32, #tpu.memory_space<vmem>>
        %dma_start3A_332 = arith.constant 0 : i32
        %dma_start3A_333 = tpu.memref_slice %arg7[%add3A_254, %run_scoped3A_268, %dma_start3A_332] : memref<80x1x125xi32, #tpu.memory_space<vmem>> -> memref<1x1x125xi32, #tpu.memory_space<vmem>>
        %dma_start3A_334 = tpu.memref_squeeze %dma_start3A_333 : memref<1x1x125xi32, #tpu.memory_space<vmem>> -> memref<125xi32, #tpu.memory_space<vmem>>
        %dma_start3A_335 = arith.constant 0 : i32
        %dma_start3A_336 = arith.constant 0 : i32
        %dma_start3A_337 = tpu.memref_slice %arg10[%dma_start3A_335, %dma_start3A_336] : memref<10240x64xf32, #tpu.memory_space<vmem_shared>> -> memref<10240x64xf32, #tpu.memory_space<vmem_shared>>
        tpu.enqueue_indirect_dma source(%dma_start3A_331 : memref<125x64xf32, #tpu.memory_space<vmem>>) target(%dma_start3A_337 : memref<10240x64xf32, #tpu.memory_space<vmem_shared>>) offsets(%dma_start3A_334 : memref<125xi32, #tpu.memory_space<vmem>>) semaphore(%run_scoped3A_327 : memref<!tpu.dma_semaphore, #tpu.memory_space<semaphore_mem>>) {add = true}
        %dma_wait3A_338 = arith.constant 0 : i32
        %dma_wait3A_339 = arith.constant 0 : i32
        %dma_wait3A_340 = tpu.memref_slice %arg8[%run_scoped3A_267, %dma_wait3A_338, %dma_wait3A_339] : memref<8x125x64xf32, #tpu.memory_space<vmem>> -> memref<1x125x64xf32, #tpu.memory_space<vmem>>
        %dma_wait3A_341 = tpu.memref_squeeze %dma_wait3A_340 : memref<1x125x64xf32, #tpu.memory_space<vmem>> -> memref<125x64xf32, #tpu.memory_space<vmem>>
        %dma_wait3A_342 = arith.constant 0 : i32
        %dma_wait3A_343 = tpu.memref_slice %arg7[%add3A_254, %run_scoped3A_268, %dma_wait3A_342] : memref<80x1x125xi32, #tpu.memory_space<vmem>> -> memref<1x1x125xi32, #tpu.memory_space<vmem>>
        %dma_wait3A_344 = tpu.memref_squeeze %dma_wait3A_343 : memref<1x1x125xi32, #tpu.memory_space<vmem>> -> memref<125xi32, #tpu.memory_space<vmem>>
        %dma_wait3A_345 = arith.constant 0 : i32
        %dma_wait3A_346 = arith.constant 0 : i32
        %dma_wait3A_347 = tpu.memref_slice %arg10[%dma_wait3A_345, %dma_wait3A_346] : memref<10240x64xf32, #tpu.memory_space<vmem_shared>> -> memref<10240x64xf32, #tpu.memory_space<vmem_shared>>
        tpu.wait_indirect_dma semaphore(%run_scoped3A_327 : memref<!tpu.dma_semaphore, #tpu.memory_space<semaphore_mem>>) src(%dma_wait3A_341 : memref<125x64xf32, #tpu.memory_space<vmem>>) dst(%dma_wait3A_347 : memref<10240x64xf32, #tpu.memory_space<vmem_shared>>)
        tpu.yield
      }) : () -> ()
      %add3A_269 = arith.constant 8 : i32
      %add3A_270 = arith.addi %add3A_254, %add3A_269 : i32
      %lt3A_271 = arith.constant 80 : i32
      %lt3A_272 = arith.cmpi slt, %add3A_270, %lt3A_271 : i32
      %convert_element_type3A_273 = arith.extui %lt3A_272 : i1 to i32
      %cond3A_274 = arith.constant 0 : i32
      %cond3A_275 = arith.cmpi ne, %convert_element_type3A_273, %cond3A_274 : i32
      scf.if %cond3A_275 {
        %add3A_327 = arith.constant 8 : i32
        %add3A_328 = arith.addi %add3A_254, %add3A_327 : i32
        %dma_start3A_329 = arith.constant 0 : i32
        %dma_start3A_330 = arith.constant 5 : i32
        %dma_start3A_331 = arith.constant 0 : i32
        %dma_start3A_332 = arith.constant 0 : i32
        %dma_start3A_333 = tpu.memref_slice %arg8[%dma_start3A_330, %dma_start3A_331, %dma_start3A_332] : memref<8x125x64xf32, #tpu.memory_space<vmem>> -> memref<1x125x64xf32, #tpu.memory_space<vmem>>
        %dma_start3A_334 = tpu.memref_squeeze %dma_start3A_333 : memref<1x125x64xf32, #tpu.memory_space<vmem>> -> memref<125x64xf32, #tpu.memory_space<vmem>>
        %dma_start3A_335 = arith.constant 0 : i32
        %dma_start3A_336 = tpu.memref_slice %arg6[%add3A_328, %dma_start3A_329, %dma_start3A_335] : memref<80x1x125xi32, #tpu.memory_space<vmem>> -> memref<1x1x125xi32, #tpu.memory_space<vmem>>
        %dma_start3A_337 = tpu.memref_squeeze %dma_start3A_336 : memref<1x1x125xi32, #tpu.memory_space<vmem>> -> memref<125xi32, #tpu.memory_space<vmem>>
        %dma_start3A_338 = arith.constant 0 : i32
        %dma_start3A_339 = arith.constant 0 : i32
        %dma_start3A_340 = tpu.memref_slice %arg2[%dma_start3A_338, %dma_start3A_339] : memref<10240x64xf32, #tpu.memory_space<hbm>> -> memref<10240x64xf32, #tpu.memory_space<hbm>>
        tpu.enqueue_indirect_dma source(%dma_start3A_340 : memref<10240x64xf32, #tpu.memory_space<hbm>>) target(%dma_start3A_334 : memref<125x64xf32, #tpu.memory_space<vmem>>) offsets(%dma_start3A_337 : memref<125xi32, #tpu.memory_space<vmem>>) semaphore(%arg16 : memref<!tpu.dma_semaphore, #tpu.memory_space<semaphore_mem>>)
      } else {
      }
      %mul3A_276 = arith.constant 8 : i32
      %mul3A_277 = arith.muli %scan3A_129, %mul3A_276 : i32
      %add3A_278 = arith.constant 6 : i32
      %add3A_279 = arith.addi %mul3A_277, %add3A_278 : i32
      %dma_wait3A_280 = arith.constant 0 : i32
      %dma_wait3A_281 = arith.constant 6 : i32
      %dma_wait3A_282 = arith.constant 0 : i32
      %dma_wait3A_283 = arith.constant 0 : i32
      %dma_wait3A_284 = tpu.memref_slice %arg8[%dma_wait3A_281, %dma_wait3A_282, %dma_wait3A_283] : memref<8x125x64xf32, #tpu.memory_space<vmem>> -> memref<1x125x64xf32, #tpu.memory_space<vmem>>
      %dma_wait3A_285 = tpu.memref_squeeze %dma_wait3A_284 : memref<1x125x64xf32, #tpu.memory_space<vmem>> -> memref<125x64xf32, #tpu.memory_space<vmem>>
      %dma_wait3A_286 = arith.constant 0 : i32
      %dma_wait3A_287 = tpu.memref_slice %arg6[%add3A_279, %dma_wait3A_280, %dma_wait3A_286] : memref<80x1x125xi32, #tpu.memory_space<vmem>> -> memref<1x1x125xi32, #tpu.memory_space<vmem>>
      %dma_wait3A_288 = tpu.memref_squeeze %dma_wait3A_287 : memref<1x1x125xi32, #tpu.memory_space<vmem>> -> memref<125xi32, #tpu.memory_space<vmem>>
      %dma_wait3A_289 = arith.constant 0 : i32
      %dma_wait3A_290 = arith.constant 0 : i32
      %dma_wait3A_291 = tpu.memref_slice %arg2[%dma_wait3A_289, %dma_wait3A_290] : memref<10240x64xf32, #tpu.memory_space<hbm>> -> memref<10240x64xf32, #tpu.memory_space<hbm>>
      tpu.wait_indirect_dma semaphore(%arg17 : memref<!tpu.dma_semaphore, #tpu.memory_space<semaphore_mem>>) src(%dma_wait3A_291 : memref<10240x64xf32, #tpu.memory_space<hbm>>) dst(%dma_wait3A_285 : memref<125x64xf32, #tpu.memory_space<vmem>>)
      %run_scoped3A_292 = arith.constant 6 : i32
      %run_scoped3A_293 = arith.constant 0 : i32
      "tpu.region"() ({
        %run_scoped3A_327 = tpu.sem_alloc : memref<!tpu.dma_semaphore, #tpu.memory_space<semaphore_mem>>
        %dma_start3A_328 = arith.constant 0 : i32
        %dma_start3A_329 = arith.constant 0 : i32
        %dma_start3A_330 = tpu.memref_slice %arg8[%run_scoped3A_292, %dma_start3A_328, %dma_start3A_329] : memref<8x125x64xf32, #tpu.memory_space<vmem>> -> memref<1x125x64xf32, #tpu.memory_space<vmem>>
        %dma_start3A_331 = tpu.memref_squeeze %dma_start3A_330 : memref<1x125x64xf32, #tpu.memory_space<vmem>> -> memref<125x64xf32, #tpu.memory_space<vmem>>
        %dma_start3A_332 = arith.constant 0 : i32
        %dma_start3A_333 = tpu.memref_slice %arg7[%add3A_279, %run_scoped3A_293, %dma_start3A_332] : memref<80x1x125xi32, #tpu.memory_space<vmem>> -> memref<1x1x125xi32, #tpu.memory_space<vmem>>
        %dma_start3A_334 = tpu.memref_squeeze %dma_start3A_333 : memref<1x1x125xi32, #tpu.memory_space<vmem>> -> memref<125xi32, #tpu.memory_space<vmem>>
        %dma_start3A_335 = arith.constant 0 : i32
        %dma_start3A_336 = arith.constant 0 : i32
        %dma_start3A_337 = tpu.memref_slice %arg10[%dma_start3A_335, %dma_start3A_336] : memref<10240x64xf32, #tpu.memory_space<vmem_shared>> -> memref<10240x64xf32, #tpu.memory_space<vmem_shared>>
        tpu.enqueue_indirect_dma source(%dma_start3A_331 : memref<125x64xf32, #tpu.memory_space<vmem>>) target(%dma_start3A_337 : memref<10240x64xf32, #tpu.memory_space<vmem_shared>>) offsets(%dma_start3A_334 : memref<125xi32, #tpu.memory_space<vmem>>) semaphore(%run_scoped3A_327 : memref<!tpu.dma_semaphore, #tpu.memory_space<semaphore_mem>>) {add = true}
        %dma_wait3A_338 = arith.constant 0 : i32
        %dma_wait3A_339 = arith.constant 0 : i32
        %dma_wait3A_340 = tpu.memref_slice %arg8[%run_scoped3A_292, %dma_wait3A_338, %dma_wait3A_339] : memref<8x125x64xf32, #tpu.memory_space<vmem>> -> memref<1x125x64xf32, #tpu.memory_space<vmem>>
        %dma_wait3A_341 = tpu.memref_squeeze %dma_wait3A_340 : memref<1x125x64xf32, #tpu.memory_space<vmem>> -> memref<125x64xf32, #tpu.memory_space<vmem>>
        %dma_wait3A_342 = arith.constant 0 : i32
        %dma_wait3A_343 = tpu.memref_slice %arg7[%add3A_279, %run_scoped3A_293, %dma_wait3A_342] : memref<80x1x125xi32, #tpu.memory_space<vmem>> -> memref<1x1x125xi32, #tpu.memory_space<vmem>>
        %dma_wait3A_344 = tpu.memref_squeeze %dma_wait3A_343 : memref<1x1x125xi32, #tpu.memory_space<vmem>> -> memref<125xi32, #tpu.memory_space<vmem>>
        %dma_wait3A_345 = arith.constant 0 : i32
        %dma_wait3A_346 = arith.constant 0 : i32
        %dma_wait3A_347 = tpu.memref_slice %arg10[%dma_wait3A_345, %dma_wait3A_346] : memref<10240x64xf32, #tpu.memory_space<vmem_shared>> -> memref<10240x64xf32, #tpu.memory_space<vmem_shared>>
        tpu.wait_indirect_dma semaphore(%run_scoped3A_327 : memref<!tpu.dma_semaphore, #tpu.memory_space<semaphore_mem>>) src(%dma_wait3A_341 : memref<125x64xf32, #tpu.memory_space<vmem>>) dst(%dma_wait3A_347 : memref<10240x64xf32, #tpu.memory_space<vmem_shared>>)
        tpu.yield
      }) : () -> ()
      %add3A_294 = arith.constant 8 : i32
      %add3A_295 = arith.addi %add3A_279, %add3A_294 : i32
      %lt3A_296 = arith.constant 80 : i32
      %lt3A_297 = arith.cmpi slt, %add3A_295, %lt3A_296 : i32
      %convert_element_type3A_298 = arith.extui %lt3A_297 : i1 to i32
      %cond3A_299 = arith.constant 0 : i32
      %cond3A_300 = arith.cmpi ne, %convert_element_type3A_298, %cond3A_299 : i32
      scf.if %cond3A_300 {
        %add3A_327 = arith.constant 8 : i32
        %add3A_328 = arith.addi %add3A_279, %add3A_327 : i32
        %dma_start3A_329 = arith.constant 0 : i32
        %dma_start3A_330 = arith.constant 6 : i32
        %dma_start3A_331 = arith.constant 0 : i32
        %dma_start3A_332 = arith.constant 0 : i32
        %dma_start3A_333 = tpu.memref_slice %arg8[%dma_start3A_330, %dma_start3A_331, %dma_start3A_332] : memref<8x125x64xf32, #tpu.memory_space<vmem>> -> memref<1x125x64xf32, #tpu.memory_space<vmem>>
        %dma_start3A_334 = tpu.memref_squeeze %dma_start3A_333 : memref<1x125x64xf32, #tpu.memory_space<vmem>> -> memref<125x64xf32, #tpu.memory_space<vmem>>
        %dma_start3A_335 = arith.constant 0 : i32
        %dma_start3A_336 = tpu.memref_slice %arg6[%add3A_328, %dma_start3A_329, %dma_start3A_335] : memref<80x1x125xi32, #tpu.memory_space<vmem>> -> memref<1x1x125xi32, #tpu.memory_space<vmem>>
        %dma_start3A_337 = tpu.memref_squeeze %dma_start3A_336 : memref<1x1x125xi32, #tpu.memory_space<vmem>> -> memref<125xi32, #tpu.memory_space<vmem>>
        %dma_start3A_338 = arith.constant 0 : i32
        %dma_start3A_339 = arith.constant 0 : i32
        %dma_start3A_340 = tpu.memref_slice %arg2[%dma_start3A_338, %dma_start3A_339] : memref<10240x64xf32, #tpu.memory_space<hbm>> -> memref<10240x64xf32, #tpu.memory_space<hbm>>
        tpu.enqueue_indirect_dma source(%dma_start3A_340 : memref<10240x64xf32, #tpu.memory_space<hbm>>) target(%dma_start3A_334 : memref<125x64xf32, #tpu.memory_space<vmem>>) offsets(%dma_start3A_337 : memref<125xi32, #tpu.memory_space<vmem>>) semaphore(%arg17 : memref<!tpu.dma_semaphore, #tpu.memory_space<semaphore_mem>>)
      } else {
      }
      %mul3A_301 = arith.constant 8 : i32
      %mul3A_302 = arith.muli %scan3A_129, %mul3A_301 : i32
      %add3A_303 = arith.constant 7 : i32
      %add3A_304 = arith.addi %mul3A_302, %add3A_303 : i32
      %dma_wait3A_305 = arith.constant 0 : i32
      %dma_wait3A_306 = arith.constant 7 : i32
      %dma_wait3A_307 = arith.constant 0 : i32
      %dma_wait3A_308 = arith.constant 0 : i32
      %dma_wait3A_309 = tpu.memref_slice %arg8[%dma_wait3A_306, %dma_wait3A_307, %dma_wait3A_308] : memref<8x125x64xf32, #tpu.memory_space<vmem>> -> memref<1x125x64xf32, #tpu.memory_space<vmem>>
      %dma_wait3A_310 = tpu.memref_squeeze %dma_wait3A_309 : memref<1x125x64xf32, #tpu.memory_space<vmem>> -> memref<125x64xf32, #tpu.memory_space<vmem>>
      %dma_wait3A_311 = arith.constant 0 : i32
      %dma_wait3A_312 = tpu.memref_slice %arg6[%add3A_304, %dma_wait3A_305, %dma_wait3A_311] : memref<80x1x125xi32, #tpu.memory_space<vmem>> -> memref<1x1x125xi32, #tpu.memory_space<vmem>>
      %dma_wait3A_313 = tpu.memref_squeeze %dma_wait3A_312 : memref<1x1x125xi32, #tpu.memory_space<vmem>> -> memref<125xi32, #tpu.memory_space<vmem>>
      %dma_wait3A_314 = arith.constant 0 : i32
      %dma_wait3A_315 = arith.constant 0 : i32
      %dma_wait3A_316 = tpu.memref_slice %arg2[%dma_wait3A_314, %dma_wait3A_315] : memref<10240x64xf32, #tpu.memory_space<hbm>> -> memref<10240x64xf32, #tpu.memory_space<hbm>>
      tpu.wait_indirect_dma semaphore(%arg18 : memref<!tpu.dma_semaphore, #tpu.memory_space<semaphore_mem>>) src(%dma_wait3A_316 : memref<10240x64xf32, #tpu.memory_space<hbm>>) dst(%dma_wait3A_310 : memref<125x64xf32, #tpu.memory_space<vmem>>)
      %run_scoped3A_317 = arith.constant 7 : i32
      %run_scoped3A_318 = arith.constant 0 : i32
      "tpu.region"() ({
        %run_scoped3A_327 = tpu.sem_alloc : memref<!tpu.dma_semaphore, #tpu.memory_space<semaphore_mem>>
        %dma_start3A_328 = arith.constant 0 : i32
        %dma_start3A_329 = arith.constant 0 : i32
        %dma_start3A_330 = tpu.memref_slice %arg8[%run_scoped3A_317, %dma_start3A_328, %dma_start3A_329] : memref<8x125x64xf32, #tpu.memory_space<vmem>> -> memref<1x125x64xf32, #tpu.memory_space<vmem>>
        %dma_start3A_331 = tpu.memref_squeeze %dma_start3A_330 : memref<1x125x64xf32, #tpu.memory_space<vmem>> -> memref<125x64xf32, #tpu.memory_space<vmem>>
        %dma_start3A_332 = arith.constant 0 : i32
        %dma_start3A_333 = tpu.memref_slice %arg7[%add3A_304, %run_scoped3A_318, %dma_start3A_332] : memref<80x1x125xi32, #tpu.memory_space<vmem>> -> memref<1x1x125xi32, #tpu.memory_space<vmem>>
        %dma_start3A_334 = tpu.memref_squeeze %dma_start3A_333 : memref<1x1x125xi32, #tpu.memory_space<vmem>> -> memref<125xi32, #tpu.memory_space<vmem>>
        %dma_start3A_335 = arith.constant 0 : i32
        %dma_start3A_336 = arith.constant 0 : i32
        %dma_start3A_337 = tpu.memref_slice %arg10[%dma_start3A_335, %dma_start3A_336] : memref<10240x64xf32, #tpu.memory_space<vmem_shared>> -> memref<10240x64xf32, #tpu.memory_space<vmem_shared>>
        tpu.enqueue_indirect_dma source(%dma_start3A_331 : memref<125x64xf32, #tpu.memory_space<vmem>>) target(%dma_start3A_337 : memref<10240x64xf32, #tpu.memory_space<vmem_shared>>) offsets(%dma_start3A_334 : memref<125xi32, #tpu.memory_space<vmem>>) semaphore(%run_scoped3A_327 : memref<!tpu.dma_semaphore, #tpu.memory_space<semaphore_mem>>) {add = true}
        %dma_wait3A_338 = arith.constant 0 : i32
        %dma_wait3A_339 = arith.constant 0 : i32
        %dma_wait3A_340 = tpu.memref_slice %arg8[%run_scoped3A_317, %dma_wait3A_338, %dma_wait3A_339] : memref<8x125x64xf32, #tpu.memory_space<vmem>> -> memref<1x125x64xf32, #tpu.memory_space<vmem>>
        %dma_wait3A_341 = tpu.memref_squeeze %dma_wait3A_340 : memref<1x125x64xf32, #tpu.memory_space<vmem>> -> memref<125x64xf32, #tpu.memory_space<vmem>>
        %dma_wait3A_342 = arith.constant 0 : i32
        %dma_wait3A_343 = tpu.memref_slice %arg7[%add3A_304, %run_scoped3A_318, %dma_wait3A_342] : memref<80x1x125xi32, #tpu.memory_space<vmem>> -> memref<1x1x125xi32, #tpu.memory_space<vmem>>
        %dma_wait3A_344 = tpu.memref_squeeze %dma_wait3A_343 : memref<1x1x125xi32, #tpu.memory_space<vmem>> -> memref<125xi32, #tpu.memory_space<vmem>>
        %dma_wait3A_345 = arith.constant 0 : i32
        %dma_wait3A_346 = arith.constant 0 : i32
        %dma_wait3A_347 = tpu.memref_slice %arg10[%dma_wait3A_345, %dma_wait3A_346] : memref<10240x64xf32, #tpu.memory_space<vmem_shared>> -> memref<10240x64xf32, #tpu.memory_space<vmem_shared>>
        tpu.wait_indirect_dma semaphore(%run_scoped3A_327 : memref<!tpu.dma_semaphore, #tpu.memory_space<semaphore_mem>>) src(%dma_wait3A_341 : memref<125x64xf32, #tpu.memory_space<vmem>>) dst(%dma_wait3A_347 : memref<10240x64xf32, #tpu.memory_space<vmem_shared>>)
        tpu.yield
      }) : () -> ()
      %add3A_319 = arith.constant 8 : i32
      %add3A_320 = arith.addi %add3A_304, %add3A_319 : i32
      %lt3A_321 = arith.constant 80 : i32
      %lt3A_322 = arith.cmpi slt, %add3A_320, %lt3A_321 : i32
      %convert_element_type3A_323 = arith.extui %lt3A_322 : i1 to i32
      %cond3A_324 = arith.constant 0 : i32
      %cond3A_325 = arith.cmpi ne, %convert_element_type3A_323, %cond3A_324 : i32
      scf.if %cond3A_325 {
        %add3A_327 = arith.constant 8 : i32
        %add3A_328 = arith.addi %add3A_304, %add3A_327 : i32
        %dma_start3A_329 = arith.constant 0 : i32
        %dma_start3A_330 = arith.constant 7 : i32
        %dma_start3A_331 = arith.constant 0 : i32
        %dma_start3A_332 = arith.constant 0 : i32
        %dma_start3A_333 = tpu.memref_slice %arg8[%dma_start3A_330, %dma_start3A_331, %dma_start3A_332] : memref<8x125x64xf32, #tpu.memory_space<vmem>> -> memref<1x125x64xf32, #tpu.memory_space<vmem>>
        %dma_start3A_334 = tpu.memref_squeeze %dma_start3A_333 : memref<1x125x64xf32, #tpu.memory_space<vmem>> -> memref<125x64xf32, #tpu.memory_space<vmem>>
        %dma_start3A_335 = arith.constant 0 : i32
        %dma_start3A_336 = tpu.memref_slice %arg6[%add3A_328, %dma_start3A_329, %dma_start3A_335] : memref<80x1x125xi32, #tpu.memory_space<vmem>> -> memref<1x1x125xi32, #tpu.memory_space<vmem>>
        %dma_start3A_337 = tpu.memref_squeeze %dma_start3A_336 : memref<1x1x125xi32, #tpu.memory_space<vmem>> -> memref<125xi32, #tpu.memory_space<vmem>>
        %dma_start3A_338 = arith.constant 0 : i32
        %dma_start3A_339 = arith.constant 0 : i32
        %dma_start3A_340 = tpu.memref_slice %arg2[%dma_start3A_338, %dma_start3A_339] : memref<10240x64xf32, #tpu.memory_space<hbm>> -> memref<10240x64xf32, #tpu.memory_space<hbm>>
        tpu.enqueue_indirect_dma source(%dma_start3A_340 : memref<10240x64xf32, #tpu.memory_space<hbm>>) target(%dma_start3A_334 : memref<125x64xf32, #tpu.memory_space<vmem>>) offsets(%dma_start3A_337 : memref<125xi32, #tpu.memory_space<vmem>>) semaphore(%arg18 : memref<!tpu.dma_semaphore, #tpu.memory_space<semaphore_mem>>)
      } else {
      }
      %scan3A_326 = arith.constant 0 : i32
      scf.yield %scan3A_326 : i32
    }
    %scan3A_123 = arith.constant 10 : i32
    %barrier3A_124 = arith.constant 0 : index
    tpu.barrier barrier_id(%barrier3A_124)
    %mul3A_125 = arith.constant 640 : i32
    %mul3A_126 = arith.muli %arg1, %mul3A_125 : i32
    %mul3A_127 = arith.constant 640 : i32
    %mul3A_128 = arith.muli %arg1, %mul3A_127 : i32
    "tpu.region"() ({
      %run_scoped3A = tpu.sem_alloc : memref<!tpu.dma_semaphore, #tpu.memory_space<semaphore_mem>>
      %dma_start3A_129 = arith.constant 0 : i32
      %dma_start3A_130 = tpu.memref_slice %arg5[%arg0, %mul3A_128, %dma_start3A_129] : memref<2x10240x64xf32, #tpu.memory_space<hbm>> -> memref<1x640x64xf32, #tpu.memory_space<hbm>>
      %dma_start3A_131 = tpu.memref_squeeze %dma_start3A_130 : memref<1x640x64xf32, #tpu.memory_space<hbm>> -> memref<640x64xf32, #tpu.memory_space<hbm>>
      %dma_start3A_132 = arith.constant 0 : i32
      %dma_start3A_133 = tpu.memref_slice %arg10[%mul3A_126, %dma_start3A_132] : memref<10240x64xf32, #tpu.memory_space<vmem_shared>> -> memref<640x64xf32, #tpu.memory_space<vmem_shared>>
      tpu.enqueue_dma source(%dma_start3A_133 : memref<640x64xf32, #tpu.memory_space<vmem_shared>>) target(%dma_start3A_131 : memref<640x64xf32, #tpu.memory_space<hbm>>) target_semaphore(%run_scoped3A : memref<!tpu.dma_semaphore, #tpu.memory_space<semaphore_mem>>)
      %dma_wait3A = arith.constant 0 : i32
      %dma_wait3A_134 = tpu.memref_slice %arg5[%arg0, %mul3A_128, %dma_wait3A] : memref<2x10240x64xf32, #tpu.memory_space<hbm>> -> memref<1x640x64xf32, #tpu.memory_space<hbm>>
      %dma_wait3A_135 = tpu.memref_squeeze %dma_wait3A_134 : memref<1x640x64xf32, #tpu.memory_space<hbm>> -> memref<640x64xf32, #tpu.memory_space<hbm>>
      %dma_wait3A_136 = arith.constant 0 : i32
      %dma_wait3A_137 = tpu.memref_slice %arg10[%mul3A_126, %dma_wait3A_136] : memref<10240x64xf32, #tpu.memory_space<vmem_shared>> -> memref<640x64xf32, #tpu.memory_space<vmem_shared>>
      tpu.wait_dma2 semaphore(%run_scoped3A : memref<!tpu.dma_semaphore, #tpu.memory_space<semaphore_mem>>) src(%dma_wait3A_137 : memref<640x64xf32, #tpu.memory_space<vmem_shared>>) dst(%dma_wait3A_135 : memref<640x64xf32, #tpu.memory_space<hbm>>)
      tpu.yield
    }) : () -> ()
    return
  }
}

#map = affine_map<(d0, d1) -> (0, 0)>
#map1 = affine_map<(d0, d1) -> (0, 0, 0, 0)>
#map2 = affine_map<(d0, d1) -> (0, 0, 0)>
module attributes {stable_mosaic.version = 14 : i64} {
  func.func @_hop_body(%arg0: i32, %arg1: i32, %arg2: memref<10240x64xf32, #tpu.memory_space<hbm>>, %arg3: memref<32x80x1x125xi32, #tpu.memory_space<hbm>>, %arg4: memref<32x80x1x125xi32, #tpu.memory_space<hbm>>, %arg5: memref<2x10240x64xf32, #tpu.memory_space<hbm>>, %arg6: memref<80x1x125xi32, #tpu.memory_space<vmem>>, %arg7: memref<80x1x125xi32, #tpu.memory_space<vmem>>, %arg8: memref<8x125x64xf32, #tpu.memory_space<vmem>>, %arg9: memref<64x64xf32, #tpu.memory_space<vmem>>, %arg10: memref<10240x64xf32, #tpu.memory_space<vmem_shared>>, %arg11: memref<!tpu.dma_semaphore, #tpu.memory_space<semaphore_mem>>, %arg12: memref<!tpu.dma_semaphore, #tpu.memory_space<semaphore_mem>>, %arg13: memref<!tpu.dma_semaphore, #tpu.memory_space<semaphore_mem>>, %arg14: memref<!tpu.dma_semaphore, #tpu.memory_space<semaphore_mem>>, %arg15: memref<!tpu.dma_semaphore, #tpu.memory_space<semaphore_mem>>, %arg16: memref<!tpu.dma_semaphore, #tpu.memory_space<semaphore_mem>>, %arg17: memref<!tpu.dma_semaphore, #tpu.memory_space<semaphore_mem>>, %arg18: memref<!tpu.dma_semaphore, #tpu.memory_space<semaphore_mem>>) attributes {dimension_semantics = [#tpu.dimension_semantics<core_parallel>, #tpu.dimension_semantics<subcore_parallel>], iteration_bounds = array<i64: 2, 16>, scalar_prefetch = 0 : i64, scratch_operands = 13 : i64, tpu.core_type = #tpu.core_type<sc_vector_subcore>, window_params = [{transform_indices = #map}, {transform_indices = #map1}, {transform_indices = #map1}, {transform_indices = #map2}]} {
    %mul3A = arith.constant 2 : i32
    %mul3A_0 = arith.muli %arg1, %mul3A : i32
    %add3A = arith.addi %mul3A_0, %arg0 : i32
    "tpu.region"() ({
      %run_scoped3A = tpu.sem_alloc : memref<!tpu.dma_semaphore, #tpu.memory_space<semaphore_mem>>
      %dma_start3A_129 = arith.constant 0 : i32
      %dma_start3A_130 = arith.constant 0 : i32
      %dma_start3A_131 = arith.constant 0 : i32
      %dma_start3A_132 = tpu.memref_slice %arg3[%add3A, %dma_start3A_129, %dma_start3A_130, %dma_start3A_131] : memref<32x80x1x125xi32, #tpu.memory_space<hbm>> -> memref<1x80x1x125xi32, #tpu.memory_space<hbm>>
      %dma_start3A_133 = tpu.memref_squeeze %dma_start3A_132 : memref<1x80x1x125xi32, #tpu.memory_space<hbm>> -> memref<80x1x125xi32, #tpu.memory_space<hbm>>
      %dma_start3A_134 = arith.constant 0 : i32
      %dma_start3A_135 = arith.constant 0 : i32
      %dma_start3A_136 = arith.constant 0 : i32
      %dma_start3A_137 = tpu.memref_slice %arg3[%add3A, %dma_start3A_134, %dma_start3A_135, %dma_start3A_136] : memref<32x80x1x125xi32, #tpu.memory_space<hbm>> -> memref<1x80x1x125xi32, #tpu.memory_space<hbm>>
      %dma_start3A_138 = tpu.memref_squeeze %dma_start3A_137 : memref<1x80x1x125xi32, #tpu.memory_space<hbm>> -> memref<80x1x125xi32, #tpu.memory_space<hbm>>
      tpu.enqueue_dma source(%dma_start3A_138 : memref<80x1x125xi32, #tpu.memory_space<hbm>>) target(%arg6 : memref<80x1x125xi32, #tpu.memory_space<vmem>>) target_semaphore(%run_scoped3A : memref<!tpu.dma_semaphore, #tpu.memory_space<semaphore_mem>>)
      %dma_wait3A = arith.constant 0 : i32
      %dma_wait3A_139 = arith.constant 0 : i32
      %dma_wait3A_140 = arith.constant 0 : i32
      %dma_wait3A_141 = tpu.memref_slice %arg3[%add3A, %dma_wait3A, %dma_wait3A_139, %dma_wait3A_140] : memref<32x80x1x125xi32, #tpu.memory_space<hbm>> -> memref<1x80x1x125xi32, #tpu.memory_space<hbm>>
      %dma_wait3A_142 = tpu.memref_squeeze %dma_wait3A_141 : memref<1x80x1x125xi32, #tpu.memory_space<hbm>> -> memref<80x1x125xi32, #tpu.memory_space<hbm>>
      %dma_wait3A_143 = arith.constant 0 : i32
      %dma_wait3A_144 = arith.constant 0 : i32
      %dma_wait3A_145 = arith.constant 0 : i32
      %dma_wait3A_146 = tpu.memref_slice %arg3[%add3A, %dma_wait3A_143, %dma_wait3A_144, %dma_wait3A_145] : memref<32x80x1x125xi32, #tpu.memory_space<hbm>> -> memref<1x80x1x125xi32, #tpu.memory_space<hbm>>
      %dma_wait3A_147 = tpu.memref_squeeze %dma_wait3A_146 : memref<1x80x1x125xi32, #tpu.memory_space<hbm>> -> memref<80x1x125xi32, #tpu.memory_space<hbm>>
      tpu.wait_dma2 semaphore(%run_scoped3A : memref<!tpu.dma_semaphore, #tpu.memory_space<semaphore_mem>>) src(%dma_wait3A_147 : memref<80x1x125xi32, #tpu.memory_space<hbm>>) dst(%arg6 : memref<80x1x125xi32, #tpu.memory_space<vmem>>)
      tpu.yield
    }) : () -> ()
    "tpu.region"() ({
      %run_scoped3A = tpu.sem_alloc : memref<!tpu.dma_semaphore, #tpu.memory_space<semaphore_mem>>
      %dma_start3A_129 = arith.constant 0 : i32
      %dma_start3A_130 = arith.constant 0 : i32
      %dma_start3A_131 = arith.constant 0 : i32
      %dma_start3A_132 = tpu.memref_slice %arg4[%add3A, %dma_start3A_129, %dma_start3A_130, %dma_start3A_131] : memref<32x80x1x125xi32, #tpu.memory_space<hbm>> -> memref<1x80x1x125xi32, #tpu.memory_space<hbm>>
      %dma_start3A_133 = tpu.memref_squeeze %dma_start3A_132 : memref<1x80x1x125xi32, #tpu.memory_space<hbm>> -> memref<80x1x125xi32, #tpu.memory_space<hbm>>
      %dma_start3A_134 = arith.constant 0 : i32
      %dma_start3A_135 = arith.constant 0 : i32
      %dma_start3A_136 = arith.constant 0 : i32
      %dma_start3A_137 = tpu.memref_slice %arg4[%add3A, %dma_start3A_134, %dma_start3A_135, %dma_start3A_136] : memref<32x80x1x125xi32, #tpu.memory_space<hbm>> -> memref<1x80x1x125xi32, #tpu.memory_space<hbm>>
      %dma_start3A_138 = tpu.memref_squeeze %dma_start3A_137 : memref<1x80x1x125xi32, #tpu.memory_space<hbm>> -> memref<80x1x125xi32, #tpu.memory_space<hbm>>
      tpu.enqueue_dma source(%dma_start3A_138 : memref<80x1x125xi32, #tpu.memory_space<hbm>>) target(%arg7 : memref<80x1x125xi32, #tpu.memory_space<vmem>>) target_semaphore(%run_scoped3A : memref<!tpu.dma_semaphore, #tpu.memory_space<semaphore_mem>>)
      %dma_wait3A = arith.constant 0 : i32
      %dma_wait3A_139 = arith.constant 0 : i32
      %dma_wait3A_140 = arith.constant 0 : i32
      %dma_wait3A_141 = tpu.memref_slice %arg4[%add3A, %dma_wait3A, %dma_wait3A_139, %dma_wait3A_140] : memref<32x80x1x125xi32, #tpu.memory_space<hbm>> -> memref<1x80x1x125xi32, #tpu.memory_space<hbm>>
      %dma_wait3A_142 = tpu.memref_squeeze %dma_wait3A_141 : memref<1x80x1x125xi32, #tpu.memory_space<hbm>> -> memref<80x1x125xi32, #tpu.memory_space<hbm>>
      %dma_wait3A_143 = arith.constant 0 : i32
      %dma_wait3A_144 = arith.constant 0 : i32
      %dma_wait3A_145 = arith.constant 0 : i32
      %dma_wait3A_146 = tpu.memref_slice %arg4[%add3A, %dma_wait3A_143, %dma_wait3A_144, %dma_wait3A_145] : memref<32x80x1x125xi32, #tpu.memory_space<hbm>> -> memref<1x80x1x125xi32, #tpu.memory_space<hbm>>
      %dma_wait3A_147 = tpu.memref_squeeze %dma_wait3A_146 : memref<1x80x1x125xi32, #tpu.memory_space<hbm>> -> memref<80x1x125xi32, #tpu.memory_space<hbm>>
      tpu.wait_dma2 semaphore(%run_scoped3A : memref<!tpu.dma_semaphore, #tpu.memory_space<semaphore_mem>>) src(%dma_wait3A_147 : memref<80x1x125xi32, #tpu.memory_space<hbm>>) dst(%arg7 : memref<80x1x125xi32, #tpu.memory_space<vmem>>)
      tpu.yield
    }) : () -> ()
    %scan3A = arith.constant 0 : i32
    %scan3A_1 = arith.constant 0 : i32
    %scan3A_2 = arith.constant 256 : i32
    %scan3A_3 = arith.addi %scan3A_1, %scan3A_2 : i32
    %scan3A_4 = arith.constant 1 : i32
    %scan3A_5 = scf.for %scan3A_129 = %scan3A_1 to %scan3A_3 step %scan3A_4 iter_args(%scan3A_130 = %scan3A) -> (i32)  : i32 {
      %broadcast_in_dim3A = arith.constant 0.000000e+00 : f32
      %broadcast_in_dim3A_131 = vector.broadcast %broadcast_in_dim3A : f32 to vector<16xf32>
      %jit3A = arith.constant 4 : i32
      %div3A = arith.divsi %scan3A_129, %jit3A : i32
      %sign3A = arith.constant 0 : i32
      %sign3A_132 = arith.cmpi sgt, %scan3A_129, %sign3A : i32
      %sign3A_133 = arith.extui %sign3A_132 : i1 to i32
      %sign3A_134 = arith.constant 0 : i32
      %sign3A_135 = arith.cmpi slt, %scan3A_129, %sign3A_134 : i32
      %sign3A_136 = arith.extui %sign3A_135 : i1 to i32
      %sign3A_137 = arith.subi %sign3A_133, %sign3A_136 : i32
      %sign3A_138 = arith.constant 0 : i32
      %sign3A_139 = arith.cmpi sgt, %jit3A, %sign3A_138 : i32
      %sign3A_140 = arith.extui %sign3A_139 : i1 to i32
      %sign3A_141 = arith.constant 0 : i32
      %sign3A_142 = arith.cmpi slt, %jit3A, %sign3A_141 : i32
      %sign3A_143 = arith.extui %sign3A_142 : i1 to i32
      %sign3A_144 = arith.subi %sign3A_140, %sign3A_143 : i32
      %ne3A = arith.cmpi ne, %sign3A_137, %sign3A_144 : i32
      %rem3A = arith.remsi %scan3A_129, %jit3A : i32
      %ne3A_145 = arith.constant 0 : i32
      %ne3A_146 = arith.cmpi ne, %rem3A, %ne3A_145 : i32
      %and3A = arith.andi %ne3A, %ne3A_146 : i1
      %sub3A = arith.constant 1 : i32
      %sub3A_147 = arith.subi %div3A, %sub3A : i32
      %select_n3A = arith.select %and3A, %sub3A_147, %div3A : i32
      %jit3A_148 = arith.constant 4 : i32
      %eq3A = arith.constant 0 : i32
      %eq3A_149 = arith.cmpi eq, %jit3A_148, %eq3A : i32
      %jit3A_150 = arith.constant 1 : i32
      %select_n3A_151 = arith.select %eq3A_149, %jit3A_150, %jit3A_148 : i32
      %rem3A_152 = arith.remsi %scan3A_129, %select_n3A_151 : i32
      %ne3A_153 = arith.constant 0 : i32
      %ne3A_154 = arith.cmpi ne, %rem3A_152, %ne3A_153 : i32
      %lt3A = arith.constant 0 : i32
      %lt3A_155 = arith.cmpi slt, %rem3A_152, %lt3A : i32
      %lt3A_156 = arith.constant 0 : i32
      %lt3A_157 = arith.cmpi slt, %select_n3A_151, %lt3A_156 : i32
      %ne3A_158 = arith.xori %lt3A_155, %lt3A_157 : i1
      %and3A_159 = arith.andi %ne3A_158, %ne3A_154 : i1
      %add3A_160 = arith.addi %rem3A_152, %select_n3A_151 : i32
      %select_n3A_161 = arith.select %and3A_159, %add3A_160, %rem3A_152 : i32
      %mul3A_162 = arith.constant 16 : i32
      %mul3A_163 = arith.muli %select_n3A_161, %mul3A_162 : i32
      %swap3A = arith.index_cast %select_n3A : i32 to index
      %swap3A_164 = arith.index_cast %mul3A_163 : i32 to index
      %swap3A_165 = tpu.vector_load %arg9[%swap3A, %swap3A_164] {strides = array<i32>} : memref<64x64xf32, #tpu.memory_space<vmem>>, vector<1x16xf32>,
      %swap3A_166 = vector.shape_cast %swap3A_165 : vector<1x16xf32> to vector<16xf32>
      %swap3A_167 = vector.shape_cast %broadcast_in_dim3A_131 : vector<16xf32> to vector<1x16xf32>
      tpu.vector_store %arg9[%swap3A, %swap3A_164], %swap3A_167 {strides = array<i32>} : memref<64x64xf32, #tpu.memory_space<vmem>>, vector<1x16xf32>,
      %scan3A_168 = arith.constant 0 : i32
      scf.yield %scan3A_168 : i32
    }
    %scan3A_6 = arith.constant 256 : i32
    %scan3A_7 = arith.constant 0 : i32
    %scan3A_8 = arith.constant 0 : i32
    %scan3A_9 = arith.constant 10 : i32
    %scan3A_10 = arith.addi %scan3A_8, %scan3A_9 : i32
    %scan3A_11 = arith.constant 1 : i32
    %scan3A_12 = scf.for %scan3A_129 = %scan3A_8 to %scan3A_10 step %scan3A_11 iter_args(%scan3A_130 = %scan3A_7) -> (i32)  : i32 {
      %mul3A_131 = arith.constant 640 : i32
      %mul3A_132 = arith.muli %arg1, %mul3A_131 : i32
      %mul3A_133 = arith.constant 64 : i32
      %mul3A_134 = arith.muli %scan3A_129, %mul3A_133 : i32
      %add3A_135 = arith.addi %mul3A_132, %mul3A_134 : i32
      "tpu.region"() ({
        %run_scoped3A = tpu.sem_alloc : memref<!tpu.dma_semaphore, #tpu.memory_space<semaphore_mem>>
        %dma_start3A_137 = arith.constant 0 : i32
        %dma_start3A_138 = tpu.memref_slice %arg10[%add3A_135, %dma_start3A_137] : memref<10240x64xf32, #tpu.memory_space<vmem_shared>> -> memref<64x64xf32, #tpu.memory_space<vmem_shared>>
        %dma_start3A_139 = arith.constant 0 : i32
        %dma_start3A_140 = tpu.memref_slice %arg10[%add3A_135, %dma_start3A_139] : memref<10240x64xf32, #tpu.memory_space<vmem_shared>> -> memref<64x64xf32, #tpu.memory_space<vmem_shared>>
        tpu.enqueue_dma source(%arg9 : memref<64x64xf32, #tpu.memory_space<vmem>>) target(%dma_start3A_140 : memref<64x64xf32, #tpu.memory_space<vmem_shared>>) target_semaphore(%run_scoped3A : memref<!tpu.dma_semaphore, #tpu.memory_space<semaphore_mem>>)
        %dma_wait3A = arith.constant 0 : i32
        %dma_wait3A_141 = tpu.memref_slice %arg10[%add3A_135, %dma_wait3A] : memref<10240x64xf32, #tpu.memory_space<vmem_shared>> -> memref<64x64xf32, #tpu.memory_space<vmem_shared>>
        %dma_wait3A_142 = arith.constant 0 : i32
        %dma_wait3A_143 = tpu.memref_slice %arg10[%add3A_135, %dma_wait3A_142] : memref<10240x64xf32, #tpu.memory_space<vmem_shared>> -> memref<64x64xf32, #tpu.memory_space<vmem_shared>>
        tpu.wait_dma2 semaphore(%run_scoped3A : memref<!tpu.dma_semaphore, #tpu.memory_space<semaphore_mem>>) src(%arg9 : memref<64x64xf32, #tpu.memory_space<vmem>>) dst(%dma_wait3A_143 : memref<64x64xf32, #tpu.memory_space<vmem_shared>>)
        tpu.yield
      }) : () -> ()
      %scan3A_136 = arith.constant 0 : i32
      scf.yield %scan3A_136 : i32
    }
    %scan3A_13 = arith.constant 10 : i32
    %barrier3A = arith.constant 0 : index
    tpu.barrier barrier_id(%barrier3A)
    %dma_start3A = arith.constant 0 : i32
    %dma_start3A_14 = arith.constant 0 : i32
    %dma_start3A_15 = arith.constant 0 : i32
    %dma_start3A_16 = arith.constant 0 : i32
    %dma_start3A_17 = arith.constant 0 : i32
    %dma_start3A_18 = tpu.memref_slice %arg8[%dma_start3A_15, %dma_start3A_16, %dma_start3A_17] : memref<8x125x64xf32, #tpu.memory_space<vmem>> -> memref<1x125x64xf32, #tpu.memory_space<vmem>>
    %dma_start3A_19 = tpu.memref_squeeze %dma_start3A_18 : memref<1x125x64xf32, #tpu.memory_space<vmem>> -> memref<125x64xf32, #tpu.memory_space<vmem>>
    %dma_start3A_20 = arith.constant 0 : i32
    %dma_start3A_21 = tpu.memref_slice %arg6[%dma_start3A, %dma_start3A_14, %dma_start3A_20] : memref<80x1x125xi32, #tpu.memory_space<vmem>> -> memref<1x1x125xi32, #tpu.memory_space<vmem>>
    %dma_start3A_22 = tpu.memref_squeeze %dma_start3A_21 : memref<1x1x125xi32, #tpu.memory_space<vmem>> -> memref<125xi32, #tpu.memory_space<vmem>>
    %dma_start3A_23 = arith.constant 0 : i32
    %dma_start3A_24 = arith.constant 0 : i32
    %dma_start3A_25 = tpu.memref_slice %arg2[%dma_start3A_23, %dma_start3A_24] : memref<10240x64xf32, #tpu.memory_space<hbm>> -> memref<10240x64xf32, #tpu.memory_space<hbm>>
    tpu.enqueue_indirect_dma source(%dma_start3A_25 : memref<10240x64xf32, #tpu.memory_space<hbm>>) target(%dma_start3A_19 : memref<125x64xf32, #tpu.memory_space<vmem>>) offsets(%dma_start3A_22 : memref<125xi32, #tpu.memory_space<vmem>>) semaphore(%arg11 : memref<!tpu.dma_semaphore, #tpu.memory_space<semaphore_mem>>)
    %dma_start3A_26 = arith.constant 1 : i32
    %dma_start3A_27 = arith.constant 0 : i32
    %dma_start3A_28 = arith.constant 1 : i32
    %dma_start3A_29 = arith.constant 0 : i32
    %dma_start3A_30 = arith.constant 0 : i32
    %dma_start3A_31 = tpu.memref_slice %arg8[%dma_start3A_28, %dma_start3A_29, %dma_start3A_30] : memref<8x125x64xf32, #tpu.memory_space<vmem>> -> memref<1x125x64xf32, #tpu.memory_space<vmem>>
    %dma_start3A_32 = tpu.memref_squeeze %dma_start3A_31 : memref<1x125x64xf32, #tpu.memory_space<vmem>> -> memref<125x64xf32, #tpu.memory_space<vmem>>
    %dma_start3A_33 = arith.constant 0 : i32
    %dma_start3A_34 = tpu.memref_slice %arg6[%dma_start3A_26, %dma_start3A_27, %dma_start3A_33] : memref<80x1x125xi32, #tpu.memory_space<vmem>> -> memref<1x1x125xi32, #tpu.memory_space<vmem>>
    %dma_start3A_35 = tpu.memref_squeeze %dma_start3A_34 : memref<1x1x125xi32, #tpu.memory_space<vmem>> -> memref<125xi32, #tpu.memory_space<vmem>>
    %dma_start3A_36 = arith.constant 0 : i32
    %dma_start3A_37 = arith.constant 0 : i32
    %dma_start3A_38 = tpu.memref_slice %arg2[%dma_start3A_36, %dma_start3A_37] : memref<10240x64xf32, #tpu.memory_space<hbm>> -> memref<10240x64xf32, #tpu.memory_space<hbm>>
    tpu.enqueue_indirect_dma source(%dma_start3A_38 : memref<10240x64xf32, #tpu.memory_space<hbm>>) target(%dma_start3A_32 : memref<125x64xf32, #tpu.memory_space<vmem>>) offsets(%dma_start3A_35 : memref<125xi32, #tpu.memory_space<vmem>>) semaphore(%arg12 : memref<!tpu.dma_semaphore, #tpu.memory_space<semaphore_mem>>)
    %dma_start3A_39 = arith.constant 2 : i32
    %dma_start3A_40 = arith.constant 0 : i32
    %dma_start3A_41 = arith.constant 2 : i32
    %dma_start3A_42 = arith.constant 0 : i32
    %dma_start3A_43 = arith.constant 0 : i32
    %dma_start3A_44 = tpu.memref_slice %arg8[%dma_start3A_41, %dma_start3A_42, %dma_start3A_43] : memref<8x125x64xf32, #tpu.memory_space<vmem>> -> memref<1x125x64xf32, #tpu.memory_space<vmem>>
    %dma_start3A_45 = tpu.memref_squeeze %dma_start3A_44 : memref<1x125x64xf32, #tpu.memory_space<vmem>> -> memref<125x64xf32, #tpu.memory_space<vmem>>
    %dma_start3A_46 = arith.constant 0 : i32
    %dma_start3A_47 = tpu.memref_slice %arg6[%dma_start3A_39, %dma_start3A_40, %dma_start3A_46] : memref<80x1x125xi32, #tpu.memory_space<vmem>> -> memref<1x1x125xi32, #tpu.memory_space<vmem>>
    %dma_start3A_48 = tpu.memref_squeeze %dma_start3A_47 : memref<1x1x125xi32, #tpu.memory_space<vmem>> -> memref<125xi32, #tpu.memory_space<vmem>>
    %dma_start3A_49 = arith.constant 0 : i32
    %dma_start3A_50 = arith.constant 0 : i32
    %dma_start3A_51 = tpu.memref_slice %arg2[%dma_start3A_49, %dma_start3A_50] : memref<10240x64xf32, #tpu.memory_space<hbm>> -> memref<10240x64xf32, #tpu.memory_space<hbm>>
    tpu.enqueue_indirect_dma source(%dma_start3A_51 : memref<10240x64xf32, #tpu.memory_space<hbm>>) target(%dma_start3A_45 : memref<125x64xf32, #tpu.memory_space<vmem>>) offsets(%dma_start3A_48 : memref<125xi32, #tpu.memory_space<vmem>>) semaphore(%arg13 : memref<!tpu.dma_semaphore, #tpu.memory_space<semaphore_mem>>)
    %dma_start3A_52 = arith.constant 3 : i32
    %dma_start3A_53 = arith.constant 0 : i32
    %dma_start3A_54 = arith.constant 3 : i32
    %dma_start3A_55 = arith.constant 0 : i32
    %dma_start3A_56 = arith.constant 0 : i32
    %dma_start3A_57 = tpu.memref_slice %arg8[%dma_start3A_54, %dma_start3A_55, %dma_start3A_56] : memref<8x125x64xf32, #tpu.memory_space<vmem>> -> memref<1x125x64xf32, #tpu.memory_space<vmem>>
    %dma_start3A_58 = tpu.memref_squeeze %dma_start3A_57 : memref<1x125x64xf32, #tpu.memory_space<vmem>> -> memref<125x64xf32, #tpu.memory_space<vmem>>
    %dma_start3A_59 = arith.constant 0 : i32
    %dma_start3A_60 = tpu.memref_slice %arg6[%dma_start3A_52, %dma_start3A_53, %dma_start3A_59] : memref<80x1x125xi32, #tpu.memory_space<vmem>> -> memref<1x1x125xi32, #tpu.memory_space<vmem>>
    %dma_start3A_61 = tpu.memref_squeeze %dma_start3A_60 : memref<1x1x125xi32, #tpu.memory_space<vmem>> -> memref<125xi32, #tpu.memory_space<vmem>>
    %dma_start3A_62 = arith.constant 0 : i32
    %dma_start3A_63 = arith.constant 0 : i32
    %dma_start3A_64 = tpu.memref_slice %arg2[%dma_start3A_62, %dma_start3A_63] : memref<10240x64xf32, #tpu.memory_space<hbm>> -> memref<10240x64xf32, #tpu.memory_space<hbm>>
    tpu.enqueue_indirect_dma source(%dma_start3A_64 : memref<10240x64xf32, #tpu.memory_space<hbm>>) target(%dma_start3A_58 : memref<125x64xf32, #tpu.memory_space<vmem>>) offsets(%dma_start3A_61 : memref<125xi32, #tpu.memory_space<vmem>>) semaphore(%arg14 : memref<!tpu.dma_semaphore, #tpu.memory_space<semaphore_mem>>)
    %dma_start3A_65 = arith.constant 4 : i32
    %dma_start3A_66 = arith.constant 0 : i32
    %dma_start3A_67 = arith.constant 4 : i32
    %dma_start3A_68 = arith.constant 0 : i32
    %dma_start3A_69 = arith.constant 0 : i32
    %dma_start3A_70 = tpu.memref_slice %arg8[%dma_start3A_67, %dma_start3A_68, %dma_start3A_69] : memref<8x125x64xf32, #tpu.memory_space<vmem>> -> memref<1x125x64xf32, #tpu.memory_space<vmem>>
    %dma_start3A_71 = tpu.memref_squeeze %dma_start3A_70 : memref<1x125x64xf32, #tpu.memory_space<vmem>> -> memref<125x64xf32, #tpu.memory_space<vmem>>
    %dma_start3A_72 = arith.constant 0 : i32
    %dma_start3A_73 = tpu.memref_slice %arg6[%dma_start3A_65, %dma_start3A_66, %dma_start3A_72] : memref<80x1x125xi32, #tpu.memory_space<vmem>> -> memref<1x1x125xi32, #tpu.memory_space<vmem>>
    %dma_start3A_74 = tpu.memref_squeeze %dma_start3A_73 : memref<1x1x125xi32, #tpu.memory_space<vmem>> -> memref<125xi32, #tpu.memory_space<vmem>>
    %dma_start3A_75 = arith.constant 0 : i32
    %dma_start3A_76 = arith.constant 0 : i32
    %dma_start3A_77 = tpu.memref_slice %arg2[%dma_start3A_75, %dma_start3A_76] : memref<10240x64xf32, #tpu.memory_space<hbm>> -> memref<10240x64xf32, #tpu.memory_space<hbm>>
    tpu.enqueue_indirect_dma source(%dma_start3A_77 : memref<10240x64xf32, #tpu.memory_space<hbm>>) target(%dma_start3A_71 : memref<125x64xf32, #tpu.memory_space<vmem>>) offsets(%dma_start3A_74 : memref<125xi32, #tpu.memory_space<vmem>>) semaphore(%arg15 : memref<!tpu.dma_semaphore, #tpu.memory_space<semaphore_mem>>)
    %dma_start3A_78 = arith.constant 5 : i32
    %dma_start3A_79 = arith.constant 0 : i32
    %dma_start3A_80 = arith.constant 5 : i32
    %dma_start3A_81 = arith.constant 0 : i32
    %dma_start3A_82 = arith.constant 0 : i32
    %dma_start3A_83 = tpu.memref_slice %arg8[%dma_start3A_80, %dma_start3A_81, %dma_start3A_82] : memref<8x125x64xf32, #tpu.memory_space<vmem>> -> memref<1x125x64xf32, #tpu.memory_space<vmem>>
    %dma_start3A_84 = tpu.memref_squeeze %dma_start3A_83 : memref<1x125x64xf32, #tpu.memory_space<vmem>> -> memref<125x64xf32, #tpu.memory_space<vmem>>
    %dma_start3A_85 = arith.constant 0 : i32
    %dma_start3A_86 = tpu.memref_slice %arg6[%dma_start3A_78, %dma_start3A_79, %dma_start3A_85] : memref<80x1x125xi32, #tpu.memory_space<vmem>> -> memref<1x1x125xi32, #tpu.memory_space<vmem>>
    %dma_start3A_87 = tpu.memref_squeeze %dma_start3A_86 : memref<1x1x125xi32, #tpu.memory_space<vmem>> -> memref<125xi32, #tpu.memory_space<vmem>>
    %dma_start3A_88 = arith.constant 0 : i32
    %dma_start3A_89 = arith.constant 0 : i32
    %dma_start3A_90 = tpu.memref_slice %arg2[%dma_start3A_88, %dma_start3A_89] : memref<10240x64xf32, #tpu.memory_space<hbm>> -> memref<10240x64xf32, #tpu.memory_space<hbm>>
    tpu.enqueue_indirect_dma source(%dma_start3A_90 : memref<10240x64xf32, #tpu.memory_space<hbm>>) target(%dma_start3A_84 : memref<125x64xf32, #tpu.memory_space<vmem>>) offsets(%dma_start3A_87 : memref<125xi32, #tpu.memory_space<vmem>>) semaphore(%arg16 : memref<!tpu.dma_semaphore, #tpu.memory_space<semaphore_mem>>)
    %dma_start3A_91 = arith.constant 6 : i32
    %dma_start3A_92 = arith.constant 0 : i32
    %dma_start3A_93 = arith.constant 6 : i32
    %dma_start3A_94 = arith.constant 0 : i32
    %dma_start3A_95 = arith.constant 0 : i32
    %dma_start3A_96 = tpu.memref_slice %arg8[%dma_start3A_93, %dma_start3A_94, %dma_start3A_95] : memref<8x125x64xf32, #tpu.memory_space<vmem>> -> memref<1x125x64xf32, #tpu.memory_space<vmem>>
    %dma_start3A_97 = tpu.memref_squeeze %dma_start3A_96 : memref<1x125x64xf32, #tpu.memory_space<vmem>> -> memref<125x64xf32, #tpu.memory_space<vmem>>
    %dma_start3A_98 = arith.constant 0 : i32
    %dma_start3A_99 = tpu.memref_slice %arg6[%dma_start3A_91, %dma_start3A_92, %dma_start3A_98] : memref<80x1x125xi32, #tpu.memory_space<vmem>> -> memref<1x1x125xi32, #tpu.memory_space<vmem>>
    %dma_start3A_100 = tpu.memref_squeeze %dma_start3A_99 : memref<1x1x125xi32, #tpu.memory_space<vmem>> -> memref<125xi32, #tpu.memory_space<vmem>>
    %dma_start3A_101 = arith.constant 0 : i32
    %dma_start3A_102 = arith.constant 0 : i32
    %dma_start3A_103 = tpu.memref_slice %arg2[%dma_start3A_101, %dma_start3A_102] : memref<10240x64xf32, #tpu.memory_space<hbm>> -> memref<10240x64xf32, #tpu.memory_space<hbm>>
    tpu.enqueue_indirect_dma source(%dma_start3A_103 : memref<10240x64xf32, #tpu.memory_space<hbm>>) target(%dma_start3A_97 : memref<125x64xf32, #tpu.memory_space<vmem>>) offsets(%dma_start3A_100 : memref<125xi32, #tpu.memory_space<vmem>>) semaphore(%arg17 : memref<!tpu.dma_semaphore, #tpu.memory_space<semaphore_mem>>)
    %dma_start3A_104 = arith.constant 7 : i32
    %dma_start3A_105 = arith.constant 0 : i32
    %dma_start3A_106 = arith.constant 7 : i32
    %dma_start3A_107 = arith.constant 0 : i32
    %dma_start3A_108 = arith.constant 0 : i32
    %dma_start3A_109 = tpu.memref_slice %arg8[%dma_start3A_106, %dma_start3A_107, %dma_start3A_108] : memref<8x125x64xf32, #tpu.memory_space<vmem>> -> memref<1x125x64xf32, #tpu.memory_space<vmem>>
    %dma_start3A_110 = tpu.memref_squeeze %dma_start3A_109 : memref<1x125x64xf32, #tpu.memory_space<vmem>> -> memref<125x64xf32, #tpu.memory_space<vmem>>
    %dma_start3A_111 = arith.constant 0 : i32
    %dma_start3A_112 = tpu.memref_slice %arg6[%dma_start3A_104, %dma_start3A_105, %dma_start3A_111] : memref<80x1x125xi32, #tpu.memory_space<vmem>> -> memref<1x1x125xi32, #tpu.memory_space<vmem>>
    %dma_start3A_113 = tpu.memref_squeeze %dma_start3A_112 : memref<1x1x125xi32, #tpu.memory_space<vmem>> -> memref<125xi32, #tpu.memory_space<vmem>>
    %dma_start3A_114 = arith.constant 0 : i32
    %dma_start3A_115 = arith.constant 0 : i32
    %dma_start3A_116 = tpu.memref_slice %arg2[%dma_start3A_114, %dma_start3A_115] : memref<10240x64xf32, #tpu.memory_space<hbm>> -> memref<10240x64xf32, #tpu.memory_space<hbm>>
    tpu.enqueue_indirect_dma source(%dma_start3A_116 : memref<10240x64xf32, #tpu.memory_space<hbm>>) target(%dma_start3A_110 : memref<125x64xf32, #tpu.memory_space<vmem>>) offsets(%dma_start3A_113 : memref<125xi32, #tpu.memory_space<vmem>>) semaphore(%arg18 : memref<!tpu.dma_semaphore, #tpu.memory_space<semaphore_mem>>)
    %scan3A_117 = arith.constant 0 : i32
    %scan3A_118 = arith.constant 0 : i32
    %scan3A_119 = arith.constant 10 : i32
    %scan3A_120 = arith.addi %scan3A_118, %scan3A_119 : i32
    %scan3A_121 = arith.constant 1 : i32
    %scan3A_122 = scf.for %scan3A_129 = %scan3A_118 to %scan3A_120 step %scan3A_121 iter_args(%scan3A_130 = %scan3A_117) -> (i32)  : i32 {
      %mul3A_131 = arith.constant 8 : i32
      %mul3A_132 = arith.muli %scan3A_129, %mul3A_131 : i32
      %add3A_133 = arith.constant 0 : i32
      %add3A_134 = arith.addi %mul3A_132, %add3A_133 : i32
      %dma_wait3A = arith.constant 0 : i32
      %dma_wait3A_135 = arith.constant 0 : i32
      %dma_wait3A_136 = arith.constant 0 : i32
      %dma_wait3A_137 = arith.constant 0 : i32
      %dma_wait3A_138 = tpu.memref_slice %arg8[%dma_wait3A_135, %dma_wait3A_136, %dma_wait3A_137] : memref<8x125x64xf32, #tpu.memory_space<vmem>> -> memref<1x125x64xf32, #tpu.memory_space<vmem>>
      %dma_wait3A_139 = tpu.memref_squeeze %dma_wait3A_138 : memref<1x125x64xf32, #tpu.memory_space<vmem>> -> memref<125x64xf32, #tpu.memory_space<vmem>>
      %dma_wait3A_140 = arith.constant 0 : i32
      %dma_wait3A_141 = tpu.memref_slice %arg6[%add3A_134, %dma_wait3A, %dma_wait3A_140] : memref<80x1x125xi32, #tpu.memory_space<vmem>> -> memref<1x1x125xi32, #tpu.memory_space<vmem>>
      %dma_wait3A_142 = tpu.memref_squeeze %dma_wait3A_141 : memref<1x1x125xi32, #tpu.memory_space<vmem>> -> memref<125xi32, #tpu.memory_space<vmem>>
      %dma_wait3A_143 = arith.constant 0 : i32
      %dma_wait3A_144 = arith.constant 0 : i32
      %dma_wait3A_145 = tpu.memref_slice %arg2[%dma_wait3A_143, %dma_wait3A_144] : memref<10240x64xf32, #tpu.memory_space<hbm>> -> memref<10240x64xf32, #tpu.memory_space<hbm>>
      tpu.wait_indirect_dma semaphore(%arg11 : memref<!tpu.dma_semaphore, #tpu.memory_space<semaphore_mem>>) src(%dma_wait3A_145 : memref<10240x64xf32, #tpu.memory_space<hbm>>) dst(%dma_wait3A_139 : memref<125x64xf32, #tpu.memory_space<vmem>>)
      %run_scoped3A = arith.constant 0 : i32
      %run_scoped3A_146 = arith.constant 0 : i32
      "tpu.region"() ({
        %run_scoped3A_327 = tpu.sem_alloc : memref<!tpu.dma_semaphore, #tpu.memory_space<semaphore_mem>>
        %dma_start3A_328 = arith.constant 0 : i32
        %dma_start3A_329 = arith.constant 0 : i32
        %dma_start3A_330 = tpu.memref_slice %arg8[%run_scoped3A, %dma_start3A_328, %dma_start3A_329] : memref<8x125x64xf32, #tpu.memory_space<vmem>> -> memref<1x125x64xf32, #tpu.memory_space<vmem>>
        %dma_start3A_331 = tpu.memref_squeeze %dma_start3A_330 : memref<1x125x64xf32, #tpu.memory_space<vmem>> -> memref<125x64xf32, #tpu.memory_space<vmem>>
        %dma_start3A_332 = arith.constant 0 : i32
        %dma_start3A_333 = tpu.memref_slice %arg7[%add3A_134, %run_scoped3A_146, %dma_start3A_332] : memref<80x1x125xi32, #tpu.memory_space<vmem>> -> memref<1x1x125xi32, #tpu.memory_space<vmem>>
        %dma_start3A_334 = tpu.memref_squeeze %dma_start3A_333 : memref<1x1x125xi32, #tpu.memory_space<vmem>> -> memref<125xi32, #tpu.memory_space<vmem>>
        %dma_start3A_335 = arith.constant 0 : i32
        %dma_start3A_336 = arith.constant 0 : i32
        %dma_start3A_337 = tpu.memref_slice %arg10[%dma_start3A_335, %dma_start3A_336] : memref<10240x64xf32, #tpu.memory_space<vmem_shared>> -> memref<10240x64xf32, #tpu.memory_space<vmem_shared>>
        tpu.enqueue_indirect_dma source(%dma_start3A_331 : memref<125x64xf32, #tpu.memory_space<vmem>>) target(%dma_start3A_337 : memref<10240x64xf32, #tpu.memory_space<vmem_shared>>) offsets(%dma_start3A_334 : memref<125xi32, #tpu.memory_space<vmem>>) semaphore(%run_scoped3A_327 : memref<!tpu.dma_semaphore, #tpu.memory_space<semaphore_mem>>) {add = true}
        %dma_wait3A_338 = arith.constant 0 : i32
        %dma_wait3A_339 = arith.constant 0 : i32
        %dma_wait3A_340 = tpu.memref_slice %arg8[%run_scoped3A, %dma_wait3A_338, %dma_wait3A_339] : memref<8x125x64xf32, #tpu.memory_space<vmem>> -> memref<1x125x64xf32, #tpu.memory_space<vmem>>
        %dma_wait3A_341 = tpu.memref_squeeze %dma_wait3A_340 : memref<1x125x64xf32, #tpu.memory_space<vmem>> -> memref<125x64xf32, #tpu.memory_space<vmem>>
        %dma_wait3A_342 = arith.constant 0 : i32
        %dma_wait3A_343 = tpu.memref_slice %arg7[%add3A_134, %run_scoped3A_146, %dma_wait3A_342] : memref<80x1x125xi32, #tpu.memory_space<vmem>> -> memref<1x1x125xi32, #tpu.memory_space<vmem>>
        %dma_wait3A_344 = tpu.memref_squeeze %dma_wait3A_343 : memref<1x1x125xi32, #tpu.memory_space<vmem>> -> memref<125xi32, #tpu.memory_space<vmem>>
        %dma_wait3A_345 = arith.constant 0 : i32
        %dma_wait3A_346 = arith.constant 0 : i32
        %dma_wait3A_347 = tpu.memref_slice %arg10[%dma_wait3A_345, %dma_wait3A_346] : memref<10240x64xf32, #tpu.memory_space<vmem_shared>> -> memref<10240x64xf32, #tpu.memory_space<vmem_shared>>
        tpu.wait_indirect_dma semaphore(%run_scoped3A_327 : memref<!tpu.dma_semaphore, #tpu.memory_space<semaphore_mem>>) src(%dma_wait3A_341 : memref<125x64xf32, #tpu.memory_space<vmem>>) dst(%dma_wait3A_347 : memref<10240x64xf32, #tpu.memory_space<vmem_shared>>)
        tpu.yield
      }) : () -> ()
      %add3A_147 = arith.constant 8 : i32
      %add3A_148 = arith.addi %add3A_134, %add3A_147 : i32
      %lt3A = arith.constant 80 : i32
      %lt3A_149 = arith.cmpi slt, %add3A_148, %lt3A : i32
      %convert_element_type3A = arith.extui %lt3A_149 : i1 to i32
      %cond3A = arith.constant 0 : i32
      %cond3A_150 = arith.cmpi ne, %convert_element_type3A, %cond3A : i32
      scf.if %cond3A_150 {
        %add3A_327 = arith.constant 8 : i32
        %add3A_328 = arith.addi %add3A_134, %add3A_327 : i32
        %dma_start3A_329 = arith.constant 0 : i32
        %dma_start3A_330 = arith.constant 0 : i32
        %dma_start3A_331 = arith.constant 0 : i32
        %dma_start3A_332 = arith.constant 0 : i32
        %dma_start3A_333 = tpu.memref_slice %arg8[%dma_start3A_330, %dma_start3A_331, %dma_start3A_332] : memref<8x125x64xf32, #tpu.memory_space<vmem>> -> memref<1x125x64xf32, #tpu.memory_space<vmem>>
        %dma_start3A_334 = tpu.memref_squeeze %dma_start3A_333 : memref<1x125x64xf32, #tpu.memory_space<vmem>> -> memref<125x64xf32, #tpu.memory_space<vmem>>
        %dma_start3A_335 = arith.constant 0 : i32
        %dma_start3A_336 = tpu.memref_slice %arg6[%add3A_328, %dma_start3A_329, %dma_start3A_335] : memref<80x1x125xi32, #tpu.memory_space<vmem>> -> memref<1x1x125xi32, #tpu.memory_space<vmem>>
        %dma_start3A_337 = tpu.memref_squeeze %dma_start3A_336 : memref<1x1x125xi32, #tpu.memory_space<vmem>> -> memref<125xi32, #tpu.memory_space<vmem>>
        %dma_start3A_338 = arith.constant 0 : i32
        %dma_start3A_339 = arith.constant 0 : i32
        %dma_start3A_340 = tpu.memref_slice %arg2[%dma_start3A_338, %dma_start3A_339] : memref<10240x64xf32, #tpu.memory_space<hbm>> -> memref<10240x64xf32, #tpu.memory_space<hbm>>
        tpu.enqueue_indirect_dma source(%dma_start3A_340 : memref<10240x64xf32, #tpu.memory_space<hbm>>) target(%dma_start3A_334 : memref<125x64xf32, #tpu.memory_space<vmem>>) offsets(%dma_start3A_337 : memref<125xi32, #tpu.memory_space<vmem>>) semaphore(%arg11 : memref<!tpu.dma_semaphore, #tpu.memory_space<semaphore_mem>>)
      } else {
      }
      %mul3A_151 = arith.constant 8 : i32
      %mul3A_152 = arith.muli %scan3A_129, %mul3A_151 : i32
      %add3A_153 = arith.constant 1 : i32
      %add3A_154 = arith.addi %mul3A_152, %add3A_153 : i32
      %dma_wait3A_155 = arith.constant 0 : i32
      %dma_wait3A_156 = arith.constant 1 : i32
      %dma_wait3A_157 = arith.constant 0 : i32
      %dma_wait3A_158 = arith.constant 0 : i32
      %dma_wait3A_159 = tpu.memref_slice %arg8[%dma_wait3A_156, %dma_wait3A_157, %dma_wait3A_158] : memref<8x125x64xf32, #tpu.memory_space<vmem>> -> memref<1x125x64xf32, #tpu.memory_space<vmem>>
      %dma_wait3A_160 = tpu.memref_squeeze %dma_wait3A_159 : memref<1x125x64xf32, #tpu.memory_space<vmem>> -> memref<125x64xf32, #tpu.memory_space<vmem>>
      %dma_wait3A_161 = arith.constant 0 : i32
      %dma_wait3A_162 = tpu.memref_slice %arg6[%add3A_154, %dma_wait3A_155, %dma_wait3A_161] : memref<80x1x125xi32, #tpu.memory_space<vmem>> -> memref<1x1x125xi32, #tpu.memory_space<vmem>>
      %dma_wait3A_163 = tpu.memref_squeeze %dma_wait3A_162 : memref<1x1x125xi32, #tpu.memory_space<vmem>> -> memref<125xi32, #tpu.memory_space<vmem>>
      %dma_wait3A_164 = arith.constant 0 : i32
      %dma_wait3A_165 = arith.constant 0 : i32
      %dma_wait3A_166 = tpu.memref_slice %arg2[%dma_wait3A_164, %dma_wait3A_165] : memref<10240x64xf32, #tpu.memory_space<hbm>> -> memref<10240x64xf32, #tpu.memory_space<hbm>>
      tpu.wait_indirect_dma semaphore(%arg12 : memref<!tpu.dma_semaphore, #tpu.memory_space<semaphore_mem>>) src(%dma_wait3A_166 : memref<10240x64xf32, #tpu.memory_space<hbm>>) dst(%dma_wait3A_160 : memref<125x64xf32, #tpu.memory_space<vmem>>)
      %run_scoped3A_167 = arith.constant 1 : i32
      %run_scoped3A_168 = arith.constant 0 : i32
      "tpu.region"() ({
        %run_scoped3A_327 = tpu.sem_alloc : memref<!tpu.dma_semaphore, #tpu.memory_space<semaphore_mem>>
        %dma_start3A_328 = arith.constant 0 : i32
        %dma_start3A_329 = arith.constant 0 : i32
        %dma_start3A_330 = tpu.memref_slice %arg8[%run_scoped3A_167, %dma_start3A_328, %dma_start3A_329] : memref<8x125x64xf32, #tpu.memory_space<vmem>> -> memref<1x125x64xf32, #tpu.memory_space<vmem>>
        %dma_start3A_331 = tpu.memref_squeeze %dma_start3A_330 : memref<1x125x64xf32, #tpu.memory_space<vmem>> -> memref<125x64xf32, #tpu.memory_space<vmem>>
        %dma_start3A_332 = arith.constant 0 : i32
        %dma_start3A_333 = tpu.memref_slice %arg7[%add3A_154, %run_scoped3A_168, %dma_start3A_332] : memref<80x1x125xi32, #tpu.memory_space<vmem>> -> memref<1x1x125xi32, #tpu.memory_space<vmem>>
        %dma_start3A_334 = tpu.memref_squeeze %dma_start3A_333 : memref<1x1x125xi32, #tpu.memory_space<vmem>> -> memref<125xi32, #tpu.memory_space<vmem>>
        %dma_start3A_335 = arith.constant 0 : i32
        %dma_start3A_336 = arith.constant 0 : i32
        %dma_start3A_337 = tpu.memref_slice %arg10[%dma_start3A_335, %dma_start3A_336] : memref<10240x64xf32, #tpu.memory_space<vmem_shared>> -> memref<10240x64xf32, #tpu.memory_space<vmem_shared>>
        tpu.enqueue_indirect_dma source(%dma_start3A_331 : memref<125x64xf32, #tpu.memory_space<vmem>>) target(%dma_start3A_337 : memref<10240x64xf32, #tpu.memory_space<vmem_shared>>) offsets(%dma_start3A_334 : memref<125xi32, #tpu.memory_space<vmem>>) semaphore(%run_scoped3A_327 : memref<!tpu.dma_semaphore, #tpu.memory_space<semaphore_mem>>) {add = true}
        %dma_wait3A_338 = arith.constant 0 : i32
        %dma_wait3A_339 = arith.constant 0 : i32
        %dma_wait3A_340 = tpu.memref_slice %arg8[%run_scoped3A_167, %dma_wait3A_338, %dma_wait3A_339] : memref<8x125x64xf32, #tpu.memory_space<vmem>> -> memref<1x125x64xf32, #tpu.memory_space<vmem>>
        %dma_wait3A_341 = tpu.memref_squeeze %dma_wait3A_340 : memref<1x125x64xf32, #tpu.memory_space<vmem>> -> memref<125x64xf32, #tpu.memory_space<vmem>>
        %dma_wait3A_342 = arith.constant 0 : i32
        %dma_wait3A_343 = tpu.memref_slice %arg7[%add3A_154, %run_scoped3A_168, %dma_wait3A_342] : memref<80x1x125xi32, #tpu.memory_space<vmem>> -> memref<1x1x125xi32, #tpu.memory_space<vmem>>
        %dma_wait3A_344 = tpu.memref_squeeze %dma_wait3A_343 : memref<1x1x125xi32, #tpu.memory_space<vmem>> -> memref<125xi32, #tpu.memory_space<vmem>>
        %dma_wait3A_345 = arith.constant 0 : i32
        %dma_wait3A_346 = arith.constant 0 : i32
        %dma_wait3A_347 = tpu.memref_slice %arg10[%dma_wait3A_345, %dma_wait3A_346] : memref<10240x64xf32, #tpu.memory_space<vmem_shared>> -> memref<10240x64xf32, #tpu.memory_space<vmem_shared>>
        tpu.wait_indirect_dma semaphore(%run_scoped3A_327 : memref<!tpu.dma_semaphore, #tpu.memory_space<semaphore_mem>>) src(%dma_wait3A_341 : memref<125x64xf32, #tpu.memory_space<vmem>>) dst(%dma_wait3A_347 : memref<10240x64xf32, #tpu.memory_space<vmem_shared>>)
        tpu.yield
      }) : () -> ()
      %add3A_169 = arith.constant 8 : i32
      %add3A_170 = arith.addi %add3A_154, %add3A_169 : i32
      %lt3A_171 = arith.constant 80 : i32
      %lt3A_172 = arith.cmpi slt, %add3A_170, %lt3A_171 : i32
      %convert_element_type3A_173 = arith.extui %lt3A_172 : i1 to i32
      %cond3A_174 = arith.constant 0 : i32
      %cond3A_175 = arith.cmpi ne, %convert_element_type3A_173, %cond3A_174 : i32
      scf.if %cond3A_175 {
        %add3A_327 = arith.constant 8 : i32
        %add3A_328 = arith.addi %add3A_154, %add3A_327 : i32
        %dma_start3A_329 = arith.constant 0 : i32
        %dma_start3A_330 = arith.constant 1 : i32
        %dma_start3A_331 = arith.constant 0 : i32
        %dma_start3A_332 = arith.constant 0 : i32
        %dma_start3A_333 = tpu.memref_slice %arg8[%dma_start3A_330, %dma_start3A_331, %dma_start3A_332] : memref<8x125x64xf32, #tpu.memory_space<vmem>> -> memref<1x125x64xf32, #tpu.memory_space<vmem>>
        %dma_start3A_334 = tpu.memref_squeeze %dma_start3A_333 : memref<1x125x64xf32, #tpu.memory_space<vmem>> -> memref<125x64xf32, #tpu.memory_space<vmem>>
        %dma_start3A_335 = arith.constant 0 : i32
        %dma_start3A_336 = tpu.memref_slice %arg6[%add3A_328, %dma_start3A_329, %dma_start3A_335] : memref<80x1x125xi32, #tpu.memory_space<vmem>> -> memref<1x1x125xi32, #tpu.memory_space<vmem>>
        %dma_start3A_337 = tpu.memref_squeeze %dma_start3A_336 : memref<1x1x125xi32, #tpu.memory_space<vmem>> -> memref<125xi32, #tpu.memory_space<vmem>>
        %dma_start3A_338 = arith.constant 0 : i32
        %dma_start3A_339 = arith.constant 0 : i32
        %dma_start3A_340 = tpu.memref_slice %arg2[%dma_start3A_338, %dma_start3A_339] : memref<10240x64xf32, #tpu.memory_space<hbm>> -> memref<10240x64xf32, #tpu.memory_space<hbm>>
        tpu.enqueue_indirect_dma source(%dma_start3A_340 : memref<10240x64xf32, #tpu.memory_space<hbm>>) target(%dma_start3A_334 : memref<125x64xf32, #tpu.memory_space<vmem>>) offsets(%dma_start3A_337 : memref<125xi32, #tpu.memory_space<vmem>>) semaphore(%arg12 : memref<!tpu.dma_semaphore, #tpu.memory_space<semaphore_mem>>)
      } else {
      }
      %mul3A_176 = arith.constant 8 : i32
      %mul3A_177 = arith.muli %scan3A_129, %mul3A_176 : i32
      %add3A_178 = arith.constant 2 : i32
      %add3A_179 = arith.addi %mul3A_177, %add3A_178 : i32
      %dma_wait3A_180 = arith.constant 0 : i32
      %dma_wait3A_181 = arith.constant 2 : i32
      %dma_wait3A_182 = arith.constant 0 : i32
      %dma_wait3A_183 = arith.constant 0 : i32
      %dma_wait3A_184 = tpu.memref_slice %arg8[%dma_wait3A_181, %dma_wait3A_182, %dma_wait3A_183] : memref<8x125x64xf32, #tpu.memory_space<vmem>> -> memref<1x125x64xf32, #tpu.memory_space<vmem>>
      %dma_wait3A_185 = tpu.memref_squeeze %dma_wait3A_184 : memref<1x125x64xf32, #tpu.memory_space<vmem>> -> memref<125x64xf32, #tpu.memory_space<vmem>>
      %dma_wait3A_186 = arith.constant 0 : i32
      %dma_wait3A_187 = tpu.memref_slice %arg6[%add3A_179, %dma_wait3A_180, %dma_wait3A_186] : memref<80x1x125xi32, #tpu.memory_space<vmem>> -> memref<1x1x125xi32, #tpu.memory_space<vmem>>
      %dma_wait3A_188 = tpu.memref_squeeze %dma_wait3A_187 : memref<1x1x125xi32, #tpu.memory_space<vmem>> -> memref<125xi32, #tpu.memory_space<vmem>>
      %dma_wait3A_189 = arith.constant 0 : i32
      %dma_wait3A_190 = arith.constant 0 : i32
      %dma_wait3A_191 = tpu.memref_slice %arg2[%dma_wait3A_189, %dma_wait3A_190] : memref<10240x64xf32, #tpu.memory_space<hbm>> -> memref<10240x64xf32, #tpu.memory_space<hbm>>
      tpu.wait_indirect_dma semaphore(%arg13 : memref<!tpu.dma_semaphore, #tpu.memory_space<semaphore_mem>>) src(%dma_wait3A_191 : memref<10240x64xf32, #tpu.memory_space<hbm>>) dst(%dma_wait3A_185 : memref<125x64xf32, #tpu.memory_space<vmem>>)
      %run_scoped3A_192 = arith.constant 2 : i32
      %run_scoped3A_193 = arith.constant 0 : i32
      "tpu.region"() ({
        %run_scoped3A_327 = tpu.sem_alloc : memref<!tpu.dma_semaphore, #tpu.memory_space<semaphore_mem>>
        %dma_start3A_328 = arith.constant 0 : i32
        %dma_start3A_329 = arith.constant 0 : i32
        %dma_start3A_330 = tpu.memref_slice %arg8[%run_scoped3A_192, %dma_start3A_328, %dma_start3A_329] : memref<8x125x64xf32, #tpu.memory_space<vmem>> -> memref<1x125x64xf32, #tpu.memory_space<vmem>>
        %dma_start3A_331 = tpu.memref_squeeze %dma_start3A_330 : memref<1x125x64xf32, #tpu.memory_space<vmem>> -> memref<125x64xf32, #tpu.memory_space<vmem>>
        %dma_start3A_332 = arith.constant 0 : i32
        %dma_start3A_333 = tpu.memref_slice %arg7[%add3A_179, %run_scoped3A_193, %dma_start3A_332] : memref<80x1x125xi32, #tpu.memory_space<vmem>> -> memref<1x1x125xi32, #tpu.memory_space<vmem>>
        %dma_start3A_334 = tpu.memref_squeeze %dma_start3A_333 : memref<1x1x125xi32, #tpu.memory_space<vmem>> -> memref<125xi32, #tpu.memory_space<vmem>>
        %dma_start3A_335 = arith.constant 0 : i32
        %dma_start3A_336 = arith.constant 0 : i32
        %dma_start3A_337 = tpu.memref_slice %arg10[%dma_start3A_335, %dma_start3A_336] : memref<10240x64xf32, #tpu.memory_space<vmem_shared>> -> memref<10240x64xf32, #tpu.memory_space<vmem_shared>>
        tpu.enqueue_indirect_dma source(%dma_start3A_331 : memref<125x64xf32, #tpu.memory_space<vmem>>) target(%dma_start3A_337 : memref<10240x64xf32, #tpu.memory_space<vmem_shared>>) offsets(%dma_start3A_334 : memref<125xi32, #tpu.memory_space<vmem>>) semaphore(%run_scoped3A_327 : memref<!tpu.dma_semaphore, #tpu.memory_space<semaphore_mem>>) {add = true}
        %dma_wait3A_338 = arith.constant 0 : i32
        %dma_wait3A_339 = arith.constant 0 : i32
        %dma_wait3A_340 = tpu.memref_slice %arg8[%run_scoped3A_192, %dma_wait3A_338, %dma_wait3A_339] : memref<8x125x64xf32, #tpu.memory_space<vmem>> -> memref<1x125x64xf32, #tpu.memory_space<vmem>>
        %dma_wait3A_341 = tpu.memref_squeeze %dma_wait3A_340 : memref<1x125x64xf32, #tpu.memory_space<vmem>> -> memref<125x64xf32, #tpu.memory_space<vmem>>
        %dma_wait3A_342 = arith.constant 0 : i32
        %dma_wait3A_343 = tpu.memref_slice %arg7[%add3A_179, %run_scoped3A_193, %dma_wait3A_342] : memref<80x1x125xi32, #tpu.memory_space<vmem>> -> memref<1x1x125xi32, #tpu.memory_space<vmem>>
        %dma_wait3A_344 = tpu.memref_squeeze %dma_wait3A_343 : memref<1x1x125xi32, #tpu.memory_space<vmem>> -> memref<125xi32, #tpu.memory_space<vmem>>
        %dma_wait3A_345 = arith.constant 0 : i32
        %dma_wait3A_346 = arith.constant 0 : i32
        %dma_wait3A_347 = tpu.memref_slice %arg10[%dma_wait3A_345, %dma_wait3A_346] : memref<10240x64xf32, #tpu.memory_space<vmem_shared>> -> memref<10240x64xf32, #tpu.memory_space<vmem_shared>>
        tpu.wait_indirect_dma semaphore(%run_scoped3A_327 : memref<!tpu.dma_semaphore, #tpu.memory_space<semaphore_mem>>) src(%dma_wait3A_341 : memref<125x64xf32, #tpu.memory_space<vmem>>) dst(%dma_wait3A_347 : memref<10240x64xf32, #tpu.memory_space<vmem_shared>>)
        tpu.yield
      }) : () -> ()
      %add3A_194 = arith.constant 8 : i32
      %add3A_195 = arith.addi %add3A_179, %add3A_194 : i32
      %lt3A_196 = arith.constant 80 : i32
      %lt3A_197 = arith.cmpi slt, %add3A_195, %lt3A_196 : i32
      %convert_element_type3A_198 = arith.extui %lt3A_197 : i1 to i32
      %cond3A_199 = arith.constant 0 : i32
      %cond3A_200 = arith.cmpi ne, %convert_element_type3A_198, %cond3A_199 : i32
      scf.if %cond3A_200 {
        %add3A_327 = arith.constant 8 : i32
        %add3A_328 = arith.addi %add3A_179, %add3A_327 : i32
        %dma_start3A_329 = arith.constant 0 : i32
        %dma_start3A_330 = arith.constant 2 : i32
        %dma_start3A_331 = arith.constant 0 : i32
        %dma_start3A_332 = arith.constant 0 : i32
        %dma_start3A_333 = tpu.memref_slice %arg8[%dma_start3A_330, %dma_start3A_331, %dma_start3A_332] : memref<8x125x64xf32, #tpu.memory_space<vmem>> -> memref<1x125x64xf32, #tpu.memory_space<vmem>>
        %dma_start3A_334 = tpu.memref_squeeze %dma_start3A_333 : memref<1x125x64xf32, #tpu.memory_space<vmem>> -> memref<125x64xf32, #tpu.memory_space<vmem>>
        %dma_start3A_335 = arith.constant 0 : i32
        %dma_start3A_336 = tpu.memref_slice %arg6[%add3A_328, %dma_start3A_329, %dma_start3A_335] : memref<80x1x125xi32, #tpu.memory_space<vmem>> -> memref<1x1x125xi32, #tpu.memory_space<vmem>>
        %dma_start3A_337 = tpu.memref_squeeze %dma_start3A_336 : memref<1x1x125xi32, #tpu.memory_space<vmem>> -> memref<125xi32, #tpu.memory_space<vmem>>
        %dma_start3A_338 = arith.constant 0 : i32
        %dma_start3A_339 = arith.constant 0 : i32
        %dma_start3A_340 = tpu.memref_slice %arg2[%dma_start3A_338, %dma_start3A_339] : memref<10240x64xf32, #tpu.memory_space<hbm>> -> memref<10240x64xf32, #tpu.memory_space<hbm>>
        tpu.enqueue_indirect_dma source(%dma_start3A_340 : memref<10240x64xf32, #tpu.memory_space<hbm>>) target(%dma_start3A_334 : memref<125x64xf32, #tpu.memory_space<vmem>>) offsets(%dma_start3A_337 : memref<125xi32, #tpu.memory_space<vmem>>) semaphore(%arg13 : memref<!tpu.dma_semaphore, #tpu.memory_space<semaphore_mem>>)
      } else {
      }
      %mul3A_201 = arith.constant 8 : i32
      %mul3A_202 = arith.muli %scan3A_129, %mul3A_201 : i32
      %add3A_203 = arith.constant 3 : i32
      %add3A_204 = arith.addi %mul3A_202, %add3A_203 : i32
      %dma_wait3A_205 = arith.constant 0 : i32
      %dma_wait3A_206 = arith.constant 3 : i32
      %dma_wait3A_207 = arith.constant 0 : i32
      %dma_wait3A_208 = arith.constant 0 : i32
      %dma_wait3A_209 = tpu.memref_slice %arg8[%dma_wait3A_206, %dma_wait3A_207, %dma_wait3A_208] : memref<8x125x64xf32, #tpu.memory_space<vmem>> -> memref<1x125x64xf32, #tpu.memory_space<vmem>>
      %dma_wait3A_210 = tpu.memref_squeeze %dma_wait3A_209 : memref<1x125x64xf32, #tpu.memory_space<vmem>> -> memref<125x64xf32, #tpu.memory_space<vmem>>
      %dma_wait3A_211 = arith.constant 0 : i32
      %dma_wait3A_212 = tpu.memref_slice %arg6[%add3A_204, %dma_wait3A_205, %dma_wait3A_211] : memref<80x1x125xi32, #tpu.memory_space<vmem>> -> memref<1x1x125xi32, #tpu.memory_space<vmem>>
      %dma_wait3A_213 = tpu.memref_squeeze %dma_wait3A_212 : memref<1x1x125xi32, #tpu.memory_space<vmem>> -> memref<125xi32, #tpu.memory_space<vmem>>
      %dma_wait3A_214 = arith.constant 0 : i32
      %dma_wait3A_215 = arith.constant 0 : i32
      %dma_wait3A_216 = tpu.memref_slice %arg2[%dma_wait3A_214, %dma_wait3A_215] : memref<10240x64xf32, #tpu.memory_space<hbm>> -> memref<10240x64xf32, #tpu.memory_space<hbm>>
      tpu.wait_indirect_dma semaphore(%arg14 : memref<!tpu.dma_semaphore, #tpu.memory_space<semaphore_mem>>) src(%dma_wait3A_216 : memref<10240x64xf32, #tpu.memory_space<hbm>>) dst(%dma_wait3A_210 : memref<125x64xf32, #tpu.memory_space<vmem>>)
      %run_scoped3A_217 = arith.constant 3 : i32
      %run_scoped3A_218 = arith.constant 0 : i32
      "tpu.region"() ({
        %run_scoped3A_327 = tpu.sem_alloc : memref<!tpu.dma_semaphore, #tpu.memory_space<semaphore_mem>>
        %dma_start3A_328 = arith.constant 0 : i32
        %dma_start3A_329 = arith.constant 0 : i32
        %dma_start3A_330 = tpu.memref_slice %arg8[%run_scoped3A_217, %dma_start3A_328, %dma_start3A_329] : memref<8x125x64xf32, #tpu.memory_space<vmem>> -> memref<1x125x64xf32, #tpu.memory_space<vmem>>
        %dma_start3A_331 = tpu.memref_squeeze %dma_start3A_330 : memref<1x125x64xf32, #tpu.memory_space<vmem>> -> memref<125x64xf32, #tpu.memory_space<vmem>>
        %dma_start3A_332 = arith.constant 0 : i32
        %dma_start3A_333 = tpu.memref_slice %arg7[%add3A_204, %run_scoped3A_218, %dma_start3A_332] : memref<80x1x125xi32, #tpu.memory_space<vmem>> -> memref<1x1x125xi32, #tpu.memory_space<vmem>>
        %dma_start3A_334 = tpu.memref_squeeze %dma_start3A_333 : memref<1x1x125xi32, #tpu.memory_space<vmem>> -> memref<125xi32, #tpu.memory_space<vmem>>
        %dma_start3A_335 = arith.constant 0 : i32
        %dma_start3A_336 = arith.constant 0 : i32
        %dma_start3A_337 = tpu.memref_slice %arg10[%dma_start3A_335, %dma_start3A_336] : memref<10240x64xf32, #tpu.memory_space<vmem_shared>> -> memref<10240x64xf32, #tpu.memory_space<vmem_shared>>
        tpu.enqueue_indirect_dma source(%dma_start3A_331 : memref<125x64xf32, #tpu.memory_space<vmem>>) target(%dma_start3A_337 : memref<10240x64xf32, #tpu.memory_space<vmem_shared>>) offsets(%dma_start3A_334 : memref<125xi32, #tpu.memory_space<vmem>>) semaphore(%run_scoped3A_327 : memref<!tpu.dma_semaphore, #tpu.memory_space<semaphore_mem>>) {add = true}
        %dma_wait3A_338 = arith.constant 0 : i32
        %dma_wait3A_339 = arith.constant 0 : i32
        %dma_wait3A_340 = tpu.memref_slice %arg8[%run_scoped3A_217, %dma_wait3A_338, %dma_wait3A_339] : memref<8x125x64xf32, #tpu.memory_space<vmem>> -> memref<1x125x64xf32, #tpu.memory_space<vmem>>
        %dma_wait3A_341 = tpu.memref_squeeze %dma_wait3A_340 : memref<1x125x64xf32, #tpu.memory_space<vmem>> -> memref<125x64xf32, #tpu.memory_space<vmem>>
        %dma_wait3A_342 = arith.constant 0 : i32
        %dma_wait3A_343 = tpu.memref_slice %arg7[%add3A_204, %run_scoped3A_218, %dma_wait3A_342] : memref<80x1x125xi32, #tpu.memory_space<vmem>> -> memref<1x1x125xi32, #tpu.memory_space<vmem>>
        %dma_wait3A_344 = tpu.memref_squeeze %dma_wait3A_343 : memref<1x1x125xi32, #tpu.memory_space<vmem>> -> memref<125xi32, #tpu.memory_space<vmem>>
        %dma_wait3A_345 = arith.constant 0 : i32
        %dma_wait3A_346 = arith.constant 0 : i32
        %dma_wait3A_347 = tpu.memref_slice %arg10[%dma_wait3A_345, %dma_wait3A_346] : memref<10240x64xf32, #tpu.memory_space<vmem_shared>> -> memref<10240x64xf32, #tpu.memory_space<vmem_shared>>
        tpu.wait_indirect_dma semaphore(%run_scoped3A_327 : memref<!tpu.dma_semaphore, #tpu.memory_space<semaphore_mem>>) src(%dma_wait3A_341 : memref<125x64xf32, #tpu.memory_space<vmem>>) dst(%dma_wait3A_347 : memref<10240x64xf32, #tpu.memory_space<vmem_shared>>)
        tpu.yield
      }) : () -> ()
      %add3A_219 = arith.constant 8 : i32
      %add3A_220 = arith.addi %add3A_204, %add3A_219 : i32
      %lt3A_221 = arith.constant 80 : i32
      %lt3A_222 = arith.cmpi slt, %add3A_220, %lt3A_221 : i32
      %convert_element_type3A_223 = arith.extui %lt3A_222 : i1 to i32
      %cond3A_224 = arith.constant 0 : i32
      %cond3A_225 = arith.cmpi ne, %convert_element_type3A_223, %cond3A_224 : i32
      scf.if %cond3A_225 {
        %add3A_327 = arith.constant 8 : i32
        %add3A_328 = arith.addi %add3A_204, %add3A_327 : i32
        %dma_start3A_329 = arith.constant 0 : i32
        %dma_start3A_330 = arith.constant 3 : i32
        %dma_start3A_331 = arith.constant 0 : i32
        %dma_start3A_332 = arith.constant 0 : i32
        %dma_start3A_333 = tpu.memref_slice %arg8[%dma_start3A_330, %dma_start3A_331, %dma_start3A_332] : memref<8x125x64xf32, #tpu.memory_space<vmem>> -> memref<1x125x64xf32, #tpu.memory_space<vmem>>
        %dma_start3A_334 = tpu.memref_squeeze %dma_start3A_333 : memref<1x125x64xf32, #tpu.memory_space<vmem>> -> memref<125x64xf32, #tpu.memory_space<vmem>>
        %dma_start3A_335 = arith.constant 0 : i32
        %dma_start3A_336 = tpu.memref_slice %arg6[%add3A_328, %dma_start3A_329, %dma_start3A_335] : memref<80x1x125xi32, #tpu.memory_space<vmem>> -> memref<1x1x125xi32, #tpu.memory_space<vmem>>
        %dma_start3A_337 = tpu.memref_squeeze %dma_start3A_336 : memref<1x1x125xi32, #tpu.memory_space<vmem>> -> memref<125xi32, #tpu.memory_space<vmem>>
        %dma_start3A_338 = arith.constant 0 : i32
        %dma_start3A_339 = arith.constant 0 : i32
        %dma_start3A_340 = tpu.memref_slice %arg2[%dma_start3A_338, %dma_start3A_339] : memref<10240x64xf32, #tpu.memory_space<hbm>> -> memref<10240x64xf32, #tpu.memory_space<hbm>>
        tpu.enqueue_indirect_dma source(%dma_start3A_340 : memref<10240x64xf32, #tpu.memory_space<hbm>>) target(%dma_start3A_334 : memref<125x64xf32, #tpu.memory_space<vmem>>) offsets(%dma_start3A_337 : memref<125xi32, #tpu.memory_space<vmem>>) semaphore(%arg14 : memref<!tpu.dma_semaphore, #tpu.memory_space<semaphore_mem>>)
      } else {
      }
      %mul3A_226 = arith.constant 8 : i32
      %mul3A_227 = arith.muli %scan3A_129, %mul3A_226 : i32
      %add3A_228 = arith.constant 4 : i32
      %add3A_229 = arith.addi %mul3A_227, %add3A_228 : i32
      %dma_wait3A_230 = arith.constant 0 : i32
      %dma_wait3A_231 = arith.constant 4 : i32
      %dma_wait3A_232 = arith.constant 0 : i32
      %dma_wait3A_233 = arith.constant 0 : i32
      %dma_wait3A_234 = tpu.memref_slice %arg8[%dma_wait3A_231, %dma_wait3A_232, %dma_wait3A_233] : memref<8x125x64xf32, #tpu.memory_space<vmem>> -> memref<1x125x64xf32, #tpu.memory_space<vmem>>
      %dma_wait3A_235 = tpu.memref_squeeze %dma_wait3A_234 : memref<1x125x64xf32, #tpu.memory_space<vmem>> -> memref<125x64xf32, #tpu.memory_space<vmem>>
      %dma_wait3A_236 = arith.constant 0 : i32
      %dma_wait3A_237 = tpu.memref_slice %arg6[%add3A_229, %dma_wait3A_230, %dma_wait3A_236] : memref<80x1x125xi32, #tpu.memory_space<vmem>> -> memref<1x1x125xi32, #tpu.memory_space<vmem>>
      %dma_wait3A_238 = tpu.memref_squeeze %dma_wait3A_237 : memref<1x1x125xi32, #tpu.memory_space<vmem>> -> memref<125xi32, #tpu.memory_space<vmem>>
      %dma_wait3A_239 = arith.constant 0 : i32
      %dma_wait3A_240 = arith.constant 0 : i32
      %dma_wait3A_241 = tpu.memref_slice %arg2[%dma_wait3A_239, %dma_wait3A_240] : memref<10240x64xf32, #tpu.memory_space<hbm>> -> memref<10240x64xf32, #tpu.memory_space<hbm>>
      tpu.wait_indirect_dma semaphore(%arg15 : memref<!tpu.dma_semaphore, #tpu.memory_space<semaphore_mem>>) src(%dma_wait3A_241 : memref<10240x64xf32, #tpu.memory_space<hbm>>) dst(%dma_wait3A_235 : memref<125x64xf32, #tpu.memory_space<vmem>>)
      %run_scoped3A_242 = arith.constant 4 : i32
      %run_scoped3A_243 = arith.constant 0 : i32
      "tpu.region"() ({
        %run_scoped3A_327 = tpu.sem_alloc : memref<!tpu.dma_semaphore, #tpu.memory_space<semaphore_mem>>
        %dma_start3A_328 = arith.constant 0 : i32
        %dma_start3A_329 = arith.constant 0 : i32
        %dma_start3A_330 = tpu.memref_slice %arg8[%run_scoped3A_242, %dma_start3A_328, %dma_start3A_329] : memref<8x125x64xf32, #tpu.memory_space<vmem>> -> memref<1x125x64xf32, #tpu.memory_space<vmem>>
        %dma_start3A_331 = tpu.memref_squeeze %dma_start3A_330 : memref<1x125x64xf32, #tpu.memory_space<vmem>> -> memref<125x64xf32, #tpu.memory_space<vmem>>
        %dma_start3A_332 = arith.constant 0 : i32
        %dma_start3A_333 = tpu.memref_slice %arg7[%add3A_229, %run_scoped3A_243, %dma_start3A_332] : memref<80x1x125xi32, #tpu.memory_space<vmem>> -> memref<1x1x125xi32, #tpu.memory_space<vmem>>
        %dma_start3A_334 = tpu.memref_squeeze %dma_start3A_333 : memref<1x1x125xi32, #tpu.memory_space<vmem>> -> memref<125xi32, #tpu.memory_space<vmem>>
        %dma_start3A_335 = arith.constant 0 : i32
        %dma_start3A_336 = arith.constant 0 : i32
        %dma_start3A_337 = tpu.memref_slice %arg10[%dma_start3A_335, %dma_start3A_336] : memref<10240x64xf32, #tpu.memory_space<vmem_shared>> -> memref<10240x64xf32, #tpu.memory_space<vmem_shared>>
        tpu.enqueue_indirect_dma source(%dma_start3A_331 : memref<125x64xf32, #tpu.memory_space<vmem>>) target(%dma_start3A_337 : memref<10240x64xf32, #tpu.memory_space<vmem_shared>>) offsets(%dma_start3A_334 : memref<125xi32, #tpu.memory_space<vmem>>) semaphore(%run_scoped3A_327 : memref<!tpu.dma_semaphore, #tpu.memory_space<semaphore_mem>>) {add = true}
        %dma_wait3A_338 = arith.constant 0 : i32
        %dma_wait3A_339 = arith.constant 0 : i32
        %dma_wait3A_340 = tpu.memref_slice %arg8[%run_scoped3A_242, %dma_wait3A_338, %dma_wait3A_339] : memref<8x125x64xf32, #tpu.memory_space<vmem>> -> memref<1x125x64xf32, #tpu.memory_space<vmem>>
        %dma_wait3A_341 = tpu.memref_squeeze %dma_wait3A_340 : memref<1x125x64xf32, #tpu.memory_space<vmem>> -> memref<125x64xf32, #tpu.memory_space<vmem>>
        %dma_wait3A_342 = arith.constant 0 : i32
        %dma_wait3A_343 = tpu.memref_slice %arg7[%add3A_229, %run_scoped3A_243, %dma_wait3A_342] : memref<80x1x125xi32, #tpu.memory_space<vmem>> -> memref<1x1x125xi32, #tpu.memory_space<vmem>>
        %dma_wait3A_344 = tpu.memref_squeeze %dma_wait3A_343 : memref<1x1x125xi32, #tpu.memory_space<vmem>> -> memref<125xi32, #tpu.memory_space<vmem>>
        %dma_wait3A_345 = arith.constant 0 : i32
        %dma_wait3A_346 = arith.constant 0 : i32
        %dma_wait3A_347 = tpu.memref_slice %arg10[%dma_wait3A_345, %dma_wait3A_346] : memref<10240x64xf32, #tpu.memory_space<vmem_shared>> -> memref<10240x64xf32, #tpu.memory_space<vmem_shared>>
        tpu.wait_indirect_dma semaphore(%run_scoped3A_327 : memref<!tpu.dma_semaphore, #tpu.memory_space<semaphore_mem>>) src(%dma_wait3A_341 : memref<125x64xf32, #tpu.memory_space<vmem>>) dst(%dma_wait3A_347 : memref<10240x64xf32, #tpu.memory_space<vmem_shared>>)
        tpu.yield
      }) : () -> ()
      %add3A_244 = arith.constant 8 : i32
      %add3A_245 = arith.addi %add3A_229, %add3A_244 : i32
      %lt3A_246 = arith.constant 80 : i32
      %lt3A_247 = arith.cmpi slt, %add3A_245, %lt3A_246 : i32
      %convert_element_type3A_248 = arith.extui %lt3A_247 : i1 to i32
      %cond3A_249 = arith.constant 0 : i32
      %cond3A_250 = arith.cmpi ne, %convert_element_type3A_248, %cond3A_249 : i32
      scf.if %cond3A_250 {
        %add3A_327 = arith.constant 8 : i32
        %add3A_328 = arith.addi %add3A_229, %add3A_327 : i32
        %dma_start3A_329 = arith.constant 0 : i32
        %dma_start3A_330 = arith.constant 4 : i32
        %dma_start3A_331 = arith.constant 0 : i32
        %dma_start3A_332 = arith.constant 0 : i32
        %dma_start3A_333 = tpu.memref_slice %arg8[%dma_start3A_330, %dma_start3A_331, %dma_start3A_332] : memref<8x125x64xf32, #tpu.memory_space<vmem>> -> memref<1x125x64xf32, #tpu.memory_space<vmem>>
        %dma_start3A_334 = tpu.memref_squeeze %dma_start3A_333 : memref<1x125x64xf32, #tpu.memory_space<vmem>> -> memref<125x64xf32, #tpu.memory_space<vmem>>
        %dma_start3A_335 = arith.constant 0 : i32
        %dma_start3A_336 = tpu.memref_slice %arg6[%add3A_328, %dma_start3A_329, %dma_start3A_335] : memref<80x1x125xi32, #tpu.memory_space<vmem>> -> memref<1x1x125xi32, #tpu.memory_space<vmem>>
        %dma_start3A_337 = tpu.memref_squeeze %dma_start3A_336 : memref<1x1x125xi32, #tpu.memory_space<vmem>> -> memref<125xi32, #tpu.memory_space<vmem>>
        %dma_start3A_338 = arith.constant 0 : i32
        %dma_start3A_339 = arith.constant 0 : i32
        %dma_start3A_340 = tpu.memref_slice %arg2[%dma_start3A_338, %dma_start3A_339] : memref<10240x64xf32, #tpu.memory_space<hbm>> -> memref<10240x64xf32, #tpu.memory_space<hbm>>
        tpu.enqueue_indirect_dma source(%dma_start3A_340 : memref<10240x64xf32, #tpu.memory_space<hbm>>) target(%dma_start3A_334 : memref<125x64xf32, #tpu.memory_space<vmem>>) offsets(%dma_start3A_337 : memref<125xi32, #tpu.memory_space<vmem>>) semaphore(%arg15 : memref<!tpu.dma_semaphore, #tpu.memory_space<semaphore_mem>>)
      } else {
      }
      %mul3A_251 = arith.constant 8 : i32
      %mul3A_252 = arith.muli %scan3A_129, %mul3A_251 : i32
      %add3A_253 = arith.constant 5 : i32
      %add3A_254 = arith.addi %mul3A_252, %add3A_253 : i32
      %dma_wait3A_255 = arith.constant 0 : i32
      %dma_wait3A_256 = arith.constant 5 : i32
      %dma_wait3A_257 = arith.constant 0 : i32
      %dma_wait3A_258 = arith.constant 0 : i32
      %dma_wait3A_259 = tpu.memref_slice %arg8[%dma_wait3A_256, %dma_wait3A_257, %dma_wait3A_258] : memref<8x125x64xf32, #tpu.memory_space<vmem>> -> memref<1x125x64xf32, #tpu.memory_space<vmem>>
      %dma_wait3A_260 = tpu.memref_squeeze %dma_wait3A_259 : memref<1x125x64xf32, #tpu.memory_space<vmem>> -> memref<125x64xf32, #tpu.memory_space<vmem>>
      %dma_wait3A_261 = arith.constant 0 : i32
      %dma_wait3A_262 = tpu.memref_slice %arg6[%add3A_254, %dma_wait3A_255, %dma_wait3A_261] : memref<80x1x125xi32, #tpu.memory_space<vmem>> -> memref<1x1x125xi32, #tpu.memory_space<vmem>>
      %dma_wait3A_263 = tpu.memref_squeeze %dma_wait3A_262 : memref<1x1x125xi32, #tpu.memory_space<vmem>> -> memref<125xi32, #tpu.memory_space<vmem>>
      %dma_wait3A_264 = arith.constant 0 : i32
      %dma_wait3A_265 = arith.constant 0 : i32
      %dma_wait3A_266 = tpu.memref_slice %arg2[%dma_wait3A_264, %dma_wait3A_265] : memref<10240x64xf32, #tpu.memory_space<hbm>> -> memref<10240x64xf32, #tpu.memory_space<hbm>>
      tpu.wait_indirect_dma semaphore(%arg16 : memref<!tpu.dma_semaphore, #tpu.memory_space<semaphore_mem>>) src(%dma_wait3A_266 : memref<10240x64xf32, #tpu.memory_space<hbm>>) dst(%dma_wait3A_260 : memref<125x64xf32, #tpu.memory_space<vmem>>)
      %run_scoped3A_267 = arith.constant 5 : i32
      %run_scoped3A_268 = arith.constant 0 : i32
      "tpu.region"() ({
        %run_scoped3A_327 = tpu.sem_alloc : memref<!tpu.dma_semaphore, #tpu.memory_space<semaphore_mem>>
        %dma_start3A_328 = arith.constant 0 : i32
        %dma_start3A_329 = arith.constant 0 : i32
        %dma_start3A_330 = tpu.memref_slice %arg8[%run_scoped3A_267, %dma_start3A_328, %dma_start3A_329] : memref<8x125x64xf32, #tpu.memory_space<vmem>> -> memref<1x125x64xf32, #tpu.memory_space<vmem>>
        %dma_start3A_331 = tpu.memref_squeeze %dma_start3A_330 : memref<1x125x64xf32, #tpu.memory_space<vmem>> -> memref<125x64xf32, #tpu.memory_space<vmem>>
        %dma_start3A_332 = arith.constant 0 : i32
        %dma_start3A_333 = tpu.memref_slice %arg7[%add3A_254, %run_scoped3A_268, %dma_start3A_332] : memref<80x1x125xi32, #tpu.memory_space<vmem>> -> memref<1x1x125xi32, #tpu.memory_space<vmem>>
        %dma_start3A_334 = tpu.memref_squeeze %dma_start3A_333 : memref<1x1x125xi32, #tpu.memory_space<vmem>> -> memref<125xi32, #tpu.memory_space<vmem>>
        %dma_start3A_335 = arith.constant 0 : i32
        %dma_start3A_336 = arith.constant 0 : i32
        %dma_start3A_337 = tpu.memref_slice %arg10[%dma_start3A_335, %dma_start3A_336] : memref<10240x64xf32, #tpu.memory_space<vmem_shared>> -> memref<10240x64xf32, #tpu.memory_space<vmem_shared>>
        tpu.enqueue_indirect_dma source(%dma_start3A_331 : memref<125x64xf32, #tpu.memory_space<vmem>>) target(%dma_start3A_337 : memref<10240x64xf32, #tpu.memory_space<vmem_shared>>) offsets(%dma_start3A_334 : memref<125xi32, #tpu.memory_space<vmem>>) semaphore(%run_scoped3A_327 : memref<!tpu.dma_semaphore, #tpu.memory_space<semaphore_mem>>) {add = true}
        %dma_wait3A_338 = arith.constant 0 : i32
        %dma_wait3A_339 = arith.constant 0 : i32
        %dma_wait3A_340 = tpu.memref_slice %arg8[%run_scoped3A_267, %dma_wait3A_338, %dma_wait3A_339] : memref<8x125x64xf32, #tpu.memory_space<vmem>> -> memref<1x125x64xf32, #tpu.memory_space<vmem>>
        %dma_wait3A_341 = tpu.memref_squeeze %dma_wait3A_340 : memref<1x125x64xf32, #tpu.memory_space<vmem>> -> memref<125x64xf32, #tpu.memory_space<vmem>>
        %dma_wait3A_342 = arith.constant 0 : i32
        %dma_wait3A_343 = tpu.memref_slice %arg7[%add3A_254, %run_scoped3A_268, %dma_wait3A_342] : memref<80x1x125xi32, #tpu.memory_space<vmem>> -> memref<1x1x125xi32, #tpu.memory_space<vmem>>
        %dma_wait3A_344 = tpu.memref_squeeze %dma_wait3A_343 : memref<1x1x125xi32, #tpu.memory_space<vmem>> -> memref<125xi32, #tpu.memory_space<vmem>>
        %dma_wait3A_345 = arith.constant 0 : i32
        %dma_wait3A_346 = arith.constant 0 : i32
        %dma_wait3A_347 = tpu.memref_slice %arg10[%dma_wait3A_345, %dma_wait3A_346] : memref<10240x64xf32, #tpu.memory_space<vmem_shared>> -> memref<10240x64xf32, #tpu.memory_space<vmem_shared>>
        tpu.wait_indirect_dma semaphore(%run_scoped3A_327 : memref<!tpu.dma_semaphore, #tpu.memory_space<semaphore_mem>>) src(%dma_wait3A_341 : memref<125x64xf32, #tpu.memory_space<vmem>>) dst(%dma_wait3A_347 : memref<10240x64xf32, #tpu.memory_space<vmem_shared>>)
        tpu.yield
      }) : () -> ()
      %add3A_269 = arith.constant 8 : i32
      %add3A_270 = arith.addi %add3A_254, %add3A_269 : i32
      %lt3A_271 = arith.constant 80 : i32
      %lt3A_272 = arith.cmpi slt, %add3A_270, %lt3A_271 : i32
      %convert_element_type3A_273 = arith.extui %lt3A_272 : i1 to i32
      %cond3A_274 = arith.constant 0 : i32
      %cond3A_275 = arith.cmpi ne, %convert_element_type3A_273, %cond3A_274 : i32
      scf.if %cond3A_275 {
        %add3A_327 = arith.constant 8 : i32
        %add3A_328 = arith.addi %add3A_254, %add3A_327 : i32
        %dma_start3A_329 = arith.constant 0 : i32
        %dma_start3A_330 = arith.constant 5 : i32
        %dma_start3A_331 = arith.constant 0 : i32
        %dma_start3A_332 = arith.constant 0 : i32
        %dma_start3A_333 = tpu.memref_slice %arg8[%dma_start3A_330, %dma_start3A_331, %dma_start3A_332] : memref<8x125x64xf32, #tpu.memory_space<vmem>> -> memref<1x125x64xf32, #tpu.memory_space<vmem>>
        %dma_start3A_334 = tpu.memref_squeeze %dma_start3A_333 : memref<1x125x64xf32, #tpu.memory_space<vmem>> -> memref<125x64xf32, #tpu.memory_space<vmem>>
        %dma_start3A_335 = arith.constant 0 : i32
        %dma_start3A_336 = tpu.memref_slice %arg6[%add3A_328, %dma_start3A_329, %dma_start3A_335] : memref<80x1x125xi32, #tpu.memory_space<vmem>> -> memref<1x1x125xi32, #tpu.memory_space<vmem>>
        %dma_start3A_337 = tpu.memref_squeeze %dma_start3A_336 : memref<1x1x125xi32, #tpu.memory_space<vmem>> -> memref<125xi32, #tpu.memory_space<vmem>>
        %dma_start3A_338 = arith.constant 0 : i32
        %dma_start3A_339 = arith.constant 0 : i32
        %dma_start3A_340 = tpu.memref_slice %arg2[%dma_start3A_338, %dma_start3A_339] : memref<10240x64xf32, #tpu.memory_space<hbm>> -> memref<10240x64xf32, #tpu.memory_space<hbm>>
        tpu.enqueue_indirect_dma source(%dma_start3A_340 : memref<10240x64xf32, #tpu.memory_space<hbm>>) target(%dma_start3A_334 : memref<125x64xf32, #tpu.memory_space<vmem>>) offsets(%dma_start3A_337 : memref<125xi32, #tpu.memory_space<vmem>>) semaphore(%arg16 : memref<!tpu.dma_semaphore, #tpu.memory_space<semaphore_mem>>)
      } else {
      }
      %mul3A_276 = arith.constant 8 : i32
      %mul3A_277 = arith.muli %scan3A_129, %mul3A_276 : i32
      %add3A_278 = arith.constant 6 : i32
      %add3A_279 = arith.addi %mul3A_277, %add3A_278 : i32
      %dma_wait3A_280 = arith.constant 0 : i32
      %dma_wait3A_281 = arith.constant 6 : i32
      %dma_wait3A_282 = arith.constant 0 : i32
      %dma_wait3A_283 = arith.constant 0 : i32
      %dma_wait3A_284 = tpu.memref_slice %arg8[%dma_wait3A_281, %dma_wait3A_282, %dma_wait3A_283] : memref<8x125x64xf32, #tpu.memory_space<vmem>> -> memref<1x125x64xf32, #tpu.memory_space<vmem>>
      %dma_wait3A_285 = tpu.memref_squeeze %dma_wait3A_284 : memref<1x125x64xf32, #tpu.memory_space<vmem>> -> memref<125x64xf32, #tpu.memory_space<vmem>>
      %dma_wait3A_286 = arith.constant 0 : i32
      %dma_wait3A_287 = tpu.memref_slice %arg6[%add3A_279, %dma_wait3A_280, %dma_wait3A_286] : memref<80x1x125xi32, #tpu.memory_space<vmem>> -> memref<1x1x125xi32, #tpu.memory_space<vmem>>
      %dma_wait3A_288 = tpu.memref_squeeze %dma_wait3A_287 : memref<1x1x125xi32, #tpu.memory_space<vmem>> -> memref<125xi32, #tpu.memory_space<vmem>>
      %dma_wait3A_289 = arith.constant 0 : i32
      %dma_wait3A_290 = arith.constant 0 : i32
      %dma_wait3A_291 = tpu.memref_slice %arg2[%dma_wait3A_289, %dma_wait3A_290] : memref<10240x64xf32, #tpu.memory_space<hbm>> -> memref<10240x64xf32, #tpu.memory_space<hbm>>
      tpu.wait_indirect_dma semaphore(%arg17 : memref<!tpu.dma_semaphore, #tpu.memory_space<semaphore_mem>>) src(%dma_wait3A_291 : memref<10240x64xf32, #tpu.memory_space<hbm>>) dst(%dma_wait3A_285 : memref<125x64xf32, #tpu.memory_space<vmem>>)
      %run_scoped3A_292 = arith.constant 6 : i32
      %run_scoped3A_293 = arith.constant 0 : i32
      "tpu.region"() ({
        %run_scoped3A_327 = tpu.sem_alloc : memref<!tpu.dma_semaphore, #tpu.memory_space<semaphore_mem>>
        %dma_start3A_328 = arith.constant 0 : i32
        %dma_start3A_329 = arith.constant 0 : i32
        %dma_start3A_330 = tpu.memref_slice %arg8[%run_scoped3A_292, %dma_start3A_328, %dma_start3A_329] : memref<8x125x64xf32, #tpu.memory_space<vmem>> -> memref<1x125x64xf32, #tpu.memory_space<vmem>>
        %dma_start3A_331 = tpu.memref_squeeze %dma_start3A_330 : memref<1x125x64xf32, #tpu.memory_space<vmem>> -> memref<125x64xf32, #tpu.memory_space<vmem>>
        %dma_start3A_332 = arith.constant 0 : i32
        %dma_start3A_333 = tpu.memref_slice %arg7[%add3A_279, %run_scoped3A_293, %dma_start3A_332] : memref<80x1x125xi32, #tpu.memory_space<vmem>> -> memref<1x1x125xi32, #tpu.memory_space<vmem>>
        %dma_start3A_334 = tpu.memref_squeeze %dma_start3A_333 : memref<1x1x125xi32, #tpu.memory_space<vmem>> -> memref<125xi32, #tpu.memory_space<vmem>>
        %dma_start3A_335 = arith.constant 0 : i32
        %dma_start3A_336 = arith.constant 0 : i32
        %dma_start3A_337 = tpu.memref_slice %arg10[%dma_start3A_335, %dma_start3A_336] : memref<10240x64xf32, #tpu.memory_space<vmem_shared>> -> memref<10240x64xf32, #tpu.memory_space<vmem_shared>>
        tpu.enqueue_indirect_dma source(%dma_start3A_331 : memref<125x64xf32, #tpu.memory_space<vmem>>) target(%dma_start3A_337 : memref<10240x64xf32, #tpu.memory_space<vmem_shared>>) offsets(%dma_start3A_334 : memref<125xi32, #tpu.memory_space<vmem>>) semaphore(%run_scoped3A_327 : memref<!tpu.dma_semaphore, #tpu.memory_space<semaphore_mem>>) {add = true}
        %dma_wait3A_338 = arith.constant 0 : i32
        %dma_wait3A_339 = arith.constant 0 : i32
        %dma_wait3A_340 = tpu.memref_slice %arg8[%run_scoped3A_292, %dma_wait3A_338, %dma_wait3A_339] : memref<8x125x64xf32, #tpu.memory_space<vmem>> -> memref<1x125x64xf32, #tpu.memory_space<vmem>>
        %dma_wait3A_341 = tpu.memref_squeeze %dma_wait3A_340 : memref<1x125x64xf32, #tpu.memory_space<vmem>> -> memref<125x64xf32, #tpu.memory_space<vmem>>
        %dma_wait3A_342 = arith.constant 0 : i32
        %dma_wait3A_343 = tpu.memref_slice %arg7[%add3A_279, %run_scoped3A_293, %dma_wait3A_342] : memref<80x1x125xi32, #tpu.memory_space<vmem>> -> memref<1x1x125xi32, #tpu.memory_space<vmem>>
        %dma_wait3A_344 = tpu.memref_squeeze %dma_wait3A_343 : memref<1x1x125xi32, #tpu.memory_space<vmem>> -> memref<125xi32, #tpu.memory_space<vmem>>
        %dma_wait3A_345 = arith.constant 0 : i32
        %dma_wait3A_346 = arith.constant 0 : i32
        %dma_wait3A_347 = tpu.memref_slice %arg10[%dma_wait3A_345, %dma_wait3A_346] : memref<10240x64xf32, #tpu.memory_space<vmem_shared>> -> memref<10240x64xf32, #tpu.memory_space<vmem_shared>>
        tpu.wait_indirect_dma semaphore(%run_scoped3A_327 : memref<!tpu.dma_semaphore, #tpu.memory_space<semaphore_mem>>) src(%dma_wait3A_341 : memref<125x64xf32, #tpu.memory_space<vmem>>) dst(%dma_wait3A_347 : memref<10240x64xf32, #tpu.memory_space<vmem_shared>>)
        tpu.yield
      }) : () -> ()
      %add3A_294 = arith.constant 8 : i32
      %add3A_295 = arith.addi %add3A_279, %add3A_294 : i32
      %lt3A_296 = arith.constant 80 : i32
      %lt3A_297 = arith.cmpi slt, %add3A_295, %lt3A_296 : i32
      %convert_element_type3A_298 = arith.extui %lt3A_297 : i1 to i32
      %cond3A_299 = arith.constant 0 : i32
      %cond3A_300 = arith.cmpi ne, %convert_element_type3A_298, %cond3A_299 : i32
      scf.if %cond3A_300 {
        %add3A_327 = arith.constant 8 : i32
        %add3A_328 = arith.addi %add3A_279, %add3A_327 : i32
        %dma_start3A_329 = arith.constant 0 : i32
        %dma_start3A_330 = arith.constant 6 : i32
        %dma_start3A_331 = arith.constant 0 : i32
        %dma_start3A_332 = arith.constant 0 : i32
        %dma_start3A_333 = tpu.memref_slice %arg8[%dma_start3A_330, %dma_start3A_331, %dma_start3A_332] : memref<8x125x64xf32, #tpu.memory_space<vmem>> -> memref<1x125x64xf32, #tpu.memory_space<vmem>>
        %dma_start3A_334 = tpu.memref_squeeze %dma_start3A_333 : memref<1x125x64xf32, #tpu.memory_space<vmem>> -> memref<125x64xf32, #tpu.memory_space<vmem>>
        %dma_start3A_335 = arith.constant 0 : i32
        %dma_start3A_336 = tpu.memref_slice %arg6[%add3A_328, %dma_start3A_329, %dma_start3A_335] : memref<80x1x125xi32, #tpu.memory_space<vmem>> -> memref<1x1x125xi32, #tpu.memory_space<vmem>>
        %dma_start3A_337 = tpu.memref_squeeze %dma_start3A_336 : memref<1x1x125xi32, #tpu.memory_space<vmem>> -> memref<125xi32, #tpu.memory_space<vmem>>
        %dma_start3A_338 = arith.constant 0 : i32
        %dma_start3A_339 = arith.constant 0 : i32
        %dma_start3A_340 = tpu.memref_slice %arg2[%dma_start3A_338, %dma_start3A_339] : memref<10240x64xf32, #tpu.memory_space<hbm>> -> memref<10240x64xf32, #tpu.memory_space<hbm>>
        tpu.enqueue_indirect_dma source(%dma_start3A_340 : memref<10240x64xf32, #tpu.memory_space<hbm>>) target(%dma_start3A_334 : memref<125x64xf32, #tpu.memory_space<vmem>>) offsets(%dma_start3A_337 : memref<125xi32, #tpu.memory_space<vmem>>) semaphore(%arg17 : memref<!tpu.dma_semaphore, #tpu.memory_space<semaphore_mem>>)
      } else {
      }
      %mul3A_301 = arith.constant 8 : i32
      %mul3A_302 = arith.muli %scan3A_129, %mul3A_301 : i32
      %add3A_303 = arith.constant 7 : i32
      %add3A_304 = arith.addi %mul3A_302, %add3A_303 : i32
      %dma_wait3A_305 = arith.constant 0 : i32
      %dma_wait3A_306 = arith.constant 7 : i32
      %dma_wait3A_307 = arith.constant 0 : i32
      %dma_wait3A_308 = arith.constant 0 : i32
      %dma_wait3A_309 = tpu.memref_slice %arg8[%dma_wait3A_306, %dma_wait3A_307, %dma_wait3A_308] : memref<8x125x64xf32, #tpu.memory_space<vmem>> -> memref<1x125x64xf32, #tpu.memory_space<vmem>>
      %dma_wait3A_310 = tpu.memref_squeeze %dma_wait3A_309 : memref<1x125x64xf32, #tpu.memory_space<vmem>> -> memref<125x64xf32, #tpu.memory_space<vmem>>
      %dma_wait3A_311 = arith.constant 0 : i32
      %dma_wait3A_312 = tpu.memref_slice %arg6[%add3A_304, %dma_wait3A_305, %dma_wait3A_311] : memref<80x1x125xi32, #tpu.memory_space<vmem>> -> memref<1x1x125xi32, #tpu.memory_space<vmem>>
      %dma_wait3A_313 = tpu.memref_squeeze %dma_wait3A_312 : memref<1x1x125xi32, #tpu.memory_space<vmem>> -> memref<125xi32, #tpu.memory_space<vmem>>
      %dma_wait3A_314 = arith.constant 0 : i32
      %dma_wait3A_315 = arith.constant 0 : i32
      %dma_wait3A_316 = tpu.memref_slice %arg2[%dma_wait3A_314, %dma_wait3A_315] : memref<10240x64xf32, #tpu.memory_space<hbm>> -> memref<10240x64xf32, #tpu.memory_space<hbm>>
      tpu.wait_indirect_dma semaphore(%arg18 : memref<!tpu.dma_semaphore, #tpu.memory_space<semaphore_mem>>) src(%dma_wait3A_316 : memref<10240x64xf32, #tpu.memory_space<hbm>>) dst(%dma_wait3A_310 : memref<125x64xf32, #tpu.memory_space<vmem>>)
      %run_scoped3A_317 = arith.constant 7 : i32
      %run_scoped3A_318 = arith.constant 0 : i32
      "tpu.region"() ({
        %run_scoped3A_327 = tpu.sem_alloc : memref<!tpu.dma_semaphore, #tpu.memory_space<semaphore_mem>>
        %dma_start3A_328 = arith.constant 0 : i32
        %dma_start3A_329 = arith.constant 0 : i32
        %dma_start3A_330 = tpu.memref_slice %arg8[%run_scoped3A_317, %dma_start3A_328, %dma_start3A_329] : memref<8x125x64xf32, #tpu.memory_space<vmem>> -> memref<1x125x64xf32, #tpu.memory_space<vmem>>
        %dma_start3A_331 = tpu.memref_squeeze %dma_start3A_330 : memref<1x125x64xf32, #tpu.memory_space<vmem>> -> memref<125x64xf32, #tpu.memory_space<vmem>>
        %dma_start3A_332 = arith.constant 0 : i32
        %dma_start3A_333 = tpu.memref_slice %arg7[%add3A_304, %run_scoped3A_318, %dma_start3A_332] : memref<80x1x125xi32, #tpu.memory_space<vmem>> -> memref<1x1x125xi32, #tpu.memory_space<vmem>>
        %dma_start3A_334 = tpu.memref_squeeze %dma_start3A_333 : memref<1x1x125xi32, #tpu.memory_space<vmem>> -> memref<125xi32, #tpu.memory_space<vmem>>
        %dma_start3A_335 = arith.constant 0 : i32
        %dma_start3A_336 = arith.constant 0 : i32
        %dma_start3A_337 = tpu.memref_slice %arg10[%dma_start3A_335, %dma_start3A_336] : memref<10240x64xf32, #tpu.memory_space<vmem_shared>> -> memref<10240x64xf32, #tpu.memory_space<vmem_shared>>
        tpu.enqueue_indirect_dma source(%dma_start3A_331 : memref<125x64xf32, #tpu.memory_space<vmem>>) target(%dma_start3A_337 : memref<10240x64xf32, #tpu.memory_space<vmem_shared>>) offsets(%dma_start3A_334 : memref<125xi32, #tpu.memory_space<vmem>>) semaphore(%run_scoped3A_327 : memref<!tpu.dma_semaphore, #tpu.memory_space<semaphore_mem>>) {add = true}
        %dma_wait3A_338 = arith.constant 0 : i32
        %dma_wait3A_339 = arith.constant 0 : i32
        %dma_wait3A_340 = tpu.memref_slice %arg8[%run_scoped3A_317, %dma_wait3A_338, %dma_wait3A_339] : memref<8x125x64xf32, #tpu.memory_space<vmem>> -> memref<1x125x64xf32, #tpu.memory_space<vmem>>
        %dma_wait3A_341 = tpu.memref_squeeze %dma_wait3A_340 : memref<1x125x64xf32, #tpu.memory_space<vmem>> -> memref<125x64xf32, #tpu.memory_space<vmem>>
        %dma_wait3A_342 = arith.constant 0 : i32
        %dma_wait3A_343 = tpu.memref_slice %arg7[%add3A_304, %run_scoped3A_318, %dma_wait3A_342] : memref<80x1x125xi32, #tpu.memory_space<vmem>> -> memref<1x1x125xi32, #tpu.memory_space<vmem>>
        %dma_wait3A_344 = tpu.memref_squeeze %dma_wait3A_343 : memref<1x1x125xi32, #tpu.memory_space<vmem>> -> memref<125xi32, #tpu.memory_space<vmem>>
        %dma_wait3A_345 = arith.constant 0 : i32
        %dma_wait3A_346 = arith.constant 0 : i32
        %dma_wait3A_347 = tpu.memref_slice %arg10[%dma_wait3A_345, %dma_wait3A_346] : memref<10240x64xf32, #tpu.memory_space<vmem_shared>> -> memref<10240x64xf32, #tpu.memory_space<vmem_shared>>
        tpu.wait_indirect_dma semaphore(%run_scoped3A_327 : memref<!tpu.dma_semaphore, #tpu.memory_space<semaphore_mem>>) src(%dma_wait3A_341 : memref<125x64xf32, #tpu.memory_space<vmem>>) dst(%dma_wait3A_347 : memref<10240x64xf32, #tpu.memory_space<vmem_shared>>)
        tpu.yield
      }) : () -> ()
      %add3A_319 = arith.constant 8 : i32
      %add3A_320 = arith.addi %add3A_304, %add3A_319 : i32
      %lt3A_321 = arith.constant 80 : i32
      %lt3A_322 = arith.cmpi slt, %add3A_320, %lt3A_321 : i32
      %convert_element_type3A_323 = arith.extui %lt3A_322 : i1 to i32
      %cond3A_324 = arith.constant 0 : i32
      %cond3A_325 = arith.cmpi ne, %convert_element_type3A_323, %cond3A_324 : i32
      scf.if %cond3A_325 {
        %add3A_327 = arith.constant 8 : i32
        %add3A_328 = arith.addi %add3A_304, %add3A_327 : i32
        %dma_start3A_329 = arith.constant 0 : i32
        %dma_start3A_330 = arith.constant 7 : i32
        %dma_start3A_331 = arith.constant 0 : i32
        %dma_start3A_332 = arith.constant 0 : i32
        %dma_start3A_333 = tpu.memref_slice %arg8[%dma_start3A_330, %dma_start3A_331, %dma_start3A_332] : memref<8x125x64xf32, #tpu.memory_space<vmem>> -> memref<1x125x64xf32, #tpu.memory_space<vmem>>
        %dma_start3A_334 = tpu.memref_squeeze %dma_start3A_333 : memref<1x125x64xf32, #tpu.memory_space<vmem>> -> memref<125x64xf32, #tpu.memory_space<vmem>>
        %dma_start3A_335 = arith.constant 0 : i32
        %dma_start3A_336 = tpu.memref_slice %arg6[%add3A_328, %dma_start3A_329, %dma_start3A_335] : memref<80x1x125xi32, #tpu.memory_space<vmem>> -> memref<1x1x125xi32, #tpu.memory_space<vmem>>
        %dma_start3A_337 = tpu.memref_squeeze %dma_start3A_336 : memref<1x1x125xi32, #tpu.memory_space<vmem>> -> memref<125xi32, #tpu.memory_space<vmem>>
        %dma_start3A_338 = arith.constant 0 : i32
        %dma_start3A_339 = arith.constant 0 : i32
        %dma_start3A_340 = tpu.memref_slice %arg2[%dma_start3A_338, %dma_start3A_339] : memref<10240x64xf32, #tpu.memory_space<hbm>> -> memref<10240x64xf32, #tpu.memory_space<hbm>>
        tpu.enqueue_indirect_dma source(%dma_start3A_340 : memref<10240x64xf32, #tpu.memory_space<hbm>>) target(%dma_start3A_334 : memref<125x64xf32, #tpu.memory_space<vmem>>) offsets(%dma_start3A_337 : memref<125xi32, #tpu.memory_space<vmem>>) semaphore(%arg18 : memref<!tpu.dma_semaphore, #tpu.memory_space<semaphore_mem>>)
      } else {
      }
      %scan3A_326 = arith.constant 0 : i32
      scf.yield %scan3A_326 : i32
    }
    %scan3A_123 = arith.constant 10 : i32
    %barrier3A_124 = arith.constant 0 : index
    tpu.barrier barrier_id(%barrier3A_124)
    %mul3A_125 = arith.constant 640 : i32
    %mul3A_126 = arith.muli %arg1, %mul3A_125 : i32
    %mul3A_127 = arith.constant 640 : i32
    %mul3A_128 = arith.muli %arg1, %mul3A_127 : i32
    "tpu.region"() ({
      %run_scoped3A = tpu.sem_alloc : memref<!tpu.dma_semaphore, #tpu.memory_space<semaphore_mem>>
      %dma_start3A_129 = arith.constant 0 : i32
      %dma_start3A_130 = tpu.memref_slice %arg5[%arg0, %mul3A_128, %dma_start3A_129] : memref<2x10240x64xf32, #tpu.memory_space<hbm>> -> memref<1x640x64xf32, #tpu.memory_space<hbm>>
      %dma_start3A_131 = tpu.memref_squeeze %dma_start3A_130 : memref<1x640x64xf32, #tpu.memory_space<hbm>> -> memref<640x64xf32, #tpu.memory_space<hbm>>
      %dma_start3A_132 = arith.constant 0 : i32
      %dma_start3A_133 = tpu.memref_slice %arg10[%mul3A_126, %dma_start3A_132] : memref<10240x64xf32, #tpu.memory_space<vmem_shared>> -> memref<640x64xf32, #tpu.memory_space<vmem_shared>>
      tpu.enqueue_dma source(%dma_start3A_133 : memref<640x64xf32, #tpu.memory_space<vmem_shared>>) target(%dma_start3A_131 : memref<640x64xf32, #tpu.memory_space<hbm>>) target_semaphore(%run_scoped3A : memref<!tpu.dma_semaphore, #tpu.memory_space<semaphore_mem>>)
      %dma_wait3A = arith.constant 0 : i32
      %dma_wait3A_134 = tpu.memref_slice %arg5[%arg0, %mul3A_128, %dma_wait3A] : memref<2x10240x64xf32, #tpu.memory_space<hbm>> -> memref<1x640x64xf32, #tpu.memory_space<hbm>>
      %dma_wait3A_135 = tpu.memref_squeeze %dma_wait3A_134 : memref<1x640x64xf32, #tpu.memory_space<hbm>> -> memref<640x64xf32, #tpu.memory_space<hbm>>
      %dma_wait3A_136 = arith.constant 0 : i32
      %dma_wait3A_137 = tpu.memref_slice %arg10[%mul3A_126, %dma_wait3A_136] : memref<10240x64xf32, #tpu.memory_space<vmem_shared>> -> memref<640x64xf32, #tpu.memory_space<vmem_shared>>
      tpu.wait_dma2 semaphore(%run_scoped3A : memref<!tpu.dma_semaphore, #tpu.memory_space<semaphore_mem>>) src(%dma_wait3A_137 : memref<640x64xf32, #tpu.memory_space<vmem_shared>>) dst(%dma_wait3A_135 : memref<640x64xf32, #tpu.memory_space<hbm>>)
      tpu.yield
    }) : () -> ()
    return
  }
}

#map = affine_map<(d0, d1) -> (0, 0, 0, 0)>
#map1 = affine_map<(d0, d1) -> (0, 0, 0)>
module attributes {stable_mosaic.version = 14 : i64} {
  func.func @_deg_body(%arg0: i32, %arg1: i32, %arg2: memref<32x80x1x125xi32, #tpu.memory_space<hbm>>, %arg3: memref<32x80x1x125xi32, #tpu.memory_space<hbm>>, %arg4: memref<2x2x10240xf32, #tpu.memory_space<hbm>>, %arg5: memref<80x1x125xi32, #tpu.memory_space<vmem>>, %arg6: memref<80x1x125xi32, #tpu.memory_space<vmem>>, %arg7: memref<128xf32, #tpu.memory_space<vmem>>, %arg8: memref<640xf32, #tpu.memory_space<vmem>>, %arg9: memref<10240xf32, #tpu.memory_space<vmem_shared>>, %arg10: memref<10240xf32, #tpu.memory_space<vmem_shared>>, %arg11: memref<!tpu.dma_semaphore, #tpu.memory_space<semaphore_mem>>, %arg12: memref<!tpu.dma_semaphore, #tpu.memory_space<semaphore_mem>>) attributes {dimension_semantics = [#tpu.dimension_semantics<core_parallel>, #tpu.dimension_semantics<subcore_parallel>], iteration_bounds = array<i64: 2, 16>, scalar_prefetch = 0 : i64, scratch_operands = 8 : i64, tpu.core_type = #tpu.core_type<sc_vector_subcore>, window_params = [{transform_indices = #map}, {transform_indices = #map}, {transform_indices = #map1}]} {
    %mul3A = arith.constant 2 : i32
    %mul3A_0 = arith.muli %arg1, %mul3A : i32
    %add3A = arith.addi %mul3A_0, %arg0 : i32
    "tpu.region"() ({
      %run_scoped3A_42 = tpu.sem_alloc : memref<!tpu.dma_semaphore, #tpu.memory_space<semaphore_mem>>
      %dma_start3A = arith.constant 0 : i32
      %dma_start3A_43 = arith.constant 0 : i32
      %dma_start3A_44 = arith.constant 0 : i32
      %dma_start3A_45 = tpu.memref_slice %arg2[%add3A, %dma_start3A, %dma_start3A_43, %dma_start3A_44] : memref<32x80x1x125xi32, #tpu.memory_space<hbm>> -> memref<1x80x1x125xi32, #tpu.memory_space<hbm>>
      %dma_start3A_46 = tpu.memref_squeeze %dma_start3A_45 : memref<1x80x1x125xi32, #tpu.memory_space<hbm>> -> memref<80x1x125xi32, #tpu.memory_space<hbm>>
      %dma_start3A_47 = arith.constant 0 : i32
      %dma_start3A_48 = arith.constant 0 : i32
      %dma_start3A_49 = arith.constant 0 : i32
      %dma_start3A_50 = tpu.memref_slice %arg2[%add3A, %dma_start3A_47, %dma_start3A_48, %dma_start3A_49] : memref<32x80x1x125xi32, #tpu.memory_space<hbm>> -> memref<1x80x1x125xi32, #tpu.memory_space<hbm>>
      %dma_start3A_51 = tpu.memref_squeeze %dma_start3A_50 : memref<1x80x1x125xi32, #tpu.memory_space<hbm>> -> memref<80x1x125xi32, #tpu.memory_space<hbm>>
      tpu.enqueue_dma source(%dma_start3A_51 : memref<80x1x125xi32, #tpu.memory_space<hbm>>) target(%arg5 : memref<80x1x125xi32, #tpu.memory_space<vmem>>) target_semaphore(%run_scoped3A_42 : memref<!tpu.dma_semaphore, #tpu.memory_space<semaphore_mem>>)
      %dma_wait3A = arith.constant 0 : i32
      %dma_wait3A_52 = arith.constant 0 : i32
      %dma_wait3A_53 = arith.constant 0 : i32
      %dma_wait3A_54 = tpu.memref_slice %arg2[%add3A, %dma_wait3A, %dma_wait3A_52, %dma_wait3A_53] : memref<32x80x1x125xi32, #tpu.memory_space<hbm>> -> memref<1x80x1x125xi32, #tpu.memory_space<hbm>>
      %dma_wait3A_55 = tpu.memref_squeeze %dma_wait3A_54 : memref<1x80x1x125xi32, #tpu.memory_space<hbm>> -> memref<80x1x125xi32, #tpu.memory_space<hbm>>
      %dma_wait3A_56 = arith.constant 0 : i32
      %dma_wait3A_57 = arith.constant 0 : i32
      %dma_wait3A_58 = arith.constant 0 : i32
      %dma_wait3A_59 = tpu.memref_slice %arg2[%add3A, %dma_wait3A_56, %dma_wait3A_57, %dma_wait3A_58] : memref<32x80x1x125xi32, #tpu.memory_space<hbm>> -> memref<1x80x1x125xi32, #tpu.memory_space<hbm>>
      %dma_wait3A_60 = tpu.memref_squeeze %dma_wait3A_59 : memref<1x80x1x125xi32, #tpu.memory_space<hbm>> -> memref<80x1x125xi32, #tpu.memory_space<hbm>>
      tpu.wait_dma2 semaphore(%run_scoped3A_42 : memref<!tpu.dma_semaphore, #tpu.memory_space<semaphore_mem>>) src(%dma_wait3A_60 : memref<80x1x125xi32, #tpu.memory_space<hbm>>) dst(%arg5 : memref<80x1x125xi32, #tpu.memory_space<vmem>>)
      tpu.yield
    }) : () -> ()
    "tpu.region"() ({
      %run_scoped3A_42 = tpu.sem_alloc : memref<!tpu.dma_semaphore, #tpu.memory_space<semaphore_mem>>
      %dma_start3A = arith.constant 0 : i32
      %dma_start3A_43 = arith.constant 0 : i32
      %dma_start3A_44 = arith.constant 0 : i32
      %dma_start3A_45 = tpu.memref_slice %arg3[%add3A, %dma_start3A, %dma_start3A_43, %dma_start3A_44] : memref<32x80x1x125xi32, #tpu.memory_space<hbm>> -> memref<1x80x1x125xi32, #tpu.memory_space<hbm>>
      %dma_start3A_46 = tpu.memref_squeeze %dma_start3A_45 : memref<1x80x1x125xi32, #tpu.memory_space<hbm>> -> memref<80x1x125xi32, #tpu.memory_space<hbm>>
      %dma_start3A_47 = arith.constant 0 : i32
      %dma_start3A_48 = arith.constant 0 : i32
      %dma_start3A_49 = arith.constant 0 : i32
      %dma_start3A_50 = tpu.memref_slice %arg3[%add3A, %dma_start3A_47, %dma_start3A_48, %dma_start3A_49] : memref<32x80x1x125xi32, #tpu.memory_space<hbm>> -> memref<1x80x1x125xi32, #tpu.memory_space<hbm>>
      %dma_start3A_51 = tpu.memref_squeeze %dma_start3A_50 : memref<1x80x1x125xi32, #tpu.memory_space<hbm>> -> memref<80x1x125xi32, #tpu.memory_space<hbm>>
      tpu.enqueue_dma source(%dma_start3A_51 : memref<80x1x125xi32, #tpu.memory_space<hbm>>) target(%arg6 : memref<80x1x125xi32, #tpu.memory_space<vmem>>) target_semaphore(%run_scoped3A_42 : memref<!tpu.dma_semaphore, #tpu.memory_space<semaphore_mem>>)
      %dma_wait3A = arith.constant 0 : i32
      %dma_wait3A_52 = arith.constant 0 : i32
      %dma_wait3A_53 = arith.constant 0 : i32
      %dma_wait3A_54 = tpu.memref_slice %arg3[%add3A, %dma_wait3A, %dma_wait3A_52, %dma_wait3A_53] : memref<32x80x1x125xi32, #tpu.memory_space<hbm>> -> memref<1x80x1x125xi32, #tpu.memory_space<hbm>>
      %dma_wait3A_55 = tpu.memref_squeeze %dma_wait3A_54 : memref<1x80x1x125xi32, #tpu.memory_space<hbm>> -> memref<80x1x125xi32, #tpu.memory_space<hbm>>
      %dma_wait3A_56 = arith.constant 0 : i32
      %dma_wait3A_57 = arith.constant 0 : i32
      %dma_wait3A_58 = arith.constant 0 : i32
      %dma_wait3A_59 = tpu.memref_slice %arg3[%add3A, %dma_wait3A_56, %dma_wait3A_57, %dma_wait3A_58] : memref<32x80x1x125xi32, #tpu.memory_space<hbm>> -> memref<1x80x1x125xi32, #tpu.memory_space<hbm>>
      %dma_wait3A_60 = tpu.memref_squeeze %dma_wait3A_59 : memref<1x80x1x125xi32, #tpu.memory_space<hbm>> -> memref<80x1x125xi32, #tpu.memory_space<hbm>>
      tpu.wait_dma2 semaphore(%run_scoped3A_42 : memref<!tpu.dma_semaphore, #tpu.memory_space<semaphore_mem>>) src(%dma_wait3A_60 : memref<80x1x125xi32, #tpu.memory_space<hbm>>) dst(%arg6 : memref<80x1x125xi32, #tpu.memory_space<vmem>>)
      tpu.yield
    }) : () -> ()
    %scan3A = arith.constant 0 : i32
    %scan3A_1 = arith.constant 0 : i32
    %scan3A_2 = arith.constant 8 : i32
    %scan3A_3 = arith.addi %scan3A_1, %scan3A_2 : i32
    %scan3A_4 = arith.constant 1 : i32
    %scan3A_5 = scf.for %scan3A_42 = %scan3A_1 to %scan3A_3 step %scan3A_4 iter_args(%scan3A_43 = %scan3A) -> (i32)  : i32 {
      %broadcast_in_dim3A = arith.constant 1.000000e+00 : f32
      %broadcast_in_dim3A_44 = vector.broadcast %broadcast_in_dim3A : f32 to vector<16xf32>
      %mul3A_45 = arith.constant 16 : i32
      %mul3A_46 = arith.muli %scan3A_42, %mul3A_45 : i32
      %swap3A = arith.index_cast %mul3A_46 : i32 to index
      %swap3A_47 = tpu.vector_load %arg7[%swap3A] {strides = array<i32>} : memref<128xf32, #tpu.memory_space<vmem>>, vector<16xf32>,
      %swap3A_48 = vector.shape_cast %swap3A_47 : vector<16xf32> to vector<16xf32>
      %swap3A_49 = vector.shape_cast %broadcast_in_dim3A_44 : vector<16xf32> to vector<16xf32>
      tpu.vector_store %arg7[%swap3A], %swap3A_49 {strides = array<i32>} : memref<128xf32, #tpu.memory_space<vmem>>, vector<16xf32>,
      %scan3A_50 = arith.constant 0 : i32
      scf.yield %scan3A_50 : i32
    }
    %scan3A_6 = arith.constant 8 : i32
    %scan3A_7 = arith.constant 0 : i32
    %scan3A_8 = arith.constant 0 : i32
    %scan3A_9 = arith.constant 40 : i32
    %scan3A_10 = arith.addi %scan3A_8, %scan3A_9 : i32
    %scan3A_11 = arith.constant 1 : i32
    %scan3A_12 = scf.for %scan3A_42 = %scan3A_8 to %scan3A_10 step %scan3A_11 iter_args(%scan3A_43 = %scan3A_7) -> (i32)  : i32 {
      %broadcast_in_dim3A = arith.constant 0.000000e+00 : f32
      %broadcast_in_dim3A_44 = vector.broadcast %broadcast_in_dim3A : f32 to vector<16xf32>
      %mul3A_45 = arith.constant 16 : i32
      %mul3A_46 = arith.muli %scan3A_42, %mul3A_45 : i32
      %swap3A = arith.index_cast %mul3A_46 : i32 to index
      %swap3A_47 = tpu.vector_load %arg8[%swap3A] {strides = array<i32>} : memref<640xf32, #tpu.memory_space<vmem>>, vector<16xf32>,
      %swap3A_48 = vector.shape_cast %swap3A_47 : vector<16xf32> to vector<16xf32>
      %swap3A_49 = vector.shape_cast %broadcast_in_dim3A_44 : vector<16xf32> to vector<16xf32>
      tpu.vector_store %arg8[%swap3A], %swap3A_49 {strides = array<i32>} : memref<640xf32, #tpu.memory_space<vmem>>, vector<16xf32>,
      %scan3A_50 = arith.constant 0 : i32
      scf.yield %scan3A_50 : i32
    }
    %scan3A_13 = arith.constant 40 : i32
    %mul3A_14 = arith.constant 640 : i32
    %mul3A_15 = arith.muli %arg1, %mul3A_14 : i32
    "tpu.region"() ({
      %run_scoped3A_42 = tpu.sem_alloc : memref<!tpu.dma_semaphore, #tpu.memory_space<semaphore_mem>>
      %dma_start3A = tpu.memref_slice %arg9[%mul3A_15] : memref<10240xf32, #tpu.memory_space<vmem_shared>> -> memref<640xf32, #tpu.memory_space<vmem_shared>>
      %dma_start3A_43 = tpu.memref_slice %arg9[%mul3A_15] : memref<10240xf32, #tpu.memory_space<vmem_shared>> -> memref<640xf32, #tpu.memory_space<vmem_shared>>
      tpu.enqueue_dma source(%arg8 : memref<640xf32, #tpu.memory_space<vmem>>) target(%dma_start3A_43 : memref<640xf32, #tpu.memory_space<vmem_shared>>) target_semaphore(%run_scoped3A_42 : memref<!tpu.dma_semaphore, #tpu.memory_space<semaphore_mem>>)
      %dma_wait3A = tpu.memref_slice %arg9[%mul3A_15] : memref<10240xf32, #tpu.memory_space<vmem_shared>> -> memref<640xf32, #tpu.memory_space<vmem_shared>>
      %dma_wait3A_44 = tpu.memref_slice %arg9[%mul3A_15] : memref<10240xf32, #tpu.memory_space<vmem_shared>> -> memref<640xf32, #tpu.memory_space<vmem_shared>>
      tpu.wait_dma2 semaphore(%run_scoped3A_42 : memref<!tpu.dma_semaphore, #tpu.memory_space<semaphore_mem>>) src(%arg8 : memref<640xf32, #tpu.memory_space<vmem>>) dst(%dma_wait3A_44 : memref<640xf32, #tpu.memory_space<vmem_shared>>)
      tpu.yield
    }) : () -> ()
    %mul3A_16 = arith.constant 640 : i32
    %mul3A_17 = arith.muli %arg1, %mul3A_16 : i32
    "tpu.region"() ({
      %run_scoped3A_42 = tpu.sem_alloc : memref<!tpu.dma_semaphore, #tpu.memory_space<semaphore_mem>>
      %dma_start3A = tpu.memref_slice %arg10[%mul3A_17] : memref<10240xf32, #tpu.memory_space<vmem_shared>> -> memref<640xf32, #tpu.memory_space<vmem_shared>>
      %dma_start3A_43 = tpu.memref_slice %arg10[%mul3A_17] : memref<10240xf32, #tpu.memory_space<vmem_shared>> -> memref<640xf32, #tpu.memory_space<vmem_shared>>
      tpu.enqueue_dma source(%arg8 : memref<640xf32, #tpu.memory_space<vmem>>) target(%dma_start3A_43 : memref<640xf32, #tpu.memory_space<vmem_shared>>) target_semaphore(%run_scoped3A_42 : memref<!tpu.dma_semaphore, #tpu.memory_space<semaphore_mem>>)
      %dma_wait3A = tpu.memref_slice %arg10[%mul3A_17] : memref<10240xf32, #tpu.memory_space<vmem_shared>> -> memref<640xf32, #tpu.memory_space<vmem_shared>>
      %dma_wait3A_44 = tpu.memref_slice %arg10[%mul3A_17] : memref<10240xf32, #tpu.memory_space<vmem_shared>> -> memref<640xf32, #tpu.memory_space<vmem_shared>>
      tpu.wait_dma2 semaphore(%run_scoped3A_42 : memref<!tpu.dma_semaphore, #tpu.memory_space<semaphore_mem>>) src(%arg8 : memref<640xf32, #tpu.memory_space<vmem>>) dst(%dma_wait3A_44 : memref<640xf32, #tpu.memory_space<vmem_shared>>)
      tpu.yield
    }) : () -> ()
    %barrier3A = arith.constant 0 : index
    tpu.barrier barrier_id(%barrier3A)
    %scan3A_18 = arith.constant 0 : i32
    %scan3A_19 = arith.constant 0 : i32
    %scan3A_20 = arith.constant 80 : i32
    %scan3A_21 = arith.addi %scan3A_19, %scan3A_20 : i32
    %scan3A_22 = arith.constant 1 : i32
    %scan3A_23 = scf.for %scan3A_42 = %scan3A_19 to %scan3A_21 step %scan3A_22 iter_args(%scan3A_43 = %scan3A_18) -> (i32)  : i32 {
      %dma_start3A = arith.constant 0 : i32
      %dma_start3A_44 = arith.constant 0 : i32
      %dma_start3A_45 = tpu.memref_slice %arg7[%dma_start3A_44] : memref<128xf32, #tpu.memory_space<vmem>> -> memref<125xf32, #tpu.memory_space<vmem>>
      %dma_start3A_46 = arith.constant 0 : i32
      %dma_start3A_47 = tpu.memref_slice %arg5[%scan3A_42, %dma_start3A, %dma_start3A_46] : memref<80x1x125xi32, #tpu.memory_space<vmem>> -> memref<1x1x125xi32, #tpu.memory_space<vmem>>
      %dma_start3A_48 = tpu.memref_squeeze %dma_start3A_47 : memref<1x1x125xi32, #tpu.memory_space<vmem>> -> memref<125xi32, #tpu.memory_space<vmem>>
      %dma_start3A_49 = arith.constant 0 : i32
      %dma_start3A_50 = tpu.memref_slice %arg9[%dma_start3A_49] : memref<10240xf32, #tpu.memory_space<vmem_shared>> -> memref<10240xf32, #tpu.memory_space<vmem_shared>>
      tpu.enqueue_indirect_dma source(%dma_start3A_45 : memref<125xf32, #tpu.memory_space<vmem>>) target(%dma_start3A_50 : memref<10240xf32, #tpu.memory_space<vmem_shared>>) offsets(%dma_start3A_48 : memref<125xi32, #tpu.memory_space<vmem>>) semaphore(%arg11 : memref<!tpu.dma_semaphore, #tpu.memory_space<semaphore_mem>>) {add = true}
      %dma_start3A_51 = arith.constant 0 : i32
      %dma_start3A_52 = arith.constant 0 : i32
      %dma_start3A_53 = tpu.memref_slice %arg7[%dma_start3A_52] : memref<128xf32, #tpu.memory_space<vmem>> -> memref<125xf32, #tpu.memory_space<vmem>>
      %dma_start3A_54 = arith.constant 0 : i32
      %dma_start3A_55 = tpu.memref_slice %arg6[%scan3A_42, %dma_start3A_51, %dma_start3A_54] : memref<80x1x125xi32, #tpu.memory_space<vmem>> -> memref<1x1x125xi32, #tpu.memory_space<vmem>>
      %dma_start3A_56 = tpu.memref_squeeze %dma_start3A_55 : memref<1x1x125xi32, #tpu.memory_space<vmem>> -> memref<125xi32, #tpu.memory_space<vmem>>
      %dma_start3A_57 = arith.constant 0 : i32
      %dma_start3A_58 = tpu.memref_slice %arg10[%dma_start3A_57] : memref<10240xf32, #tpu.memory_space<vmem_shared>> -> memref<10240xf32, #tpu.memory_space<vmem_shared>>
      tpu.enqueue_indirect_dma source(%dma_start3A_53 : memref<125xf32, #tpu.memory_space<vmem>>) target(%dma_start3A_58 : memref<10240xf32, #tpu.memory_space<vmem_shared>>) offsets(%dma_start3A_56 : memref<125xi32, #tpu.memory_space<vmem>>) semaphore(%arg12 : memref<!tpu.dma_semaphore, #tpu.memory_space<semaphore_mem>>) {add = true}
      %scan3A_59 = arith.constant 0 : i32
      scf.yield %scan3A_59 : i32
    }
    %scan3A_24 = arith.constant 80 : i32
    %scan3A_25 = arith.constant 0 : i32
    %scan3A_26 = arith.constant 0 : i32
    %scan3A_27 = arith.constant 80 : i32
    %scan3A_28 = arith.addi %scan3A_26, %scan3A_27 : i32
    %scan3A_29 = arith.constant 1 : i32
    %scan3A_30 = scf.for %scan3A_42 = %scan3A_26 to %scan3A_28 step %scan3A_29 iter_args(%scan3A_43 = %scan3A_25) -> (i32)  : i32 {
      %dma_wait3A = arith.constant 0 : i32
      %dma_wait3A_44 = arith.constant 0 : i32
      %dma_wait3A_45 = arith.constant 0 : i32
      %dma_wait3A_46 = tpu.memref_slice %arg7[%dma_wait3A_45] : memref<128xf32, #tpu.memory_space<vmem>> -> memref<125xf32, #tpu.memory_space<vmem>>
      %dma_wait3A_47 = arith.constant 0 : i32
      %dma_wait3A_48 = tpu.memref_slice %arg5[%dma_wait3A, %dma_wait3A_44, %dma_wait3A_47] : memref<80x1x125xi32, #tpu.memory_space<vmem>> -> memref<1x1x125xi32, #tpu.memory_space<vmem>>
      %dma_wait3A_49 = tpu.memref_squeeze %dma_wait3A_48 : memref<1x1x125xi32, #tpu.memory_space<vmem>> -> memref<125xi32, #tpu.memory_space<vmem>>
      %dma_wait3A_50 = arith.constant 0 : i32
      %dma_wait3A_51 = tpu.memref_slice %arg9[%dma_wait3A_50] : memref<10240xf32, #tpu.memory_space<vmem_shared>> -> memref<10240xf32, #tpu.memory_space<vmem_shared>>
      tpu.wait_indirect_dma semaphore(%arg11 : memref<!tpu.dma_semaphore, #tpu.memory_space<semaphore_mem>>) src(%dma_wait3A_46 : memref<125xf32, #tpu.memory_space<vmem>>) dst(%dma_wait3A_51 : memref<10240xf32, #tpu.memory_space<vmem_shared>>)
      %dma_wait3A_52 = arith.constant 0 : i32
      %dma_wait3A_53 = arith.constant 0 : i32
      %dma_wait3A_54 = arith.constant 0 : i32
      %dma_wait3A_55 = tpu.memref_slice %arg7[%dma_wait3A_54] : memref<128xf32, #tpu.memory_space<vmem>> -> memref<125xf32, #tpu.memory_space<vmem>>
      %dma_wait3A_56 = arith.constant 0 : i32
      %dma_wait3A_57 = tpu.memref_slice %arg6[%dma_wait3A_52, %dma_wait3A_53, %dma_wait3A_56] : memref<80x1x125xi32, #tpu.memory_space<vmem>> -> memref<1x1x125xi32, #tpu.memory_space<vmem>>
      %dma_wait3A_58 = tpu.memref_squeeze %dma_wait3A_57 : memref<1x1x125xi32, #tpu.memory_space<vmem>> -> memref<125xi32, #tpu.memory_space<vmem>>
      %dma_wait3A_59 = arith.constant 0 : i32
      %dma_wait3A_60 = tpu.memref_slice %arg10[%dma_wait3A_59] : memref<10240xf32, #tpu.memory_space<vmem_shared>> -> memref<10240xf32, #tpu.memory_space<vmem_shared>>
      tpu.wait_indirect_dma semaphore(%arg12 : memref<!tpu.dma_semaphore, #tpu.memory_space<semaphore_mem>>) src(%dma_wait3A_55 : memref<125xf32, #tpu.memory_space<vmem>>) dst(%dma_wait3A_60 : memref<10240xf32, #tpu.memory_space<vmem_shared>>)
      %scan3A_61 = arith.constant 0 : i32
      scf.yield %scan3A_61 : i32
    }
    %scan3A_31 = arith.constant 80 : i32
    %barrier3A_32 = arith.constant 0 : index
    tpu.barrier barrier_id(%barrier3A_32)
    %mul3A_33 = arith.constant 640 : i32
    %mul3A_34 = arith.muli %arg1, %mul3A_33 : i32
    %mul3A_35 = arith.constant 640 : i32
    %mul3A_36 = arith.muli %arg1, %mul3A_35 : i32
    %run_scoped3A = arith.constant 0 : i32
    "tpu.region"() ({
      %run_scoped3A_42 = tpu.sem_alloc : memref<!tpu.dma_semaphore, #tpu.memory_space<semaphore_mem>>
      %dma_start3A = tpu.memref_slice %arg4[%arg0, %run_scoped3A, %mul3A_36] : memref<2x2x10240xf32, #tpu.memory_space<hbm>> -> memref<1x1x640xf32, #tpu.memory_space<hbm>>
      %dma_start3A_43 = tpu.memref_squeeze %dma_start3A : memref<1x1x640xf32, #tpu.memory_space<hbm>> -> memref<640xf32, #tpu.memory_space<hbm>>
      %dma_start3A_44 = tpu.memref_slice %arg9[%mul3A_34] : memref<10240xf32, #tpu.memory_space<vmem_shared>> -> memref<640xf32, #tpu.memory_space<vmem_shared>>
      tpu.enqueue_dma source(%dma_start3A_44 : memref<640xf32, #tpu.memory_space<vmem_shared>>) target(%dma_start3A_43 : memref<640xf32, #tpu.memory_space<hbm>>) target_semaphore(%run_scoped3A_42 : memref<!tpu.dma_semaphore, #tpu.memory_space<semaphore_mem>>)
      %dma_wait3A = tpu.memref_slice %arg4[%arg0, %run_scoped3A, %mul3A_36] : memref<2x2x10240xf32, #tpu.memory_space<hbm>> -> memref<1x1x640xf32, #tpu.memory_space<hbm>>
      %dma_wait3A_45 = tpu.memref_squeeze %dma_wait3A : memref<1x1x640xf32, #tpu.memory_space<hbm>> -> memref<640xf32, #tpu.memory_space<hbm>>
      %dma_wait3A_46 = tpu.memref_slice %arg9[%mul3A_34] : memref<10240xf32, #tpu.memory_space<vmem_shared>> -> memref<640xf32, #tpu.memory_space<vmem_shared>>
      tpu.wait_dma2 semaphore(%run_scoped3A_42 : memref<!tpu.dma_semaphore, #tpu.memory_space<semaphore_mem>>) src(%dma_wait3A_46 : memref<640xf32, #tpu.memory_space<vmem_shared>>) dst(%dma_wait3A_45 : memref<640xf32, #tpu.memory_space<hbm>>)
      tpu.yield
    }) : () -> ()
    %mul3A_37 = arith.constant 640 : i32
    %mul3A_38 = arith.muli %arg1, %mul3A_37 : i32
    %mul3A_39 = arith.constant 640 : i32
    %mul3A_40 = arith.muli %arg1, %mul3A_39 : i32
    %run_scoped3A_41 = arith.constant 1 : i32
    "tpu.region"() ({
      %run_scoped3A_42 = tpu.sem_alloc : memref<!tpu.dma_semaphore, #tpu.memory_space<semaphore_mem>>
      %dma_start3A = tpu.memref_slice %arg4[%arg0, %run_scoped3A_41, %mul3A_40] : memref<2x2x10240xf32, #tpu.memory_space<hbm>> -> memref<1x1x640xf32, #tpu.memory_space<hbm>>
      %dma_start3A_43 = tpu.memref_squeeze %dma_start3A : memref<1x1x640xf32, #tpu.memory_space<hbm>> -> memref<640xf32, #tpu.memory_space<hbm>>
      %dma_start3A_44 = tpu.memref_slice %arg10[%mul3A_38] : memref<10240xf32, #tpu.memory_space<vmem_shared>> -> memref<640xf32, #tpu.memory_space<vmem_shared>>
      tpu.enqueue_dma source(%dma_start3A_44 : memref<640xf32, #tpu.memory_space<vmem_shared>>) target(%dma_start3A_43 : memref<640xf32, #tpu.memory_space<hbm>>) target_semaphore(%run_scoped3A_42 : memref<!tpu.dma_semaphore, #tpu.memory_space<semaphore_mem>>)
      %dma_wait3A = tpu.memref_slice %arg4[%arg0, %run_scoped3A_41, %mul3A_40] : memref<2x2x10240xf32, #tpu.memory_space<hbm>> -> memref<1x1x640xf32, #tpu.memory_space<hbm>>
      %dma_wait3A_45 = tpu.memref_squeeze %dma_wait3A : memref<1x1x640xf32, #tpu.memory_space<hbm>> -> memref<640xf32, #tpu.memory_space<hbm>>
      %dma_wait3A_46 = tpu.memref_slice %arg10[%mul3A_38] : memref<10240xf32, #tpu.memory_space<vmem_shared>> -> memref<640xf32, #tpu.memory_space<vmem_shared>>
      tpu.wait_dma2 semaphore(%run_scoped3A_42 : memref<!tpu.dma_semaphore, #tpu.memory_space<semaphore_mem>>) src(%dma_wait3A_46 : memref<640xf32, #tpu.memory_space<vmem_shared>>) dst(%dma_wait3A_45 : memref<640xf32, #tpu.memory_space<hbm>>)
      tpu.yield
    }) : () -> ()
    return
  }
}

#map = affine_map<(d0, d1) -> (0, 0)>
#map1 = affine_map<(d0, d1) -> (0, 0, 0, 0)>
#map2 = affine_map<(d0, d1) -> (0, 0, 0)>
module attributes {stable_mosaic.version = 14 : i64} {
  func.func @_hop_body(%arg0: i32, %arg1: i32, %arg2: memref<10240x64xf32, #tpu.memory_space<hbm>>, %arg3: memref<32x80x1x125xi32, #tpu.memory_space<hbm>>, %arg4: memref<32x80x1x125xi32, #tpu.memory_space<hbm>>, %arg5: memref<2x10240x64xf32, #tpu.memory_space<hbm>>, %arg6: memref<80x1x125xi32, #tpu.memory_space<vmem>>, %arg7: memref<80x1x125xi32, #tpu.memory_space<vmem>>, %arg8: memref<8x125x64xf32, #tpu.memory_space<vmem>>, %arg9: memref<64x64xf32, #tpu.memory_space<vmem>>, %arg10: memref<10240x64xf32, #tpu.memory_space<vmem_shared>>, %arg11: memref<!tpu.dma_semaphore, #tpu.memory_space<semaphore_mem>>, %arg12: memref<!tpu.dma_semaphore, #tpu.memory_space<semaphore_mem>>, %arg13: memref<!tpu.dma_semaphore, #tpu.memory_space<semaphore_mem>>, %arg14: memref<!tpu.dma_semaphore, #tpu.memory_space<semaphore_mem>>, %arg15: memref<!tpu.dma_semaphore, #tpu.memory_space<semaphore_mem>>, %arg16: memref<!tpu.dma_semaphore, #tpu.memory_space<semaphore_mem>>, %arg17: memref<!tpu.dma_semaphore, #tpu.memory_space<semaphore_mem>>, %arg18: memref<!tpu.dma_semaphore, #tpu.memory_space<semaphore_mem>>) attributes {dimension_semantics = [#tpu.dimension_semantics<core_parallel>, #tpu.dimension_semantics<subcore_parallel>], iteration_bounds = array<i64: 2, 16>, scalar_prefetch = 0 : i64, scratch_operands = 13 : i64, tpu.core_type = #tpu.core_type<sc_vector_subcore>, window_params = [{transform_indices = #map}, {transform_indices = #map1}, {transform_indices = #map1}, {transform_indices = #map2}]} {
    %mul3A = arith.constant 2 : i32
    %mul3A_0 = arith.muli %arg1, %mul3A : i32
    %add3A = arith.addi %mul3A_0, %arg0 : i32
    "tpu.region"() ({
      %run_scoped3A = tpu.sem_alloc : memref<!tpu.dma_semaphore, #tpu.memory_space<semaphore_mem>>
      %dma_start3A_129 = arith.constant 0 : i32
      %dma_start3A_130 = arith.constant 0 : i32
      %dma_start3A_131 = arith.constant 0 : i32
      %dma_start3A_132 = tpu.memref_slice %arg3[%add3A, %dma_start3A_129, %dma_start3A_130, %dma_start3A_131] : memref<32x80x1x125xi32, #tpu.memory_space<hbm>> -> memref<1x80x1x125xi32, #tpu.memory_space<hbm>>
      %dma_start3A_133 = tpu.memref_squeeze %dma_start3A_132 : memref<1x80x1x125xi32, #tpu.memory_space<hbm>> -> memref<80x1x125xi32, #tpu.memory_space<hbm>>
      %dma_start3A_134 = arith.constant 0 : i32
      %dma_start3A_135 = arith.constant 0 : i32
      %dma_start3A_136 = arith.constant 0 : i32
      %dma_start3A_137 = tpu.memref_slice %arg3[%add3A, %dma_start3A_134, %dma_start3A_135, %dma_start3A_136] : memref<32x80x1x125xi32, #tpu.memory_space<hbm>> -> memref<1x80x1x125xi32, #tpu.memory_space<hbm>>
      %dma_start3A_138 = tpu.memref_squeeze %dma_start3A_137 : memref<1x80x1x125xi32, #tpu.memory_space<hbm>> -> memref<80x1x125xi32, #tpu.memory_space<hbm>>
      tpu.enqueue_dma source(%dma_start3A_138 : memref<80x1x125xi32, #tpu.memory_space<hbm>>) target(%arg6 : memref<80x1x125xi32, #tpu.memory_space<vmem>>) target_semaphore(%run_scoped3A : memref<!tpu.dma_semaphore, #tpu.memory_space<semaphore_mem>>)
      %dma_wait3A = arith.constant 0 : i32
      %dma_wait3A_139 = arith.constant 0 : i32
      %dma_wait3A_140 = arith.constant 0 : i32
      %dma_wait3A_141 = tpu.memref_slice %arg3[%add3A, %dma_wait3A, %dma_wait3A_139, %dma_wait3A_140] : memref<32x80x1x125xi32, #tpu.memory_space<hbm>> -> memref<1x80x1x125xi32, #tpu.memory_space<hbm>>
      %dma_wait3A_142 = tpu.memref_squeeze %dma_wait3A_141 : memref<1x80x1x125xi32, #tpu.memory_space<hbm>> -> memref<80x1x125xi32, #tpu.memory_space<hbm>>
      %dma_wait3A_143 = arith.constant 0 : i32
      %dma_wait3A_144 = arith.constant 0 : i32
      %dma_wait3A_145 = arith.constant 0 : i32
      %dma_wait3A_146 = tpu.memref_slice %arg3[%add3A, %dma_wait3A_143, %dma_wait3A_144, %dma_wait3A_145] : memref<32x80x1x125xi32, #tpu.memory_space<hbm>> -> memref<1x80x1x125xi32, #tpu.memory_space<hbm>>
      %dma_wait3A_147 = tpu.memref_squeeze %dma_wait3A_146 : memref<1x80x1x125xi32, #tpu.memory_space<hbm>> -> memref<80x1x125xi32, #tpu.memory_space<hbm>>
      tpu.wait_dma2 semaphore(%run_scoped3A : memref<!tpu.dma_semaphore, #tpu.memory_space<semaphore_mem>>) src(%dma_wait3A_147 : memref<80x1x125xi32, #tpu.memory_space<hbm>>) dst(%arg6 : memref<80x1x125xi32, #tpu.memory_space<vmem>>)
      tpu.yield
    }) : () -> ()
    "tpu.region"() ({
      %run_scoped3A = tpu.sem_alloc : memref<!tpu.dma_semaphore, #tpu.memory_space<semaphore_mem>>
      %dma_start3A_129 = arith.constant 0 : i32
      %dma_start3A_130 = arith.constant 0 : i32
      %dma_start3A_131 = arith.constant 0 : i32
      %dma_start3A_132 = tpu.memref_slice %arg4[%add3A, %dma_start3A_129, %dma_start3A_130, %dma_start3A_131] : memref<32x80x1x125xi32, #tpu.memory_space<hbm>> -> memref<1x80x1x125xi32, #tpu.memory_space<hbm>>
      %dma_start3A_133 = tpu.memref_squeeze %dma_start3A_132 : memref<1x80x1x125xi32, #tpu.memory_space<hbm>> -> memref<80x1x125xi32, #tpu.memory_space<hbm>>
      %dma_start3A_134 = arith.constant 0 : i32
      %dma_start3A_135 = arith.constant 0 : i32
      %dma_start3A_136 = arith.constant 0 : i32
      %dma_start3A_137 = tpu.memref_slice %arg4[%add3A, %dma_start3A_134, %dma_start3A_135, %dma_start3A_136] : memref<32x80x1x125xi32, #tpu.memory_space<hbm>> -> memref<1x80x1x125xi32, #tpu.memory_space<hbm>>
      %dma_start3A_138 = tpu.memref_squeeze %dma_start3A_137 : memref<1x80x1x125xi32, #tpu.memory_space<hbm>> -> memref<80x1x125xi32, #tpu.memory_space<hbm>>
      tpu.enqueue_dma source(%dma_start3A_138 : memref<80x1x125xi32, #tpu.memory_space<hbm>>) target(%arg7 : memref<80x1x125xi32, #tpu.memory_space<vmem>>) target_semaphore(%run_scoped3A : memref<!tpu.dma_semaphore, #tpu.memory_space<semaphore_mem>>)
      %dma_wait3A = arith.constant 0 : i32
      %dma_wait3A_139 = arith.constant 0 : i32
      %dma_wait3A_140 = arith.constant 0 : i32
      %dma_wait3A_141 = tpu.memref_slice %arg4[%add3A, %dma_wait3A, %dma_wait3A_139, %dma_wait3A_140] : memref<32x80x1x125xi32, #tpu.memory_space<hbm>> -> memref<1x80x1x125xi32, #tpu.memory_space<hbm>>
      %dma_wait3A_142 = tpu.memref_squeeze %dma_wait3A_141 : memref<1x80x1x125xi32, #tpu.memory_space<hbm>> -> memref<80x1x125xi32, #tpu.memory_space<hbm>>
      %dma_wait3A_143 = arith.constant 0 : i32
      %dma_wait3A_144 = arith.constant 0 : i32
      %dma_wait3A_145 = arith.constant 0 : i32
      %dma_wait3A_146 = tpu.memref_slice %arg4[%add3A, %dma_wait3A_143, %dma_wait3A_144, %dma_wait3A_145] : memref<32x80x1x125xi32, #tpu.memory_space<hbm>> -> memref<1x80x1x125xi32, #tpu.memory_space<hbm>>
      %dma_wait3A_147 = tpu.memref_squeeze %dma_wait3A_146 : memref<1x80x1x125xi32, #tpu.memory_space<hbm>> -> memref<80x1x125xi32, #tpu.memory_space<hbm>>
      tpu.wait_dma2 semaphore(%run_scoped3A : memref<!tpu.dma_semaphore, #tpu.memory_space<semaphore_mem>>) src(%dma_wait3A_147 : memref<80x1x125xi32, #tpu.memory_space<hbm>>) dst(%arg7 : memref<80x1x125xi32, #tpu.memory_space<vmem>>)
      tpu.yield
    }) : () -> ()
    %scan3A = arith.constant 0 : i32
    %scan3A_1 = arith.constant 0 : i32
    %scan3A_2 = arith.constant 256 : i32
    %scan3A_3 = arith.addi %scan3A_1, %scan3A_2 : i32
    %scan3A_4 = arith.constant 1 : i32
    %scan3A_5 = scf.for %scan3A_129 = %scan3A_1 to %scan3A_3 step %scan3A_4 iter_args(%scan3A_130 = %scan3A) -> (i32)  : i32 {
      %broadcast_in_dim3A = arith.constant 0.000000e+00 : f32
      %broadcast_in_dim3A_131 = vector.broadcast %broadcast_in_dim3A : f32 to vector<16xf32>
      %jit3A = arith.constant 4 : i32
      %div3A = arith.divsi %scan3A_129, %jit3A : i32
      %sign3A = arith.constant 0 : i32
      %sign3A_132 = arith.cmpi sgt, %scan3A_129, %sign3A : i32
      %sign3A_133 = arith.extui %sign3A_132 : i1 to i32
      %sign3A_134 = arith.constant 0 : i32
      %sign3A_135 = arith.cmpi slt, %scan3A_129, %sign3A_134 : i32
      %sign3A_136 = arith.extui %sign3A_135 : i1 to i32
      %sign3A_137 = arith.subi %sign3A_133, %sign3A_136 : i32
      %sign3A_138 = arith.constant 0 : i32
      %sign3A_139 = arith.cmpi sgt, %jit3A, %sign3A_138 : i32
      %sign3A_140 = arith.extui %sign3A_139 : i1 to i32
      %sign3A_141 = arith.constant 0 : i32
      %sign3A_142 = arith.cmpi slt, %jit3A, %sign3A_141 : i32
      %sign3A_143 = arith.extui %sign3A_142 : i1 to i32
      %sign3A_144 = arith.subi %sign3A_140, %sign3A_143 : i32
      %ne3A = arith.cmpi ne, %sign3A_137, %sign3A_144 : i32
      %rem3A = arith.remsi %scan3A_129, %jit3A : i32
      %ne3A_145 = arith.constant 0 : i32
      %ne3A_146 = arith.cmpi ne, %rem3A, %ne3A_145 : i32
      %and3A = arith.andi %ne3A, %ne3A_146 : i1
      %sub3A = arith.constant 1 : i32
      %sub3A_147 = arith.subi %div3A, %sub3A : i32
      %select_n3A = arith.select %and3A, %sub3A_147, %div3A : i32
      %jit3A_148 = arith.constant 4 : i32
      %eq3A = arith.constant 0 : i32
      %eq3A_149 = arith.cmpi eq, %jit3A_148, %eq3A : i32
      %jit3A_150 = arith.constant 1 : i32
      %select_n3A_151 = arith.select %eq3A_149, %jit3A_150, %jit3A_148 : i32
      %rem3A_152 = arith.remsi %scan3A_129, %select_n3A_151 : i32
      %ne3A_153 = arith.constant 0 : i32
      %ne3A_154 = arith.cmpi ne, %rem3A_152, %ne3A_153 : i32
      %lt3A = arith.constant 0 : i32
      %lt3A_155 = arith.cmpi slt, %rem3A_152, %lt3A : i32
      %lt3A_156 = arith.constant 0 : i32
      %lt3A_157 = arith.cmpi slt, %select_n3A_151, %lt3A_156 : i32
      %ne3A_158 = arith.xori %lt3A_155, %lt3A_157 : i1
      %and3A_159 = arith.andi %ne3A_158, %ne3A_154 : i1
      %add3A_160 = arith.addi %rem3A_152, %select_n3A_151 : i32
      %select_n3A_161 = arith.select %and3A_159, %add3A_160, %rem3A_152 : i32
      %mul3A_162 = arith.constant 16 : i32
      %mul3A_163 = arith.muli %select_n3A_161, %mul3A_162 : i32
      %swap3A = arith.index_cast %select_n3A : i32 to index
      %swap3A_164 = arith.index_cast %mul3A_163 : i32 to index
      %swap3A_165 = tpu.vector_load %arg9[%swap3A, %swap3A_164] {strides = array<i32>} : memref<64x64xf32, #tpu.memory_space<vmem>>, vector<1x16xf32>,
      %swap3A_166 = vector.shape_cast %swap3A_165 : vector<1x16xf32> to vector<16xf32>
      %swap3A_167 = vector.shape_cast %broadcast_in_dim3A_131 : vector<16xf32> to vector<1x16xf32>
      tpu.vector_store %arg9[%swap3A, %swap3A_164], %swap3A_167 {strides = array<i32>} : memref<64x64xf32, #tpu.memory_space<vmem>>, vector<1x16xf32>,
      %scan3A_168 = arith.constant 0 : i32
      scf.yield %scan3A_168 : i32
    }
    %scan3A_6 = arith.constant 256 : i32
    %scan3A_7 = arith.constant 0 : i32
    %scan3A_8 = arith.constant 0 : i32
    %scan3A_9 = arith.constant 10 : i32
    %scan3A_10 = arith.addi %scan3A_8, %scan3A_9 : i32
    %scan3A_11 = arith.constant 1 : i32
    %scan3A_12 = scf.for %scan3A_129 = %scan3A_8 to %scan3A_10 step %scan3A_11 iter_args(%scan3A_130 = %scan3A_7) -> (i32)  : i32 {
      %mul3A_131 = arith.constant 640 : i32
      %mul3A_132 = arith.muli %arg1, %mul3A_131 : i32
      %mul3A_133 = arith.constant 64 : i32
      %mul3A_134 = arith.muli %scan3A_129, %mul3A_133 : i32
      %add3A_135 = arith.addi %mul3A_132, %mul3A_134 : i32
      "tpu.region"() ({
        %run_scoped3A = tpu.sem_alloc : memref<!tpu.dma_semaphore, #tpu.memory_space<semaphore_mem>>
        %dma_start3A_137 = arith.constant 0 : i32
        %dma_start3A_138 = tpu.memref_slice %arg10[%add3A_135, %dma_start3A_137] : memref<10240x64xf32, #tpu.memory_space<vmem_shared>> -> memref<64x64xf32, #tpu.memory_space<vmem_shared>>
        %dma_start3A_139 = arith.constant 0 : i32
        %dma_start3A_140 = tpu.memref_slice %arg10[%add3A_135, %dma_start3A_139] : memref<10240x64xf32, #tpu.memory_space<vmem_shared>> -> memref<64x64xf32, #tpu.memory_space<vmem_shared>>
        tpu.enqueue_dma source(%arg9 : memref<64x64xf32, #tpu.memory_space<vmem>>) target(%dma_start3A_140 : memref<64x64xf32, #tpu.memory_space<vmem_shared>>) target_semaphore(%run_scoped3A : memref<!tpu.dma_semaphore, #tpu.memory_space<semaphore_mem>>)
        %dma_wait3A = arith.constant 0 : i32
        %dma_wait3A_141 = tpu.memref_slice %arg10[%add3A_135, %dma_wait3A] : memref<10240x64xf32, #tpu.memory_space<vmem_shared>> -> memref<64x64xf32, #tpu.memory_space<vmem_shared>>
        %dma_wait3A_142 = arith.constant 0 : i32
        %dma_wait3A_143 = tpu.memref_slice %arg10[%add3A_135, %dma_wait3A_142] : memref<10240x64xf32, #tpu.memory_space<vmem_shared>> -> memref<64x64xf32, #tpu.memory_space<vmem_shared>>
        tpu.wait_dma2 semaphore(%run_scoped3A : memref<!tpu.dma_semaphore, #tpu.memory_space<semaphore_mem>>) src(%arg9 : memref<64x64xf32, #tpu.memory_space<vmem>>) dst(%dma_wait3A_143 : memref<64x64xf32, #tpu.memory_space<vmem_shared>>)
        tpu.yield
      }) : () -> ()
      %scan3A_136 = arith.constant 0 : i32
      scf.yield %scan3A_136 : i32
    }
    %scan3A_13 = arith.constant 10 : i32
    %barrier3A = arith.constant 0 : index
    tpu.barrier barrier_id(%barrier3A)
    %dma_start3A = arith.constant 0 : i32
    %dma_start3A_14 = arith.constant 0 : i32
    %dma_start3A_15 = arith.constant 0 : i32
    %dma_start3A_16 = arith.constant 0 : i32
    %dma_start3A_17 = arith.constant 0 : i32
    %dma_start3A_18 = tpu.memref_slice %arg8[%dma_start3A_15, %dma_start3A_16, %dma_start3A_17] : memref<8x125x64xf32, #tpu.memory_space<vmem>> -> memref<1x125x64xf32, #tpu.memory_space<vmem>>
    %dma_start3A_19 = tpu.memref_squeeze %dma_start3A_18 : memref<1x125x64xf32, #tpu.memory_space<vmem>> -> memref<125x64xf32, #tpu.memory_space<vmem>>
    %dma_start3A_20 = arith.constant 0 : i32
    %dma_start3A_21 = tpu.memref_slice %arg6[%dma_start3A, %dma_start3A_14, %dma_start3A_20] : memref<80x1x125xi32, #tpu.memory_space<vmem>> -> memref<1x1x125xi32, #tpu.memory_space<vmem>>
    %dma_start3A_22 = tpu.memref_squeeze %dma_start3A_21 : memref<1x1x125xi32, #tpu.memory_space<vmem>> -> memref<125xi32, #tpu.memory_space<vmem>>
    %dma_start3A_23 = arith.constant 0 : i32
    %dma_start3A_24 = arith.constant 0 : i32
    %dma_start3A_25 = tpu.memref_slice %arg2[%dma_start3A_23, %dma_start3A_24] : memref<10240x64xf32, #tpu.memory_space<hbm>> -> memref<10240x64xf32, #tpu.memory_space<hbm>>
    tpu.enqueue_indirect_dma source(%dma_start3A_25 : memref<10240x64xf32, #tpu.memory_space<hbm>>) target(%dma_start3A_19 : memref<125x64xf32, #tpu.memory_space<vmem>>) offsets(%dma_start3A_22 : memref<125xi32, #tpu.memory_space<vmem>>) semaphore(%arg11 : memref<!tpu.dma_semaphore, #tpu.memory_space<semaphore_mem>>)
    %dma_start3A_26 = arith.constant 1 : i32
    %dma_start3A_27 = arith.constant 0 : i32
    %dma_start3A_28 = arith.constant 1 : i32
    %dma_start3A_29 = arith.constant 0 : i32
    %dma_start3A_30 = arith.constant 0 : i32
    %dma_start3A_31 = tpu.memref_slice %arg8[%dma_start3A_28, %dma_start3A_29, %dma_start3A_30] : memref<8x125x64xf32, #tpu.memory_space<vmem>> -> memref<1x125x64xf32, #tpu.memory_space<vmem>>
    %dma_start3A_32 = tpu.memref_squeeze %dma_start3A_31 : memref<1x125x64xf32, #tpu.memory_space<vmem>> -> memref<125x64xf32, #tpu.memory_space<vmem>>
    %dma_start3A_33 = arith.constant 0 : i32
    %dma_start3A_34 = tpu.memref_slice %arg6[%dma_start3A_26, %dma_start3A_27, %dma_start3A_33] : memref<80x1x125xi32, #tpu.memory_space<vmem>> -> memref<1x1x125xi32, #tpu.memory_space<vmem>>
    %dma_start3A_35 = tpu.memref_squeeze %dma_start3A_34 : memref<1x1x125xi32, #tpu.memory_space<vmem>> -> memref<125xi32, #tpu.memory_space<vmem>>
    %dma_start3A_36 = arith.constant 0 : i32
    %dma_start3A_37 = arith.constant 0 : i32
    %dma_start3A_38 = tpu.memref_slice %arg2[%dma_start3A_36, %dma_start3A_37] : memref<10240x64xf32, #tpu.memory_space<hbm>> -> memref<10240x64xf32, #tpu.memory_space<hbm>>
    tpu.enqueue_indirect_dma source(%dma_start3A_38 : memref<10240x64xf32, #tpu.memory_space<hbm>>) target(%dma_start3A_32 : memref<125x64xf32, #tpu.memory_space<vmem>>) offsets(%dma_start3A_35 : memref<125xi32, #tpu.memory_space<vmem>>) semaphore(%arg12 : memref<!tpu.dma_semaphore, #tpu.memory_space<semaphore_mem>>)
    %dma_start3A_39 = arith.constant 2 : i32
    %dma_start3A_40 = arith.constant 0 : i32
    %dma_start3A_41 = arith.constant 2 : i32
    %dma_start3A_42 = arith.constant 0 : i32
    %dma_start3A_43 = arith.constant 0 : i32
    %dma_start3A_44 = tpu.memref_slice %arg8[%dma_start3A_41, %dma_start3A_42, %dma_start3A_43] : memref<8x125x64xf32, #tpu.memory_space<vmem>> -> memref<1x125x64xf32, #tpu.memory_space<vmem>>
    %dma_start3A_45 = tpu.memref_squeeze %dma_start3A_44 : memref<1x125x64xf32, #tpu.memory_space<vmem>> -> memref<125x64xf32, #tpu.memory_space<vmem>>
    %dma_start3A_46 = arith.constant 0 : i32
    %dma_start3A_47 = tpu.memref_slice %arg6[%dma_start3A_39, %dma_start3A_40, %dma_start3A_46] : memref<80x1x125xi32, #tpu.memory_space<vmem>> -> memref<1x1x125xi32, #tpu.memory_space<vmem>>
    %dma_start3A_48 = tpu.memref_squeeze %dma_start3A_47 : memref<1x1x125xi32, #tpu.memory_space<vmem>> -> memref<125xi32, #tpu.memory_space<vmem>>
    %dma_start3A_49 = arith.constant 0 : i32
    %dma_start3A_50 = arith.constant 0 : i32
    %dma_start3A_51 = tpu.memref_slice %arg2[%dma_start3A_49, %dma_start3A_50] : memref<10240x64xf32, #tpu.memory_space<hbm>> -> memref<10240x64xf32, #tpu.memory_space<hbm>>
    tpu.enqueue_indirect_dma source(%dma_start3A_51 : memref<10240x64xf32, #tpu.memory_space<hbm>>) target(%dma_start3A_45 : memref<125x64xf32, #tpu.memory_space<vmem>>) offsets(%dma_start3A_48 : memref<125xi32, #tpu.memory_space<vmem>>) semaphore(%arg13 : memref<!tpu.dma_semaphore, #tpu.memory_space<semaphore_mem>>)
    %dma_start3A_52 = arith.constant 3 : i32
    %dma_start3A_53 = arith.constant 0 : i32
    %dma_start3A_54 = arith.constant 3 : i32
    %dma_start3A_55 = arith.constant 0 : i32
    %dma_start3A_56 = arith.constant 0 : i32
    %dma_start3A_57 = tpu.memref_slice %arg8[%dma_start3A_54, %dma_start3A_55, %dma_start3A_56] : memref<8x125x64xf32, #tpu.memory_space<vmem>> -> memref<1x125x64xf32, #tpu.memory_space<vmem>>
    %dma_start3A_58 = tpu.memref_squeeze %dma_start3A_57 : memref<1x125x64xf32, #tpu.memory_space<vmem>> -> memref<125x64xf32, #tpu.memory_space<vmem>>
    %dma_start3A_59 = arith.constant 0 : i32
    %dma_start3A_60 = tpu.memref_slice %arg6[%dma_start3A_52, %dma_start3A_53, %dma_start3A_59] : memref<80x1x125xi32, #tpu.memory_space<vmem>> -> memref<1x1x125xi32, #tpu.memory_space<vmem>>
    %dma_start3A_61 = tpu.memref_squeeze %dma_start3A_60 : memref<1x1x125xi32, #tpu.memory_space<vmem>> -> memref<125xi32, #tpu.memory_space<vmem>>
    %dma_start3A_62 = arith.constant 0 : i32
    %dma_start3A_63 = arith.constant 0 : i32
    %dma_start3A_64 = tpu.memref_slice %arg2[%dma_start3A_62, %dma_start3A_63] : memref<10240x64xf32, #tpu.memory_space<hbm>> -> memref<10240x64xf32, #tpu.memory_space<hbm>>
    tpu.enqueue_indirect_dma source(%dma_start3A_64 : memref<10240x64xf32, #tpu.memory_space<hbm>>) target(%dma_start3A_58 : memref<125x64xf32, #tpu.memory_space<vmem>>) offsets(%dma_start3A_61 : memref<125xi32, #tpu.memory_space<vmem>>) semaphore(%arg14 : memref<!tpu.dma_semaphore, #tpu.memory_space<semaphore_mem>>)
    %dma_start3A_65 = arith.constant 4 : i32
    %dma_start3A_66 = arith.constant 0 : i32
    %dma_start3A_67 = arith.constant 4 : i32
    %dma_start3A_68 = arith.constant 0 : i32
    %dma_start3A_69 = arith.constant 0 : i32
    %dma_start3A_70 = tpu.memref_slice %arg8[%dma_start3A_67, %dma_start3A_68, %dma_start3A_69] : memref<8x125x64xf32, #tpu.memory_space<vmem>> -> memref<1x125x64xf32, #tpu.memory_space<vmem>>
    %dma_start3A_71 = tpu.memref_squeeze %dma_start3A_70 : memref<1x125x64xf32, #tpu.memory_space<vmem>> -> memref<125x64xf32, #tpu.memory_space<vmem>>
    %dma_start3A_72 = arith.constant 0 : i32
    %dma_start3A_73 = tpu.memref_slice %arg6[%dma_start3A_65, %dma_start3A_66, %dma_start3A_72] : memref<80x1x125xi32, #tpu.memory_space<vmem>> -> memref<1x1x125xi32, #tpu.memory_space<vmem>>
    %dma_start3A_74 = tpu.memref_squeeze %dma_start3A_73 : memref<1x1x125xi32, #tpu.memory_space<vmem>> -> memref<125xi32, #tpu.memory_space<vmem>>
    %dma_start3A_75 = arith.constant 0 : i32
    %dma_start3A_76 = arith.constant 0 : i32
    %dma_start3A_77 = tpu.memref_slice %arg2[%dma_start3A_75, %dma_start3A_76] : memref<10240x64xf32, #tpu.memory_space<hbm>> -> memref<10240x64xf32, #tpu.memory_space<hbm>>
    tpu.enqueue_indirect_dma source(%dma_start3A_77 : memref<10240x64xf32, #tpu.memory_space<hbm>>) target(%dma_start3A_71 : memref<125x64xf32, #tpu.memory_space<vmem>>) offsets(%dma_start3A_74 : memref<125xi32, #tpu.memory_space<vmem>>) semaphore(%arg15 : memref<!tpu.dma_semaphore, #tpu.memory_space<semaphore_mem>>)
    %dma_start3A_78 = arith.constant 5 : i32
    %dma_start3A_79 = arith.constant 0 : i32
    %dma_start3A_80 = arith.constant 5 : i32
    %dma_start3A_81 = arith.constant 0 : i32
    %dma_start3A_82 = arith.constant 0 : i32
    %dma_start3A_83 = tpu.memref_slice %arg8[%dma_start3A_80, %dma_start3A_81, %dma_start3A_82] : memref<8x125x64xf32, #tpu.memory_space<vmem>> -> memref<1x125x64xf32, #tpu.memory_space<vmem>>
    %dma_start3A_84 = tpu.memref_squeeze %dma_start3A_83 : memref<1x125x64xf32, #tpu.memory_space<vmem>> -> memref<125x64xf32, #tpu.memory_space<vmem>>
    %dma_start3A_85 = arith.constant 0 : i32
    %dma_start3A_86 = tpu.memref_slice %arg6[%dma_start3A_78, %dma_start3A_79, %dma_start3A_85] : memref<80x1x125xi32, #tpu.memory_space<vmem>> -> memref<1x1x125xi32, #tpu.memory_space<vmem>>
    %dma_start3A_87 = tpu.memref_squeeze %dma_start3A_86 : memref<1x1x125xi32, #tpu.memory_space<vmem>> -> memref<125xi32, #tpu.memory_space<vmem>>
    %dma_start3A_88 = arith.constant 0 : i32
    %dma_start3A_89 = arith.constant 0 : i32
    %dma_start3A_90 = tpu.memref_slice %arg2[%dma_start3A_88, %dma_start3A_89] : memref<10240x64xf32, #tpu.memory_space<hbm>> -> memref<10240x64xf32, #tpu.memory_space<hbm>>
    tpu.enqueue_indirect_dma source(%dma_start3A_90 : memref<10240x64xf32, #tpu.memory_space<hbm>>) target(%dma_start3A_84 : memref<125x64xf32, #tpu.memory_space<vmem>>) offsets(%dma_start3A_87 : memref<125xi32, #tpu.memory_space<vmem>>) semaphore(%arg16 : memref<!tpu.dma_semaphore, #tpu.memory_space<semaphore_mem>>)
    %dma_start3A_91 = arith.constant 6 : i32
    %dma_start3A_92 = arith.constant 0 : i32
    %dma_start3A_93 = arith.constant 6 : i32
    %dma_start3A_94 = arith.constant 0 : i32
    %dma_start3A_95 = arith.constant 0 : i32
    %dma_start3A_96 = tpu.memref_slice %arg8[%dma_start3A_93, %dma_start3A_94, %dma_start3A_95] : memref<8x125x64xf32, #tpu.memory_space<vmem>> -> memref<1x125x64xf32, #tpu.memory_space<vmem>>
    %dma_start3A_97 = tpu.memref_squeeze %dma_start3A_96 : memref<1x125x64xf32, #tpu.memory_space<vmem>> -> memref<125x64xf32, #tpu.memory_space<vmem>>
    %dma_start3A_98 = arith.constant 0 : i32
    %dma_start3A_99 = tpu.memref_slice %arg6[%dma_start3A_91, %dma_start3A_92, %dma_start3A_98] : memref<80x1x125xi32, #tpu.memory_space<vmem>> -> memref<1x1x125xi32, #tpu.memory_space<vmem>>
    %dma_start3A_100 = tpu.memref_squeeze %dma_start3A_99 : memref<1x1x125xi32, #tpu.memory_space<vmem>> -> memref<125xi32, #tpu.memory_space<vmem>>
    %dma_start3A_101 = arith.constant 0 : i32
    %dma_start3A_102 = arith.constant 0 : i32
    %dma_start3A_103 = tpu.memref_slice %arg2[%dma_start3A_101, %dma_start3A_102] : memref<10240x64xf32, #tpu.memory_space<hbm>> -> memref<10240x64xf32, #tpu.memory_space<hbm>>
    tpu.enqueue_indirect_dma source(%dma_start3A_103 : memref<10240x64xf32, #tpu.memory_space<hbm>>) target(%dma_start3A_97 : memref<125x64xf32, #tpu.memory_space<vmem>>) offsets(%dma_start3A_100 : memref<125xi32, #tpu.memory_space<vmem>>) semaphore(%arg17 : memref<!tpu.dma_semaphore, #tpu.memory_space<semaphore_mem>>)
    %dma_start3A_104 = arith.constant 7 : i32
    %dma_start3A_105 = arith.constant 0 : i32
    %dma_start3A_106 = arith.constant 7 : i32
    %dma_start3A_107 = arith.constant 0 : i32
    %dma_start3A_108 = arith.constant 0 : i32
    %dma_start3A_109 = tpu.memref_slice %arg8[%dma_start3A_106, %dma_start3A_107, %dma_start3A_108] : memref<8x125x64xf32, #tpu.memory_space<vmem>> -> memref<1x125x64xf32, #tpu.memory_space<vmem>>
    %dma_start3A_110 = tpu.memref_squeeze %dma_start3A_109 : memref<1x125x64xf32, #tpu.memory_space<vmem>> -> memref<125x64xf32, #tpu.memory_space<vmem>>
    %dma_start3A_111 = arith.constant 0 : i32
    %dma_start3A_112 = tpu.memref_slice %arg6[%dma_start3A_104, %dma_start3A_105, %dma_start3A_111] : memref<80x1x125xi32, #tpu.memory_space<vmem>> -> memref<1x1x125xi32, #tpu.memory_space<vmem>>
    %dma_start3A_113 = tpu.memref_squeeze %dma_start3A_112 : memref<1x1x125xi32, #tpu.memory_space<vmem>> -> memref<125xi32, #tpu.memory_space<vmem>>
    %dma_start3A_114 = arith.constant 0 : i32
    %dma_start3A_115 = arith.constant 0 : i32
    %dma_start3A_116 = tpu.memref_slice %arg2[%dma_start3A_114, %dma_start3A_115] : memref<10240x64xf32, #tpu.memory_space<hbm>> -> memref<10240x64xf32, #tpu.memory_space<hbm>>
    tpu.enqueue_indirect_dma source(%dma_start3A_116 : memref<10240x64xf32, #tpu.memory_space<hbm>>) target(%dma_start3A_110 : memref<125x64xf32, #tpu.memory_space<vmem>>) offsets(%dma_start3A_113 : memref<125xi32, #tpu.memory_space<vmem>>) semaphore(%arg18 : memref<!tpu.dma_semaphore, #tpu.memory_space<semaphore_mem>>)
    %scan3A_117 = arith.constant 0 : i32
    %scan3A_118 = arith.constant 0 : i32
    %scan3A_119 = arith.constant 10 : i32
    %scan3A_120 = arith.addi %scan3A_118, %scan3A_119 : i32
    %scan3A_121 = arith.constant 1 : i32
    %scan3A_122 = scf.for %scan3A_129 = %scan3A_118 to %scan3A_120 step %scan3A_121 iter_args(%scan3A_130 = %scan3A_117) -> (i32)  : i32 {
      %mul3A_131 = arith.constant 8 : i32
      %mul3A_132 = arith.muli %scan3A_129, %mul3A_131 : i32
      %add3A_133 = arith.constant 0 : i32
      %add3A_134 = arith.addi %mul3A_132, %add3A_133 : i32
      %dma_wait3A = arith.constant 0 : i32
      %dma_wait3A_135 = arith.constant 0 : i32
      %dma_wait3A_136 = arith.constant 0 : i32
      %dma_wait3A_137 = arith.constant 0 : i32
      %dma_wait3A_138 = tpu.memref_slice %arg8[%dma_wait3A_135, %dma_wait3A_136, %dma_wait3A_137] : memref<8x125x64xf32, #tpu.memory_space<vmem>> -> memref<1x125x64xf32, #tpu.memory_space<vmem>>
      %dma_wait3A_139 = tpu.memref_squeeze %dma_wait3A_138 : memref<1x125x64xf32, #tpu.memory_space<vmem>> -> memref<125x64xf32, #tpu.memory_space<vmem>>
      %dma_wait3A_140 = arith.constant 0 : i32
      %dma_wait3A_141 = tpu.memref_slice %arg6[%add3A_134, %dma_wait3A, %dma_wait3A_140] : memref<80x1x125xi32, #tpu.memory_space<vmem>> -> memref<1x1x125xi32, #tpu.memory_space<vmem>>
      %dma_wait3A_142 = tpu.memref_squeeze %dma_wait3A_141 : memref<1x1x125xi32, #tpu.memory_space<vmem>> -> memref<125xi32, #tpu.memory_space<vmem>>
      %dma_wait3A_143 = arith.constant 0 : i32
      %dma_wait3A_144 = arith.constant 0 : i32
      %dma_wait3A_145 = tpu.memref_slice %arg2[%dma_wait3A_143, %dma_wait3A_144] : memref<10240x64xf32, #tpu.memory_space<hbm>> -> memref<10240x64xf32, #tpu.memory_space<hbm>>
      tpu.wait_indirect_dma semaphore(%arg11 : memref<!tpu.dma_semaphore, #tpu.memory_space<semaphore_mem>>) src(%dma_wait3A_145 : memref<10240x64xf32, #tpu.memory_space<hbm>>) dst(%dma_wait3A_139 : memref<125x64xf32, #tpu.memory_space<vmem>>)
      %run_scoped3A = arith.constant 0 : i32
      %run_scoped3A_146 = arith.constant 0 : i32
      "tpu.region"() ({
        %run_scoped3A_327 = tpu.sem_alloc : memref<!tpu.dma_semaphore, #tpu.memory_space<semaphore_mem>>
        %dma_start3A_328 = arith.constant 0 : i32
        %dma_start3A_329 = arith.constant 0 : i32
        %dma_start3A_330 = tpu.memref_slice %arg8[%run_scoped3A, %dma_start3A_328, %dma_start3A_329] : memref<8x125x64xf32, #tpu.memory_space<vmem>> -> memref<1x125x64xf32, #tpu.memory_space<vmem>>
        %dma_start3A_331 = tpu.memref_squeeze %dma_start3A_330 : memref<1x125x64xf32, #tpu.memory_space<vmem>> -> memref<125x64xf32, #tpu.memory_space<vmem>>
        %dma_start3A_332 = arith.constant 0 : i32
        %dma_start3A_333 = tpu.memref_slice %arg7[%add3A_134, %run_scoped3A_146, %dma_start3A_332] : memref<80x1x125xi32, #tpu.memory_space<vmem>> -> memref<1x1x125xi32, #tpu.memory_space<vmem>>
        %dma_start3A_334 = tpu.memref_squeeze %dma_start3A_333 : memref<1x1x125xi32, #tpu.memory_space<vmem>> -> memref<125xi32, #tpu.memory_space<vmem>>
        %dma_start3A_335 = arith.constant 0 : i32
        %dma_start3A_336 = arith.constant 0 : i32
        %dma_start3A_337 = tpu.memref_slice %arg10[%dma_start3A_335, %dma_start3A_336] : memref<10240x64xf32, #tpu.memory_space<vmem_shared>> -> memref<10240x64xf32, #tpu.memory_space<vmem_shared>>
        tpu.enqueue_indirect_dma source(%dma_start3A_331 : memref<125x64xf32, #tpu.memory_space<vmem>>) target(%dma_start3A_337 : memref<10240x64xf32, #tpu.memory_space<vmem_shared>>) offsets(%dma_start3A_334 : memref<125xi32, #tpu.memory_space<vmem>>) semaphore(%run_scoped3A_327 : memref<!tpu.dma_semaphore, #tpu.memory_space<semaphore_mem>>) {add = true}
        %dma_wait3A_338 = arith.constant 0 : i32
        %dma_wait3A_339 = arith.constant 0 : i32
        %dma_wait3A_340 = tpu.memref_slice %arg8[%run_scoped3A, %dma_wait3A_338, %dma_wait3A_339] : memref<8x125x64xf32, #tpu.memory_space<vmem>> -> memref<1x125x64xf32, #tpu.memory_space<vmem>>
        %dma_wait3A_341 = tpu.memref_squeeze %dma_wait3A_340 : memref<1x125x64xf32, #tpu.memory_space<vmem>> -> memref<125x64xf32, #tpu.memory_space<vmem>>
        %dma_wait3A_342 = arith.constant 0 : i32
        %dma_wait3A_343 = tpu.memref_slice %arg7[%add3A_134, %run_scoped3A_146, %dma_wait3A_342] : memref<80x1x125xi32, #tpu.memory_space<vmem>> -> memref<1x1x125xi32, #tpu.memory_space<vmem>>
        %dma_wait3A_344 = tpu.memref_squeeze %dma_wait3A_343 : memref<1x1x125xi32, #tpu.memory_space<vmem>> -> memref<125xi32, #tpu.memory_space<vmem>>
        %dma_wait3A_345 = arith.constant 0 : i32
        %dma_wait3A_346 = arith.constant 0 : i32
        %dma_wait3A_347 = tpu.memref_slice %arg10[%dma_wait3A_345, %dma_wait3A_346] : memref<10240x64xf32, #tpu.memory_space<vmem_shared>> -> memref<10240x64xf32, #tpu.memory_space<vmem_shared>>
        tpu.wait_indirect_dma semaphore(%run_scoped3A_327 : memref<!tpu.dma_semaphore, #tpu.memory_space<semaphore_mem>>) src(%dma_wait3A_341 : memref<125x64xf32, #tpu.memory_space<vmem>>) dst(%dma_wait3A_347 : memref<10240x64xf32, #tpu.memory_space<vmem_shared>>)
        tpu.yield
      }) : () -> ()
      %add3A_147 = arith.constant 8 : i32
      %add3A_148 = arith.addi %add3A_134, %add3A_147 : i32
      %lt3A = arith.constant 80 : i32
      %lt3A_149 = arith.cmpi slt, %add3A_148, %lt3A : i32
      %convert_element_type3A = arith.extui %lt3A_149 : i1 to i32
      %cond3A = arith.constant 0 : i32
      %cond3A_150 = arith.cmpi ne, %convert_element_type3A, %cond3A : i32
      scf.if %cond3A_150 {
        %add3A_327 = arith.constant 8 : i32
        %add3A_328 = arith.addi %add3A_134, %add3A_327 : i32
        %dma_start3A_329 = arith.constant 0 : i32
        %dma_start3A_330 = arith.constant 0 : i32
        %dma_start3A_331 = arith.constant 0 : i32
        %dma_start3A_332 = arith.constant 0 : i32
        %dma_start3A_333 = tpu.memref_slice %arg8[%dma_start3A_330, %dma_start3A_331, %dma_start3A_332] : memref<8x125x64xf32, #tpu.memory_space<vmem>> -> memref<1x125x64xf32, #tpu.memory_space<vmem>>
        %dma_start3A_334 = tpu.memref_squeeze %dma_start3A_333 : memref<1x125x64xf32, #tpu.memory_space<vmem>> -> memref<125x64xf32, #tpu.memory_space<vmem>>
        %dma_start3A_335 = arith.constant 0 : i32
        %dma_start3A_336 = tpu.memref_slice %arg6[%add3A_328, %dma_start3A_329, %dma_start3A_335] : memref<80x1x125xi32, #tpu.memory_space<vmem>> -> memref<1x1x125xi32, #tpu.memory_space<vmem>>
        %dma_start3A_337 = tpu.memref_squeeze %dma_start3A_336 : memref<1x1x125xi32, #tpu.memory_space<vmem>> -> memref<125xi32, #tpu.memory_space<vmem>>
        %dma_start3A_338 = arith.constant 0 : i32
        %dma_start3A_339 = arith.constant 0 : i32
        %dma_start3A_340 = tpu.memref_slice %arg2[%dma_start3A_338, %dma_start3A_339] : memref<10240x64xf32, #tpu.memory_space<hbm>> -> memref<10240x64xf32, #tpu.memory_space<hbm>>
        tpu.enqueue_indirect_dma source(%dma_start3A_340 : memref<10240x64xf32, #tpu.memory_space<hbm>>) target(%dma_start3A_334 : memref<125x64xf32, #tpu.memory_space<vmem>>) offsets(%dma_start3A_337 : memref<125xi32, #tpu.memory_space<vmem>>) semaphore(%arg11 : memref<!tpu.dma_semaphore, #tpu.memory_space<semaphore_mem>>)
      } else {
      }
      %mul3A_151 = arith.constant 8 : i32
      %mul3A_152 = arith.muli %scan3A_129, %mul3A_151 : i32
      %add3A_153 = arith.constant 1 : i32
      %add3A_154 = arith.addi %mul3A_152, %add3A_153 : i32
      %dma_wait3A_155 = arith.constant 0 : i32
      %dma_wait3A_156 = arith.constant 1 : i32
      %dma_wait3A_157 = arith.constant 0 : i32
      %dma_wait3A_158 = arith.constant 0 : i32
      %dma_wait3A_159 = tpu.memref_slice %arg8[%dma_wait3A_156, %dma_wait3A_157, %dma_wait3A_158] : memref<8x125x64xf32, #tpu.memory_space<vmem>> -> memref<1x125x64xf32, #tpu.memory_space<vmem>>
      %dma_wait3A_160 = tpu.memref_squeeze %dma_wait3A_159 : memref<1x125x64xf32, #tpu.memory_space<vmem>> -> memref<125x64xf32, #tpu.memory_space<vmem>>
      %dma_wait3A_161 = arith.constant 0 : i32
      %dma_wait3A_162 = tpu.memref_slice %arg6[%add3A_154, %dma_wait3A_155, %dma_wait3A_161] : memref<80x1x125xi32, #tpu.memory_space<vmem>> -> memref<1x1x125xi32, #tpu.memory_space<vmem>>
      %dma_wait3A_163 = tpu.memref_squeeze %dma_wait3A_162 : memref<1x1x125xi32, #tpu.memory_space<vmem>> -> memref<125xi32, #tpu.memory_space<vmem>>
      %dma_wait3A_164 = arith.constant 0 : i32
      %dma_wait3A_165 = arith.constant 0 : i32
      %dma_wait3A_166 = tpu.memref_slice %arg2[%dma_wait3A_164, %dma_wait3A_165] : memref<10240x64xf32, #tpu.memory_space<hbm>> -> memref<10240x64xf32, #tpu.memory_space<hbm>>
      tpu.wait_indirect_dma semaphore(%arg12 : memref<!tpu.dma_semaphore, #tpu.memory_space<semaphore_mem>>) src(%dma_wait3A_166 : memref<10240x64xf32, #tpu.memory_space<hbm>>) dst(%dma_wait3A_160 : memref<125x64xf32, #tpu.memory_space<vmem>>)
      %run_scoped3A_167 = arith.constant 1 : i32
      %run_scoped3A_168 = arith.constant 0 : i32
      "tpu.region"() ({
        %run_scoped3A_327 = tpu.sem_alloc : memref<!tpu.dma_semaphore, #tpu.memory_space<semaphore_mem>>
        %dma_start3A_328 = arith.constant 0 : i32
        %dma_start3A_329 = arith.constant 0 : i32
        %dma_start3A_330 = tpu.memref_slice %arg8[%run_scoped3A_167, %dma_start3A_328, %dma_start3A_329] : memref<8x125x64xf32, #tpu.memory_space<vmem>> -> memref<1x125x64xf32, #tpu.memory_space<vmem>>
        %dma_start3A_331 = tpu.memref_squeeze %dma_start3A_330 : memref<1x125x64xf32, #tpu.memory_space<vmem>> -> memref<125x64xf32, #tpu.memory_space<vmem>>
        %dma_start3A_332 = arith.constant 0 : i32
        %dma_start3A_333 = tpu.memref_slice %arg7[%add3A_154, %run_scoped3A_168, %dma_start3A_332] : memref<80x1x125xi32, #tpu.memory_space<vmem>> -> memref<1x1x125xi32, #tpu.memory_space<vmem>>
        %dma_start3A_334 = tpu.memref_squeeze %dma_start3A_333 : memref<1x1x125xi32, #tpu.memory_space<vmem>> -> memref<125xi32, #tpu.memory_space<vmem>>
        %dma_start3A_335 = arith.constant 0 : i32
        %dma_start3A_336 = arith.constant 0 : i32
        %dma_start3A_337 = tpu.memref_slice %arg10[%dma_start3A_335, %dma_start3A_336] : memref<10240x64xf32, #tpu.memory_space<vmem_shared>> -> memref<10240x64xf32, #tpu.memory_space<vmem_shared>>
        tpu.enqueue_indirect_dma source(%dma_start3A_331 : memref<125x64xf32, #tpu.memory_space<vmem>>) target(%dma_start3A_337 : memref<10240x64xf32, #tpu.memory_space<vmem_shared>>) offsets(%dma_start3A_334 : memref<125xi32, #tpu.memory_space<vmem>>) semaphore(%run_scoped3A_327 : memref<!tpu.dma_semaphore, #tpu.memory_space<semaphore_mem>>) {add = true}
        %dma_wait3A_338 = arith.constant 0 : i32
        %dma_wait3A_339 = arith.constant 0 : i32
        %dma_wait3A_340 = tpu.memref_slice %arg8[%run_scoped3A_167, %dma_wait3A_338, %dma_wait3A_339] : memref<8x125x64xf32, #tpu.memory_space<vmem>> -> memref<1x125x64xf32, #tpu.memory_space<vmem>>
        %dma_wait3A_341 = tpu.memref_squeeze %dma_wait3A_340 : memref<1x125x64xf32, #tpu.memory_space<vmem>> -> memref<125x64xf32, #tpu.memory_space<vmem>>
        %dma_wait3A_342 = arith.constant 0 : i32
        %dma_wait3A_343 = tpu.memref_slice %arg7[%add3A_154, %run_scoped3A_168, %dma_wait3A_342] : memref<80x1x125xi32, #tpu.memory_space<vmem>> -> memref<1x1x125xi32, #tpu.memory_space<vmem>>
        %dma_wait3A_344 = tpu.memref_squeeze %dma_wait3A_343 : memref<1x1x125xi32, #tpu.memory_space<vmem>> -> memref<125xi32, #tpu.memory_space<vmem>>
        %dma_wait3A_345 = arith.constant 0 : i32
        %dma_wait3A_346 = arith.constant 0 : i32
        %dma_wait3A_347 = tpu.memref_slice %arg10[%dma_wait3A_345, %dma_wait3A_346] : memref<10240x64xf32, #tpu.memory_space<vmem_shared>> -> memref<10240x64xf32, #tpu.memory_space<vmem_shared>>
        tpu.wait_indirect_dma semaphore(%run_scoped3A_327 : memref<!tpu.dma_semaphore, #tpu.memory_space<semaphore_mem>>) src(%dma_wait3A_341 : memref<125x64xf32, #tpu.memory_space<vmem>>) dst(%dma_wait3A_347 : memref<10240x64xf32, #tpu.memory_space<vmem_shared>>)
        tpu.yield
      }) : () -> ()
      %add3A_169 = arith.constant 8 : i32
      %add3A_170 = arith.addi %add3A_154, %add3A_169 : i32
      %lt3A_171 = arith.constant 80 : i32
      %lt3A_172 = arith.cmpi slt, %add3A_170, %lt3A_171 : i32
      %convert_element_type3A_173 = arith.extui %lt3A_172 : i1 to i32
      %cond3A_174 = arith.constant 0 : i32
      %cond3A_175 = arith.cmpi ne, %convert_element_type3A_173, %cond3A_174 : i32
      scf.if %cond3A_175 {
        %add3A_327 = arith.constant 8 : i32
        %add3A_328 = arith.addi %add3A_154, %add3A_327 : i32
        %dma_start3A_329 = arith.constant 0 : i32
        %dma_start3A_330 = arith.constant 1 : i32
        %dma_start3A_331 = arith.constant 0 : i32
        %dma_start3A_332 = arith.constant 0 : i32
        %dma_start3A_333 = tpu.memref_slice %arg8[%dma_start3A_330, %dma_start3A_331, %dma_start3A_332] : memref<8x125x64xf32, #tpu.memory_space<vmem>> -> memref<1x125x64xf32, #tpu.memory_space<vmem>>
        %dma_start3A_334 = tpu.memref_squeeze %dma_start3A_333 : memref<1x125x64xf32, #tpu.memory_space<vmem>> -> memref<125x64xf32, #tpu.memory_space<vmem>>
        %dma_start3A_335 = arith.constant 0 : i32
        %dma_start3A_336 = tpu.memref_slice %arg6[%add3A_328, %dma_start3A_329, %dma_start3A_335] : memref<80x1x125xi32, #tpu.memory_space<vmem>> -> memref<1x1x125xi32, #tpu.memory_space<vmem>>
        %dma_start3A_337 = tpu.memref_squeeze %dma_start3A_336 : memref<1x1x125xi32, #tpu.memory_space<vmem>> -> memref<125xi32, #tpu.memory_space<vmem>>
        %dma_start3A_338 = arith.constant 0 : i32
        %dma_start3A_339 = arith.constant 0 : i32
        %dma_start3A_340 = tpu.memref_slice %arg2[%dma_start3A_338, %dma_start3A_339] : memref<10240x64xf32, #tpu.memory_space<hbm>> -> memref<10240x64xf32, #tpu.memory_space<hbm>>
        tpu.enqueue_indirect_dma source(%dma_start3A_340 : memref<10240x64xf32, #tpu.memory_space<hbm>>) target(%dma_start3A_334 : memref<125x64xf32, #tpu.memory_space<vmem>>) offsets(%dma_start3A_337 : memref<125xi32, #tpu.memory_space<vmem>>) semaphore(%arg12 : memref<!tpu.dma_semaphore, #tpu.memory_space<semaphore_mem>>)
      } else {
      }
      %mul3A_176 = arith.constant 8 : i32
      %mul3A_177 = arith.muli %scan3A_129, %mul3A_176 : i32
      %add3A_178 = arith.constant 2 : i32
      %add3A_179 = arith.addi %mul3A_177, %add3A_178 : i32
      %dma_wait3A_180 = arith.constant 0 : i32
      %dma_wait3A_181 = arith.constant 2 : i32
      %dma_wait3A_182 = arith.constant 0 : i32
      %dma_wait3A_183 = arith.constant 0 : i32
      %dma_wait3A_184 = tpu.memref_slice %arg8[%dma_wait3A_181, %dma_wait3A_182, %dma_wait3A_183] : memref<8x125x64xf32, #tpu.memory_space<vmem>> -> memref<1x125x64xf32, #tpu.memory_space<vmem>>
      %dma_wait3A_185 = tpu.memref_squeeze %dma_wait3A_184 : memref<1x125x64xf32, #tpu.memory_space<vmem>> -> memref<125x64xf32, #tpu.memory_space<vmem>>
      %dma_wait3A_186 = arith.constant 0 : i32
      %dma_wait3A_187 = tpu.memref_slice %arg6[%add3A_179, %dma_wait3A_180, %dma_wait3A_186] : memref<80x1x125xi32, #tpu.memory_space<vmem>> -> memref<1x1x125xi32, #tpu.memory_space<vmem>>
      %dma_wait3A_188 = tpu.memref_squeeze %dma_wait3A_187 : memref<1x1x125xi32, #tpu.memory_space<vmem>> -> memref<125xi32, #tpu.memory_space<vmem>>
      %dma_wait3A_189 = arith.constant 0 : i32
      %dma_wait3A_190 = arith.constant 0 : i32
      %dma_wait3A_191 = tpu.memref_slice %arg2[%dma_wait3A_189, %dma_wait3A_190] : memref<10240x64xf32, #tpu.memory_space<hbm>> -> memref<10240x64xf32, #tpu.memory_space<hbm>>
      tpu.wait_indirect_dma semaphore(%arg13 : memref<!tpu.dma_semaphore, #tpu.memory_space<semaphore_mem>>) src(%dma_wait3A_191 : memref<10240x64xf32, #tpu.memory_space<hbm>>) dst(%dma_wait3A_185 : memref<125x64xf32, #tpu.memory_space<vmem>>)
      %run_scoped3A_192 = arith.constant 2 : i32
      %run_scoped3A_193 = arith.constant 0 : i32
      "tpu.region"() ({
        %run_scoped3A_327 = tpu.sem_alloc : memref<!tpu.dma_semaphore, #tpu.memory_space<semaphore_mem>>
        %dma_start3A_328 = arith.constant 0 : i32
        %dma_start3A_329 = arith.constant 0 : i32
        %dma_start3A_330 = tpu.memref_slice %arg8[%run_scoped3A_192, %dma_start3A_328, %dma_start3A_329] : memref<8x125x64xf32, #tpu.memory_space<vmem>> -> memref<1x125x64xf32, #tpu.memory_space<vmem>>
        %dma_start3A_331 = tpu.memref_squeeze %dma_start3A_330 : memref<1x125x64xf32, #tpu.memory_space<vmem>> -> memref<125x64xf32, #tpu.memory_space<vmem>>
        %dma_start3A_332 = arith.constant 0 : i32
        %dma_start3A_333 = tpu.memref_slice %arg7[%add3A_179, %run_scoped3A_193, %dma_start3A_332] : memref<80x1x125xi32, #tpu.memory_space<vmem>> -> memref<1x1x125xi32, #tpu.memory_space<vmem>>
        %dma_start3A_334 = tpu.memref_squeeze %dma_start3A_333 : memref<1x1x125xi32, #tpu.memory_space<vmem>> -> memref<125xi32, #tpu.memory_space<vmem>>
        %dma_start3A_335 = arith.constant 0 : i32
        %dma_start3A_336 = arith.constant 0 : i32
        %dma_start3A_337 = tpu.memref_slice %arg10[%dma_start3A_335, %dma_start3A_336] : memref<10240x64xf32, #tpu.memory_space<vmem_shared>> -> memref<10240x64xf32, #tpu.memory_space<vmem_shared>>
        tpu.enqueue_indirect_dma source(%dma_start3A_331 : memref<125x64xf32, #tpu.memory_space<vmem>>) target(%dma_start3A_337 : memref<10240x64xf32, #tpu.memory_space<vmem_shared>>) offsets(%dma_start3A_334 : memref<125xi32, #tpu.memory_space<vmem>>) semaphore(%run_scoped3A_327 : memref<!tpu.dma_semaphore, #tpu.memory_space<semaphore_mem>>) {add = true}
        %dma_wait3A_338 = arith.constant 0 : i32
        %dma_wait3A_339 = arith.constant 0 : i32
        %dma_wait3A_340 = tpu.memref_slice %arg8[%run_scoped3A_192, %dma_wait3A_338, %dma_wait3A_339] : memref<8x125x64xf32, #tpu.memory_space<vmem>> -> memref<1x125x64xf32, #tpu.memory_space<vmem>>
        %dma_wait3A_341 = tpu.memref_squeeze %dma_wait3A_340 : memref<1x125x64xf32, #tpu.memory_space<vmem>> -> memref<125x64xf32, #tpu.memory_space<vmem>>
        %dma_wait3A_342 = arith.constant 0 : i32
        %dma_wait3A_343 = tpu.memref_slice %arg7[%add3A_179, %run_scoped3A_193, %dma_wait3A_342] : memref<80x1x125xi32, #tpu.memory_space<vmem>> -> memref<1x1x125xi32, #tpu.memory_space<vmem>>
        %dma_wait3A_344 = tpu.memref_squeeze %dma_wait3A_343 : memref<1x1x125xi32, #tpu.memory_space<vmem>> -> memref<125xi32, #tpu.memory_space<vmem>>
        %dma_wait3A_345 = arith.constant 0 : i32
        %dma_wait3A_346 = arith.constant 0 : i32
        %dma_wait3A_347 = tpu.memref_slice %arg10[%dma_wait3A_345, %dma_wait3A_346] : memref<10240x64xf32, #tpu.memory_space<vmem_shared>> -> memref<10240x64xf32, #tpu.memory_space<vmem_shared>>
        tpu.wait_indirect_dma semaphore(%run_scoped3A_327 : memref<!tpu.dma_semaphore, #tpu.memory_space<semaphore_mem>>) src(%dma_wait3A_341 : memref<125x64xf32, #tpu.memory_space<vmem>>) dst(%dma_wait3A_347 : memref<10240x64xf32, #tpu.memory_space<vmem_shared>>)
        tpu.yield
      }) : () -> ()
      %add3A_194 = arith.constant 8 : i32
      %add3A_195 = arith.addi %add3A_179, %add3A_194 : i32
      %lt3A_196 = arith.constant 80 : i32
      %lt3A_197 = arith.cmpi slt, %add3A_195, %lt3A_196 : i32
      %convert_element_type3A_198 = arith.extui %lt3A_197 : i1 to i32
      %cond3A_199 = arith.constant 0 : i32
      %cond3A_200 = arith.cmpi ne, %convert_element_type3A_198, %cond3A_199 : i32
      scf.if %cond3A_200 {
        %add3A_327 = arith.constant 8 : i32
        %add3A_328 = arith.addi %add3A_179, %add3A_327 : i32
        %dma_start3A_329 = arith.constant 0 : i32
        %dma_start3A_330 = arith.constant 2 : i32
        %dma_start3A_331 = arith.constant 0 : i32
        %dma_start3A_332 = arith.constant 0 : i32
        %dma_start3A_333 = tpu.memref_slice %arg8[%dma_start3A_330, %dma_start3A_331, %dma_start3A_332] : memref<8x125x64xf32, #tpu.memory_space<vmem>> -> memref<1x125x64xf32, #tpu.memory_space<vmem>>
        %dma_start3A_334 = tpu.memref_squeeze %dma_start3A_333 : memref<1x125x64xf32, #tpu.memory_space<vmem>> -> memref<125x64xf32, #tpu.memory_space<vmem>>
        %dma_start3A_335 = arith.constant 0 : i32
        %dma_start3A_336 = tpu.memref_slice %arg6[%add3A_328, %dma_start3A_329, %dma_start3A_335] : memref<80x1x125xi32, #tpu.memory_space<vmem>> -> memref<1x1x125xi32, #tpu.memory_space<vmem>>
        %dma_start3A_337 = tpu.memref_squeeze %dma_start3A_336 : memref<1x1x125xi32, #tpu.memory_space<vmem>> -> memref<125xi32, #tpu.memory_space<vmem>>
        %dma_start3A_338 = arith.constant 0 : i32
        %dma_start3A_339 = arith.constant 0 : i32
        %dma_start3A_340 = tpu.memref_slice %arg2[%dma_start3A_338, %dma_start3A_339] : memref<10240x64xf32, #tpu.memory_space<hbm>> -> memref<10240x64xf32, #tpu.memory_space<hbm>>
        tpu.enqueue_indirect_dma source(%dma_start3A_340 : memref<10240x64xf32, #tpu.memory_space<hbm>>) target(%dma_start3A_334 : memref<125x64xf32, #tpu.memory_space<vmem>>) offsets(%dma_start3A_337 : memref<125xi32, #tpu.memory_space<vmem>>) semaphore(%arg13 : memref<!tpu.dma_semaphore, #tpu.memory_space<semaphore_mem>>)
      } else {
      }
      %mul3A_201 = arith.constant 8 : i32
      %mul3A_202 = arith.muli %scan3A_129, %mul3A_201 : i32
      %add3A_203 = arith.constant 3 : i32
      %add3A_204 = arith.addi %mul3A_202, %add3A_203 : i32
      %dma_wait3A_205 = arith.constant 0 : i32
      %dma_wait3A_206 = arith.constant 3 : i32
      %dma_wait3A_207 = arith.constant 0 : i32
      %dma_wait3A_208 = arith.constant 0 : i32
      %dma_wait3A_209 = tpu.memref_slice %arg8[%dma_wait3A_206, %dma_wait3A_207, %dma_wait3A_208] : memref<8x125x64xf32, #tpu.memory_space<vmem>> -> memref<1x125x64xf32, #tpu.memory_space<vmem>>
      %dma_wait3A_210 = tpu.memref_squeeze %dma_wait3A_209 : memref<1x125x64xf32, #tpu.memory_space<vmem>> -> memref<125x64xf32, #tpu.memory_space<vmem>>
      %dma_wait3A_211 = arith.constant 0 : i32
      %dma_wait3A_212 = tpu.memref_slice %arg6[%add3A_204, %dma_wait3A_205, %dma_wait3A_211] : memref<80x1x125xi32, #tpu.memory_space<vmem>> -> memref<1x1x125xi32, #tpu.memory_space<vmem>>
      %dma_wait3A_213 = tpu.memref_squeeze %dma_wait3A_212 : memref<1x1x125xi32, #tpu.memory_space<vmem>> -> memref<125xi32, #tpu.memory_space<vmem>>
      %dma_wait3A_214 = arith.constant 0 : i32
      %dma_wait3A_215 = arith.constant 0 : i32
      %dma_wait3A_216 = tpu.memref_slice %arg2[%dma_wait3A_214, %dma_wait3A_215] : memref<10240x64xf32, #tpu.memory_space<hbm>> -> memref<10240x64xf32, #tpu.memory_space<hbm>>
      tpu.wait_indirect_dma semaphore(%arg14 : memref<!tpu.dma_semaphore, #tpu.memory_space<semaphore_mem>>) src(%dma_wait3A_216 : memref<10240x64xf32, #tpu.memory_space<hbm>>) dst(%dma_wait3A_210 : memref<125x64xf32, #tpu.memory_space<vmem>>)
      %run_scoped3A_217 = arith.constant 3 : i32
      %run_scoped3A_218 = arith.constant 0 : i32
      "tpu.region"() ({
        %run_scoped3A_327 = tpu.sem_alloc : memref<!tpu.dma_semaphore, #tpu.memory_space<semaphore_mem>>
        %dma_start3A_328 = arith.constant 0 : i32
        %dma_start3A_329 = arith.constant 0 : i32
        %dma_start3A_330 = tpu.memref_slice %arg8[%run_scoped3A_217, %dma_start3A_328, %dma_start3A_329] : memref<8x125x64xf32, #tpu.memory_space<vmem>> -> memref<1x125x64xf32, #tpu.memory_space<vmem>>
        %dma_start3A_331 = tpu.memref_squeeze %dma_start3A_330 : memref<1x125x64xf32, #tpu.memory_space<vmem>> -> memref<125x64xf32, #tpu.memory_space<vmem>>
        %dma_start3A_332 = arith.constant 0 : i32
        %dma_start3A_333 = tpu.memref_slice %arg7[%add3A_204, %run_scoped3A_218, %dma_start3A_332] : memref<80x1x125xi32, #tpu.memory_space<vmem>> -> memref<1x1x125xi32, #tpu.memory_space<vmem>>
        %dma_start3A_334 = tpu.memref_squeeze %dma_start3A_333 : memref<1x1x125xi32, #tpu.memory_space<vmem>> -> memref<125xi32, #tpu.memory_space<vmem>>
        %dma_start3A_335 = arith.constant 0 : i32
        %dma_start3A_336 = arith.constant 0 : i32
        %dma_start3A_337 = tpu.memref_slice %arg10[%dma_start3A_335, %dma_start3A_336] : memref<10240x64xf32, #tpu.memory_space<vmem_shared>> -> memref<10240x64xf32, #tpu.memory_space<vmem_shared>>
        tpu.enqueue_indirect_dma source(%dma_start3A_331 : memref<125x64xf32, #tpu.memory_space<vmem>>) target(%dma_start3A_337 : memref<10240x64xf32, #tpu.memory_space<vmem_shared>>) offsets(%dma_start3A_334 : memref<125xi32, #tpu.memory_space<vmem>>) semaphore(%run_scoped3A_327 : memref<!tpu.dma_semaphore, #tpu.memory_space<semaphore_mem>>) {add = true}
        %dma_wait3A_338 = arith.constant 0 : i32
        %dma_wait3A_339 = arith.constant 0 : i32
        %dma_wait3A_340 = tpu.memref_slice %arg8[%run_scoped3A_217, %dma_wait3A_338, %dma_wait3A_339] : memref<8x125x64xf32, #tpu.memory_space<vmem>> -> memref<1x125x64xf32, #tpu.memory_space<vmem>>
        %dma_wait3A_341 = tpu.memref_squeeze %dma_wait3A_340 : memref<1x125x64xf32, #tpu.memory_space<vmem>> -> memref<125x64xf32, #tpu.memory_space<vmem>>
        %dma_wait3A_342 = arith.constant 0 : i32
        %dma_wait3A_343 = tpu.memref_slice %arg7[%add3A_204, %run_scoped3A_218, %dma_wait3A_342] : memref<80x1x125xi32, #tpu.memory_space<vmem>> -> memref<1x1x125xi32, #tpu.memory_space<vmem>>
        %dma_wait3A_344 = tpu.memref_squeeze %dma_wait3A_343 : memref<1x1x125xi32, #tpu.memory_space<vmem>> -> memref<125xi32, #tpu.memory_space<vmem>>
        %dma_wait3A_345 = arith.constant 0 : i32
        %dma_wait3A_346 = arith.constant 0 : i32
        %dma_wait3A_347 = tpu.memref_slice %arg10[%dma_wait3A_345, %dma_wait3A_346] : memref<10240x64xf32, #tpu.memory_space<vmem_shared>> -> memref<10240x64xf32, #tpu.memory_space<vmem_shared>>
        tpu.wait_indirect_dma semaphore(%run_scoped3A_327 : memref<!tpu.dma_semaphore, #tpu.memory_space<semaphore_mem>>) src(%dma_wait3A_341 : memref<125x64xf32, #tpu.memory_space<vmem>>) dst(%dma_wait3A_347 : memref<10240x64xf32, #tpu.memory_space<vmem_shared>>)
        tpu.yield
      }) : () -> ()
      %add3A_219 = arith.constant 8 : i32
      %add3A_220 = arith.addi %add3A_204, %add3A_219 : i32
      %lt3A_221 = arith.constant 80 : i32
      %lt3A_222 = arith.cmpi slt, %add3A_220, %lt3A_221 : i32
      %convert_element_type3A_223 = arith.extui %lt3A_222 : i1 to i32
      %cond3A_224 = arith.constant 0 : i32
      %cond3A_225 = arith.cmpi ne, %convert_element_type3A_223, %cond3A_224 : i32
      scf.if %cond3A_225 {
        %add3A_327 = arith.constant 8 : i32
        %add3A_328 = arith.addi %add3A_204, %add3A_327 : i32
        %dma_start3A_329 = arith.constant 0 : i32
        %dma_start3A_330 = arith.constant 3 : i32
        %dma_start3A_331 = arith.constant 0 : i32
        %dma_start3A_332 = arith.constant 0 : i32
        %dma_start3A_333 = tpu.memref_slice %arg8[%dma_start3A_330, %dma_start3A_331, %dma_start3A_332] : memref<8x125x64xf32, #tpu.memory_space<vmem>> -> memref<1x125x64xf32, #tpu.memory_space<vmem>>
        %dma_start3A_334 = tpu.memref_squeeze %dma_start3A_333 : memref<1x125x64xf32, #tpu.memory_space<vmem>> -> memref<125x64xf32, #tpu.memory_space<vmem>>
        %dma_start3A_335 = arith.constant 0 : i32
        %dma_start3A_336 = tpu.memref_slice %arg6[%add3A_328, %dma_start3A_329, %dma_start3A_335] : memref<80x1x125xi32, #tpu.memory_space<vmem>> -> memref<1x1x125xi32, #tpu.memory_space<vmem>>
        %dma_start3A_337 = tpu.memref_squeeze %dma_start3A_336 : memref<1x1x125xi32, #tpu.memory_space<vmem>> -> memref<125xi32, #tpu.memory_space<vmem>>
        %dma_start3A_338 = arith.constant 0 : i32
        %dma_start3A_339 = arith.constant 0 : i32
        %dma_start3A_340 = tpu.memref_slice %arg2[%dma_start3A_338, %dma_start3A_339] : memref<10240x64xf32, #tpu.memory_space<hbm>> -> memref<10240x64xf32, #tpu.memory_space<hbm>>
        tpu.enqueue_indirect_dma source(%dma_start3A_340 : memref<10240x64xf32, #tpu.memory_space<hbm>>) target(%dma_start3A_334 : memref<125x64xf32, #tpu.memory_space<vmem>>) offsets(%dma_start3A_337 : memref<125xi32, #tpu.memory_space<vmem>>) semaphore(%arg14 : memref<!tpu.dma_semaphore, #tpu.memory_space<semaphore_mem>>)
      } else {
      }
      %mul3A_226 = arith.constant 8 : i32
      %mul3A_227 = arith.muli %scan3A_129, %mul3A_226 : i32
      %add3A_228 = arith.constant 4 : i32
      %add3A_229 = arith.addi %mul3A_227, %add3A_228 : i32
      %dma_wait3A_230 = arith.constant 0 : i32
      %dma_wait3A_231 = arith.constant 4 : i32
      %dma_wait3A_232 = arith.constant 0 : i32
      %dma_wait3A_233 = arith.constant 0 : i32
      %dma_wait3A_234 = tpu.memref_slice %arg8[%dma_wait3A_231, %dma_wait3A_232, %dma_wait3A_233] : memref<8x125x64xf32, #tpu.memory_space<vmem>> -> memref<1x125x64xf32, #tpu.memory_space<vmem>>
      %dma_wait3A_235 = tpu.memref_squeeze %dma_wait3A_234 : memref<1x125x64xf32, #tpu.memory_space<vmem>> -> memref<125x64xf32, #tpu.memory_space<vmem>>
      %dma_wait3A_236 = arith.constant 0 : i32
      %dma_wait3A_237 = tpu.memref_slice %arg6[%add3A_229, %dma_wait3A_230, %dma_wait3A_236] : memref<80x1x125xi32, #tpu.memory_space<vmem>> -> memref<1x1x125xi32, #tpu.memory_space<vmem>>
      %dma_wait3A_238 = tpu.memref_squeeze %dma_wait3A_237 : memref<1x1x125xi32, #tpu.memory_space<vmem>> -> memref<125xi32, #tpu.memory_space<vmem>>
      %dma_wait3A_239 = arith.constant 0 : i32
      %dma_wait3A_240 = arith.constant 0 : i32
      %dma_wait3A_241 = tpu.memref_slice %arg2[%dma_wait3A_239, %dma_wait3A_240] : memref<10240x64xf32, #tpu.memory_space<hbm>> -> memref<10240x64xf32, #tpu.memory_space<hbm>>
      tpu.wait_indirect_dma semaphore(%arg15 : memref<!tpu.dma_semaphore, #tpu.memory_space<semaphore_mem>>) src(%dma_wait3A_241 : memref<10240x64xf32, #tpu.memory_space<hbm>>) dst(%dma_wait3A_235 : memref<125x64xf32, #tpu.memory_space<vmem>>)
      %run_scoped3A_242 = arith.constant 4 : i32
      %run_scoped3A_243 = arith.constant 0 : i32
      "tpu.region"() ({
        %run_scoped3A_327 = tpu.sem_alloc : memref<!tpu.dma_semaphore, #tpu.memory_space<semaphore_mem>>
        %dma_start3A_328 = arith.constant 0 : i32
        %dma_start3A_329 = arith.constant 0 : i32
        %dma_start3A_330 = tpu.memref_slice %arg8[%run_scoped3A_242, %dma_start3A_328, %dma_start3A_329] : memref<8x125x64xf32, #tpu.memory_space<vmem>> -> memref<1x125x64xf32, #tpu.memory_space<vmem>>
        %dma_start3A_331 = tpu.memref_squeeze %dma_start3A_330 : memref<1x125x64xf32, #tpu.memory_space<vmem>> -> memref<125x64xf32, #tpu.memory_space<vmem>>
        %dma_start3A_332 = arith.constant 0 : i32
        %dma_start3A_333 = tpu.memref_slice %arg7[%add3A_229, %run_scoped3A_243, %dma_start3A_332] : memref<80x1x125xi32, #tpu.memory_space<vmem>> -> memref<1x1x125xi32, #tpu.memory_space<vmem>>
        %dma_start3A_334 = tpu.memref_squeeze %dma_start3A_333 : memref<1x1x125xi32, #tpu.memory_space<vmem>> -> memref<125xi32, #tpu.memory_space<vmem>>
        %dma_start3A_335 = arith.constant 0 : i32
        %dma_start3A_336 = arith.constant 0 : i32
        %dma_start3A_337 = tpu.memref_slice %arg10[%dma_start3A_335, %dma_start3A_336] : memref<10240x64xf32, #tpu.memory_space<vmem_shared>> -> memref<10240x64xf32, #tpu.memory_space<vmem_shared>>
        tpu.enqueue_indirect_dma source(%dma_start3A_331 : memref<125x64xf32, #tpu.memory_space<vmem>>) target(%dma_start3A_337 : memref<10240x64xf32, #tpu.memory_space<vmem_shared>>) offsets(%dma_start3A_334 : memref<125xi32, #tpu.memory_space<vmem>>) semaphore(%run_scoped3A_327 : memref<!tpu.dma_semaphore, #tpu.memory_space<semaphore_mem>>) {add = true}
        %dma_wait3A_338 = arith.constant 0 : i32
        %dma_wait3A_339 = arith.constant 0 : i32
        %dma_wait3A_340 = tpu.memref_slice %arg8[%run_scoped3A_242, %dma_wait3A_338, %dma_wait3A_339] : memref<8x125x64xf32, #tpu.memory_space<vmem>> -> memref<1x125x64xf32, #tpu.memory_space<vmem>>
        %dma_wait3A_341 = tpu.memref_squeeze %dma_wait3A_340 : memref<1x125x64xf32, #tpu.memory_space<vmem>> -> memref<125x64xf32, #tpu.memory_space<vmem>>
        %dma_wait3A_342 = arith.constant 0 : i32
        %dma_wait3A_343 = tpu.memref_slice %arg7[%add3A_229, %run_scoped3A_243, %dma_wait3A_342] : memref<80x1x125xi32, #tpu.memory_space<vmem>> -> memref<1x1x125xi32, #tpu.memory_space<vmem>>
        %dma_wait3A_344 = tpu.memref_squeeze %dma_wait3A_343 : memref<1x1x125xi32, #tpu.memory_space<vmem>> -> memref<125xi32, #tpu.memory_space<vmem>>
        %dma_wait3A_345 = arith.constant 0 : i32
        %dma_wait3A_346 = arith.constant 0 : i32
        %dma_wait3A_347 = tpu.memref_slice %arg10[%dma_wait3A_345, %dma_wait3A_346] : memref<10240x64xf32, #tpu.memory_space<vmem_shared>> -> memref<10240x64xf32, #tpu.memory_space<vmem_shared>>
        tpu.wait_indirect_dma semaphore(%run_scoped3A_327 : memref<!tpu.dma_semaphore, #tpu.memory_space<semaphore_mem>>) src(%dma_wait3A_341 : memref<125x64xf32, #tpu.memory_space<vmem>>) dst(%dma_wait3A_347 : memref<10240x64xf32, #tpu.memory_space<vmem_shared>>)
        tpu.yield
      }) : () -> ()
      %add3A_244 = arith.constant 8 : i32
      %add3A_245 = arith.addi %add3A_229, %add3A_244 : i32
      %lt3A_246 = arith.constant 80 : i32
      %lt3A_247 = arith.cmpi slt, %add3A_245, %lt3A_246 : i32
      %convert_element_type3A_248 = arith.extui %lt3A_247 : i1 to i32
      %cond3A_249 = arith.constant 0 : i32
      %cond3A_250 = arith.cmpi ne, %convert_element_type3A_248, %cond3A_249 : i32
      scf.if %cond3A_250 {
        %add3A_327 = arith.constant 8 : i32
        %add3A_328 = arith.addi %add3A_229, %add3A_327 : i32
        %dma_start3A_329 = arith.constant 0 : i32
        %dma_start3A_330 = arith.constant 4 : i32
        %dma_start3A_331 = arith.constant 0 : i32
        %dma_start3A_332 = arith.constant 0 : i32
        %dma_start3A_333 = tpu.memref_slice %arg8[%dma_start3A_330, %dma_start3A_331, %dma_start3A_332] : memref<8x125x64xf32, #tpu.memory_space<vmem>> -> memref<1x125x64xf32, #tpu.memory_space<vmem>>
        %dma_start3A_334 = tpu.memref_squeeze %dma_start3A_333 : memref<1x125x64xf32, #tpu.memory_space<vmem>> -> memref<125x64xf32, #tpu.memory_space<vmem>>
        %dma_start3A_335 = arith.constant 0 : i32
        %dma_start3A_336 = tpu.memref_slice %arg6[%add3A_328, %dma_start3A_329, %dma_start3A_335] : memref<80x1x125xi32, #tpu.memory_space<vmem>> -> memref<1x1x125xi32, #tpu.memory_space<vmem>>
        %dma_start3A_337 = tpu.memref_squeeze %dma_start3A_336 : memref<1x1x125xi32, #tpu.memory_space<vmem>> -> memref<125xi32, #tpu.memory_space<vmem>>
        %dma_start3A_338 = arith.constant 0 : i32
        %dma_start3A_339 = arith.constant 0 : i32
        %dma_start3A_340 = tpu.memref_slice %arg2[%dma_start3A_338, %dma_start3A_339] : memref<10240x64xf32, #tpu.memory_space<hbm>> -> memref<10240x64xf32, #tpu.memory_space<hbm>>
        tpu.enqueue_indirect_dma source(%dma_start3A_340 : memref<10240x64xf32, #tpu.memory_space<hbm>>) target(%dma_start3A_334 : memref<125x64xf32, #tpu.memory_space<vmem>>) offsets(%dma_start3A_337 : memref<125xi32, #tpu.memory_space<vmem>>) semaphore(%arg15 : memref<!tpu.dma_semaphore, #tpu.memory_space<semaphore_mem>>)
      } else {
      }
      %mul3A_251 = arith.constant 8 : i32
      %mul3A_252 = arith.muli %scan3A_129, %mul3A_251 : i32
      %add3A_253 = arith.constant 5 : i32
      %add3A_254 = arith.addi %mul3A_252, %add3A_253 : i32
      %dma_wait3A_255 = arith.constant 0 : i32
      %dma_wait3A_256 = arith.constant 5 : i32
      %dma_wait3A_257 = arith.constant 0 : i32
      %dma_wait3A_258 = arith.constant 0 : i32
      %dma_wait3A_259 = tpu.memref_slice %arg8[%dma_wait3A_256, %dma_wait3A_257, %dma_wait3A_258] : memref<8x125x64xf32, #tpu.memory_space<vmem>> -> memref<1x125x64xf32, #tpu.memory_space<vmem>>
      %dma_wait3A_260 = tpu.memref_squeeze %dma_wait3A_259 : memref<1x125x64xf32, #tpu.memory_space<vmem>> -> memref<125x64xf32, #tpu.memory_space<vmem>>
      %dma_wait3A_261 = arith.constant 0 : i32
      %dma_wait3A_262 = tpu.memref_slice %arg6[%add3A_254, %dma_wait3A_255, %dma_wait3A_261] : memref<80x1x125xi32, #tpu.memory_space<vmem>> -> memref<1x1x125xi32, #tpu.memory_space<vmem>>
      %dma_wait3A_263 = tpu.memref_squeeze %dma_wait3A_262 : memref<1x1x125xi32, #tpu.memory_space<vmem>> -> memref<125xi32, #tpu.memory_space<vmem>>
      %dma_wait3A_264 = arith.constant 0 : i32
      %dma_wait3A_265 = arith.constant 0 : i32
      %dma_wait3A_266 = tpu.memref_slice %arg2[%dma_wait3A_264, %dma_wait3A_265] : memref<10240x64xf32, #tpu.memory_space<hbm>> -> memref<10240x64xf32, #tpu.memory_space<hbm>>
      tpu.wait_indirect_dma semaphore(%arg16 : memref<!tpu.dma_semaphore, #tpu.memory_space<semaphore_mem>>) src(%dma_wait3A_266 : memref<10240x64xf32, #tpu.memory_space<hbm>>) dst(%dma_wait3A_260 : memref<125x64xf32, #tpu.memory_space<vmem>>)
      %run_scoped3A_267 = arith.constant 5 : i32
      %run_scoped3A_268 = arith.constant 0 : i32
      "tpu.region"() ({
        %run_scoped3A_327 = tpu.sem_alloc : memref<!tpu.dma_semaphore, #tpu.memory_space<semaphore_mem>>
        %dma_start3A_328 = arith.constant 0 : i32
        %dma_start3A_329 = arith.constant 0 : i32
        %dma_start3A_330 = tpu.memref_slice %arg8[%run_scoped3A_267, %dma_start3A_328, %dma_start3A_329] : memref<8x125x64xf32, #tpu.memory_space<vmem>> -> memref<1x125x64xf32, #tpu.memory_space<vmem>>
        %dma_start3A_331 = tpu.memref_squeeze %dma_start3A_330 : memref<1x125x64xf32, #tpu.memory_space<vmem>> -> memref<125x64xf32, #tpu.memory_space<vmem>>
        %dma_start3A_332 = arith.constant 0 : i32
        %dma_start3A_333 = tpu.memref_slice %arg7[%add3A_254, %run_scoped3A_268, %dma_start3A_332] : memref<80x1x125xi32, #tpu.memory_space<vmem>> -> memref<1x1x125xi32, #tpu.memory_space<vmem>>
        %dma_start3A_334 = tpu.memref_squeeze %dma_start3A_333 : memref<1x1x125xi32, #tpu.memory_space<vmem>> -> memref<125xi32, #tpu.memory_space<vmem>>
        %dma_start3A_335 = arith.constant 0 : i32
        %dma_start3A_336 = arith.constant 0 : i32
        %dma_start3A_337 = tpu.memref_slice %arg10[%dma_start3A_335, %dma_start3A_336] : memref<10240x64xf32, #tpu.memory_space<vmem_shared>> -> memref<10240x64xf32, #tpu.memory_space<vmem_shared>>
        tpu.enqueue_indirect_dma source(%dma_start3A_331 : memref<125x64xf32, #tpu.memory_space<vmem>>) target(%dma_start3A_337 : memref<10240x64xf32, #tpu.memory_space<vmem_shared>>) offsets(%dma_start3A_334 : memref<125xi32, #tpu.memory_space<vmem>>) semaphore(%run_scoped3A_327 : memref<!tpu.dma_semaphore, #tpu.memory_space<semaphore_mem>>) {add = true}
        %dma_wait3A_338 = arith.constant 0 : i32
        %dma_wait3A_339 = arith.constant 0 : i32
        %dma_wait3A_340 = tpu.memref_slice %arg8[%run_scoped3A_267, %dma_wait3A_338, %dma_wait3A_339] : memref<8x125x64xf32, #tpu.memory_space<vmem>> -> memref<1x125x64xf32, #tpu.memory_space<vmem>>
        %dma_wait3A_341 = tpu.memref_squeeze %dma_wait3A_340 : memref<1x125x64xf32, #tpu.memory_space<vmem>> -> memref<125x64xf32, #tpu.memory_space<vmem>>
        %dma_wait3A_342 = arith.constant 0 : i32
        %dma_wait3A_343 = tpu.memref_slice %arg7[%add3A_254, %run_scoped3A_268, %dma_wait3A_342] : memref<80x1x125xi32, #tpu.memory_space<vmem>> -> memref<1x1x125xi32, #tpu.memory_space<vmem>>
        %dma_wait3A_344 = tpu.memref_squeeze %dma_wait3A_343 : memref<1x1x125xi32, #tpu.memory_space<vmem>> -> memref<125xi32, #tpu.memory_space<vmem>>
        %dma_wait3A_345 = arith.constant 0 : i32
        %dma_wait3A_346 = arith.constant 0 : i32
        %dma_wait3A_347 = tpu.memref_slice %arg10[%dma_wait3A_345, %dma_wait3A_346] : memref<10240x64xf32, #tpu.memory_space<vmem_shared>> -> memref<10240x64xf32, #tpu.memory_space<vmem_shared>>
        tpu.wait_indirect_dma semaphore(%run_scoped3A_327 : memref<!tpu.dma_semaphore, #tpu.memory_space<semaphore_mem>>) src(%dma_wait3A_341 : memref<125x64xf32, #tpu.memory_space<vmem>>) dst(%dma_wait3A_347 : memref<10240x64xf32, #tpu.memory_space<vmem_shared>>)
        tpu.yield
      }) : () -> ()
      %add3A_269 = arith.constant 8 : i32
      %add3A_270 = arith.addi %add3A_254, %add3A_269 : i32
      %lt3A_271 = arith.constant 80 : i32
      %lt3A_272 = arith.cmpi slt, %add3A_270, %lt3A_271 : i32
      %convert_element_type3A_273 = arith.extui %lt3A_272 : i1 to i32
      %cond3A_274 = arith.constant 0 : i32
      %cond3A_275 = arith.cmpi ne, %convert_element_type3A_273, %cond3A_274 : i32
      scf.if %cond3A_275 {
        %add3A_327 = arith.constant 8 : i32
        %add3A_328 = arith.addi %add3A_254, %add3A_327 : i32
        %dma_start3A_329 = arith.constant 0 : i32
        %dma_start3A_330 = arith.constant 5 : i32
        %dma_start3A_331 = arith.constant 0 : i32
        %dma_start3A_332 = arith.constant 0 : i32
        %dma_start3A_333 = tpu.memref_slice %arg8[%dma_start3A_330, %dma_start3A_331, %dma_start3A_332] : memref<8x125x64xf32, #tpu.memory_space<vmem>> -> memref<1x125x64xf32, #tpu.memory_space<vmem>>
        %dma_start3A_334 = tpu.memref_squeeze %dma_start3A_333 : memref<1x125x64xf32, #tpu.memory_space<vmem>> -> memref<125x64xf32, #tpu.memory_space<vmem>>
        %dma_start3A_335 = arith.constant 0 : i32
        %dma_start3A_336 = tpu.memref_slice %arg6[%add3A_328, %dma_start3A_329, %dma_start3A_335] : memref<80x1x125xi32, #tpu.memory_space<vmem>> -> memref<1x1x125xi32, #tpu.memory_space<vmem>>
        %dma_start3A_337 = tpu.memref_squeeze %dma_start3A_336 : memref<1x1x125xi32, #tpu.memory_space<vmem>> -> memref<125xi32, #tpu.memory_space<vmem>>
        %dma_start3A_338 = arith.constant 0 : i32
        %dma_start3A_339 = arith.constant 0 : i32
        %dma_start3A_340 = tpu.memref_slice %arg2[%dma_start3A_338, %dma_start3A_339] : memref<10240x64xf32, #tpu.memory_space<hbm>> -> memref<10240x64xf32, #tpu.memory_space<hbm>>
        tpu.enqueue_indirect_dma source(%dma_start3A_340 : memref<10240x64xf32, #tpu.memory_space<hbm>>) target(%dma_start3A_334 : memref<125x64xf32, #tpu.memory_space<vmem>>) offsets(%dma_start3A_337 : memref<125xi32, #tpu.memory_space<vmem>>) semaphore(%arg16 : memref<!tpu.dma_semaphore, #tpu.memory_space<semaphore_mem>>)
      } else {
      }
      %mul3A_276 = arith.constant 8 : i32
      %mul3A_277 = arith.muli %scan3A_129, %mul3A_276 : i32
      %add3A_278 = arith.constant 6 : i32
      %add3A_279 = arith.addi %mul3A_277, %add3A_278 : i32
      %dma_wait3A_280 = arith.constant 0 : i32
      %dma_wait3A_281 = arith.constant 6 : i32
      %dma_wait3A_282 = arith.constant 0 : i32
      %dma_wait3A_283 = arith.constant 0 : i32
      %dma_wait3A_284 = tpu.memref_slice %arg8[%dma_wait3A_281, %dma_wait3A_282, %dma_wait3A_283] : memref<8x125x64xf32, #tpu.memory_space<vmem>> -> memref<1x125x64xf32, #tpu.memory_space<vmem>>
      %dma_wait3A_285 = tpu.memref_squeeze %dma_wait3A_284 : memref<1x125x64xf32, #tpu.memory_space<vmem>> -> memref<125x64xf32, #tpu.memory_space<vmem>>
      %dma_wait3A_286 = arith.constant 0 : i32
      %dma_wait3A_287 = tpu.memref_slice %arg6[%add3A_279, %dma_wait3A_280, %dma_wait3A_286] : memref<80x1x125xi32, #tpu.memory_space<vmem>> -> memref<1x1x125xi32, #tpu.memory_space<vmem>>
      %dma_wait3A_288 = tpu.memref_squeeze %dma_wait3A_287 : memref<1x1x125xi32, #tpu.memory_space<vmem>> -> memref<125xi32, #tpu.memory_space<vmem>>
      %dma_wait3A_289 = arith.constant 0 : i32
      %dma_wait3A_290 = arith.constant 0 : i32
      %dma_wait3A_291 = tpu.memref_slice %arg2[%dma_wait3A_289, %dma_wait3A_290] : memref<10240x64xf32, #tpu.memory_space<hbm>> -> memref<10240x64xf32, #tpu.memory_space<hbm>>
      tpu.wait_indirect_dma semaphore(%arg17 : memref<!tpu.dma_semaphore, #tpu.memory_space<semaphore_mem>>) src(%dma_wait3A_291 : memref<10240x64xf32, #tpu.memory_space<hbm>>) dst(%dma_wait3A_285 : memref<125x64xf32, #tpu.memory_space<vmem>>)
      %run_scoped3A_292 = arith.constant 6 : i32
      %run_scoped3A_293 = arith.constant 0 : i32
      "tpu.region"() ({
        %run_scoped3A_327 = tpu.sem_alloc : memref<!tpu.dma_semaphore, #tpu.memory_space<semaphore_mem>>
        %dma_start3A_328 = arith.constant 0 : i32
        %dma_start3A_329 = arith.constant 0 : i32
        %dma_start3A_330 = tpu.memref_slice %arg8[%run_scoped3A_292, %dma_start3A_328, %dma_start3A_329] : memref<8x125x64xf32, #tpu.memory_space<vmem>> -> memref<1x125x64xf32, #tpu.memory_space<vmem>>
        %dma_start3A_331 = tpu.memref_squeeze %dma_start3A_330 : memref<1x125x64xf32, #tpu.memory_space<vmem>> -> memref<125x64xf32, #tpu.memory_space<vmem>>
        %dma_start3A_332 = arith.constant 0 : i32
        %dma_start3A_333 = tpu.memref_slice %arg7[%add3A_279, %run_scoped3A_293, %dma_start3A_332] : memref<80x1x125xi32, #tpu.memory_space<vmem>> -> memref<1x1x125xi32, #tpu.memory_space<vmem>>
        %dma_start3A_334 = tpu.memref_squeeze %dma_start3A_333 : memref<1x1x125xi32, #tpu.memory_space<vmem>> -> memref<125xi32, #tpu.memory_space<vmem>>
        %dma_start3A_335 = arith.constant 0 : i32
        %dma_start3A_336 = arith.constant 0 : i32
        %dma_start3A_337 = tpu.memref_slice %arg10[%dma_start3A_335, %dma_start3A_336] : memref<10240x64xf32, #tpu.memory_space<vmem_shared>> -> memref<10240x64xf32, #tpu.memory_space<vmem_shared>>
        tpu.enqueue_indirect_dma source(%dma_start3A_331 : memref<125x64xf32, #tpu.memory_space<vmem>>) target(%dma_start3A_337 : memref<10240x64xf32, #tpu.memory_space<vmem_shared>>) offsets(%dma_start3A_334 : memref<125xi32, #tpu.memory_space<vmem>>) semaphore(%run_scoped3A_327 : memref<!tpu.dma_semaphore, #tpu.memory_space<semaphore_mem>>) {add = true}
        %dma_wait3A_338 = arith.constant 0 : i32
        %dma_wait3A_339 = arith.constant 0 : i32
        %dma_wait3A_340 = tpu.memref_slice %arg8[%run_scoped3A_292, %dma_wait3A_338, %dma_wait3A_339] : memref<8x125x64xf32, #tpu.memory_space<vmem>> -> memref<1x125x64xf32, #tpu.memory_space<vmem>>
        %dma_wait3A_341 = tpu.memref_squeeze %dma_wait3A_340 : memref<1x125x64xf32, #tpu.memory_space<vmem>> -> memref<125x64xf32, #tpu.memory_space<vmem>>
        %dma_wait3A_342 = arith.constant 0 : i32
        %dma_wait3A_343 = tpu.memref_slice %arg7[%add3A_279, %run_scoped3A_293, %dma_wait3A_342] : memref<80x1x125xi32, #tpu.memory_space<vmem>> -> memref<1x1x125xi32, #tpu.memory_space<vmem>>
        %dma_wait3A_344 = tpu.memref_squeeze %dma_wait3A_343 : memref<1x1x125xi32, #tpu.memory_space<vmem>> -> memref<125xi32, #tpu.memory_space<vmem>>
        %dma_wait3A_345 = arith.constant 0 : i32
        %dma_wait3A_346 = arith.constant 0 : i32
        %dma_wait3A_347 = tpu.memref_slice %arg10[%dma_wait3A_345, %dma_wait3A_346] : memref<10240x64xf32, #tpu.memory_space<vmem_shared>> -> memref<10240x64xf32, #tpu.memory_space<vmem_shared>>
        tpu.wait_indirect_dma semaphore(%run_scoped3A_327 : memref<!tpu.dma_semaphore, #tpu.memory_space<semaphore_mem>>) src(%dma_wait3A_341 : memref<125x64xf32, #tpu.memory_space<vmem>>) dst(%dma_wait3A_347 : memref<10240x64xf32, #tpu.memory_space<vmem_shared>>)
        tpu.yield
      }) : () -> ()
      %add3A_294 = arith.constant 8 : i32
      %add3A_295 = arith.addi %add3A_279, %add3A_294 : i32
      %lt3A_296 = arith.constant 80 : i32
      %lt3A_297 = arith.cmpi slt, %add3A_295, %lt3A_296 : i32
      %convert_element_type3A_298 = arith.extui %lt3A_297 : i1 to i32
      %cond3A_299 = arith.constant 0 : i32
      %cond3A_300 = arith.cmpi ne, %convert_element_type3A_298, %cond3A_299 : i32
      scf.if %cond3A_300 {
        %add3A_327 = arith.constant 8 : i32
        %add3A_328 = arith.addi %add3A_279, %add3A_327 : i32
        %dma_start3A_329 = arith.constant 0 : i32
        %dma_start3A_330 = arith.constant 6 : i32
        %dma_start3A_331 = arith.constant 0 : i32
        %dma_start3A_332 = arith.constant 0 : i32
        %dma_start3A_333 = tpu.memref_slice %arg8[%dma_start3A_330, %dma_start3A_331, %dma_start3A_332] : memref<8x125x64xf32, #tpu.memory_space<vmem>> -> memref<1x125x64xf32, #tpu.memory_space<vmem>>
        %dma_start3A_334 = tpu.memref_squeeze %dma_start3A_333 : memref<1x125x64xf32, #tpu.memory_space<vmem>> -> memref<125x64xf32, #tpu.memory_space<vmem>>
        %dma_start3A_335 = arith.constant 0 : i32
        %dma_start3A_336 = tpu.memref_slice %arg6[%add3A_328, %dma_start3A_329, %dma_start3A_335] : memref<80x1x125xi32, #tpu.memory_space<vmem>> -> memref<1x1x125xi32, #tpu.memory_space<vmem>>
        %dma_start3A_337 = tpu.memref_squeeze %dma_start3A_336 : memref<1x1x125xi32, #tpu.memory_space<vmem>> -> memref<125xi32, #tpu.memory_space<vmem>>
        %dma_start3A_338 = arith.constant 0 : i32
        %dma_start3A_339 = arith.constant 0 : i32
        %dma_start3A_340 = tpu.memref_slice %arg2[%dma_start3A_338, %dma_start3A_339] : memref<10240x64xf32, #tpu.memory_space<hbm>> -> memref<10240x64xf32, #tpu.memory_space<hbm>>
        tpu.enqueue_indirect_dma source(%dma_start3A_340 : memref<10240x64xf32, #tpu.memory_space<hbm>>) target(%dma_start3A_334 : memref<125x64xf32, #tpu.memory_space<vmem>>) offsets(%dma_start3A_337 : memref<125xi32, #tpu.memory_space<vmem>>) semaphore(%arg17 : memref<!tpu.dma_semaphore, #tpu.memory_space<semaphore_mem>>)
      } else {
      }
      %mul3A_301 = arith.constant 8 : i32
      %mul3A_302 = arith.muli %scan3A_129, %mul3A_301 : i32
      %add3A_303 = arith.constant 7 : i32
      %add3A_304 = arith.addi %mul3A_302, %add3A_303 : i32
      %dma_wait3A_305 = arith.constant 0 : i32
      %dma_wait3A_306 = arith.constant 7 : i32
      %dma_wait3A_307 = arith.constant 0 : i32
      %dma_wait3A_308 = arith.constant 0 : i32
      %dma_wait3A_309 = tpu.memref_slice %arg8[%dma_wait3A_306, %dma_wait3A_307, %dma_wait3A_308] : memref<8x125x64xf32, #tpu.memory_space<vmem>> -> memref<1x125x64xf32, #tpu.memory_space<vmem>>
      %dma_wait3A_310 = tpu.memref_squeeze %dma_wait3A_309 : memref<1x125x64xf32, #tpu.memory_space<vmem>> -> memref<125x64xf32, #tpu.memory_space<vmem>>
      %dma_wait3A_311 = arith.constant 0 : i32
      %dma_wait3A_312 = tpu.memref_slice %arg6[%add3A_304, %dma_wait3A_305, %dma_wait3A_311] : memref<80x1x125xi32, #tpu.memory_space<vmem>> -> memref<1x1x125xi32, #tpu.memory_space<vmem>>
      %dma_wait3A_313 = tpu.memref_squeeze %dma_wait3A_312 : memref<1x1x125xi32, #tpu.memory_space<vmem>> -> memref<125xi32, #tpu.memory_space<vmem>>
      %dma_wait3A_314 = arith.constant 0 : i32
      %dma_wait3A_315 = arith.constant 0 : i32
      %dma_wait3A_316 = tpu.memref_slice %arg2[%dma_wait3A_314, %dma_wait3A_315] : memref<10240x64xf32, #tpu.memory_space<hbm>> -> memref<10240x64xf32, #tpu.memory_space<hbm>>
      tpu.wait_indirect_dma semaphore(%arg18 : memref<!tpu.dma_semaphore, #tpu.memory_space<semaphore_mem>>) src(%dma_wait3A_316 : memref<10240x64xf32, #tpu.memory_space<hbm>>) dst(%dma_wait3A_310 : memref<125x64xf32, #tpu.memory_space<vmem>>)
      %run_scoped3A_317 = arith.constant 7 : i32
      %run_scoped3A_318 = arith.constant 0 : i32
      "tpu.region"() ({
        %run_scoped3A_327 = tpu.sem_alloc : memref<!tpu.dma_semaphore, #tpu.memory_space<semaphore_mem>>
        %dma_start3A_328 = arith.constant 0 : i32
        %dma_start3A_329 = arith.constant 0 : i32
        %dma_start3A_330 = tpu.memref_slice %arg8[%run_scoped3A_317, %dma_start3A_328, %dma_start3A_329] : memref<8x125x64xf32, #tpu.memory_space<vmem>> -> memref<1x125x64xf32, #tpu.memory_space<vmem>>
        %dma_start3A_331 = tpu.memref_squeeze %dma_start3A_330 : memref<1x125x64xf32, #tpu.memory_space<vmem>> -> memref<125x64xf32, #tpu.memory_space<vmem>>
        %dma_start3A_332 = arith.constant 0 : i32
        %dma_start3A_333 = tpu.memref_slice %arg7[%add3A_304, %run_scoped3A_318, %dma_start3A_332] : memref<80x1x125xi32, #tpu.memory_space<vmem>> -> memref<1x1x125xi32, #tpu.memory_space<vmem>>
        %dma_start3A_334 = tpu.memref_squeeze %dma_start3A_333 : memref<1x1x125xi32, #tpu.memory_space<vmem>> -> memref<125xi32, #tpu.memory_space<vmem>>
        %dma_start3A_335 = arith.constant 0 : i32
        %dma_start3A_336 = arith.constant 0 : i32
        %dma_start3A_337 = tpu.memref_slice %arg10[%dma_start3A_335, %dma_start3A_336] : memref<10240x64xf32, #tpu.memory_space<vmem_shared>> -> memref<10240x64xf32, #tpu.memory_space<vmem_shared>>
        tpu.enqueue_indirect_dma source(%dma_start3A_331 : memref<125x64xf32, #tpu.memory_space<vmem>>) target(%dma_start3A_337 : memref<10240x64xf32, #tpu.memory_space<vmem_shared>>) offsets(%dma_start3A_334 : memref<125xi32, #tpu.memory_space<vmem>>) semaphore(%run_scoped3A_327 : memref<!tpu.dma_semaphore, #tpu.memory_space<semaphore_mem>>) {add = true}
        %dma_wait3A_338 = arith.constant 0 : i32
        %dma_wait3A_339 = arith.constant 0 : i32
        %dma_wait3A_340 = tpu.memref_slice %arg8[%run_scoped3A_317, %dma_wait3A_338, %dma_wait3A_339] : memref<8x125x64xf32, #tpu.memory_space<vmem>> -> memref<1x125x64xf32, #tpu.memory_space<vmem>>
        %dma_wait3A_341 = tpu.memref_squeeze %dma_wait3A_340 : memref<1x125x64xf32, #tpu.memory_space<vmem>> -> memref<125x64xf32, #tpu.memory_space<vmem>>
        %dma_wait3A_342 = arith.constant 0 : i32
        %dma_wait3A_343 = tpu.memref_slice %arg7[%add3A_304, %run_scoped3A_318, %dma_wait3A_342] : memref<80x1x125xi32, #tpu.memory_space<vmem>> -> memref<1x1x125xi32, #tpu.memory_space<vmem>>
        %dma_wait3A_344 = tpu.memref_squeeze %dma_wait3A_343 : memref<1x1x125xi32, #tpu.memory_space<vmem>> -> memref<125xi32, #tpu.memory_space<vmem>>
        %dma_wait3A_345 = arith.constant 0 : i32
        %dma_wait3A_346 = arith.constant 0 : i32
        %dma_wait3A_347 = tpu.memref_slice %arg10[%dma_wait3A_345, %dma_wait3A_346] : memref<10240x64xf32, #tpu.memory_space<vmem_shared>> -> memref<10240x64xf32, #tpu.memory_space<vmem_shared>>
        tpu.wait_indirect_dma semaphore(%run_scoped3A_327 : memref<!tpu.dma_semaphore, #tpu.memory_space<semaphore_mem>>) src(%dma_wait3A_341 : memref<125x64xf32, #tpu.memory_space<vmem>>) dst(%dma_wait3A_347 : memref<10240x64xf32, #tpu.memory_space<vmem_shared>>)
        tpu.yield
      }) : () -> ()
      %add3A_319 = arith.constant 8 : i32
      %add3A_320 = arith.addi %add3A_304, %add3A_319 : i32
      %lt3A_321 = arith.constant 80 : i32
      %lt3A_322 = arith.cmpi slt, %add3A_320, %lt3A_321 : i32
      %convert_element_type3A_323 = arith.extui %lt3A_322 : i1 to i32
      %cond3A_324 = arith.constant 0 : i32
      %cond3A_325 = arith.cmpi ne, %convert_element_type3A_323, %cond3A_324 : i32
      scf.if %cond3A_325 {
        %add3A_327 = arith.constant 8 : i32
        %add3A_328 = arith.addi %add3A_304, %add3A_327 : i32
        %dma_start3A_329 = arith.constant 0 : i32
        %dma_start3A_330 = arith.constant 7 : i32
        %dma_start3A_331 = arith.constant 0 : i32
        %dma_start3A_332 = arith.constant 0 : i32
        %dma_start3A_333 = tpu.memref_slice %arg8[%dma_start3A_330, %dma_start3A_331, %dma_start3A_332] : memref<8x125x64xf32, #tpu.memory_space<vmem>> -> memref<1x125x64xf32, #tpu.memory_space<vmem>>
        %dma_start3A_334 = tpu.memref_squeeze %dma_start3A_333 : memref<1x125x64xf32, #tpu.memory_space<vmem>> -> memref<125x64xf32, #tpu.memory_space<vmem>>
        %dma_start3A_335 = arith.constant 0 : i32
        %dma_start3A_336 = tpu.memref_slice %arg6[%add3A_328, %dma_start3A_329, %dma_start3A_335] : memref<80x1x125xi32, #tpu.memory_space<vmem>> -> memref<1x1x125xi32, #tpu.memory_space<vmem>>
        %dma_start3A_337 = tpu.memref_squeeze %dma_start3A_336 : memref<1x1x125xi32, #tpu.memory_space<vmem>> -> memref<125xi32, #tpu.memory_space<vmem>>
        %dma_start3A_338 = arith.constant 0 : i32
        %dma_start3A_339 = arith.constant 0 : i32
        %dma_start3A_340 = tpu.memref_slice %arg2[%dma_start3A_338, %dma_start3A_339] : memref<10240x64xf32, #tpu.memory_space<hbm>> -> memref<10240x64xf32, #tpu.memory_space<hbm>>
        tpu.enqueue_indirect_dma source(%dma_start3A_340 : memref<10240x64xf32, #tpu.memory_space<hbm>>) target(%dma_start3A_334 : memref<125x64xf32, #tpu.memory_space<vmem>>) offsets(%dma_start3A_337 : memref<125xi32, #tpu.memory_space<vmem>>) semaphore(%arg18 : memref<!tpu.dma_semaphore, #tpu.memory_space<semaphore_mem>>)
      } else {
      }
      %scan3A_326 = arith.constant 0 : i32
      scf.yield %scan3A_326 : i32
    }
    %scan3A_123 = arith.constant 10 : i32
    %barrier3A_124 = arith.constant 0 : index
    tpu.barrier barrier_id(%barrier3A_124)
    %mul3A_125 = arith.constant 640 : i32
    %mul3A_126 = arith.muli %arg1, %mul3A_125 : i32
    %mul3A_127 = arith.constant 640 : i32
    %mul3A_128 = arith.muli %arg1, %mul3A_127 : i32
    "tpu.region"() ({
      %run_scoped3A = tpu.sem_alloc : memref<!tpu.dma_semaphore, #tpu.memory_space<semaphore_mem>>
      %dma_start3A_129 = arith.constant 0 : i32
      %dma_start3A_130 = tpu.memref_slice %arg5[%arg0, %mul3A_128, %dma_start3A_129] : memref<2x10240x64xf32, #tpu.memory_space<hbm>> -> memref<1x640x64xf32, #tpu.memory_space<hbm>>
      %dma_start3A_131 = tpu.memref_squeeze %dma_start3A_130 : memref<1x640x64xf32, #tpu.memory_space<hbm>> -> memref<640x64xf32, #tpu.memory_space<hbm>>
      %dma_start3A_132 = arith.constant 0 : i32
      %dma_start3A_133 = tpu.memref_slice %arg10[%mul3A_126, %dma_start3A_132] : memref<10240x64xf32, #tpu.memory_space<vmem_shared>> -> memref<640x64xf32, #tpu.memory_space<vmem_shared>>
      tpu.enqueue_dma source(%dma_start3A_133 : memref<640x64xf32, #tpu.memory_space<vmem_shared>>) target(%dma_start3A_131 : memref<640x64xf32, #tpu.memory_space<hbm>>) target_semaphore(%run_scoped3A : memref<!tpu.dma_semaphore, #tpu.memory_space<semaphore_mem>>)
      %dma_wait3A = arith.constant 0 : i32
      %dma_wait3A_134 = tpu.memref_slice %arg5[%arg0, %mul3A_128, %dma_wait3A] : memref<2x10240x64xf32, #tpu.memory_space<hbm>> -> memref<1x640x64xf32, #tpu.memory_space<hbm>>
      %dma_wait3A_135 = tpu.memref_squeeze %dma_wait3A_134 : memref<1x640x64xf32, #tpu.memory_space<hbm>> -> memref<640x64xf32, #tpu.memory_space<hbm>>
      %dma_wait3A_136 = arith.constant 0 : i32
      %dma_wait3A_137 = tpu.memref_slice %arg10[%mul3A_126, %dma_wait3A_136] : memref<10240x64xf32, #tpu.memory_space<vmem_shared>> -> memref<640x64xf32, #tpu.memory_space<vmem_shared>>
      tpu.wait_dma2 semaphore(%run_scoped3A : memref<!tpu.dma_semaphore, #tpu.memory_space<semaphore_mem>>) src(%dma_wait3A_137 : memref<640x64xf32, #tpu.memory_space<vmem_shared>>) dst(%dma_wait3A_135 : memref<640x64xf32, #tpu.memory_space<hbm>>)
      tpu.yield
    }) : () -> ()
    return
  }
}

#map = affine_map<(d0, d1) -> (0, 0)>
#map1 = affine_map<(d0, d1) -> (0, 0, 0, 0)>
#map2 = affine_map<(d0, d1) -> (0, 0, 0)>
module attributes {stable_mosaic.version = 14 : i64} {
  func.func @_hop_body(%arg0: i32, %arg1: i32, %arg2: memref<10240x64xf32, #tpu.memory_space<hbm>>, %arg3: memref<32x80x1x125xi32, #tpu.memory_space<hbm>>, %arg4: memref<32x80x1x125xi32, #tpu.memory_space<hbm>>, %arg5: memref<2x10240x64xf32, #tpu.memory_space<hbm>>, %arg6: memref<80x1x125xi32, #tpu.memory_space<vmem>>, %arg7: memref<80x1x125xi32, #tpu.memory_space<vmem>>, %arg8: memref<8x125x64xf32, #tpu.memory_space<vmem>>, %arg9: memref<64x64xf32, #tpu.memory_space<vmem>>, %arg10: memref<10240x64xf32, #tpu.memory_space<vmem_shared>>, %arg11: memref<!tpu.dma_semaphore, #tpu.memory_space<semaphore_mem>>, %arg12: memref<!tpu.dma_semaphore, #tpu.memory_space<semaphore_mem>>, %arg13: memref<!tpu.dma_semaphore, #tpu.memory_space<semaphore_mem>>, %arg14: memref<!tpu.dma_semaphore, #tpu.memory_space<semaphore_mem>>, %arg15: memref<!tpu.dma_semaphore, #tpu.memory_space<semaphore_mem>>, %arg16: memref<!tpu.dma_semaphore, #tpu.memory_space<semaphore_mem>>, %arg17: memref<!tpu.dma_semaphore, #tpu.memory_space<semaphore_mem>>, %arg18: memref<!tpu.dma_semaphore, #tpu.memory_space<semaphore_mem>>) attributes {dimension_semantics = [#tpu.dimension_semantics<core_parallel>, #tpu.dimension_semantics<subcore_parallel>], iteration_bounds = array<i64: 2, 16>, scalar_prefetch = 0 : i64, scratch_operands = 13 : i64, tpu.core_type = #tpu.core_type<sc_vector_subcore>, window_params = [{transform_indices = #map}, {transform_indices = #map1}, {transform_indices = #map1}, {transform_indices = #map2}]} {
    %mul3A = arith.constant 2 : i32
    %mul3A_0 = arith.muli %arg1, %mul3A : i32
    %add3A = arith.addi %mul3A_0, %arg0 : i32
    "tpu.region"() ({
      %run_scoped3A = tpu.sem_alloc : memref<!tpu.dma_semaphore, #tpu.memory_space<semaphore_mem>>
      %dma_start3A_129 = arith.constant 0 : i32
      %dma_start3A_130 = arith.constant 0 : i32
      %dma_start3A_131 = arith.constant 0 : i32
      %dma_start3A_132 = tpu.memref_slice %arg3[%add3A, %dma_start3A_129, %dma_start3A_130, %dma_start3A_131] : memref<32x80x1x125xi32, #tpu.memory_space<hbm>> -> memref<1x80x1x125xi32, #tpu.memory_space<hbm>>
      %dma_start3A_133 = tpu.memref_squeeze %dma_start3A_132 : memref<1x80x1x125xi32, #tpu.memory_space<hbm>> -> memref<80x1x125xi32, #tpu.memory_space<hbm>>
      %dma_start3A_134 = arith.constant 0 : i32
      %dma_start3A_135 = arith.constant 0 : i32
      %dma_start3A_136 = arith.constant 0 : i32
      %dma_start3A_137 = tpu.memref_slice %arg3[%add3A, %dma_start3A_134, %dma_start3A_135, %dma_start3A_136] : memref<32x80x1x125xi32, #tpu.memory_space<hbm>> -> memref<1x80x1x125xi32, #tpu.memory_space<hbm>>
      %dma_start3A_138 = tpu.memref_squeeze %dma_start3A_137 : memref<1x80x1x125xi32, #tpu.memory_space<hbm>> -> memref<80x1x125xi32, #tpu.memory_space<hbm>>
      tpu.enqueue_dma source(%dma_start3A_138 : memref<80x1x125xi32, #tpu.memory_space<hbm>>) target(%arg6 : memref<80x1x125xi32, #tpu.memory_space<vmem>>) target_semaphore(%run_scoped3A : memref<!tpu.dma_semaphore, #tpu.memory_space<semaphore_mem>>)
      %dma_wait3A = arith.constant 0 : i32
      %dma_wait3A_139 = arith.constant 0 : i32
      %dma_wait3A_140 = arith.constant 0 : i32
      %dma_wait3A_141 = tpu.memref_slice %arg3[%add3A, %dma_wait3A, %dma_wait3A_139, %dma_wait3A_140] : memref<32x80x1x125xi32, #tpu.memory_space<hbm>> -> memref<1x80x1x125xi32, #tpu.memory_space<hbm>>
      %dma_wait3A_142 = tpu.memref_squeeze %dma_wait3A_141 : memref<1x80x1x125xi32, #tpu.memory_space<hbm>> -> memref<80x1x125xi32, #tpu.memory_space<hbm>>
      %dma_wait3A_143 = arith.constant 0 : i32
      %dma_wait3A_144 = arith.constant 0 : i32
      %dma_wait3A_145 = arith.constant 0 : i32
      %dma_wait3A_146 = tpu.memref_slice %arg3[%add3A, %dma_wait3A_143, %dma_wait3A_144, %dma_wait3A_145] : memref<32x80x1x125xi32, #tpu.memory_space<hbm>> -> memref<1x80x1x125xi32, #tpu.memory_space<hbm>>
      %dma_wait3A_147 = tpu.memref_squeeze %dma_wait3A_146 : memref<1x80x1x125xi32, #tpu.memory_space<hbm>> -> memref<80x1x125xi32, #tpu.memory_space<hbm>>
      tpu.wait_dma2 semaphore(%run_scoped3A : memref<!tpu.dma_semaphore, #tpu.memory_space<semaphore_mem>>) src(%dma_wait3A_147 : memref<80x1x125xi32, #tpu.memory_space<hbm>>) dst(%arg6 : memref<80x1x125xi32, #tpu.memory_space<vmem>>)
      tpu.yield
    }) : () -> ()
    "tpu.region"() ({
      %run_scoped3A = tpu.sem_alloc : memref<!tpu.dma_semaphore, #tpu.memory_space<semaphore_mem>>
      %dma_start3A_129 = arith.constant 0 : i32
      %dma_start3A_130 = arith.constant 0 : i32
      %dma_start3A_131 = arith.constant 0 : i32
      %dma_start3A_132 = tpu.memref_slice %arg4[%add3A, %dma_start3A_129, %dma_start3A_130, %dma_start3A_131] : memref<32x80x1x125xi32, #tpu.memory_space<hbm>> -> memref<1x80x1x125xi32, #tpu.memory_space<hbm>>
      %dma_start3A_133 = tpu.memref_squeeze %dma_start3A_132 : memref<1x80x1x125xi32, #tpu.memory_space<hbm>> -> memref<80x1x125xi32, #tpu.memory_space<hbm>>
      %dma_start3A_134 = arith.constant 0 : i32
      %dma_start3A_135 = arith.constant 0 : i32
      %dma_start3A_136 = arith.constant 0 : i32
      %dma_start3A_137 = tpu.memref_slice %arg4[%add3A, %dma_start3A_134, %dma_start3A_135, %dma_start3A_136] : memref<32x80x1x125xi32, #tpu.memory_space<hbm>> -> memref<1x80x1x125xi32, #tpu.memory_space<hbm>>
      %dma_start3A_138 = tpu.memref_squeeze %dma_start3A_137 : memref<1x80x1x125xi32, #tpu.memory_space<hbm>> -> memref<80x1x125xi32, #tpu.memory_space<hbm>>
      tpu.enqueue_dma source(%dma_start3A_138 : memref<80x1x125xi32, #tpu.memory_space<hbm>>) target(%arg7 : memref<80x1x125xi32, #tpu.memory_space<vmem>>) target_semaphore(%run_scoped3A : memref<!tpu.dma_semaphore, #tpu.memory_space<semaphore_mem>>)
      %dma_wait3A = arith.constant 0 : i32
      %dma_wait3A_139 = arith.constant 0 : i32
      %dma_wait3A_140 = arith.constant 0 : i32
      %dma_wait3A_141 = tpu.memref_slice %arg4[%add3A, %dma_wait3A, %dma_wait3A_139, %dma_wait3A_140] : memref<32x80x1x125xi32, #tpu.memory_space<hbm>> -> memref<1x80x1x125xi32, #tpu.memory_space<hbm>>
      %dma_wait3A_142 = tpu.memref_squeeze %dma_wait3A_141 : memref<1x80x1x125xi32, #tpu.memory_space<hbm>> -> memref<80x1x125xi32, #tpu.memory_space<hbm>>
      %dma_wait3A_143 = arith.constant 0 : i32
      %dma_wait3A_144 = arith.constant 0 : i32
      %dma_wait3A_145 = arith.constant 0 : i32
      %dma_wait3A_146 = tpu.memref_slice %arg4[%add3A, %dma_wait3A_143, %dma_wait3A_144, %dma_wait3A_145] : memref<32x80x1x125xi32, #tpu.memory_space<hbm>> -> memref<1x80x1x125xi32, #tpu.memory_space<hbm>>
      %dma_wait3A_147 = tpu.memref_squeeze %dma_wait3A_146 : memref<1x80x1x125xi32, #tpu.memory_space<hbm>> -> memref<80x1x125xi32, #tpu.memory_space<hbm>>
      tpu.wait_dma2 semaphore(%run_scoped3A : memref<!tpu.dma_semaphore, #tpu.memory_space<semaphore_mem>>) src(%dma_wait3A_147 : memref<80x1x125xi32, #tpu.memory_space<hbm>>) dst(%arg7 : memref<80x1x125xi32, #tpu.memory_space<vmem>>)
      tpu.yield
    }) : () -> ()
    %scan3A = arith.constant 0 : i32
    %scan3A_1 = arith.constant 0 : i32
    %scan3A_2 = arith.constant 256 : i32
    %scan3A_3 = arith.addi %scan3A_1, %scan3A_2 : i32
    %scan3A_4 = arith.constant 1 : i32
    %scan3A_5 = scf.for %scan3A_129 = %scan3A_1 to %scan3A_3 step %scan3A_4 iter_args(%scan3A_130 = %scan3A) -> (i32)  : i32 {
      %broadcast_in_dim3A = arith.constant 0.000000e+00 : f32
      %broadcast_in_dim3A_131 = vector.broadcast %broadcast_in_dim3A : f32 to vector<16xf32>
      %jit3A = arith.constant 4 : i32
      %div3A = arith.divsi %scan3A_129, %jit3A : i32
      %sign3A = arith.constant 0 : i32
      %sign3A_132 = arith.cmpi sgt, %scan3A_129, %sign3A : i32
      %sign3A_133 = arith.extui %sign3A_132 : i1 to i32
      %sign3A_134 = arith.constant 0 : i32
      %sign3A_135 = arith.cmpi slt, %scan3A_129, %sign3A_134 : i32
      %sign3A_136 = arith.extui %sign3A_135 : i1 to i32
      %sign3A_137 = arith.subi %sign3A_133, %sign3A_136 : i32
      %sign3A_138 = arith.constant 0 : i32
      %sign3A_139 = arith.cmpi sgt, %jit3A, %sign3A_138 : i32
      %sign3A_140 = arith.extui %sign3A_139 : i1 to i32
      %sign3A_141 = arith.constant 0 : i32
      %sign3A_142 = arith.cmpi slt, %jit3A, %sign3A_141 : i32
      %sign3A_143 = arith.extui %sign3A_142 : i1 to i32
      %sign3A_144 = arith.subi %sign3A_140, %sign3A_143 : i32
      %ne3A = arith.cmpi ne, %sign3A_137, %sign3A_144 : i32
      %rem3A = arith.remsi %scan3A_129, %jit3A : i32
      %ne3A_145 = arith.constant 0 : i32
      %ne3A_146 = arith.cmpi ne, %rem3A, %ne3A_145 : i32
      %and3A = arith.andi %ne3A, %ne3A_146 : i1
      %sub3A = arith.constant 1 : i32
      %sub3A_147 = arith.subi %div3A, %sub3A : i32
      %select_n3A = arith.select %and3A, %sub3A_147, %div3A : i32
      %jit3A_148 = arith.constant 4 : i32
      %eq3A = arith.constant 0 : i32
      %eq3A_149 = arith.cmpi eq, %jit3A_148, %eq3A : i32
      %jit3A_150 = arith.constant 1 : i32
      %select_n3A_151 = arith.select %eq3A_149, %jit3A_150, %jit3A_148 : i32
      %rem3A_152 = arith.remsi %scan3A_129, %select_n3A_151 : i32
      %ne3A_153 = arith.constant 0 : i32
      %ne3A_154 = arith.cmpi ne, %rem3A_152, %ne3A_153 : i32
      %lt3A = arith.constant 0 : i32
      %lt3A_155 = arith.cmpi slt, %rem3A_152, %lt3A : i32
      %lt3A_156 = arith.constant 0 : i32
      %lt3A_157 = arith.cmpi slt, %select_n3A_151, %lt3A_156 : i32
      %ne3A_158 = arith.xori %lt3A_155, %lt3A_157 : i1
      %and3A_159 = arith.andi %ne3A_158, %ne3A_154 : i1
      %add3A_160 = arith.addi %rem3A_152, %select_n3A_151 : i32
      %select_n3A_161 = arith.select %and3A_159, %add3A_160, %rem3A_152 : i32
      %mul3A_162 = arith.constant 16 : i32
      %mul3A_163 = arith.muli %select_n3A_161, %mul3A_162 : i32
      %swap3A = arith.index_cast %select_n3A : i32 to index
      %swap3A_164 = arith.index_cast %mul3A_163 : i32 to index
      %swap3A_165 = tpu.vector_load %arg9[%swap3A, %swap3A_164] {strides = array<i32>} : memref<64x64xf32, #tpu.memory_space<vmem>>, vector<1x16xf32>,
      %swap3A_166 = vector.shape_cast %swap3A_165 : vector<1x16xf32> to vector<16xf32>
      %swap3A_167 = vector.shape_cast %broadcast_in_dim3A_131 : vector<16xf32> to vector<1x16xf32>
      tpu.vector_store %arg9[%swap3A, %swap3A_164], %swap3A_167 {strides = array<i32>} : memref<64x64xf32, #tpu.memory_space<vmem>>, vector<1x16xf32>,
      %scan3A_168 = arith.constant 0 : i32
      scf.yield %scan3A_168 : i32
    }
    %scan3A_6 = arith.constant 256 : i32
    %scan3A_7 = arith.constant 0 : i32
    %scan3A_8 = arith.constant 0 : i32
    %scan3A_9 = arith.constant 10 : i32
    %scan3A_10 = arith.addi %scan3A_8, %scan3A_9 : i32
    %scan3A_11 = arith.constant 1 : i32
    %scan3A_12 = scf.for %scan3A_129 = %scan3A_8 to %scan3A_10 step %scan3A_11 iter_args(%scan3A_130 = %scan3A_7) -> (i32)  : i32 {
      %mul3A_131 = arith.constant 640 : i32
      %mul3A_132 = arith.muli %arg1, %mul3A_131 : i32
      %mul3A_133 = arith.constant 64 : i32
      %mul3A_134 = arith.muli %scan3A_129, %mul3A_133 : i32
      %add3A_135 = arith.addi %mul3A_132, %mul3A_134 : i32
      "tpu.region"() ({
        %run_scoped3A = tpu.sem_alloc : memref<!tpu.dma_semaphore, #tpu.memory_space<semaphore_mem>>
        %dma_start3A_137 = arith.constant 0 : i32
        %dma_start3A_138 = tpu.memref_slice %arg10[%add3A_135, %dma_start3A_137] : memref<10240x64xf32, #tpu.memory_space<vmem_shared>> -> memref<64x64xf32, #tpu.memory_space<vmem_shared>>
        %dma_start3A_139 = arith.constant 0 : i32
        %dma_start3A_140 = tpu.memref_slice %arg10[%add3A_135, %dma_start3A_139] : memref<10240x64xf32, #tpu.memory_space<vmem_shared>> -> memref<64x64xf32, #tpu.memory_space<vmem_shared>>
        tpu.enqueue_dma source(%arg9 : memref<64x64xf32, #tpu.memory_space<vmem>>) target(%dma_start3A_140 : memref<64x64xf32, #tpu.memory_space<vmem_shared>>) target_semaphore(%run_scoped3A : memref<!tpu.dma_semaphore, #tpu.memory_space<semaphore_mem>>)
        %dma_wait3A = arith.constant 0 : i32
        %dma_wait3A_141 = tpu.memref_slice %arg10[%add3A_135, %dma_wait3A] : memref<10240x64xf32, #tpu.memory_space<vmem_shared>> -> memref<64x64xf32, #tpu.memory_space<vmem_shared>>
        %dma_wait3A_142 = arith.constant 0 : i32
        %dma_wait3A_143 = tpu.memref_slice %arg10[%add3A_135, %dma_wait3A_142] : memref<10240x64xf32, #tpu.memory_space<vmem_shared>> -> memref<64x64xf32, #tpu.memory_space<vmem_shared>>
        tpu.wait_dma2 semaphore(%run_scoped3A : memref<!tpu.dma_semaphore, #tpu.memory_space<semaphore_mem>>) src(%arg9 : memref<64x64xf32, #tpu.memory_space<vmem>>) dst(%dma_wait3A_143 : memref<64x64xf32, #tpu.memory_space<vmem_shared>>)
        tpu.yield
      }) : () -> ()
      %scan3A_136 = arith.constant 0 : i32
      scf.yield %scan3A_136 : i32
    }
    %scan3A_13 = arith.constant 10 : i32
    %barrier3A = arith.constant 0 : index
    tpu.barrier barrier_id(%barrier3A)
    %dma_start3A = arith.constant 0 : i32
    %dma_start3A_14 = arith.constant 0 : i32
    %dma_start3A_15 = arith.constant 0 : i32
    %dma_start3A_16 = arith.constant 0 : i32
    %dma_start3A_17 = arith.constant 0 : i32
    %dma_start3A_18 = tpu.memref_slice %arg8[%dma_start3A_15, %dma_start3A_16, %dma_start3A_17] : memref<8x125x64xf32, #tpu.memory_space<vmem>> -> memref<1x125x64xf32, #tpu.memory_space<vmem>>
    %dma_start3A_19 = tpu.memref_squeeze %dma_start3A_18 : memref<1x125x64xf32, #tpu.memory_space<vmem>> -> memref<125x64xf32, #tpu.memory_space<vmem>>
    %dma_start3A_20 = arith.constant 0 : i32
    %dma_start3A_21 = tpu.memref_slice %arg6[%dma_start3A, %dma_start3A_14, %dma_start3A_20] : memref<80x1x125xi32, #tpu.memory_space<vmem>> -> memref<1x1x125xi32, #tpu.memory_space<vmem>>
    %dma_start3A_22 = tpu.memref_squeeze %dma_start3A_21 : memref<1x1x125xi32, #tpu.memory_space<vmem>> -> memref<125xi32, #tpu.memory_space<vmem>>
    %dma_start3A_23 = arith.constant 0 : i32
    %dma_start3A_24 = arith.constant 0 : i32
    %dma_start3A_25 = tpu.memref_slice %arg2[%dma_start3A_23, %dma_start3A_24] : memref<10240x64xf32, #tpu.memory_space<hbm>> -> memref<10240x64xf32, #tpu.memory_space<hbm>>
    tpu.enqueue_indirect_dma source(%dma_start3A_25 : memref<10240x64xf32, #tpu.memory_space<hbm>>) target(%dma_start3A_19 : memref<125x64xf32, #tpu.memory_space<vmem>>) offsets(%dma_start3A_22 : memref<125xi32, #tpu.memory_space<vmem>>) semaphore(%arg11 : memref<!tpu.dma_semaphore, #tpu.memory_space<semaphore_mem>>)
    %dma_start3A_26 = arith.constant 1 : i32
    %dma_start3A_27 = arith.constant 0 : i32
    %dma_start3A_28 = arith.constant 1 : i32
    %dma_start3A_29 = arith.constant 0 : i32
    %dma_start3A_30 = arith.constant 0 : i32
    %dma_start3A_31 = tpu.memref_slice %arg8[%dma_start3A_28, %dma_start3A_29, %dma_start3A_30] : memref<8x125x64xf32, #tpu.memory_space<vmem>> -> memref<1x125x64xf32, #tpu.memory_space<vmem>>
    %dma_start3A_32 = tpu.memref_squeeze %dma_start3A_31 : memref<1x125x64xf32, #tpu.memory_space<vmem>> -> memref<125x64xf32, #tpu.memory_space<vmem>>
    %dma_start3A_33 = arith.constant 0 : i32
    %dma_start3A_34 = tpu.memref_slice %arg6[%dma_start3A_26, %dma_start3A_27, %dma_start3A_33] : memref<80x1x125xi32, #tpu.memory_space<vmem>> -> memref<1x1x125xi32, #tpu.memory_space<vmem>>
    %dma_start3A_35 = tpu.memref_squeeze %dma_start3A_34 : memref<1x1x125xi32, #tpu.memory_space<vmem>> -> memref<125xi32, #tpu.memory_space<vmem>>
    %dma_start3A_36 = arith.constant 0 : i32
    %dma_start3A_37 = arith.constant 0 : i32
    %dma_start3A_38 = tpu.memref_slice %arg2[%dma_start3A_36, %dma_start3A_37] : memref<10240x64xf32, #tpu.memory_space<hbm>> -> memref<10240x64xf32, #tpu.memory_space<hbm>>
    tpu.enqueue_indirect_dma source(%dma_start3A_38 : memref<10240x64xf32, #tpu.memory_space<hbm>>) target(%dma_start3A_32 : memref<125x64xf32, #tpu.memory_space<vmem>>) offsets(%dma_start3A_35 : memref<125xi32, #tpu.memory_space<vmem>>) semaphore(%arg12 : memref<!tpu.dma_semaphore, #tpu.memory_space<semaphore_mem>>)
    %dma_start3A_39 = arith.constant 2 : i32
    %dma_start3A_40 = arith.constant 0 : i32
    %dma_start3A_41 = arith.constant 2 : i32
    %dma_start3A_42 = arith.constant 0 : i32
    %dma_start3A_43 = arith.constant 0 : i32
    %dma_start3A_44 = tpu.memref_slice %arg8[%dma_start3A_41, %dma_start3A_42, %dma_start3A_43] : memref<8x125x64xf32, #tpu.memory_space<vmem>> -> memref<1x125x64xf32, #tpu.memory_space<vmem>>
    %dma_start3A_45 = tpu.memref_squeeze %dma_start3A_44 : memref<1x125x64xf32, #tpu.memory_space<vmem>> -> memref<125x64xf32, #tpu.memory_space<vmem>>
    %dma_start3A_46 = arith.constant 0 : i32
    %dma_start3A_47 = tpu.memref_slice %arg6[%dma_start3A_39, %dma_start3A_40, %dma_start3A_46] : memref<80x1x125xi32, #tpu.memory_space<vmem>> -> memref<1x1x125xi32, #tpu.memory_space<vmem>>
    %dma_start3A_48 = tpu.memref_squeeze %dma_start3A_47 : memref<1x1x125xi32, #tpu.memory_space<vmem>> -> memref<125xi32, #tpu.memory_space<vmem>>
    %dma_start3A_49 = arith.constant 0 : i32
    %dma_start3A_50 = arith.constant 0 : i32
    %dma_start3A_51 = tpu.memref_slice %arg2[%dma_start3A_49, %dma_start3A_50] : memref<10240x64xf32, #tpu.memory_space<hbm>> -> memref<10240x64xf32, #tpu.memory_space<hbm>>
    tpu.enqueue_indirect_dma source(%dma_start3A_51 : memref<10240x64xf32, #tpu.memory_space<hbm>>) target(%dma_start3A_45 : memref<125x64xf32, #tpu.memory_space<vmem>>) offsets(%dma_start3A_48 : memref<125xi32, #tpu.memory_space<vmem>>) semaphore(%arg13 : memref<!tpu.dma_semaphore, #tpu.memory_space<semaphore_mem>>)
    %dma_start3A_52 = arith.constant 3 : i32
    %dma_start3A_53 = arith.constant 0 : i32
    %dma_start3A_54 = arith.constant 3 : i32
    %dma_start3A_55 = arith.constant 0 : i32
    %dma_start3A_56 = arith.constant 0 : i32
    %dma_start3A_57 = tpu.memref_slice %arg8[%dma_start3A_54, %dma_start3A_55, %dma_start3A_56] : memref<8x125x64xf32, #tpu.memory_space<vmem>> -> memref<1x125x64xf32, #tpu.memory_space<vmem>>
    %dma_start3A_58 = tpu.memref_squeeze %dma_start3A_57 : memref<1x125x64xf32, #tpu.memory_space<vmem>> -> memref<125x64xf32, #tpu.memory_space<vmem>>
    %dma_start3A_59 = arith.constant 0 : i32
    %dma_start3A_60 = tpu.memref_slice %arg6[%dma_start3A_52, %dma_start3A_53, %dma_start3A_59] : memref<80x1x125xi32, #tpu.memory_space<vmem>> -> memref<1x1x125xi32, #tpu.memory_space<vmem>>
    %dma_start3A_61 = tpu.memref_squeeze %dma_start3A_60 : memref<1x1x125xi32, #tpu.memory_space<vmem>> -> memref<125xi32, #tpu.memory_space<vmem>>
    %dma_start3A_62 = arith.constant 0 : i32
    %dma_start3A_63 = arith.constant 0 : i32
    %dma_start3A_64 = tpu.memref_slice %arg2[%dma_start3A_62, %dma_start3A_63] : memref<10240x64xf32, #tpu.memory_space<hbm>> -> memref<10240x64xf32, #tpu.memory_space<hbm>>
    tpu.enqueue_indirect_dma source(%dma_start3A_64 : memref<10240x64xf32, #tpu.memory_space<hbm>>) target(%dma_start3A_58 : memref<125x64xf32, #tpu.memory_space<vmem>>) offsets(%dma_start3A_61 : memref<125xi32, #tpu.memory_space<vmem>>) semaphore(%arg14 : memref<!tpu.dma_semaphore, #tpu.memory_space<semaphore_mem>>)
    %dma_start3A_65 = arith.constant 4 : i32
    %dma_start3A_66 = arith.constant 0 : i32
    %dma_start3A_67 = arith.constant 4 : i32
    %dma_start3A_68 = arith.constant 0 : i32
    %dma_start3A_69 = arith.constant 0 : i32
    %dma_start3A_70 = tpu.memref_slice %arg8[%dma_start3A_67, %dma_start3A_68, %dma_start3A_69] : memref<8x125x64xf32, #tpu.memory_space<vmem>> -> memref<1x125x64xf32, #tpu.memory_space<vmem>>
    %dma_start3A_71 = tpu.memref_squeeze %dma_start3A_70 : memref<1x125x64xf32, #tpu.memory_space<vmem>> -> memref<125x64xf32, #tpu.memory_space<vmem>>
    %dma_start3A_72 = arith.constant 0 : i32
    %dma_start3A_73 = tpu.memref_slice %arg6[%dma_start3A_65, %dma_start3A_66, %dma_start3A_72] : memref<80x1x125xi32, #tpu.memory_space<vmem>> -> memref<1x1x125xi32, #tpu.memory_space<vmem>>
    %dma_start3A_74 = tpu.memref_squeeze %dma_start3A_73 : memref<1x1x125xi32, #tpu.memory_space<vmem>> -> memref<125xi32, #tpu.memory_space<vmem>>
    %dma_start3A_75 = arith.constant 0 : i32
    %dma_start3A_76 = arith.constant 0 : i32
    %dma_start3A_77 = tpu.memref_slice %arg2[%dma_start3A_75, %dma_start3A_76] : memref<10240x64xf32, #tpu.memory_space<hbm>> -> memref<10240x64xf32, #tpu.memory_space<hbm>>
    tpu.enqueue_indirect_dma source(%dma_start3A_77 : memref<10240x64xf32, #tpu.memory_space<hbm>>) target(%dma_start3A_71 : memref<125x64xf32, #tpu.memory_space<vmem>>) offsets(%dma_start3A_74 : memref<125xi32, #tpu.memory_space<vmem>>) semaphore(%arg15 : memref<!tpu.dma_semaphore, #tpu.memory_space<semaphore_mem>>)
    %dma_start3A_78 = arith.constant 5 : i32
    %dma_start3A_79 = arith.constant 0 : i32
    %dma_start3A_80 = arith.constant 5 : i32
    %dma_start3A_81 = arith.constant 0 : i32
    %dma_start3A_82 = arith.constant 0 : i32
    %dma_start3A_83 = tpu.memref_slice %arg8[%dma_start3A_80, %dma_start3A_81, %dma_start3A_82] : memref<8x125x64xf32, #tpu.memory_space<vmem>> -> memref<1x125x64xf32, #tpu.memory_space<vmem>>
    %dma_start3A_84 = tpu.memref_squeeze %dma_start3A_83 : memref<1x125x64xf32, #tpu.memory_space<vmem>> -> memref<125x64xf32, #tpu.memory_space<vmem>>
    %dma_start3A_85 = arith.constant 0 : i32
    %dma_start3A_86 = tpu.memref_slice %arg6[%dma_start3A_78, %dma_start3A_79, %dma_start3A_85] : memref<80x1x125xi32, #tpu.memory_space<vmem>> -> memref<1x1x125xi32, #tpu.memory_space<vmem>>
    %dma_start3A_87 = tpu.memref_squeeze %dma_start3A_86 : memref<1x1x125xi32, #tpu.memory_space<vmem>> -> memref<125xi32, #tpu.memory_space<vmem>>
    %dma_start3A_88 = arith.constant 0 : i32
    %dma_start3A_89 = arith.constant 0 : i32
    %dma_start3A_90 = tpu.memref_slice %arg2[%dma_start3A_88, %dma_start3A_89] : memref<10240x64xf32, #tpu.memory_space<hbm>> -> memref<10240x64xf32, #tpu.memory_space<hbm>>
    tpu.enqueue_indirect_dma source(%dma_start3A_90 : memref<10240x64xf32, #tpu.memory_space<hbm>>) target(%dma_start3A_84 : memref<125x64xf32, #tpu.memory_space<vmem>>) offsets(%dma_start3A_87 : memref<125xi32, #tpu.memory_space<vmem>>) semaphore(%arg16 : memref<!tpu.dma_semaphore, #tpu.memory_space<semaphore_mem>>)
    %dma_start3A_91 = arith.constant 6 : i32
    %dma_start3A_92 = arith.constant 0 : i32
    %dma_start3A_93 = arith.constant 6 : i32
    %dma_start3A_94 = arith.constant 0 : i32
    %dma_start3A_95 = arith.constant 0 : i32
    %dma_start3A_96 = tpu.memref_slice %arg8[%dma_start3A_93, %dma_start3A_94, %dma_start3A_95] : memref<8x125x64xf32, #tpu.memory_space<vmem>> -> memref<1x125x64xf32, #tpu.memory_space<vmem>>
    %dma_start3A_97 = tpu.memref_squeeze %dma_start3A_96 : memref<1x125x64xf32, #tpu.memory_space<vmem>> -> memref<125x64xf32, #tpu.memory_space<vmem>>
    %dma_start3A_98 = arith.constant 0 : i32
    %dma_start3A_99 = tpu.memref_slice %arg6[%dma_start3A_91, %dma_start3A_92, %dma_start3A_98] : memref<80x1x125xi32, #tpu.memory_space<vmem>> -> memref<1x1x125xi32, #tpu.memory_space<vmem>>
    %dma_start3A_100 = tpu.memref_squeeze %dma_start3A_99 : memref<1x1x125xi32, #tpu.memory_space<vmem>> -> memref<125xi32, #tpu.memory_space<vmem>>
    %dma_start3A_101 = arith.constant 0 : i32
    %dma_start3A_102 = arith.constant 0 : i32
    %dma_start3A_103 = tpu.memref_slice %arg2[%dma_start3A_101, %dma_start3A_102] : memref<10240x64xf32, #tpu.memory_space<hbm>> -> memref<10240x64xf32, #tpu.memory_space<hbm>>
    tpu.enqueue_indirect_dma source(%dma_start3A_103 : memref<10240x64xf32, #tpu.memory_space<hbm>>) target(%dma_start3A_97 : memref<125x64xf32, #tpu.memory_space<vmem>>) offsets(%dma_start3A_100 : memref<125xi32, #tpu.memory_space<vmem>>) semaphore(%arg17 : memref<!tpu.dma_semaphore, #tpu.memory_space<semaphore_mem>>)
    %dma_start3A_104 = arith.constant 7 : i32
    %dma_start3A_105 = arith.constant 0 : i32
    %dma_start3A_106 = arith.constant 7 : i32
    %dma_start3A_107 = arith.constant 0 : i32
    %dma_start3A_108 = arith.constant 0 : i32
    %dma_start3A_109 = tpu.memref_slice %arg8[%dma_start3A_106, %dma_start3A_107, %dma_start3A_108] : memref<8x125x64xf32, #tpu.memory_space<vmem>> -> memref<1x125x64xf32, #tpu.memory_space<vmem>>
    %dma_start3A_110 = tpu.memref_squeeze %dma_start3A_109 : memref<1x125x64xf32, #tpu.memory_space<vmem>> -> memref<125x64xf32, #tpu.memory_space<vmem>>
    %dma_start3A_111 = arith.constant 0 : i32
    %dma_start3A_112 = tpu.memref_slice %arg6[%dma_start3A_104, %dma_start3A_105, %dma_start3A_111] : memref<80x1x125xi32, #tpu.memory_space<vmem>> -> memref<1x1x125xi32, #tpu.memory_space<vmem>>
    %dma_start3A_113 = tpu.memref_squeeze %dma_start3A_112 : memref<1x1x125xi32, #tpu.memory_space<vmem>> -> memref<125xi32, #tpu.memory_space<vmem>>
    %dma_start3A_114 = arith.constant 0 : i32
    %dma_start3A_115 = arith.constant 0 : i32
    %dma_start3A_116 = tpu.memref_slice %arg2[%dma_start3A_114, %dma_start3A_115] : memref<10240x64xf32, #tpu.memory_space<hbm>> -> memref<10240x64xf32, #tpu.memory_space<hbm>>
    tpu.enqueue_indirect_dma source(%dma_start3A_116 : memref<10240x64xf32, #tpu.memory_space<hbm>>) target(%dma_start3A_110 : memref<125x64xf32, #tpu.memory_space<vmem>>) offsets(%dma_start3A_113 : memref<125xi32, #tpu.memory_space<vmem>>) semaphore(%arg18 : memref<!tpu.dma_semaphore, #tpu.memory_space<semaphore_mem>>)
    %scan3A_117 = arith.constant 0 : i32
    %scan3A_118 = arith.constant 0 : i32
    %scan3A_119 = arith.constant 10 : i32
    %scan3A_120 = arith.addi %scan3A_118, %scan3A_119 : i32
    %scan3A_121 = arith.constant 1 : i32
    %scan3A_122 = scf.for %scan3A_129 = %scan3A_118 to %scan3A_120 step %scan3A_121 iter_args(%scan3A_130 = %scan3A_117) -> (i32)  : i32 {
      %mul3A_131 = arith.constant 8 : i32
      %mul3A_132 = arith.muli %scan3A_129, %mul3A_131 : i32
      %add3A_133 = arith.constant 0 : i32
      %add3A_134 = arith.addi %mul3A_132, %add3A_133 : i32
      %dma_wait3A = arith.constant 0 : i32
      %dma_wait3A_135 = arith.constant 0 : i32
      %dma_wait3A_136 = arith.constant 0 : i32
      %dma_wait3A_137 = arith.constant 0 : i32
      %dma_wait3A_138 = tpu.memref_slice %arg8[%dma_wait3A_135, %dma_wait3A_136, %dma_wait3A_137] : memref<8x125x64xf32, #tpu.memory_space<vmem>> -> memref<1x125x64xf32, #tpu.memory_space<vmem>>
      %dma_wait3A_139 = tpu.memref_squeeze %dma_wait3A_138 : memref<1x125x64xf32, #tpu.memory_space<vmem>> -> memref<125x64xf32, #tpu.memory_space<vmem>>
      %dma_wait3A_140 = arith.constant 0 : i32
      %dma_wait3A_141 = tpu.memref_slice %arg6[%add3A_134, %dma_wait3A, %dma_wait3A_140] : memref<80x1x125xi32, #tpu.memory_space<vmem>> -> memref<1x1x125xi32, #tpu.memory_space<vmem>>
      %dma_wait3A_142 = tpu.memref_squeeze %dma_wait3A_141 : memref<1x1x125xi32, #tpu.memory_space<vmem>> -> memref<125xi32, #tpu.memory_space<vmem>>
      %dma_wait3A_143 = arith.constant 0 : i32
      %dma_wait3A_144 = arith.constant 0 : i32
      %dma_wait3A_145 = tpu.memref_slice %arg2[%dma_wait3A_143, %dma_wait3A_144] : memref<10240x64xf32, #tpu.memory_space<hbm>> -> memref<10240x64xf32, #tpu.memory_space<hbm>>
      tpu.wait_indirect_dma semaphore(%arg11 : memref<!tpu.dma_semaphore, #tpu.memory_space<semaphore_mem>>) src(%dma_wait3A_145 : memref<10240x64xf32, #tpu.memory_space<hbm>>) dst(%dma_wait3A_139 : memref<125x64xf32, #tpu.memory_space<vmem>>)
      %run_scoped3A = arith.constant 0 : i32
      %run_scoped3A_146 = arith.constant 0 : i32
      "tpu.region"() ({
        %run_scoped3A_327 = tpu.sem_alloc : memref<!tpu.dma_semaphore, #tpu.memory_space<semaphore_mem>>
        %dma_start3A_328 = arith.constant 0 : i32
        %dma_start3A_329 = arith.constant 0 : i32
        %dma_start3A_330 = tpu.memref_slice %arg8[%run_scoped3A, %dma_start3A_328, %dma_start3A_329] : memref<8x125x64xf32, #tpu.memory_space<vmem>> -> memref<1x125x64xf32, #tpu.memory_space<vmem>>
        %dma_start3A_331 = tpu.memref_squeeze %dma_start3A_330 : memref<1x125x64xf32, #tpu.memory_space<vmem>> -> memref<125x64xf32, #tpu.memory_space<vmem>>
        %dma_start3A_332 = arith.constant 0 : i32
        %dma_start3A_333 = tpu.memref_slice %arg7[%add3A_134, %run_scoped3A_146, %dma_start3A_332] : memref<80x1x125xi32, #tpu.memory_space<vmem>> -> memref<1x1x125xi32, #tpu.memory_space<vmem>>
        %dma_start3A_334 = tpu.memref_squeeze %dma_start3A_333 : memref<1x1x125xi32, #tpu.memory_space<vmem>> -> memref<125xi32, #tpu.memory_space<vmem>>
        %dma_start3A_335 = arith.constant 0 : i32
        %dma_start3A_336 = arith.constant 0 : i32
        %dma_start3A_337 = tpu.memref_slice %arg10[%dma_start3A_335, %dma_start3A_336] : memref<10240x64xf32, #tpu.memory_space<vmem_shared>> -> memref<10240x64xf32, #tpu.memory_space<vmem_shared>>
        tpu.enqueue_indirect_dma source(%dma_start3A_331 : memref<125x64xf32, #tpu.memory_space<vmem>>) target(%dma_start3A_337 : memref<10240x64xf32, #tpu.memory_space<vmem_shared>>) offsets(%dma_start3A_334 : memref<125xi32, #tpu.memory_space<vmem>>) semaphore(%run_scoped3A_327 : memref<!tpu.dma_semaphore, #tpu.memory_space<semaphore_mem>>) {add = true}
        %dma_wait3A_338 = arith.constant 0 : i32
        %dma_wait3A_339 = arith.constant 0 : i32
        %dma_wait3A_340 = tpu.memref_slice %arg8[%run_scoped3A, %dma_wait3A_338, %dma_wait3A_339] : memref<8x125x64xf32, #tpu.memory_space<vmem>> -> memref<1x125x64xf32, #tpu.memory_space<vmem>>
        %dma_wait3A_341 = tpu.memref_squeeze %dma_wait3A_340 : memref<1x125x64xf32, #tpu.memory_space<vmem>> -> memref<125x64xf32, #tpu.memory_space<vmem>>
        %dma_wait3A_342 = arith.constant 0 : i32
        %dma_wait3A_343 = tpu.memref_slice %arg7[%add3A_134, %run_scoped3A_146, %dma_wait3A_342] : memref<80x1x125xi32, #tpu.memory_space<vmem>> -> memref<1x1x125xi32, #tpu.memory_space<vmem>>
        %dma_wait3A_344 = tpu.memref_squeeze %dma_wait3A_343 : memref<1x1x125xi32, #tpu.memory_space<vmem>> -> memref<125xi32, #tpu.memory_space<vmem>>
        %dma_wait3A_345 = arith.constant 0 : i32
        %dma_wait3A_346 = arith.constant 0 : i32
        %dma_wait3A_347 = tpu.memref_slice %arg10[%dma_wait3A_345, %dma_wait3A_346] : memref<10240x64xf32, #tpu.memory_space<vmem_shared>> -> memref<10240x64xf32, #tpu.memory_space<vmem_shared>>
        tpu.wait_indirect_dma semaphore(%run_scoped3A_327 : memref<!tpu.dma_semaphore, #tpu.memory_space<semaphore_mem>>) src(%dma_wait3A_341 : memref<125x64xf32, #tpu.memory_space<vmem>>) dst(%dma_wait3A_347 : memref<10240x64xf32, #tpu.memory_space<vmem_shared>>)
        tpu.yield
      }) : () -> ()
      %add3A_147 = arith.constant 8 : i32
      %add3A_148 = arith.addi %add3A_134, %add3A_147 : i32
      %lt3A = arith.constant 80 : i32
      %lt3A_149 = arith.cmpi slt, %add3A_148, %lt3A : i32
      %convert_element_type3A = arith.extui %lt3A_149 : i1 to i32
      %cond3A = arith.constant 0 : i32
      %cond3A_150 = arith.cmpi ne, %convert_element_type3A, %cond3A : i32
      scf.if %cond3A_150 {
        %add3A_327 = arith.constant 8 : i32
        %add3A_328 = arith.addi %add3A_134, %add3A_327 : i32
        %dma_start3A_329 = arith.constant 0 : i32
        %dma_start3A_330 = arith.constant 0 : i32
        %dma_start3A_331 = arith.constant 0 : i32
        %dma_start3A_332 = arith.constant 0 : i32
        %dma_start3A_333 = tpu.memref_slice %arg8[%dma_start3A_330, %dma_start3A_331, %dma_start3A_332] : memref<8x125x64xf32, #tpu.memory_space<vmem>> -> memref<1x125x64xf32, #tpu.memory_space<vmem>>
        %dma_start3A_334 = tpu.memref_squeeze %dma_start3A_333 : memref<1x125x64xf32, #tpu.memory_space<vmem>> -> memref<125x64xf32, #tpu.memory_space<vmem>>
        %dma_start3A_335 = arith.constant 0 : i32
        %dma_start3A_336 = tpu.memref_slice %arg6[%add3A_328, %dma_start3A_329, %dma_start3A_335] : memref<80x1x125xi32, #tpu.memory_space<vmem>> -> memref<1x1x125xi32, #tpu.memory_space<vmem>>
        %dma_start3A_337 = tpu.memref_squeeze %dma_start3A_336 : memref<1x1x125xi32, #tpu.memory_space<vmem>> -> memref<125xi32, #tpu.memory_space<vmem>>
        %dma_start3A_338 = arith.constant 0 : i32
        %dma_start3A_339 = arith.constant 0 : i32
        %dma_start3A_340 = tpu.memref_slice %arg2[%dma_start3A_338, %dma_start3A_339] : memref<10240x64xf32, #tpu.memory_space<hbm>> -> memref<10240x64xf32, #tpu.memory_space<hbm>>
        tpu.enqueue_indirect_dma source(%dma_start3A_340 : memref<10240x64xf32, #tpu.memory_space<hbm>>) target(%dma_start3A_334 : memref<125x64xf32, #tpu.memory_space<vmem>>) offsets(%dma_start3A_337 : memref<125xi32, #tpu.memory_space<vmem>>) semaphore(%arg11 : memref<!tpu.dma_semaphore, #tpu.memory_space<semaphore_mem>>)
      } else {
      }
      %mul3A_151 = arith.constant 8 : i32
      %mul3A_152 = arith.muli %scan3A_129, %mul3A_151 : i32
      %add3A_153 = arith.constant 1 : i32
      %add3A_154 = arith.addi %mul3A_152, %add3A_153 : i32
      %dma_wait3A_155 = arith.constant 0 : i32
      %dma_wait3A_156 = arith.constant 1 : i32
      %dma_wait3A_157 = arith.constant 0 : i32
      %dma_wait3A_158 = arith.constant 0 : i32
      %dma_wait3A_159 = tpu.memref_slice %arg8[%dma_wait3A_156, %dma_wait3A_157, %dma_wait3A_158] : memref<8x125x64xf32, #tpu.memory_space<vmem>> -> memref<1x125x64xf32, #tpu.memory_space<vmem>>
      %dma_wait3A_160 = tpu.memref_squeeze %dma_wait3A_159 : memref<1x125x64xf32, #tpu.memory_space<vmem>> -> memref<125x64xf32, #tpu.memory_space<vmem>>
      %dma_wait3A_161 = arith.constant 0 : i32
      %dma_wait3A_162 = tpu.memref_slice %arg6[%add3A_154, %dma_wait3A_155, %dma_wait3A_161] : memref<80x1x125xi32, #tpu.memory_space<vmem>> -> memref<1x1x125xi32, #tpu.memory_space<vmem>>
      %dma_wait3A_163 = tpu.memref_squeeze %dma_wait3A_162 : memref<1x1x125xi32, #tpu.memory_space<vmem>> -> memref<125xi32, #tpu.memory_space<vmem>>
      %dma_wait3A_164 = arith.constant 0 : i32
      %dma_wait3A_165 = arith.constant 0 : i32
      %dma_wait3A_166 = tpu.memref_slice %arg2[%dma_wait3A_164, %dma_wait3A_165] : memref<10240x64xf32, #tpu.memory_space<hbm>> -> memref<10240x64xf32, #tpu.memory_space<hbm>>
      tpu.wait_indirect_dma semaphore(%arg12 : memref<!tpu.dma_semaphore, #tpu.memory_space<semaphore_mem>>) src(%dma_wait3A_166 : memref<10240x64xf32, #tpu.memory_space<hbm>>) dst(%dma_wait3A_160 : memref<125x64xf32, #tpu.memory_space<vmem>>)
      %run_scoped3A_167 = arith.constant 1 : i32
      %run_scoped3A_168 = arith.constant 0 : i32
      "tpu.region"() ({
        %run_scoped3A_327 = tpu.sem_alloc : memref<!tpu.dma_semaphore, #tpu.memory_space<semaphore_mem>>
        %dma_start3A_328 = arith.constant 0 : i32
        %dma_start3A_329 = arith.constant 0 : i32
        %dma_start3A_330 = tpu.memref_slice %arg8[%run_scoped3A_167, %dma_start3A_328, %dma_start3A_329] : memref<8x125x64xf32, #tpu.memory_space<vmem>> -> memref<1x125x64xf32, #tpu.memory_space<vmem>>
        %dma_start3A_331 = tpu.memref_squeeze %dma_start3A_330 : memref<1x125x64xf32, #tpu.memory_space<vmem>> -> memref<125x64xf32, #tpu.memory_space<vmem>>
        %dma_start3A_332 = arith.constant 0 : i32
        %dma_start3A_333 = tpu.memref_slice %arg7[%add3A_154, %run_scoped3A_168, %dma_start3A_332] : memref<80x1x125xi32, #tpu.memory_space<vmem>> -> memref<1x1x125xi32, #tpu.memory_space<vmem>>
        %dma_start3A_334 = tpu.memref_squeeze %dma_start3A_333 : memref<1x1x125xi32, #tpu.memory_space<vmem>> -> memref<125xi32, #tpu.memory_space<vmem>>
        %dma_start3A_335 = arith.constant 0 : i32
        %dma_start3A_336 = arith.constant 0 : i32
        %dma_start3A_337 = tpu.memref_slice %arg10[%dma_start3A_335, %dma_start3A_336] : memref<10240x64xf32, #tpu.memory_space<vmem_shared>> -> memref<10240x64xf32, #tpu.memory_space<vmem_shared>>
        tpu.enqueue_indirect_dma source(%dma_start3A_331 : memref<125x64xf32, #tpu.memory_space<vmem>>) target(%dma_start3A_337 : memref<10240x64xf32, #tpu.memory_space<vmem_shared>>) offsets(%dma_start3A_334 : memref<125xi32, #tpu.memory_space<vmem>>) semaphore(%run_scoped3A_327 : memref<!tpu.dma_semaphore, #tpu.memory_space<semaphore_mem>>) {add = true}
        %dma_wait3A_338 = arith.constant 0 : i32
        %dma_wait3A_339 = arith.constant 0 : i32
        %dma_wait3A_340 = tpu.memref_slice %arg8[%run_scoped3A_167, %dma_wait3A_338, %dma_wait3A_339] : memref<8x125x64xf32, #tpu.memory_space<vmem>> -> memref<1x125x64xf32, #tpu.memory_space<vmem>>
        %dma_wait3A_341 = tpu.memref_squeeze %dma_wait3A_340 : memref<1x125x64xf32, #tpu.memory_space<vmem>> -> memref<125x64xf32, #tpu.memory_space<vmem>>
        %dma_wait3A_342 = arith.constant 0 : i32
        %dma_wait3A_343 = tpu.memref_slice %arg7[%add3A_154, %run_scoped3A_168, %dma_wait3A_342] : memref<80x1x125xi32, #tpu.memory_space<vmem>> -> memref<1x1x125xi32, #tpu.memory_space<vmem>>
        %dma_wait3A_344 = tpu.memref_squeeze %dma_wait3A_343 : memref<1x1x125xi32, #tpu.memory_space<vmem>> -> memref<125xi32, #tpu.memory_space<vmem>>
        %dma_wait3A_345 = arith.constant 0 : i32
        %dma_wait3A_346 = arith.constant 0 : i32
        %dma_wait3A_347 = tpu.memref_slice %arg10[%dma_wait3A_345, %dma_wait3A_346] : memref<10240x64xf32, #tpu.memory_space<vmem_shared>> -> memref<10240x64xf32, #tpu.memory_space<vmem_shared>>
        tpu.wait_indirect_dma semaphore(%run_scoped3A_327 : memref<!tpu.dma_semaphore, #tpu.memory_space<semaphore_mem>>) src(%dma_wait3A_341 : memref<125x64xf32, #tpu.memory_space<vmem>>) dst(%dma_wait3A_347 : memref<10240x64xf32, #tpu.memory_space<vmem_shared>>)
        tpu.yield
      }) : () -> ()
      %add3A_169 = arith.constant 8 : i32
      %add3A_170 = arith.addi %add3A_154, %add3A_169 : i32
      %lt3A_171 = arith.constant 80 : i32
      %lt3A_172 = arith.cmpi slt, %add3A_170, %lt3A_171 : i32
      %convert_element_type3A_173 = arith.extui %lt3A_172 : i1 to i32
      %cond3A_174 = arith.constant 0 : i32
      %cond3A_175 = arith.cmpi ne, %convert_element_type3A_173, %cond3A_174 : i32
      scf.if %cond3A_175 {
        %add3A_327 = arith.constant 8 : i32
        %add3A_328 = arith.addi %add3A_154, %add3A_327 : i32
        %dma_start3A_329 = arith.constant 0 : i32
        %dma_start3A_330 = arith.constant 1 : i32
        %dma_start3A_331 = arith.constant 0 : i32
        %dma_start3A_332 = arith.constant 0 : i32
        %dma_start3A_333 = tpu.memref_slice %arg8[%dma_start3A_330, %dma_start3A_331, %dma_start3A_332] : memref<8x125x64xf32, #tpu.memory_space<vmem>> -> memref<1x125x64xf32, #tpu.memory_space<vmem>>
        %dma_start3A_334 = tpu.memref_squeeze %dma_start3A_333 : memref<1x125x64xf32, #tpu.memory_space<vmem>> -> memref<125x64xf32, #tpu.memory_space<vmem>>
        %dma_start3A_335 = arith.constant 0 : i32
        %dma_start3A_336 = tpu.memref_slice %arg6[%add3A_328, %dma_start3A_329, %dma_start3A_335] : memref<80x1x125xi32, #tpu.memory_space<vmem>> -> memref<1x1x125xi32, #tpu.memory_space<vmem>>
        %dma_start3A_337 = tpu.memref_squeeze %dma_start3A_336 : memref<1x1x125xi32, #tpu.memory_space<vmem>> -> memref<125xi32, #tpu.memory_space<vmem>>
        %dma_start3A_338 = arith.constant 0 : i32
        %dma_start3A_339 = arith.constant 0 : i32
        %dma_start3A_340 = tpu.memref_slice %arg2[%dma_start3A_338, %dma_start3A_339] : memref<10240x64xf32, #tpu.memory_space<hbm>> -> memref<10240x64xf32, #tpu.memory_space<hbm>>
        tpu.enqueue_indirect_dma source(%dma_start3A_340 : memref<10240x64xf32, #tpu.memory_space<hbm>>) target(%dma_start3A_334 : memref<125x64xf32, #tpu.memory_space<vmem>>) offsets(%dma_start3A_337 : memref<125xi32, #tpu.memory_space<vmem>>) semaphore(%arg12 : memref<!tpu.dma_semaphore, #tpu.memory_space<semaphore_mem>>)
      } else {
      }
      %mul3A_176 = arith.constant 8 : i32
      %mul3A_177 = arith.muli %scan3A_129, %mul3A_176 : i32
      %add3A_178 = arith.constant 2 : i32
      %add3A_179 = arith.addi %mul3A_177, %add3A_178 : i32
      %dma_wait3A_180 = arith.constant 0 : i32
      %dma_wait3A_181 = arith.constant 2 : i32
      %dma_wait3A_182 = arith.constant 0 : i32
      %dma_wait3A_183 = arith.constant 0 : i32
      %dma_wait3A_184 = tpu.memref_slice %arg8[%dma_wait3A_181, %dma_wait3A_182, %dma_wait3A_183] : memref<8x125x64xf32, #tpu.memory_space<vmem>> -> memref<1x125x64xf32, #tpu.memory_space<vmem>>
      %dma_wait3A_185 = tpu.memref_squeeze %dma_wait3A_184 : memref<1x125x64xf32, #tpu.memory_space<vmem>> -> memref<125x64xf32, #tpu.memory_space<vmem>>
      %dma_wait3A_186 = arith.constant 0 : i32
      %dma_wait3A_187 = tpu.memref_slice %arg6[%add3A_179, %dma_wait3A_180, %dma_wait3A_186] : memref<80x1x125xi32, #tpu.memory_space<vmem>> -> memref<1x1x125xi32, #tpu.memory_space<vmem>>
      %dma_wait3A_188 = tpu.memref_squeeze %dma_wait3A_187 : memref<1x1x125xi32, #tpu.memory_space<vmem>> -> memref<125xi32, #tpu.memory_space<vmem>>
      %dma_wait3A_189 = arith.constant 0 : i32
      %dma_wait3A_190 = arith.constant 0 : i32
      %dma_wait3A_191 = tpu.memref_slice %arg2[%dma_wait3A_189, %dma_wait3A_190] : memref<10240x64xf32, #tpu.memory_space<hbm>> -> memref<10240x64xf32, #tpu.memory_space<hbm>>
      tpu.wait_indirect_dma semaphore(%arg13 : memref<!tpu.dma_semaphore, #tpu.memory_space<semaphore_mem>>) src(%dma_wait3A_191 : memref<10240x64xf32, #tpu.memory_space<hbm>>) dst(%dma_wait3A_185 : memref<125x64xf32, #tpu.memory_space<vmem>>)
      %run_scoped3A_192 = arith.constant 2 : i32
      %run_scoped3A_193 = arith.constant 0 : i32
      "tpu.region"() ({
        %run_scoped3A_327 = tpu.sem_alloc : memref<!tpu.dma_semaphore, #tpu.memory_space<semaphore_mem>>
        %dma_start3A_328 = arith.constant 0 : i32
        %dma_start3A_329 = arith.constant 0 : i32
        %dma_start3A_330 = tpu.memref_slice %arg8[%run_scoped3A_192, %dma_start3A_328, %dma_start3A_329] : memref<8x125x64xf32, #tpu.memory_space<vmem>> -> memref<1x125x64xf32, #tpu.memory_space<vmem>>
        %dma_start3A_331 = tpu.memref_squeeze %dma_start3A_330 : memref<1x125x64xf32, #tpu.memory_space<vmem>> -> memref<125x64xf32, #tpu.memory_space<vmem>>
        %dma_start3A_332 = arith.constant 0 : i32
        %dma_start3A_333 = tpu.memref_slice %arg7[%add3A_179, %run_scoped3A_193, %dma_start3A_332] : memref<80x1x125xi32, #tpu.memory_space<vmem>> -> memref<1x1x125xi32, #tpu.memory_space<vmem>>
        %dma_start3A_334 = tpu.memref_squeeze %dma_start3A_333 : memref<1x1x125xi32, #tpu.memory_space<vmem>> -> memref<125xi32, #tpu.memory_space<vmem>>
        %dma_start3A_335 = arith.constant 0 : i32
        %dma_start3A_336 = arith.constant 0 : i32
        %dma_start3A_337 = tpu.memref_slice %arg10[%dma_start3A_335, %dma_start3A_336] : memref<10240x64xf32, #tpu.memory_space<vmem_shared>> -> memref<10240x64xf32, #tpu.memory_space<vmem_shared>>
        tpu.enqueue_indirect_dma source(%dma_start3A_331 : memref<125x64xf32, #tpu.memory_space<vmem>>) target(%dma_start3A_337 : memref<10240x64xf32, #tpu.memory_space<vmem_shared>>) offsets(%dma_start3A_334 : memref<125xi32, #tpu.memory_space<vmem>>) semaphore(%run_scoped3A_327 : memref<!tpu.dma_semaphore, #tpu.memory_space<semaphore_mem>>) {add = true}
        %dma_wait3A_338 = arith.constant 0 : i32
        %dma_wait3A_339 = arith.constant 0 : i32
        %dma_wait3A_340 = tpu.memref_slice %arg8[%run_scoped3A_192, %dma_wait3A_338, %dma_wait3A_339] : memref<8x125x64xf32, #tpu.memory_space<vmem>> -> memref<1x125x64xf32, #tpu.memory_space<vmem>>
        %dma_wait3A_341 = tpu.memref_squeeze %dma_wait3A_340 : memref<1x125x64xf32, #tpu.memory_space<vmem>> -> memref<125x64xf32, #tpu.memory_space<vmem>>
        %dma_wait3A_342 = arith.constant 0 : i32
        %dma_wait3A_343 = tpu.memref_slice %arg7[%add3A_179, %run_scoped3A_193, %dma_wait3A_342] : memref<80x1x125xi32, #tpu.memory_space<vmem>> -> memref<1x1x125xi32, #tpu.memory_space<vmem>>
        %dma_wait3A_344 = tpu.memref_squeeze %dma_wait3A_343 : memref<1x1x125xi32, #tpu.memory_space<vmem>> -> memref<125xi32, #tpu.memory_space<vmem>>
        %dma_wait3A_345 = arith.constant 0 : i32
        %dma_wait3A_346 = arith.constant 0 : i32
        %dma_wait3A_347 = tpu.memref_slice %arg10[%dma_wait3A_345, %dma_wait3A_346] : memref<10240x64xf32, #tpu.memory_space<vmem_shared>> -> memref<10240x64xf32, #tpu.memory_space<vmem_shared>>
        tpu.wait_indirect_dma semaphore(%run_scoped3A_327 : memref<!tpu.dma_semaphore, #tpu.memory_space<semaphore_mem>>) src(%dma_wait3A_341 : memref<125x64xf32, #tpu.memory_space<vmem>>) dst(%dma_wait3A_347 : memref<10240x64xf32, #tpu.memory_space<vmem_shared>>)
        tpu.yield
      }) : () -> ()
      %add3A_194 = arith.constant 8 : i32
      %add3A_195 = arith.addi %add3A_179, %add3A_194 : i32
      %lt3A_196 = arith.constant 80 : i32
      %lt3A_197 = arith.cmpi slt, %add3A_195, %lt3A_196 : i32
      %convert_element_type3A_198 = arith.extui %lt3A_197 : i1 to i32
      %cond3A_199 = arith.constant 0 : i32
      %cond3A_200 = arith.cmpi ne, %convert_element_type3A_198, %cond3A_199 : i32
      scf.if %cond3A_200 {
        %add3A_327 = arith.constant 8 : i32
        %add3A_328 = arith.addi %add3A_179, %add3A_327 : i32
        %dma_start3A_329 = arith.constant 0 : i32
        %dma_start3A_330 = arith.constant 2 : i32
        %dma_start3A_331 = arith.constant 0 : i32
        %dma_start3A_332 = arith.constant 0 : i32
        %dma_start3A_333 = tpu.memref_slice %arg8[%dma_start3A_330, %dma_start3A_331, %dma_start3A_332] : memref<8x125x64xf32, #tpu.memory_space<vmem>> -> memref<1x125x64xf32, #tpu.memory_space<vmem>>
        %dma_start3A_334 = tpu.memref_squeeze %dma_start3A_333 : memref<1x125x64xf32, #tpu.memory_space<vmem>> -> memref<125x64xf32, #tpu.memory_space<vmem>>
        %dma_start3A_335 = arith.constant 0 : i32
        %dma_start3A_336 = tpu.memref_slice %arg6[%add3A_328, %dma_start3A_329, %dma_start3A_335] : memref<80x1x125xi32, #tpu.memory_space<vmem>> -> memref<1x1x125xi32, #tpu.memory_space<vmem>>
        %dma_start3A_337 = tpu.memref_squeeze %dma_start3A_336 : memref<1x1x125xi32, #tpu.memory_space<vmem>> -> memref<125xi32, #tpu.memory_space<vmem>>
        %dma_start3A_338 = arith.constant 0 : i32
        %dma_start3A_339 = arith.constant 0 : i32
        %dma_start3A_340 = tpu.memref_slice %arg2[%dma_start3A_338, %dma_start3A_339] : memref<10240x64xf32, #tpu.memory_space<hbm>> -> memref<10240x64xf32, #tpu.memory_space<hbm>>
        tpu.enqueue_indirect_dma source(%dma_start3A_340 : memref<10240x64xf32, #tpu.memory_space<hbm>>) target(%dma_start3A_334 : memref<125x64xf32, #tpu.memory_space<vmem>>) offsets(%dma_start3A_337 : memref<125xi32, #tpu.memory_space<vmem>>) semaphore(%arg13 : memref<!tpu.dma_semaphore, #tpu.memory_space<semaphore_mem>>)
      } else {
      }
      %mul3A_201 = arith.constant 8 : i32
      %mul3A_202 = arith.muli %scan3A_129, %mul3A_201 : i32
      %add3A_203 = arith.constant 3 : i32
      %add3A_204 = arith.addi %mul3A_202, %add3A_203 : i32
      %dma_wait3A_205 = arith.constant 0 : i32
      %dma_wait3A_206 = arith.constant 3 : i32
      %dma_wait3A_207 = arith.constant 0 : i32
      %dma_wait3A_208 = arith.constant 0 : i32
      %dma_wait3A_209 = tpu.memref_slice %arg8[%dma_wait3A_206, %dma_wait3A_207, %dma_wait3A_208] : memref<8x125x64xf32, #tpu.memory_space<vmem>> -> memref<1x125x64xf32, #tpu.memory_space<vmem>>
      %dma_wait3A_210 = tpu.memref_squeeze %dma_wait3A_209 : memref<1x125x64xf32, #tpu.memory_space<vmem>> -> memref<125x64xf32, #tpu.memory_space<vmem>>
      %dma_wait3A_211 = arith.constant 0 : i32
      %dma_wait3A_212 = tpu.memref_slice %arg6[%add3A_204, %dma_wait3A_205, %dma_wait3A_211] : memref<80x1x125xi32, #tpu.memory_space<vmem>> -> memref<1x1x125xi32, #tpu.memory_space<vmem>>
      %dma_wait3A_213 = tpu.memref_squeeze %dma_wait3A_212 : memref<1x1x125xi32, #tpu.memory_space<vmem>> -> memref<125xi32, #tpu.memory_space<vmem>>
      %dma_wait3A_214 = arith.constant 0 : i32
      %dma_wait3A_215 = arith.constant 0 : i32
      %dma_wait3A_216 = tpu.memref_slice %arg2[%dma_wait3A_214, %dma_wait3A_215] : memref<10240x64xf32, #tpu.memory_space<hbm>> -> memref<10240x64xf32, #tpu.memory_space<hbm>>
      tpu.wait_indirect_dma semaphore(%arg14 : memref<!tpu.dma_semaphore, #tpu.memory_space<semaphore_mem>>) src(%dma_wait3A_216 : memref<10240x64xf32, #tpu.memory_space<hbm>>) dst(%dma_wait3A_210 : memref<125x64xf32, #tpu.memory_space<vmem>>)
      %run_scoped3A_217 = arith.constant 3 : i32
      %run_scoped3A_218 = arith.constant 0 : i32
      "tpu.region"() ({
        %run_scoped3A_327 = tpu.sem_alloc : memref<!tpu.dma_semaphore, #tpu.memory_space<semaphore_mem>>
        %dma_start3A_328 = arith.constant 0 : i32
        %dma_start3A_329 = arith.constant 0 : i32
        %dma_start3A_330 = tpu.memref_slice %arg8[%run_scoped3A_217, %dma_start3A_328, %dma_start3A_329] : memref<8x125x64xf32, #tpu.memory_space<vmem>> -> memref<1x125x64xf32, #tpu.memory_space<vmem>>
        %dma_start3A_331 = tpu.memref_squeeze %dma_start3A_330 : memref<1x125x64xf32, #tpu.memory_space<vmem>> -> memref<125x64xf32, #tpu.memory_space<vmem>>
        %dma_start3A_332 = arith.constant 0 : i32
        %dma_start3A_333 = tpu.memref_slice %arg7[%add3A_204, %run_scoped3A_218, %dma_start3A_332] : memref<80x1x125xi32, #tpu.memory_space<vmem>> -> memref<1x1x125xi32, #tpu.memory_space<vmem>>
        %dma_start3A_334 = tpu.memref_squeeze %dma_start3A_333 : memref<1x1x125xi32, #tpu.memory_space<vmem>> -> memref<125xi32, #tpu.memory_space<vmem>>
        %dma_start3A_335 = arith.constant 0 : i32
        %dma_start3A_336 = arith.constant 0 : i32
        %dma_start3A_337 = tpu.memref_slice %arg10[%dma_start3A_335, %dma_start3A_336] : memref<10240x64xf32, #tpu.memory_space<vmem_shared>> -> memref<10240x64xf32, #tpu.memory_space<vmem_shared>>
        tpu.enqueue_indirect_dma source(%dma_start3A_331 : memref<125x64xf32, #tpu.memory_space<vmem>>) target(%dma_start3A_337 : memref<10240x64xf32, #tpu.memory_space<vmem_shared>>) offsets(%dma_start3A_334 : memref<125xi32, #tpu.memory_space<vmem>>) semaphore(%run_scoped3A_327 : memref<!tpu.dma_semaphore, #tpu.memory_space<semaphore_mem>>) {add = true}
        %dma_wait3A_338 = arith.constant 0 : i32
        %dma_wait3A_339 = arith.constant 0 : i32
        %dma_wait3A_340 = tpu.memref_slice %arg8[%run_scoped3A_217, %dma_wait3A_338, %dma_wait3A_339] : memref<8x125x64xf32, #tpu.memory_space<vmem>> -> memref<1x125x64xf32, #tpu.memory_space<vmem>>
        %dma_wait3A_341 = tpu.memref_squeeze %dma_wait3A_340 : memref<1x125x64xf32, #tpu.memory_space<vmem>> -> memref<125x64xf32, #tpu.memory_space<vmem>>
        %dma_wait3A_342 = arith.constant 0 : i32
        %dma_wait3A_343 = tpu.memref_slice %arg7[%add3A_204, %run_scoped3A_218, %dma_wait3A_342] : memref<80x1x125xi32, #tpu.memory_space<vmem>> -> memref<1x1x125xi32, #tpu.memory_space<vmem>>
        %dma_wait3A_344 = tpu.memref_squeeze %dma_wait3A_343 : memref<1x1x125xi32, #tpu.memory_space<vmem>> -> memref<125xi32, #tpu.memory_space<vmem>>
        %dma_wait3A_345 = arith.constant 0 : i32
        %dma_wait3A_346 = arith.constant 0 : i32
        %dma_wait3A_347 = tpu.memref_slice %arg10[%dma_wait3A_345, %dma_wait3A_346] : memref<10240x64xf32, #tpu.memory_space<vmem_shared>> -> memref<10240x64xf32, #tpu.memory_space<vmem_shared>>
        tpu.wait_indirect_dma semaphore(%run_scoped3A_327 : memref<!tpu.dma_semaphore, #tpu.memory_space<semaphore_mem>>) src(%dma_wait3A_341 : memref<125x64xf32, #tpu.memory_space<vmem>>) dst(%dma_wait3A_347 : memref<10240x64xf32, #tpu.memory_space<vmem_shared>>)
        tpu.yield
      }) : () -> ()
      %add3A_219 = arith.constant 8 : i32
      %add3A_220 = arith.addi %add3A_204, %add3A_219 : i32
      %lt3A_221 = arith.constant 80 : i32
      %lt3A_222 = arith.cmpi slt, %add3A_220, %lt3A_221 : i32
      %convert_element_type3A_223 = arith.extui %lt3A_222 : i1 to i32
      %cond3A_224 = arith.constant 0 : i32
      %cond3A_225 = arith.cmpi ne, %convert_element_type3A_223, %cond3A_224 : i32
      scf.if %cond3A_225 {
        %add3A_327 = arith.constant 8 : i32
        %add3A_328 = arith.addi %add3A_204, %add3A_327 : i32
        %dma_start3A_329 = arith.constant 0 : i32
        %dma_start3A_330 = arith.constant 3 : i32
        %dma_start3A_331 = arith.constant 0 : i32
        %dma_start3A_332 = arith.constant 0 : i32
        %dma_start3A_333 = tpu.memref_slice %arg8[%dma_start3A_330, %dma_start3A_331, %dma_start3A_332] : memref<8x125x64xf32, #tpu.memory_space<vmem>> -> memref<1x125x64xf32, #tpu.memory_space<vmem>>
        %dma_start3A_334 = tpu.memref_squeeze %dma_start3A_333 : memref<1x125x64xf32, #tpu.memory_space<vmem>> -> memref<125x64xf32, #tpu.memory_space<vmem>>
        %dma_start3A_335 = arith.constant 0 : i32
        %dma_start3A_336 = tpu.memref_slice %arg6[%add3A_328, %dma_start3A_329, %dma_start3A_335] : memref<80x1x125xi32, #tpu.memory_space<vmem>> -> memref<1x1x125xi32, #tpu.memory_space<vmem>>
        %dma_start3A_337 = tpu.memref_squeeze %dma_start3A_336 : memref<1x1x125xi32, #tpu.memory_space<vmem>> -> memref<125xi32, #tpu.memory_space<vmem>>
        %dma_start3A_338 = arith.constant 0 : i32
        %dma_start3A_339 = arith.constant 0 : i32
        %dma_start3A_340 = tpu.memref_slice %arg2[%dma_start3A_338, %dma_start3A_339] : memref<10240x64xf32, #tpu.memory_space<hbm>> -> memref<10240x64xf32, #tpu.memory_space<hbm>>
        tpu.enqueue_indirect_dma source(%dma_start3A_340 : memref<10240x64xf32, #tpu.memory_space<hbm>>) target(%dma_start3A_334 : memref<125x64xf32, #tpu.memory_space<vmem>>) offsets(%dma_start3A_337 : memref<125xi32, #tpu.memory_space<vmem>>) semaphore(%arg14 : memref<!tpu.dma_semaphore, #tpu.memory_space<semaphore_mem>>)
      } else {
      }
      %mul3A_226 = arith.constant 8 : i32
      %mul3A_227 = arith.muli %scan3A_129, %mul3A_226 : i32
      %add3A_228 = arith.constant 4 : i32
      %add3A_229 = arith.addi %mul3A_227, %add3A_228 : i32
      %dma_wait3A_230 = arith.constant 0 : i32
      %dma_wait3A_231 = arith.constant 4 : i32
      %dma_wait3A_232 = arith.constant 0 : i32
      %dma_wait3A_233 = arith.constant 0 : i32
      %dma_wait3A_234 = tpu.memref_slice %arg8[%dma_wait3A_231, %dma_wait3A_232, %dma_wait3A_233] : memref<8x125x64xf32, #tpu.memory_space<vmem>> -> memref<1x125x64xf32, #tpu.memory_space<vmem>>
      %dma_wait3A_235 = tpu.memref_squeeze %dma_wait3A_234 : memref<1x125x64xf32, #tpu.memory_space<vmem>> -> memref<125x64xf32, #tpu.memory_space<vmem>>
      %dma_wait3A_236 = arith.constant 0 : i32
      %dma_wait3A_237 = tpu.memref_slice %arg6[%add3A_229, %dma_wait3A_230, %dma_wait3A_236] : memref<80x1x125xi32, #tpu.memory_space<vmem>> -> memref<1x1x125xi32, #tpu.memory_space<vmem>>
      %dma_wait3A_238 = tpu.memref_squeeze %dma_wait3A_237 : memref<1x1x125xi32, #tpu.memory_space<vmem>> -> memref<125xi32, #tpu.memory_space<vmem>>
      %dma_wait3A_239 = arith.constant 0 : i32
      %dma_wait3A_240 = arith.constant 0 : i32
      %dma_wait3A_241 = tpu.memref_slice %arg2[%dma_wait3A_239, %dma_wait3A_240] : memref<10240x64xf32, #tpu.memory_space<hbm>> -> memref<10240x64xf32, #tpu.memory_space<hbm>>
      tpu.wait_indirect_dma semaphore(%arg15 : memref<!tpu.dma_semaphore, #tpu.memory_space<semaphore_mem>>) src(%dma_wait3A_241 : memref<10240x64xf32, #tpu.memory_space<hbm>>) dst(%dma_wait3A_235 : memref<125x64xf32, #tpu.memory_space<vmem>>)
      %run_scoped3A_242 = arith.constant 4 : i32
      %run_scoped3A_243 = arith.constant 0 : i32
      "tpu.region"() ({
        %run_scoped3A_327 = tpu.sem_alloc : memref<!tpu.dma_semaphore, #tpu.memory_space<semaphore_mem>>
        %dma_start3A_328 = arith.constant 0 : i32
        %dma_start3A_329 = arith.constant 0 : i32
        %dma_start3A_330 = tpu.memref_slice %arg8[%run_scoped3A_242, %dma_start3A_328, %dma_start3A_329] : memref<8x125x64xf32, #tpu.memory_space<vmem>> -> memref<1x125x64xf32, #tpu.memory_space<vmem>>
        %dma_start3A_331 = tpu.memref_squeeze %dma_start3A_330 : memref<1x125x64xf32, #tpu.memory_space<vmem>> -> memref<125x64xf32, #tpu.memory_space<vmem>>
        %dma_start3A_332 = arith.constant 0 : i32
        %dma_start3A_333 = tpu.memref_slice %arg7[%add3A_229, %run_scoped3A_243, %dma_start3A_332] : memref<80x1x125xi32, #tpu.memory_space<vmem>> -> memref<1x1x125xi32, #tpu.memory_space<vmem>>
        %dma_start3A_334 = tpu.memref_squeeze %dma_start3A_333 : memref<1x1x125xi32, #tpu.memory_space<vmem>> -> memref<125xi32, #tpu.memory_space<vmem>>
        %dma_start3A_335 = arith.constant 0 : i32
        %dma_start3A_336 = arith.constant 0 : i32
        %dma_start3A_337 = tpu.memref_slice %arg10[%dma_start3A_335, %dma_start3A_336] : memref<10240x64xf32, #tpu.memory_space<vmem_shared>> -> memref<10240x64xf32, #tpu.memory_space<vmem_shared>>
        tpu.enqueue_indirect_dma source(%dma_start3A_331 : memref<125x64xf32, #tpu.memory_space<vmem>>) target(%dma_start3A_337 : memref<10240x64xf32, #tpu.memory_space<vmem_shared>>) offsets(%dma_start3A_334 : memref<125xi32, #tpu.memory_space<vmem>>) semaphore(%run_scoped3A_327 : memref<!tpu.dma_semaphore, #tpu.memory_space<semaphore_mem>>) {add = true}
        %dma_wait3A_338 = arith.constant 0 : i32
        %dma_wait3A_339 = arith.constant 0 : i32
        %dma_wait3A_340 = tpu.memref_slice %arg8[%run_scoped3A_242, %dma_wait3A_338, %dma_wait3A_339] : memref<8x125x64xf32, #tpu.memory_space<vmem>> -> memref<1x125x64xf32, #tpu.memory_space<vmem>>
        %dma_wait3A_341 = tpu.memref_squeeze %dma_wait3A_340 : memref<1x125x64xf32, #tpu.memory_space<vmem>> -> memref<125x64xf32, #tpu.memory_space<vmem>>
        %dma_wait3A_342 = arith.constant 0 : i32
        %dma_wait3A_343 = tpu.memref_slice %arg7[%add3A_229, %run_scoped3A_243, %dma_wait3A_342] : memref<80x1x125xi32, #tpu.memory_space<vmem>> -> memref<1x1x125xi32, #tpu.memory_space<vmem>>
        %dma_wait3A_344 = tpu.memref_squeeze %dma_wait3A_343 : memref<1x1x125xi32, #tpu.memory_space<vmem>> -> memref<125xi32, #tpu.memory_space<vmem>>
        %dma_wait3A_345 = arith.constant 0 : i32
        %dma_wait3A_346 = arith.constant 0 : i32
        %dma_wait3A_347 = tpu.memref_slice %arg10[%dma_wait3A_345, %dma_wait3A_346] : memref<10240x64xf32, #tpu.memory_space<vmem_shared>> -> memref<10240x64xf32, #tpu.memory_space<vmem_shared>>
        tpu.wait_indirect_dma semaphore(%run_scoped3A_327 : memref<!tpu.dma_semaphore, #tpu.memory_space<semaphore_mem>>) src(%dma_wait3A_341 : memref<125x64xf32, #tpu.memory_space<vmem>>) dst(%dma_wait3A_347 : memref<10240x64xf32, #tpu.memory_space<vmem_shared>>)
        tpu.yield
      }) : () -> ()
      %add3A_244 = arith.constant 8 : i32
      %add3A_245 = arith.addi %add3A_229, %add3A_244 : i32
      %lt3A_246 = arith.constant 80 : i32
      %lt3A_247 = arith.cmpi slt, %add3A_245, %lt3A_246 : i32
      %convert_element_type3A_248 = arith.extui %lt3A_247 : i1 to i32
      %cond3A_249 = arith.constant 0 : i32
      %cond3A_250 = arith.cmpi ne, %convert_element_type3A_248, %cond3A_249 : i32
      scf.if %cond3A_250 {
        %add3A_327 = arith.constant 8 : i32
        %add3A_328 = arith.addi %add3A_229, %add3A_327 : i32
        %dma_start3A_329 = arith.constant 0 : i32
        %dma_start3A_330 = arith.constant 4 : i32
        %dma_start3A_331 = arith.constant 0 : i32
        %dma_start3A_332 = arith.constant 0 : i32
        %dma_start3A_333 = tpu.memref_slice %arg8[%dma_start3A_330, %dma_start3A_331, %dma_start3A_332] : memref<8x125x64xf32, #tpu.memory_space<vmem>> -> memref<1x125x64xf32, #tpu.memory_space<vmem>>
        %dma_start3A_334 = tpu.memref_squeeze %dma_start3A_333 : memref<1x125x64xf32, #tpu.memory_space<vmem>> -> memref<125x64xf32, #tpu.memory_space<vmem>>
        %dma_start3A_335 = arith.constant 0 : i32
        %dma_start3A_336 = tpu.memref_slice %arg6[%add3A_328, %dma_start3A_329, %dma_start3A_335] : memref<80x1x125xi32, #tpu.memory_space<vmem>> -> memref<1x1x125xi32, #tpu.memory_space<vmem>>
        %dma_start3A_337 = tpu.memref_squeeze %dma_start3A_336 : memref<1x1x125xi32, #tpu.memory_space<vmem>> -> memref<125xi32, #tpu.memory_space<vmem>>
        %dma_start3A_338 = arith.constant 0 : i32
        %dma_start3A_339 = arith.constant 0 : i32
        %dma_start3A_340 = tpu.memref_slice %arg2[%dma_start3A_338, %dma_start3A_339] : memref<10240x64xf32, #tpu.memory_space<hbm>> -> memref<10240x64xf32, #tpu.memory_space<hbm>>
        tpu.enqueue_indirect_dma source(%dma_start3A_340 : memref<10240x64xf32, #tpu.memory_space<hbm>>) target(%dma_start3A_334 : memref<125x64xf32, #tpu.memory_space<vmem>>) offsets(%dma_start3A_337 : memref<125xi32, #tpu.memory_space<vmem>>) semaphore(%arg15 : memref<!tpu.dma_semaphore, #tpu.memory_space<semaphore_mem>>)
      } else {
      }
      %mul3A_251 = arith.constant 8 : i32
      %mul3A_252 = arith.muli %scan3A_129, %mul3A_251 : i32
      %add3A_253 = arith.constant 5 : i32
      %add3A_254 = arith.addi %mul3A_252, %add3A_253 : i32
      %dma_wait3A_255 = arith.constant 0 : i32
      %dma_wait3A_256 = arith.constant 5 : i32
      %dma_wait3A_257 = arith.constant 0 : i32
      %dma_wait3A_258 = arith.constant 0 : i32
      %dma_wait3A_259 = tpu.memref_slice %arg8[%dma_wait3A_256, %dma_wait3A_257, %dma_wait3A_258] : memref<8x125x64xf32, #tpu.memory_space<vmem>> -> memref<1x125x64xf32, #tpu.memory_space<vmem>>
      %dma_wait3A_260 = tpu.memref_squeeze %dma_wait3A_259 : memref<1x125x64xf32, #tpu.memory_space<vmem>> -> memref<125x64xf32, #tpu.memory_space<vmem>>
      %dma_wait3A_261 = arith.constant 0 : i32
      %dma_wait3A_262 = tpu.memref_slice %arg6[%add3A_254, %dma_wait3A_255, %dma_wait3A_261] : memref<80x1x125xi32, #tpu.memory_space<vmem>> -> memref<1x1x125xi32, #tpu.memory_space<vmem>>
      %dma_wait3A_263 = tpu.memref_squeeze %dma_wait3A_262 : memref<1x1x125xi32, #tpu.memory_space<vmem>> -> memref<125xi32, #tpu.memory_space<vmem>>
      %dma_wait3A_264 = arith.constant 0 : i32
      %dma_wait3A_265 = arith.constant 0 : i32
      %dma_wait3A_266 = tpu.memref_slice %arg2[%dma_wait3A_264, %dma_wait3A_265] : memref<10240x64xf32, #tpu.memory_space<hbm>> -> memref<10240x64xf32, #tpu.memory_space<hbm>>
      tpu.wait_indirect_dma semaphore(%arg16 : memref<!tpu.dma_semaphore, #tpu.memory_space<semaphore_mem>>) src(%dma_wait3A_266 : memref<10240x64xf32, #tpu.memory_space<hbm>>) dst(%dma_wait3A_260 : memref<125x64xf32, #tpu.memory_space<vmem>>)
      %run_scoped3A_267 = arith.constant 5 : i32
      %run_scoped3A_268 = arith.constant 0 : i32
      "tpu.region"() ({
        %run_scoped3A_327 = tpu.sem_alloc : memref<!tpu.dma_semaphore, #tpu.memory_space<semaphore_mem>>
        %dma_start3A_328 = arith.constant 0 : i32
        %dma_start3A_329 = arith.constant 0 : i32
        %dma_start3A_330 = tpu.memref_slice %arg8[%run_scoped3A_267, %dma_start3A_328, %dma_start3A_329] : memref<8x125x64xf32, #tpu.memory_space<vmem>> -> memref<1x125x64xf32, #tpu.memory_space<vmem>>
        %dma_start3A_331 = tpu.memref_squeeze %dma_start3A_330 : memref<1x125x64xf32, #tpu.memory_space<vmem>> -> memref<125x64xf32, #tpu.memory_space<vmem>>
        %dma_start3A_332 = arith.constant 0 : i32
        %dma_start3A_333 = tpu.memref_slice %arg7[%add3A_254, %run_scoped3A_268, %dma_start3A_332] : memref<80x1x125xi32, #tpu.memory_space<vmem>> -> memref<1x1x125xi32, #tpu.memory_space<vmem>>
        %dma_start3A_334 = tpu.memref_squeeze %dma_start3A_333 : memref<1x1x125xi32, #tpu.memory_space<vmem>> -> memref<125xi32, #tpu.memory_space<vmem>>
        %dma_start3A_335 = arith.constant 0 : i32
        %dma_start3A_336 = arith.constant 0 : i32
        %dma_start3A_337 = tpu.memref_slice %arg10[%dma_start3A_335, %dma_start3A_336] : memref<10240x64xf32, #tpu.memory_space<vmem_shared>> -> memref<10240x64xf32, #tpu.memory_space<vmem_shared>>
        tpu.enqueue_indirect_dma source(%dma_start3A_331 : memref<125x64xf32, #tpu.memory_space<vmem>>) target(%dma_start3A_337 : memref<10240x64xf32, #tpu.memory_space<vmem_shared>>) offsets(%dma_start3A_334 : memref<125xi32, #tpu.memory_space<vmem>>) semaphore(%run_scoped3A_327 : memref<!tpu.dma_semaphore, #tpu.memory_space<semaphore_mem>>) {add = true}
        %dma_wait3A_338 = arith.constant 0 : i32
        %dma_wait3A_339 = arith.constant 0 : i32
        %dma_wait3A_340 = tpu.memref_slice %arg8[%run_scoped3A_267, %dma_wait3A_338, %dma_wait3A_339] : memref<8x125x64xf32, #tpu.memory_space<vmem>> -> memref<1x125x64xf32, #tpu.memory_space<vmem>>
        %dma_wait3A_341 = tpu.memref_squeeze %dma_wait3A_340 : memref<1x125x64xf32, #tpu.memory_space<vmem>> -> memref<125x64xf32, #tpu.memory_space<vmem>>
        %dma_wait3A_342 = arith.constant 0 : i32
        %dma_wait3A_343 = tpu.memref_slice %arg7[%add3A_254, %run_scoped3A_268, %dma_wait3A_342] : memref<80x1x125xi32, #tpu.memory_space<vmem>> -> memref<1x1x125xi32, #tpu.memory_space<vmem>>
        %dma_wait3A_344 = tpu.memref_squeeze %dma_wait3A_343 : memref<1x1x125xi32, #tpu.memory_space<vmem>> -> memref<125xi32, #tpu.memory_space<vmem>>
        %dma_wait3A_345 = arith.constant 0 : i32
        %dma_wait3A_346 = arith.constant 0 : i32
        %dma_wait3A_347 = tpu.memref_slice %arg10[%dma_wait3A_345, %dma_wait3A_346] : memref<10240x64xf32, #tpu.memory_space<vmem_shared>> -> memref<10240x64xf32, #tpu.memory_space<vmem_shared>>
        tpu.wait_indirect_dma semaphore(%run_scoped3A_327 : memref<!tpu.dma_semaphore, #tpu.memory_space<semaphore_mem>>) src(%dma_wait3A_341 : memref<125x64xf32, #tpu.memory_space<vmem>>) dst(%dma_wait3A_347 : memref<10240x64xf32, #tpu.memory_space<vmem_shared>>)
        tpu.yield
      }) : () -> ()
      %add3A_269 = arith.constant 8 : i32
      %add3A_270 = arith.addi %add3A_254, %add3A_269 : i32
      %lt3A_271 = arith.constant 80 : i32
      %lt3A_272 = arith.cmpi slt, %add3A_270, %lt3A_271 : i32
      %convert_element_type3A_273 = arith.extui %lt3A_272 : i1 to i32
      %cond3A_274 = arith.constant 0 : i32
      %cond3A_275 = arith.cmpi ne, %convert_element_type3A_273, %cond3A_274 : i32
      scf.if %cond3A_275 {
        %add3A_327 = arith.constant 8 : i32
        %add3A_328 = arith.addi %add3A_254, %add3A_327 : i32
        %dma_start3A_329 = arith.constant 0 : i32
        %dma_start3A_330 = arith.constant 5 : i32
        %dma_start3A_331 = arith.constant 0 : i32
        %dma_start3A_332 = arith.constant 0 : i32
        %dma_start3A_333 = tpu.memref_slice %arg8[%dma_start3A_330, %dma_start3A_331, %dma_start3A_332] : memref<8x125x64xf32, #tpu.memory_space<vmem>> -> memref<1x125x64xf32, #tpu.memory_space<vmem>>
        %dma_start3A_334 = tpu.memref_squeeze %dma_start3A_333 : memref<1x125x64xf32, #tpu.memory_space<vmem>> -> memref<125x64xf32, #tpu.memory_space<vmem>>
        %dma_start3A_335 = arith.constant 0 : i32
        %dma_start3A_336 = tpu.memref_slice %arg6[%add3A_328, %dma_start3A_329, %dma_start3A_335] : memref<80x1x125xi32, #tpu.memory_space<vmem>> -> memref<1x1x125xi32, #tpu.memory_space<vmem>>
        %dma_start3A_337 = tpu.memref_squeeze %dma_start3A_336 : memref<1x1x125xi32, #tpu.memory_space<vmem>> -> memref<125xi32, #tpu.memory_space<vmem>>
        %dma_start3A_338 = arith.constant 0 : i32
        %dma_start3A_339 = arith.constant 0 : i32
        %dma_start3A_340 = tpu.memref_slice %arg2[%dma_start3A_338, %dma_start3A_339] : memref<10240x64xf32, #tpu.memory_space<hbm>> -> memref<10240x64xf32, #tpu.memory_space<hbm>>
        tpu.enqueue_indirect_dma source(%dma_start3A_340 : memref<10240x64xf32, #tpu.memory_space<hbm>>) target(%dma_start3A_334 : memref<125x64xf32, #tpu.memory_space<vmem>>) offsets(%dma_start3A_337 : memref<125xi32, #tpu.memory_space<vmem>>) semaphore(%arg16 : memref<!tpu.dma_semaphore, #tpu.memory_space<semaphore_mem>>)
      } else {
      }
      %mul3A_276 = arith.constant 8 : i32
      %mul3A_277 = arith.muli %scan3A_129, %mul3A_276 : i32
      %add3A_278 = arith.constant 6 : i32
      %add3A_279 = arith.addi %mul3A_277, %add3A_278 : i32
      %dma_wait3A_280 = arith.constant 0 : i32
      %dma_wait3A_281 = arith.constant 6 : i32
      %dma_wait3A_282 = arith.constant 0 : i32
      %dma_wait3A_283 = arith.constant 0 : i32
      %dma_wait3A_284 = tpu.memref_slice %arg8[%dma_wait3A_281, %dma_wait3A_282, %dma_wait3A_283] : memref<8x125x64xf32, #tpu.memory_space<vmem>> -> memref<1x125x64xf32, #tpu.memory_space<vmem>>
      %dma_wait3A_285 = tpu.memref_squeeze %dma_wait3A_284 : memref<1x125x64xf32, #tpu.memory_space<vmem>> -> memref<125x64xf32, #tpu.memory_space<vmem>>
      %dma_wait3A_286 = arith.constant 0 : i32
      %dma_wait3A_287 = tpu.memref_slice %arg6[%add3A_279, %dma_wait3A_280, %dma_wait3A_286] : memref<80x1x125xi32, #tpu.memory_space<vmem>> -> memref<1x1x125xi32, #tpu.memory_space<vmem>>
      %dma_wait3A_288 = tpu.memref_squeeze %dma_wait3A_287 : memref<1x1x125xi32, #tpu.memory_space<vmem>> -> memref<125xi32, #tpu.memory_space<vmem>>
      %dma_wait3A_289 = arith.constant 0 : i32
      %dma_wait3A_290 = arith.constant 0 : i32
      %dma_wait3A_291 = tpu.memref_slice %arg2[%dma_wait3A_289, %dma_wait3A_290] : memref<10240x64xf32, #tpu.memory_space<hbm>> -> memref<10240x64xf32, #tpu.memory_space<hbm>>
      tpu.wait_indirect_dma semaphore(%arg17 : memref<!tpu.dma_semaphore, #tpu.memory_space<semaphore_mem>>) src(%dma_wait3A_291 : memref<10240x64xf32, #tpu.memory_space<hbm>>) dst(%dma_wait3A_285 : memref<125x64xf32, #tpu.memory_space<vmem>>)
      %run_scoped3A_292 = arith.constant 6 : i32
      %run_scoped3A_293 = arith.constant 0 : i32
      "tpu.region"() ({
        %run_scoped3A_327 = tpu.sem_alloc : memref<!tpu.dma_semaphore, #tpu.memory_space<semaphore_mem>>
        %dma_start3A_328 = arith.constant 0 : i32
        %dma_start3A_329 = arith.constant 0 : i32
        %dma_start3A_330 = tpu.memref_slice %arg8[%run_scoped3A_292, %dma_start3A_328, %dma_start3A_329] : memref<8x125x64xf32, #tpu.memory_space<vmem>> -> memref<1x125x64xf32, #tpu.memory_space<vmem>>
        %dma_start3A_331 = tpu.memref_squeeze %dma_start3A_330 : memref<1x125x64xf32, #tpu.memory_space<vmem>> -> memref<125x64xf32, #tpu.memory_space<vmem>>
        %dma_start3A_332 = arith.constant 0 : i32
        %dma_start3A_333 = tpu.memref_slice %arg7[%add3A_279, %run_scoped3A_293, %dma_start3A_332] : memref<80x1x125xi32, #tpu.memory_space<vmem>> -> memref<1x1x125xi32, #tpu.memory_space<vmem>>
        %dma_start3A_334 = tpu.memref_squeeze %dma_start3A_333 : memref<1x1x125xi32, #tpu.memory_space<vmem>> -> memref<125xi32, #tpu.memory_space<vmem>>
        %dma_start3A_335 = arith.constant 0 : i32
        %dma_start3A_336 = arith.constant 0 : i32
        %dma_start3A_337 = tpu.memref_slice %arg10[%dma_start3A_335, %dma_start3A_336] : memref<10240x64xf32, #tpu.memory_space<vmem_shared>> -> memref<10240x64xf32, #tpu.memory_space<vmem_shared>>
        tpu.enqueue_indirect_dma source(%dma_start3A_331 : memref<125x64xf32, #tpu.memory_space<vmem>>) target(%dma_start3A_337 : memref<10240x64xf32, #tpu.memory_space<vmem_shared>>) offsets(%dma_start3A_334 : memref<125xi32, #tpu.memory_space<vmem>>) semaphore(%run_scoped3A_327 : memref<!tpu.dma_semaphore, #tpu.memory_space<semaphore_mem>>) {add = true}
        %dma_wait3A_338 = arith.constant 0 : i32
        %dma_wait3A_339 = arith.constant 0 : i32
        %dma_wait3A_340 = tpu.memref_slice %arg8[%run_scoped3A_292, %dma_wait3A_338, %dma_wait3A_339] : memref<8x125x64xf32, #tpu.memory_space<vmem>> -> memref<1x125x64xf32, #tpu.memory_space<vmem>>
        %dma_wait3A_341 = tpu.memref_squeeze %dma_wait3A_340 : memref<1x125x64xf32, #tpu.memory_space<vmem>> -> memref<125x64xf32, #tpu.memory_space<vmem>>
        %dma_wait3A_342 = arith.constant 0 : i32
        %dma_wait3A_343 = tpu.memref_slice %arg7[%add3A_279, %run_scoped3A_293, %dma_wait3A_342] : memref<80x1x125xi32, #tpu.memory_space<vmem>> -> memref<1x1x125xi32, #tpu.memory_space<vmem>>
        %dma_wait3A_344 = tpu.memref_squeeze %dma_wait3A_343 : memref<1x1x125xi32, #tpu.memory_space<vmem>> -> memref<125xi32, #tpu.memory_space<vmem>>
        %dma_wait3A_345 = arith.constant 0 : i32
        %dma_wait3A_346 = arith.constant 0 : i32
        %dma_wait3A_347 = tpu.memref_slice %arg10[%dma_wait3A_345, %dma_wait3A_346] : memref<10240x64xf32, #tpu.memory_space<vmem_shared>> -> memref<10240x64xf32, #tpu.memory_space<vmem_shared>>
        tpu.wait_indirect_dma semaphore(%run_scoped3A_327 : memref<!tpu.dma_semaphore, #tpu.memory_space<semaphore_mem>>) src(%dma_wait3A_341 : memref<125x64xf32, #tpu.memory_space<vmem>>) dst(%dma_wait3A_347 : memref<10240x64xf32, #tpu.memory_space<vmem_shared>>)
        tpu.yield
      }) : () -> ()
      %add3A_294 = arith.constant 8 : i32
      %add3A_295 = arith.addi %add3A_279, %add3A_294 : i32
      %lt3A_296 = arith.constant 80 : i32
      %lt3A_297 = arith.cmpi slt, %add3A_295, %lt3A_296 : i32
      %convert_element_type3A_298 = arith.extui %lt3A_297 : i1 to i32
      %cond3A_299 = arith.constant 0 : i32
      %cond3A_300 = arith.cmpi ne, %convert_element_type3A_298, %cond3A_299 : i32
      scf.if %cond3A_300 {
        %add3A_327 = arith.constant 8 : i32
        %add3A_328 = arith.addi %add3A_279, %add3A_327 : i32
        %dma_start3A_329 = arith.constant 0 : i32
        %dma_start3A_330 = arith.constant 6 : i32
        %dma_start3A_331 = arith.constant 0 : i32
        %dma_start3A_332 = arith.constant 0 : i32
        %dma_start3A_333 = tpu.memref_slice %arg8[%dma_start3A_330, %dma_start3A_331, %dma_start3A_332] : memref<8x125x64xf32, #tpu.memory_space<vmem>> -> memref<1x125x64xf32, #tpu.memory_space<vmem>>
        %dma_start3A_334 = tpu.memref_squeeze %dma_start3A_333 : memref<1x125x64xf32, #tpu.memory_space<vmem>> -> memref<125x64xf32, #tpu.memory_space<vmem>>
        %dma_start3A_335 = arith.constant 0 : i32
        %dma_start3A_336 = tpu.memref_slice %arg6[%add3A_328, %dma_start3A_329, %dma_start3A_335] : memref<80x1x125xi32, #tpu.memory_space<vmem>> -> memref<1x1x125xi32, #tpu.memory_space<vmem>>
        %dma_start3A_337 = tpu.memref_squeeze %dma_start3A_336 : memref<1x1x125xi32, #tpu.memory_space<vmem>> -> memref<125xi32, #tpu.memory_space<vmem>>
        %dma_start3A_338 = arith.constant 0 : i32
        %dma_start3A_339 = arith.constant 0 : i32
        %dma_start3A_340 = tpu.memref_slice %arg2[%dma_start3A_338, %dma_start3A_339] : memref<10240x64xf32, #tpu.memory_space<hbm>> -> memref<10240x64xf32, #tpu.memory_space<hbm>>
        tpu.enqueue_indirect_dma source(%dma_start3A_340 : memref<10240x64xf32, #tpu.memory_space<hbm>>) target(%dma_start3A_334 : memref<125x64xf32, #tpu.memory_space<vmem>>) offsets(%dma_start3A_337 : memref<125xi32, #tpu.memory_space<vmem>>) semaphore(%arg17 : memref<!tpu.dma_semaphore, #tpu.memory_space<semaphore_mem>>)
      } else {
      }
      %mul3A_301 = arith.constant 8 : i32
      %mul3A_302 = arith.muli %scan3A_129, %mul3A_301 : i32
      %add3A_303 = arith.constant 7 : i32
      %add3A_304 = arith.addi %mul3A_302, %add3A_303 : i32
      %dma_wait3A_305 = arith.constant 0 : i32
      %dma_wait3A_306 = arith.constant 7 : i32
      %dma_wait3A_307 = arith.constant 0 : i32
      %dma_wait3A_308 = arith.constant 0 : i32
      %dma_wait3A_309 = tpu.memref_slice %arg8[%dma_wait3A_306, %dma_wait3A_307, %dma_wait3A_308] : memref<8x125x64xf32, #tpu.memory_space<vmem>> -> memref<1x125x64xf32, #tpu.memory_space<vmem>>
      %dma_wait3A_310 = tpu.memref_squeeze %dma_wait3A_309 : memref<1x125x64xf32, #tpu.memory_space<vmem>> -> memref<125x64xf32, #tpu.memory_space<vmem>>
      %dma_wait3A_311 = arith.constant 0 : i32
      %dma_wait3A_312 = tpu.memref_slice %arg6[%add3A_304, %dma_wait3A_305, %dma_wait3A_311] : memref<80x1x125xi32, #tpu.memory_space<vmem>> -> memref<1x1x125xi32, #tpu.memory_space<vmem>>
      %dma_wait3A_313 = tpu.memref_squeeze %dma_wait3A_312 : memref<1x1x125xi32, #tpu.memory_space<vmem>> -> memref<125xi32, #tpu.memory_space<vmem>>
      %dma_wait3A_314 = arith.constant 0 : i32
      %dma_wait3A_315 = arith.constant 0 : i32
      %dma_wait3A_316 = tpu.memref_slice %arg2[%dma_wait3A_314, %dma_wait3A_315] : memref<10240x64xf32, #tpu.memory_space<hbm>> -> memref<10240x64xf32, #tpu.memory_space<hbm>>
      tpu.wait_indirect_dma semaphore(%arg18 : memref<!tpu.dma_semaphore, #tpu.memory_space<semaphore_mem>>) src(%dma_wait3A_316 : memref<10240x64xf32, #tpu.memory_space<hbm>>) dst(%dma_wait3A_310 : memref<125x64xf32, #tpu.memory_space<vmem>>)
      %run_scoped3A_317 = arith.constant 7 : i32
      %run_scoped3A_318 = arith.constant 0 : i32
      "tpu.region"() ({
        %run_scoped3A_327 = tpu.sem_alloc : memref<!tpu.dma_semaphore, #tpu.memory_space<semaphore_mem>>
        %dma_start3A_328 = arith.constant 0 : i32
        %dma_start3A_329 = arith.constant 0 : i32
        %dma_start3A_330 = tpu.memref_slice %arg8[%run_scoped3A_317, %dma_start3A_328, %dma_start3A_329] : memref<8x125x64xf32, #tpu.memory_space<vmem>> -> memref<1x125x64xf32, #tpu.memory_space<vmem>>
        %dma_start3A_331 = tpu.memref_squeeze %dma_start3A_330 : memref<1x125x64xf32, #tpu.memory_space<vmem>> -> memref<125x64xf32, #tpu.memory_space<vmem>>
        %dma_start3A_332 = arith.constant 0 : i32
        %dma_start3A_333 = tpu.memref_slice %arg7[%add3A_304, %run_scoped3A_318, %dma_start3A_332] : memref<80x1x125xi32, #tpu.memory_space<vmem>> -> memref<1x1x125xi32, #tpu.memory_space<vmem>>
        %dma_start3A_334 = tpu.memref_squeeze %dma_start3A_333 : memref<1x1x125xi32, #tpu.memory_space<vmem>> -> memref<125xi32, #tpu.memory_space<vmem>>
        %dma_start3A_335 = arith.constant 0 : i32
        %dma_start3A_336 = arith.constant 0 : i32
        %dma_start3A_337 = tpu.memref_slice %arg10[%dma_start3A_335, %dma_start3A_336] : memref<10240x64xf32, #tpu.memory_space<vmem_shared>> -> memref<10240x64xf32, #tpu.memory_space<vmem_shared>>
        tpu.enqueue_indirect_dma source(%dma_start3A_331 : memref<125x64xf32, #tpu.memory_space<vmem>>) target(%dma_start3A_337 : memref<10240x64xf32, #tpu.memory_space<vmem_shared>>) offsets(%dma_start3A_334 : memref<125xi32, #tpu.memory_space<vmem>>) semaphore(%run_scoped3A_327 : memref<!tpu.dma_semaphore, #tpu.memory_space<semaphore_mem>>) {add = true}
        %dma_wait3A_338 = arith.constant 0 : i32
        %dma_wait3A_339 = arith.constant 0 : i32
        %dma_wait3A_340 = tpu.memref_slice %arg8[%run_scoped3A_317, %dma_wait3A_338, %dma_wait3A_339] : memref<8x125x64xf32, #tpu.memory_space<vmem>> -> memref<1x125x64xf32, #tpu.memory_space<vmem>>
        %dma_wait3A_341 = tpu.memref_squeeze %dma_wait3A_340 : memref<1x125x64xf32, #tpu.memory_space<vmem>> -> memref<125x64xf32, #tpu.memory_space<vmem>>
        %dma_wait3A_342 = arith.constant 0 : i32
        %dma_wait3A_343 = tpu.memref_slice %arg7[%add3A_304, %run_scoped3A_318, %dma_wait3A_342] : memref<80x1x125xi32, #tpu.memory_space<vmem>> -> memref<1x1x125xi32, #tpu.memory_space<vmem>>
        %dma_wait3A_344 = tpu.memref_squeeze %dma_wait3A_343 : memref<1x1x125xi32, #tpu.memory_space<vmem>> -> memref<125xi32, #tpu.memory_space<vmem>>
        %dma_wait3A_345 = arith.constant 0 : i32
        %dma_wait3A_346 = arith.constant 0 : i32
        %dma_wait3A_347 = tpu.memref_slice %arg10[%dma_wait3A_345, %dma_wait3A_346] : memref<10240x64xf32, #tpu.memory_space<vmem_shared>> -> memref<10240x64xf32, #tpu.memory_space<vmem_shared>>
        tpu.wait_indirect_dma semaphore(%run_scoped3A_327 : memref<!tpu.dma_semaphore, #tpu.memory_space<semaphore_mem>>) src(%dma_wait3A_341 : memref<125x64xf32, #tpu.memory_space<vmem>>) dst(%dma_wait3A_347 : memref<10240x64xf32, #tpu.memory_space<vmem_shared>>)
        tpu.yield
      }) : () -> ()
      %add3A_319 = arith.constant 8 : i32
      %add3A_320 = arith.addi %add3A_304, %add3A_319 : i32
      %lt3A_321 = arith.constant 80 : i32
      %lt3A_322 = arith.cmpi slt, %add3A_320, %lt3A_321 : i32
      %convert_element_type3A_323 = arith.extui %lt3A_322 : i1 to i32
      %cond3A_324 = arith.constant 0 : i32
      %cond3A_325 = arith.cmpi ne, %convert_element_type3A_323, %cond3A_324 : i32
      scf.if %cond3A_325 {
        %add3A_327 = arith.constant 8 : i32
        %add3A_328 = arith.addi %add3A_304, %add3A_327 : i32
        %dma_start3A_329 = arith.constant 0 : i32
        %dma_start3A_330 = arith.constant 7 : i32
        %dma_start3A_331 = arith.constant 0 : i32
        %dma_start3A_332 = arith.constant 0 : i32
        %dma_start3A_333 = tpu.memref_slice %arg8[%dma_start3A_330, %dma_start3A_331, %dma_start3A_332] : memref<8x125x64xf32, #tpu.memory_space<vmem>> -> memref<1x125x64xf32, #tpu.memory_space<vmem>>
        %dma_start3A_334 = tpu.memref_squeeze %dma_start3A_333 : memref<1x125x64xf32, #tpu.memory_space<vmem>> -> memref<125x64xf32, #tpu.memory_space<vmem>>
        %dma_start3A_335 = arith.constant 0 : i32
        %dma_start3A_336 = tpu.memref_slice %arg6[%add3A_328, %dma_start3A_329, %dma_start3A_335] : memref<80x1x125xi32, #tpu.memory_space<vmem>> -> memref<1x1x125xi32, #tpu.memory_space<vmem>>
        %dma_start3A_337 = tpu.memref_squeeze %dma_start3A_336 : memref<1x1x125xi32, #tpu.memory_space<vmem>> -> memref<125xi32, #tpu.memory_space<vmem>>
        %dma_start3A_338 = arith.constant 0 : i32
        %dma_start3A_339 = arith.constant 0 : i32
        %dma_start3A_340 = tpu.memref_slice %arg2[%dma_start3A_338, %dma_start3A_339] : memref<10240x64xf32, #tpu.memory_space<hbm>> -> memref<10240x64xf32, #tpu.memory_space<hbm>>
        tpu.enqueue_indirect_dma source(%dma_start3A_340 : memref<10240x64xf32, #tpu.memory_space<hbm>>) target(%dma_start3A_334 : memref<125x64xf32, #tpu.memory_space<vmem>>) offsets(%dma_start3A_337 : memref<125xi32, #tpu.memory_space<vmem>>) semaphore(%arg18 : memref<!tpu.dma_semaphore, #tpu.memory_space<semaphore_mem>>)
      } else {
      }
      %scan3A_326 = arith.constant 0 : i32
      scf.yield %scan3A_326 : i32
    }
    %scan3A_123 = arith.constant 10 : i32
    %barrier3A_124 = arith.constant 0 : index
    tpu.barrier barrier_id(%barrier3A_124)
    %mul3A_125 = arith.constant 640 : i32
    %mul3A_126 = arith.muli %arg1, %mul3A_125 : i32
    %mul3A_127 = arith.constant 640 : i32
    %mul3A_128 = arith.muli %arg1, %mul3A_127 : i32
    "tpu.region"() ({
      %run_scoped3A = tpu.sem_alloc : memref<!tpu.dma_semaphore, #tpu.memory_space<semaphore_mem>>
      %dma_start3A_129 = arith.constant 0 : i32
      %dma_start3A_130 = tpu.memref_slice %arg5[%arg0, %mul3A_128, %dma_start3A_129] : memref<2x10240x64xf32, #tpu.memory_space<hbm>> -> memref<1x640x64xf32, #tpu.memory_space<hbm>>
      %dma_start3A_131 = tpu.memref_squeeze %dma_start3A_130 : memref<1x640x64xf32, #tpu.memory_space<hbm>> -> memref<640x64xf32, #tpu.memory_space<hbm>>
      %dma_start3A_132 = arith.constant 0 : i32
      %dma_start3A_133 = tpu.memref_slice %arg10[%mul3A_126, %dma_start3A_132] : memref<10240x64xf32, #tpu.memory_space<vmem_shared>> -> memref<640x64xf32, #tpu.memory_space<vmem_shared>>
      tpu.enqueue_dma source(%dma_start3A_133 : memref<640x64xf32, #tpu.memory_space<vmem_shared>>) target(%dma_start3A_131 : memref<640x64xf32, #tpu.memory_space<hbm>>) target_semaphore(%run_scoped3A : memref<!tpu.dma_semaphore, #tpu.memory_space<semaphore_mem>>)
      %dma_wait3A = arith.constant 0 : i32
      %dma_wait3A_134 = tpu.memref_slice %arg5[%arg0, %mul3A_128, %dma_wait3A] : memref<2x10240x64xf32, #tpu.memory_space<hbm>> -> memref<1x640x64xf32, #tpu.memory_space<hbm>>
      %dma_wait3A_135 = tpu.memref_squeeze %dma_wait3A_134 : memref<1x640x64xf32, #tpu.memory_space<hbm>> -> memref<640x64xf32, #tpu.memory_space<hbm>>
      %dma_wait3A_136 = arith.constant 0 : i32
      %dma_wait3A_137 = tpu.memref_slice %arg10[%mul3A_126, %dma_wait3A_136] : memref<10240x64xf32, #tpu.memory_space<vmem_shared>> -> memref<640x64xf32, #tpu.memory_space<vmem_shared>>
      tpu.wait_dma2 semaphore(%run_scoped3A : memref<!tpu.dma_semaphore, #tpu.memory_space<semaphore_mem>>) src(%dma_wait3A_137 : memref<640x64xf32, #tpu.memory_space<vmem_shared>>) dst(%dma_wait3A_135 : memref<640x64xf32, #tpu.memory_space<hbm>>)
      tpu.yield
    }) : () -> ()
    return
  }
}

module attributes {stable_mosaic.version = 14 : i64} {
  func.func @_pre_body(%arg0: i32, %arg1: memref<1024x128xf32, #tpu.memory_space<vmem>>, %arg2: memref<128x64xf32, #tpu.memory_space<vmem>>, %arg3: memref<64x16xf32, #tpu.memory_space<vmem>>, %arg4: memref<1024x4xf32, #tpu.memory_space<vmem>>, %arg5: memref<1024x64xf32, #tpu.memory_space<vmem>>, %arg6: memref<1024x16xf32, #tpu.memory_space<vmem>>, %arg7: memref<1024x1xf32, #tpu.memory_space<vmem>>, %arg8: memref<1024x1xf32, #tpu.memory_space<vmem>>) attributes {dimension_semantics = [#tpu.dimension_semantics<arbitrary>], iteration_bounds = array<i64: 10>, scalar_prefetch = 0 : i64, scratch_operands = 0 : i64, tpu.core_type = #tpu.core_type<tc>, window_params = [{transform_indices = @transform_0, window_bounds = array<i64: 1024, 128>}, {pipeline_mode = #tpu.pipeline_mode<synchronous>, transform_indices = @transform_1, window_bounds = array<i64: 128, 64>}, {pipeline_mode = #tpu.pipeline_mode<synchronous>, transform_indices = @transform_2, window_bounds = array<i64: 64, 16>}, {transform_indices = @transform_3, window_bounds = array<i64: 1024, 4>}, {transform_indices = @transform_4, window_bounds = array<i64: 1024, 64>}, {transform_indices = @transform_5, window_bounds = array<i64: 1024, 16>}, {transform_indices = @transform_6, window_bounds = array<i64: 1024, 1>}, {transform_indices = @transform_7, window_bounds = array<i64: 1024, 1>}]} {
    %get3A = arith.constant 0 : index
    %get3A_0 = arith.constant 0 : index
    %get3A_1 = vector.load %arg4[%get3A, %get3A_0] : memref<1024x4xf32, #tpu.memory_space<vmem>>, vector<1024x1xf32>
    %get3A_2 = arith.constant 0 : index
    %get3A_3 = arith.constant 2 : index
    %get3A_4 = vector.load %arg4[%get3A_2, %get3A_3] : memref<1024x4xf32, #tpu.memory_space<vmem>>, vector<1024x1xf32>
    %add3A = arith.addf %get3A_1, %get3A_4 : vector<1024x1xf32>
    %get3A_5 = arith.constant 0 : index
    %get3A_6 = arith.constant 1 : index
    %get3A_7 = vector.load %arg4[%get3A_5, %get3A_6] : memref<1024x4xf32, #tpu.memory_space<vmem>>, vector<1024x1xf32>
    %get3A_8 = arith.constant 0 : index
    %get3A_9 = arith.constant 3 : index
    %get3A_10 = vector.load %arg4[%get3A_8, %get3A_9] : memref<1024x4xf32, #tpu.memory_space<vmem>>, vector<1024x1xf32>
    %add3A_11 = arith.addf %get3A_7, %get3A_10 : vector<1024x1xf32>
    %max3A = arith.constant 1.000000e+00 : f32
    %max3A_12 = vector.broadcast %max3A : f32 to vector<1024x1xf32>
    %max3A_13 = arith.maximumf %add3A, %max3A_12 : vector<1024x1xf32>
    %rsqrt3A = math.rsqrt %max3A_13 : vector<1024x1xf32>
    %max3A_14 = arith.constant 1.000000e+00 : f32
    %max3A_15 = vector.broadcast %max3A_14 : f32 to vector<1024x1xf32>
    %max3A_16 = arith.maximumf %add3A_11, %max3A_15 : vector<1024x1xf32>
    %rsqrt3A_17 = math.rsqrt %max3A_16 : vector<1024x1xf32>
    %get3A_18 = arith.constant 0 : index
    %get3A_19 = arith.constant 0 : index
    %get3A_20 = vector.load %arg1[%get3A_18, %get3A_19] : memref<1024x128xf32, #tpu.memory_space<vmem>>, vector<1024x128xf32>
    %get3A_21 = arith.constant 0 : index
    %get3A_22 = arith.constant 0 : index
    %get3A_23 = vector.load %arg2[%get3A_21, %get3A_22] : memref<128x64xf32, #tpu.memory_space<vmem>>, vector<128x64xf32>
    %dot_general3A = arith.constant dense<0.000000e+00> : vector<1024x64xf32>
    %dot_general3A_24 = tpu.matmul %get3A_20, %get3A_23, %dot_general3A {dimension_numbers = #tpu.dot_dimension_numbers<[1], [0], [0], [1], [0, 0, 1, 1], [], []>, transpose_lhs_hint = false} : vector<1024x128xf32>, vector<128x64xf32>, vector<1024x64xf32> -> vector<1024x64xf32>
    %mul3A = vector.broadcast %rsqrt3A : vector<1024x1xf32> to vector<1024x64xf32>
    %mul3A_25 = arith.mulf %dot_general3A_24, %mul3A : vector<1024x64xf32>
    %swap3A = arith.constant 0 : index
    %swap3A_26 = arith.constant 0 : index
    %swap3A_27 = vector.load %arg5[%swap3A, %swap3A_26] : memref<1024x64xf32, #tpu.memory_space<vmem>>, vector<1024x64xf32>
    tpu.vector_store %arg5[%swap3A, %swap3A_26], %mul3A_25 {strides = array<i32>} : memref<1024x64xf32, #tpu.memory_space<vmem>>, vector<1024x64xf32>,
    %max3A_28 = arith.constant 0.000000e+00 : f32
    %max3A_29 = vector.broadcast %max3A_28 : f32 to vector<1024x64xf32>
    %max3A_30 = arith.maximumf %dot_general3A_24, %max3A_29 : vector<1024x64xf32>
    %get3A_31 = arith.constant 0 : index
    %get3A_32 = arith.constant 0 : index
    %get3A_33 = vector.load %arg3[%get3A_31, %get3A_32] : memref<64x16xf32, #tpu.memory_space<vmem>>, vector<64x16xf32>
    %dot_general3A_34 = arith.constant dense<0.000000e+00> : vector<1024x16xf32>
    %dot_general3A_35 = tpu.matmul %max3A_30, %get3A_33, %dot_general3A_34 {dimension_numbers = #tpu.dot_dimension_numbers<[1], [0], [0], [1], [0, 0, 1, 1], [], []>, transpose_lhs_hint = false} : vector<1024x64xf32>, vector<64x16xf32>, vector<1024x16xf32> -> vector<1024x16xf32>
    %swap3A_36 = arith.constant 0 : index
    %swap3A_37 = arith.constant 0 : index
    %swap3A_38 = vector.load %arg6[%swap3A_36, %swap3A_37] : memref<1024x16xf32, #tpu.memory_space<vmem>>, vector<1024x16xf32>
    tpu.vector_store %arg6[%swap3A_36, %swap3A_37], %dot_general3A_35 {strides = array<i32>} : memref<1024x16xf32, #tpu.memory_space<vmem>>, vector<1024x16xf32>,
    %mul3A_39 = arith.mulf %rsqrt3A, %rsqrt3A_17 : vector<1024x1xf32>
    %swap3A_40 = arith.constant 0 : index
    %swap3A_41 = arith.constant 0 : index
    %swap3A_42 = vector.load %arg7[%swap3A_40, %swap3A_41] : memref<1024x1xf32, #tpu.memory_space<vmem>>, vector<1024x1xf32>
    tpu.vector_store %arg7[%swap3A_40, %swap3A_41], %mul3A_39 {strides = array<i32>} : memref<1024x1xf32, #tpu.memory_space<vmem>>, vector<1024x1xf32>,
    %swap3A_43 = arith.constant 0 : index
    %swap3A_44 = arith.constant 0 : index
    %swap3A_45 = vector.load %arg8[%swap3A_43, %swap3A_44] : memref<1024x1xf32, #tpu.memory_space<vmem>>, vector<1024x1xf32>
    tpu.vector_store %arg8[%swap3A_43, %swap3A_44], %rsqrt3A_17 {strides = array<i32>} : memref<1024x1xf32, #tpu.memory_space<vmem>>, vector<1024x1xf32>,
    return
  }
  func.func @transform_0(%arg0: i32) -> (i32, i32) {
    %c0_i32 = arith.constant 0 : i32
    %c0_i32_0 = arith.constant 0 : i32
    return %arg0, %c0_i32 : i32, i32
  }
  func.func @transform_1(%arg0: i32) -> (i32, i32) {
    %c0_i32 = arith.constant 0 : i32
    %c0_i32_0 = arith.constant 0 : i32
    %c0_i32_1 = arith.constant 0 : i32
    return %c0_i32, %c0_i32_0 : i32, i32
  }
  func.func @transform_2(%arg0: i32) -> (i32, i32) {
    %c0_i32 = arith.constant 0 : i32
    %c0_i32_0 = arith.constant 0 : i32
    %c0_i32_1 = arith.constant 0 : i32
    return %c0_i32, %c0_i32_0 : i32, i32
  }
  func.func @transform_3(%arg0: i32) -> (i32, i32) {
    %c0_i32 = arith.constant 0 : i32
    %c0_i32_0 = arith.constant 0 : i32
    return %arg0, %c0_i32 : i32, i32
  }
  func.func @transform_4(%arg0: i32) -> (i32, i32) {
    %c0_i32 = arith.constant 0 : i32
    %c0_i32_0 = arith.constant 0 : i32
    return %arg0, %c0_i32 : i32, i32
  }
  func.func @transform_5(%arg0: i32) -> (i32, i32) {
    %c0_i32 = arith.constant 0 : i32
    %c0_i32_0 = arith.constant 0 : i32
    return %arg0, %c0_i32 : i32, i32
  }
  func.func @transform_6(%arg0: i32) -> (i32, i32) {
    %c0_i32 = arith.constant 0 : i32
    %c0_i32_0 = arith.constant 0 : i32
    return %arg0, %c0_i32 : i32, i32
  }
  func.func @transform_7(%arg0: i32) -> (i32, i32) {
    %c0_i32 = arith.constant 0 : i32
    %c0_i32_0 = arith.constant 0 : i32
    return %arg0, %c0_i32 : i32, i32
  }
}

module attributes {stable_mosaic.version = 14 : i64} {
  func.func @_mid_body(%arg0: i32, %arg1: memref<2x1024x64xf32, #tpu.memory_space<vmem>>, %arg2: memref<1024x1xf32, #tpu.memory_space<vmem>>, %arg3: memref<1024x1xf32, #tpu.memory_space<vmem>>, %arg4: memref<64x16xf32, #tpu.memory_space<vmem>>, %arg5: memref<1024x64xf32, #tpu.memory_space<vmem>>, %arg6: memref<1024x16xf32, #tpu.memory_space<vmem>>) attributes {dimension_semantics = [#tpu.dimension_semantics<arbitrary>], iteration_bounds = array<i64: 10>, scalar_prefetch = 0 : i64, scratch_operands = 0 : i64, tpu.core_type = #tpu.core_type<tc>, window_params = [{transform_indices = @transform_0, window_bounds = array<i64: 2, 1024, 64>}, {transform_indices = @transform_1, window_bounds = array<i64: 1024, 1>}, {transform_indices = @transform_2, window_bounds = array<i64: 1024, 1>}, {pipeline_mode = #tpu.pipeline_mode<synchronous>, transform_indices = @transform_3, window_bounds = array<i64: 64, 16>}, {transform_indices = @transform_4, window_bounds = array<i64: 1024, 64>}, {transform_indices = @transform_5, window_bounds = array<i64: 1024, 16>}]} {
    %get3A = arith.constant 0 : index
    %get3A_0 = arith.constant 0 : index
    %get3A_1 = arith.constant 0 : index
    %get3A_2 = vector.load %arg1[%get3A, %get3A_0, %get3A_1] : memref<2x1024x64xf32, #tpu.memory_space<vmem>>, vector<1x1024x64xf32>
    %get3A_3 = vector.shape_cast %get3A_2 : vector<1x1024x64xf32> to vector<1024x64xf32>
    %get3A_4 = arith.constant 1 : index
    %get3A_5 = arith.constant 0 : index
    %get3A_6 = arith.constant 0 : index
    %get3A_7 = vector.load %arg1[%get3A_4, %get3A_5, %get3A_6] : memref<2x1024x64xf32, #tpu.memory_space<vmem>>, vector<1x1024x64xf32>
    %get3A_8 = vector.shape_cast %get3A_7 : vector<1x1024x64xf32> to vector<1024x64xf32>
    %add3A = arith.addf %get3A_3, %get3A_8 : vector<1024x64xf32>
    %get3A_9 = arith.constant 0 : index
    %get3A_10 = arith.constant 0 : index
    %get3A_11 = vector.load %arg3[%get3A_9, %get3A_10] : memref<1024x1xf32, #tpu.memory_space<vmem>>, vector<1024x1xf32>
    %mul3A = vector.broadcast %get3A_11 : vector<1024x1xf32> to vector<1024x64xf32>
    %mul3A_12 = arith.mulf %add3A, %mul3A : vector<1024x64xf32>
    %max3A = arith.constant 0.000000e+00 : f32
    %max3A_13 = vector.broadcast %max3A : f32 to vector<1024x64xf32>
    %max3A_14 = arith.maximumf %mul3A_12, %max3A_13 : vector<1024x64xf32>
    %get3A_15 = arith.constant 0 : index
    %get3A_16 = arith.constant 0 : index
    %get3A_17 = vector.load %arg4[%get3A_15, %get3A_16] : memref<64x16xf32, #tpu.memory_space<vmem>>, vector<64x16xf32>
    %dot_general3A = arith.constant dense<0.000000e+00> : vector<1024x16xf32>
    %dot_general3A_18 = tpu.matmul %max3A_14, %get3A_17, %dot_general3A {dimension_numbers = #tpu.dot_dimension_numbers<[1], [0], [0], [1], [0, 0, 1, 1], [], []>, transpose_lhs_hint = false} : vector<1024x64xf32>, vector<64x16xf32>, vector<1024x16xf32> -> vector<1024x16xf32>
    %swap3A = arith.constant 0 : index
    %swap3A_19 = arith.constant 0 : index
    %swap3A_20 = vector.load %arg6[%swap3A, %swap3A_19] : memref<1024x16xf32, #tpu.memory_space<vmem>>, vector<1024x16xf32>
    tpu.vector_store %arg6[%swap3A, %swap3A_19], %dot_general3A_18 {strides = array<i32>} : memref<1024x16xf32, #tpu.memory_space<vmem>>, vector<1024x16xf32>,
    %get3A_21 = arith.constant 0 : index
    %get3A_22 = arith.constant 0 : index
    %get3A_23 = vector.load %arg2[%get3A_21, %get3A_22] : memref<1024x1xf32, #tpu.memory_space<vmem>>, vector<1024x1xf32>
    %mul3A_24 = vector.broadcast %get3A_23 : vector<1024x1xf32> to vector<1024x64xf32>
    %mul3A_25 = arith.mulf %add3A, %mul3A_24 : vector<1024x64xf32>
    %swap3A_26 = arith.constant 0 : index
    %swap3A_27 = arith.constant 0 : index
    %swap3A_28 = vector.load %arg5[%swap3A_26, %swap3A_27] : memref<1024x64xf32, #tpu.memory_space<vmem>>, vector<1024x64xf32>
    tpu.vector_store %arg5[%swap3A_26, %swap3A_27], %mul3A_25 {strides = array<i32>} : memref<1024x64xf32, #tpu.memory_space<vmem>>, vector<1024x64xf32>,
    return
  }
  func.func @transform_0(%arg0: i32) -> (i32, i32, i32) {
    %c0_i32 = arith.constant 0 : i32
    %c0_i32_0 = arith.constant 0 : i32
    %c0_i32_1 = arith.constant 0 : i32
    return %c0_i32, %arg0, %c0_i32_0 : i32, i32, i32
  }
  func.func @transform_1(%arg0: i32) -> (i32, i32) {
    %c0_i32 = arith.constant 0 : i32
    %c0_i32_0 = arith.constant 0 : i32
    return %arg0, %c0_i32 : i32, i32
  }
  func.func @transform_2(%arg0: i32) -> (i32, i32) {
    %c0_i32 = arith.constant 0 : i32
    %c0_i32_0 = arith.constant 0 : i32
    return %arg0, %c0_i32 : i32, i32
  }
  func.func @transform_3(%arg0: i32) -> (i32, i32) {
    %c0_i32 = arith.constant 0 : i32
    %c0_i32_0 = arith.constant 0 : i32
    %c0_i32_1 = arith.constant 0 : i32
    return %c0_i32, %c0_i32_0 : i32, i32
  }
  func.func @transform_4(%arg0: i32) -> (i32, i32) {
    %c0_i32 = arith.constant 0 : i32
    %c0_i32_0 = arith.constant 0 : i32
    return %arg0, %c0_i32 : i32, i32
  }
  func.func @transform_5(%arg0: i32) -> (i32, i32) {
    %c0_i32 = arith.constant 0 : i32
    %c0_i32_0 = arith.constant 0 : i32
    return %arg0, %c0_i32 : i32, i32
  }
}

module attributes {stable_mosaic.version = 14 : i64} {
  func.func @_last_body(%arg0: i32, %arg1: memref<2x1024x64xf32, #tpu.memory_space<vmem>>, %arg2: memref<1024x1xf32, #tpu.memory_space<vmem>>, %arg3: memref<64x16xf32, #tpu.memory_space<vmem>>, %arg4: memref<1024x16xf32, #tpu.memory_space<vmem>>, %arg5: memref<1024x16xf32, #tpu.memory_space<vmem>>, %arg6: memref<1024x16xf32, #tpu.memory_space<vmem>>, %arg7: memref<1024x16xf32, #tpu.memory_space<vmem>>, %arg8: memref<1024x16xf32, #tpu.memory_space<vmem>>, %arg9: memref<1024x16xf32, #tpu.memory_space<vmem>>) attributes {dimension_semantics = [#tpu.dimension_semantics<arbitrary>], iteration_bounds = array<i64: 10>, scalar_prefetch = 0 : i64, scratch_operands = 0 : i64, tpu.core_type = #tpu.core_type<tc>, window_params = [{transform_indices = @transform_0, window_bounds = array<i64: 2, 1024, 64>}, {transform_indices = @transform_1, window_bounds = array<i64: 1024, 1>}, {pipeline_mode = #tpu.pipeline_mode<synchronous>, transform_indices = @transform_2, window_bounds = array<i64: 64, 16>}, {transform_indices = @transform_3, window_bounds = array<i64: 1024, 16>}, {transform_indices = @transform_4, window_bounds = array<i64: 1024, 16>}, {transform_indices = @transform_5, window_bounds = array<i64: 1024, 16>}, {transform_indices = @transform_6, window_bounds = array<i64: 1024, 16>}, {transform_indices = @transform_7, window_bounds = array<i64: 1024, 16>}, {transform_indices = @transform_8, window_bounds = array<i64: 1024, 16>}]} {
    %get3A = arith.constant 0 : index
    %get3A_0 = arith.constant 0 : index
    %get3A_1 = arith.constant 0 : index
    %get3A_2 = vector.load %arg1[%get3A, %get3A_0, %get3A_1] : memref<2x1024x64xf32, #tpu.memory_space<vmem>>, vector<1x1024x64xf32>
    %get3A_3 = vector.shape_cast %get3A_2 : vector<1x1024x64xf32> to vector<1024x64xf32>
    %get3A_4 = arith.constant 1 : index
    %get3A_5 = arith.constant 0 : index
    %get3A_6 = arith.constant 0 : index
    %get3A_7 = vector.load %arg1[%get3A_4, %get3A_5, %get3A_6] : memref<2x1024x64xf32, #tpu.memory_space<vmem>>, vector<1x1024x64xf32>
    %get3A_8 = vector.shape_cast %get3A_7 : vector<1x1024x64xf32> to vector<1024x64xf32>
    %add3A = arith.addf %get3A_3, %get3A_8 : vector<1024x64xf32>
    %get3A_9 = arith.constant 0 : index
    %get3A_10 = arith.constant 0 : index
    %get3A_11 = vector.load %arg2[%get3A_9, %get3A_10] : memref<1024x1xf32, #tpu.memory_space<vmem>>, vector<1024x1xf32>
    %mul3A = vector.broadcast %get3A_11 : vector<1024x1xf32> to vector<1024x64xf32>
    %mul3A_12 = arith.mulf %add3A, %mul3A : vector<1024x64xf32>
    %max3A = arith.constant 0.000000e+00 : f32
    %max3A_13 = vector.broadcast %max3A : f32 to vector<1024x64xf32>
    %max3A_14 = arith.maximumf %mul3A_12, %max3A_13 : vector<1024x64xf32>
    %get3A_15 = arith.constant 0 : index
    %get3A_16 = arith.constant 0 : index
    %get3A_17 = vector.load %arg3[%get3A_15, %get3A_16] : memref<64x16xf32, #tpu.memory_space<vmem>>, vector<64x16xf32>
    %dot_general3A = arith.constant dense<0.000000e+00> : vector<1024x16xf32>
    %dot_general3A_18 = tpu.matmul %max3A_14, %get3A_17, %dot_general3A {dimension_numbers = #tpu.dot_dimension_numbers<[1], [0], [0], [1], [0, 0, 1, 1], [], []>, transpose_lhs_hint = false} : vector<1024x64xf32>, vector<64x16xf32>, vector<1024x16xf32> -> vector<1024x16xf32>
    %get3A_19 = arith.constant 0 : index
    %get3A_20 = arith.constant 0 : index
    %get3A_21 = vector.load %arg4[%get3A_19, %get3A_20] : memref<1024x16xf32, #tpu.memory_space<vmem>>, vector<1024x16xf32>
    %get3A_22 = arith.constant 0 : index
    %get3A_23 = arith.constant 0 : index
    %get3A_24 = vector.load %arg5[%get3A_22, %get3A_23] : memref<1024x16xf32, #tpu.memory_space<vmem>>, vector<1024x16xf32>
    %get3A_25 = arith.constant 0 : index
    %get3A_26 = arith.constant 0 : index
    %get3A_27 = vector.load %arg6[%get3A_25, %get3A_26] : memref<1024x16xf32, #tpu.memory_space<vmem>>, vector<1024x16xf32>
    %get3A_28 = arith.constant 0 : index
    %get3A_29 = arith.constant 0 : index
    %get3A_30 = vector.load %arg7[%get3A_28, %get3A_29] : memref<1024x16xf32, #tpu.memory_space<vmem>>, vector<1024x16xf32>
    %get3A_31 = arith.constant 0 : index
    %get3A_32 = arith.constant 0 : index
    %get3A_33 = vector.load %arg8[%get3A_31, %get3A_32] : memref<1024x16xf32, #tpu.memory_space<vmem>>, vector<1024x16xf32>
    %mul3A_34 = arith.mulf %get3A_24, %get3A_21 : vector<1024x16xf32>
    %reduce_sum3A = arith.constant dense<0.000000e+00> : vector<1024xf32>
    %reduce_sum3A_35 = vector.multi_reduction <add>, %mul3A_34, %reduce_sum3A [1] : vector<1024x16xf32> to vector<1024xf32>
    %broadcast_in_dim3A = vector.shape_cast %reduce_sum3A_35 : vector<1024xf32> to vector<1024x1xf32>
    %mul3A_36 = arith.mulf %get3A_27, %get3A_21 : vector<1024x16xf32>
    %reduce_sum3A_37 = arith.constant dense<0.000000e+00> : vector<1024xf32>
    %reduce_sum3A_38 = vector.multi_reduction <add>, %mul3A_36, %reduce_sum3A_37 [1] : vector<1024x16xf32> to vector<1024xf32>
    %broadcast_in_dim3A_39 = vector.shape_cast %reduce_sum3A_38 : vector<1024xf32> to vector<1024x1xf32>
    %mul3A_40 = arith.mulf %get3A_30, %get3A_21 : vector<1024x16xf32>
    %reduce_sum3A_41 = arith.constant dense<0.000000e+00> : vector<1024xf32>
    %reduce_sum3A_42 = vector.multi_reduction <add>, %mul3A_40, %reduce_sum3A_41 [1] : vector<1024x16xf32> to vector<1024xf32>
    %broadcast_in_dim3A_43 = vector.shape_cast %reduce_sum3A_42 : vector<1024xf32> to vector<1024x1xf32>
    %mul3A_44 = arith.mulf %get3A_33, %get3A_21 : vector<1024x16xf32>
    %reduce_sum3A_45 = arith.constant dense<0.000000e+00> : vector<1024xf32>
    %reduce_sum3A_46 = vector.multi_reduction <add>, %mul3A_44, %reduce_sum3A_45 [1] : vector<1024x16xf32> to vector<1024xf32>
    %broadcast_in_dim3A_47 = vector.shape_cast %reduce_sum3A_46 : vector<1024xf32> to vector<1024x1xf32>
    %mul3A_48 = arith.mulf %dot_general3A_18, %get3A_21 : vector<1024x16xf32>
    %reduce_sum3A_49 = arith.constant dense<0.000000e+00> : vector<1024xf32>
    %reduce_sum3A_50 = vector.multi_reduction <add>, %mul3A_48, %reduce_sum3A_49 [1] : vector<1024x16xf32> to vector<1024xf32>
    %broadcast_in_dim3A_51 = vector.shape_cast %reduce_sum3A_50 : vector<1024xf32> to vector<1024x1xf32>
    %max3A_52 = arith.maximumf %broadcast_in_dim3A, %broadcast_in_dim3A_39 : vector<1024x1xf32>
    %max3A_53 = arith.maximumf %max3A_52, %broadcast_in_dim3A_43 : vector<1024x1xf32>
    %max3A_54 = arith.maximumf %max3A_53, %broadcast_in_dim3A_47 : vector<1024x1xf32>
    %max3A_55 = arith.maximumf %max3A_54, %broadcast_in_dim3A_51 : vector<1024x1xf32>
    %sub3A = arith.subf %broadcast_in_dim3A, %max3A_55 : vector<1024x1xf32>
    %exp3A = math.exp %sub3A : vector<1024x1xf32>
    %sub3A_56 = arith.subf %broadcast_in_dim3A_39, %max3A_55 : vector<1024x1xf32>
    %exp3A_57 = math.exp %sub3A_56 : vector<1024x1xf32>
    %sub3A_58 = arith.subf %broadcast_in_dim3A_43, %max3A_55 : vector<1024x1xf32>
    %exp3A_59 = math.exp %sub3A_58 : vector<1024x1xf32>
    %sub3A_60 = arith.subf %broadcast_in_dim3A_47, %max3A_55 : vector<1024x1xf32>
    %exp3A_61 = math.exp %sub3A_60 : vector<1024x1xf32>
    %sub3A_62 = arith.subf %broadcast_in_dim3A_51, %max3A_55 : vector<1024x1xf32>
    %exp3A_63 = math.exp %sub3A_62 : vector<1024x1xf32>
    %add3A_64 = arith.addf %exp3A, %exp3A_57 : vector<1024x1xf32>
    %add3A_65 = arith.addf %add3A_64, %exp3A_59 : vector<1024x1xf32>
    %add3A_66 = arith.addf %add3A_65, %exp3A_61 : vector<1024x1xf32>
    %add3A_67 = arith.addf %add3A_66, %exp3A_63 : vector<1024x1xf32>
    %mul3A_68 = vector.broadcast %exp3A : vector<1024x1xf32> to vector<1024x16xf32>
    %mul3A_69 = arith.mulf %get3A_24, %mul3A_68 : vector<1024x16xf32>
    %mul3A_70 = vector.broadcast %exp3A_57 : vector<1024x1xf32> to vector<1024x16xf32>
    %mul3A_71 = arith.mulf %get3A_27, %mul3A_70 : vector<1024x16xf32>
    %add3A_72 = arith.addf %mul3A_69, %mul3A_71 : vector<1024x16xf32>
    %mul3A_73 = vector.broadcast %exp3A_59 : vector<1024x1xf32> to vector<1024x16xf32>
    %mul3A_74 = arith.mulf %get3A_30, %mul3A_73 : vector<1024x16xf32>
    %add3A_75 = arith.addf %add3A_72, %mul3A_74 : vector<1024x16xf32>
    %mul3A_76 = vector.broadcast %exp3A_61 : vector<1024x1xf32> to vector<1024x16xf32>
    %mul3A_77 = arith.mulf %get3A_33, %mul3A_76 : vector<1024x16xf32>
    %add3A_78 = arith.addf %add3A_75, %mul3A_77 : vector<1024x16xf32>
    %mul3A_79 = vector.broadcast %exp3A_63 : vector<1024x1xf32> to vector<1024x16xf32>
    %mul3A_80 = arith.mulf %dot_general3A_18, %mul3A_79 : vector<1024x16xf32>
    %add3A_81 = arith.addf %add3A_78, %mul3A_80 : vector<1024x16xf32>
    %div3A = vector.broadcast %add3A_67 : vector<1024x1xf32> to vector<1024x16xf32>
    %div3A_82 = arith.divf %add3A_81, %div3A : vector<1024x16xf32>
    %swap3A = arith.constant 0 : index
    %swap3A_83 = arith.constant 0 : index
    %swap3A_84 = vector.load %arg9[%swap3A, %swap3A_83] : memref<1024x16xf32, #tpu.memory_space<vmem>>, vector<1024x16xf32>
    tpu.vector_store %arg9[%swap3A, %swap3A_83], %div3A_82 {strides = array<i32>} : memref<1024x16xf32, #tpu.memory_space<vmem>>, vector<1024x16xf32>,
    return
  }
  func.func @transform_0(%arg0: i32) -> (i32, i32, i32) {
    %c0_i32 = arith.constant 0 : i32
    %c0_i32_0 = arith.constant 0 : i32
    %c0_i32_1 = arith.constant 0 : i32
    return %c0_i32, %arg0, %c0_i32_0 : i32, i32, i32
  }
  func.func @transform_1(%arg0: i32) -> (i32, i32) {
    %c0_i32 = arith.constant 0 : i32
    %c0_i32_0 = arith.constant 0 : i32
    return %arg0, %c0_i32 : i32, i32
  }
  func.func @transform_2(%arg0: i32) -> (i32, i32) {
    %c0_i32 = arith.constant 0 : i32
    %c0_i32_0 = arith.constant 0 : i32
    %c0_i32_1 = arith.constant 0 : i32
    return %c0_i32, %c0_i32_0 : i32, i32
  }
  func.func @transform_3(%arg0: i32) -> (i32, i32) {
    %c0_i32 = arith.constant 0 : i32
    %c0_i32_0 = arith.constant 0 : i32
    return %arg0, %c0_i32 : i32, i32
  }
  func.func @transform_4(%arg0: i32) -> (i32, i32) {
    %c0_i32 = arith.constant 0 : i32
    %c0_i32_0 = arith.constant 0 : i32
    return %arg0, %c0_i32 : i32, i32
  }
  func.func @transform_5(%arg0: i32) -> (i32, i32) {
    %c0_i32 = arith.constant 0 : i32
    %c0_i32_0 = arith.constant 0 : i32
    return %arg0, %c0_i32 : i32, i32
  }
  func.func @transform_6(%arg0: i32) -> (i32, i32) {
    %c0_i32 = arith.constant 0 : i32
    %c0_i32_0 = arith.constant 0 : i32
    return %arg0, %c0_i32 : i32, i32
  }
  func.func @transform_7(%arg0: i32) -> (i32, i32) {
    %c0_i32 = arith.constant 0 : i32
    %c0_i32_0 = arith.constant 0 : i32
    return %arg0, %c0_i32 : i32, i32
  }
  func.func @transform_8(%arg0: i32) -> (i32, i32) {
    %c0_i32 = arith.constant 0 : i32
    %c0_i32_0 = arith.constant 0 : i32
    return %arg0, %c0_i32 : i32, i32
  }
}

</mosaic_0001>

<sc_bundles>
// kernel: kernel.12.cloned.1.call-start
scs
__scs_entry_jumppad:
0x0: {  	(pc) =	sbr.rel $0x88, $3  }
0x1: {  	(tag) =	ssettag $0x0;
	lr =	simm.s32 $0x1  }
0x2: {  	[smem:$0x3F9C] =	sst lr;
	_ =	strace $0xD0000000  }
0x3: {  	_ = 	snop  }
0x4: {  	_ = 	snop  }
0x5: {  	_ = 	snop  }
0x6: {  	_ = 	snop  }
0x7: {  	_ = 	snop  }
__scs_overlays_trampoline_lowered:
0x8: {  	[smem:$0x3FAB] =	sst s0  }
0x9: {  	[smem:$0x3FAC] =	sst s1  }
0xa: {  	[smem:$0x3FAD] =	sst s2  }
0xb: {  	[smem:$0x3FAE] =	sst s3  }
0xc: {  	[smem:$0x3FAF] =	sst s4  }
0xd: {  	[smem:$0x3FB0] =	sst s5  }
0xe: {  	[smem:$0x3FB1] =	sst s6  }
0xf: {  	[smem:$0x3FB2] =	sst s7  }
0x10: {  	[smem:$0x3FB3] =	sst s8  }
0x11: {  	[smem:$0x3FB4] =	sst s9;
	s0 =	simm.s32 @!p0 $0x0  }
0x12: {  	s1 =	sld [smem:$0x3F9A];
	s0 =	simm.s32 @p0 $0x1  }
0x13: {  	[smem:$0x3FB5] =	sst s0;
	s0 =	simm.s32 @!p1 $0x0  }
0x14: {  	s2 =	sld [smem:$0x3F99];
	s0 =	simm.s32 @p1 $0x1  }
0x15: {  	[smem:$0x3FB6] =	sst s0;
	s0 =	simm.s32 @!p2 $0x0  }
0x16: {  	s3 =	sld [smem:$0x3FDB];
	s0 =	simm.s32 @p2 $0x1  }
0x17: {  	s4 =	simm.s32 $0x1BF5;
	[smem:$0x3FB8] =	sst s0  }
0x18: {  	s0 =	sld [smem:$0x3F9B];
	_ =	swait.ge [sflag:s4], $0x0  }
0x19: {  	s7 =	sld [smem:$0x3F9C]  }
0x1a: {  	s8 =	sadd.s32 $0xFFFFE003, lr  }
0x1b: {  	s9 =	sadd.s32 $0xFFFFFEF7, lr;
	s5 =	simm.s32 $0xFFFFFFFF;
	p2 =	slt.u32 s8, $0xFFFFF086  }
0x1c: {  	p1 =	slt.u32 s9, $0xF7A;
	s5 =	simm.s32 @!p2 $0x0  }
0x1d: {  	s5 =	simm.s32 @p1 $0x1;
	p0 =	seq.s32 s7, s2  }
0x1e: {  	s7 =	smul.u32 @!p0 $0xF7A, s2;
	p2 =	seq.s32 @!p0 s5, $0x0  }
0x1f: {  	s9 =	smul.u32 $0xF7A, s1;
	s8 =	simm.s32 @!p0 $0x1BF5;
	p2 =	por !p2, p0  }
0x20: {  	[sflag:s8] =	ssyncset.s32 @!p0 $0xFFFFF086;
	s6 =	sadd.s32 @!p0 s3, s7;
	s7 =	simm.s32 @!p0 $0x108  }
0x21: {  	s3 =	sadd.s32 s3, s9;
	s6 =	sadd.s32 @!p0 $0x88, s6;
	s7 =	simm.s32 @p2 $0x1082  }
0x22: {  	[simem:s7], [sflag:s8] =	dma.local @!p0 [hbm:s6], $0xF7A  }
0x23: {  	s9 =	sor.u32 $0xD0000000, s2;
	s6 =	simm.s32 $0x108;
	_ =	swait.ge @!p0 [sflag:s8], $0x0  }
0x24: {  	s3 =	sadd.s32 $0x88, s3;
	s6 =	simm.s32 @!p1 $0x1082;
	[sflag:s4] =	ssyncset.s32 $0xFFFFF086  }
0x25: {  	[simem:s6], [sflag:s4] =	dma.local [hbm:s3], $0xF7A  }
0x26: {  	[smem:$0x3F9C] =	sst s1;
	(tag) =	ssettag s2;
	_ =	strace s9  }
0x27: {  	s1 =	sld [smem:$0x3FAC]  }
0x28: {  	s2 =	sld [smem:$0x3FAD]  }
0x29: {  	s4 =	sld [smem:$0x3FAF]  }
0x2a: {  	p0 =	seq.s32 s5, $0x0;
	s5 =	sld [smem:$0x3FB0]  }
0x2b: {  	s6 =	sld [smem:$0x3FB1]  }
0x2c: {  	s7 =	sld [smem:$0x3FB2]  }
0x2d: {  	s3 =	simm.s32 $0x108;
	s8 =	sld [smem:$0x3FB3]  }
0x2e: {  	s3 =	simm.s32 @!p0 $0x1082;
	s9 =	sld [smem:$0x3FB4]  }
0x2f: {  	lr =	sadd.s32 s0, s3;
	s0 =	sld [smem:$0x3FAB]  }
0x30: {  	s3 =	sld [smem:$0x3FAE]  }
0x31: {  	[smem:$0x3FB7] =	sst s10  }
0x32: {  	s10 =	sld [smem:$0x3FB5];
	_ =	sdelay $0x3  }
0x33: {  	p0 =	seq.s32 s10, $0x1;
	s10 =	sld [smem:$0x3FB7];
	_ =	sdelay $0x3  }
0x34: {  	[smem:$0x3FB7] =	sst s10  }
0x35: {  	s10 =	sld [smem:$0x3FB6];
	_ =	sdelay $0x3  }
0x36: {  	p1 =	seq.s32 s10, $0x1;
	s10 =	sld [smem:$0x3FB7];
	_ =	sdelay $0x3  }
0x37: {  	[smem:$0x3FB7] =	sst s10  }
0x38: {  	s10 =	sld [smem:$0x3FB8]  }
0x39: {  	_ = 	snop;
	(pc) =	sbr.ind lr, $3  }
0x3a: {  	_ = 	snop  }
0x3b: {  	_ = 	snop  }
0x3c: {  	p2 =	seq.s32 s10, $0x1;
	s10 =	sld [smem:$0x3FB7]  }
0x3d: {  	_ =	shalt  }
0x3e: {  	_ =	shalt  }
0x3f: {  	_ =	shalt  }
0x40: {  	_ =	shalt  }
0x41: {  	_ =	shalt  }
0x42: {  	_ =	shalt  }
0x43: {  	_ =	shalt  }
0x44: {  	_ =	shalt  }
0x45: {  	_ =	shalt  }
0x46: {  	_ =	shalt  }
0x47: {  	_ =	shalt  }
0x48: {  	_ =	shalt  }
0x49: {  	_ =	shalt  }
0x4a: {  	_ =	shalt  }
0x4b: {  	_ =	shalt  }
0x4c: {  	_ =	shalt  }
0x4d: {  	_ =	shalt  }
0x4e: {  	_ =	shalt  }
0x4f: {  	_ =	shalt  }
0x50: {  	_ =	shalt  }
0x51: {  	_ =	shalt  }
0x52: {  	_ =	shalt  }
0x53: {  	_ =	shalt  }
0x54: {  	_ =	shalt  }
0x55: {  	_ =	shalt  }
0x56: {  	_ =	shalt  }
0x57: {  	_ =	shalt  }
0x58: {  	_ =	shalt  }
0x59: {  	_ =	shalt  }
0x5a: {  	_ =	shalt  }
0x5b: {  	_ =	shalt  }
0x5c: {  	_ =	shalt  }
0x5d: {  	_ =	shalt  }
0x5e: {  	_ =	shalt  }
0x5f: {  	_ =	shalt  }
0x60: {  	_ =	shalt  }
0x61: {  	_ =	shalt  }
0x62: {  	_ =	shalt  }
0x63: {  	_ =	shalt  }
0x64: {  	_ =	shalt  }
0x65: {  	_ =	shalt  }
0x66: {  	_ =	shalt  }
0x67: {  	_ =	shalt  }
0x68: {  	_ =	shalt  }
0x69: {  	_ =	shalt  }
0x6a: {  	_ =	shalt  }
0x6b: {  	_ =	shalt  }
0x6c: {  	_ =	shalt  }
0x6d: {  	_ =	shalt  }
0x6e: {  	_ =	shalt  }
0x6f: {  	_ =	shalt  }
0x70: {  	_ =	shalt  }
0x71: {  	_ =	shalt  }
0x72: {  	_ =	shalt  }
0x73: {  	_ =	shalt  }
0x74: {  	_ =	shalt  }
0x75: {  	_ =	shalt  }
0x76: {  	_ =	shalt  }
0x77: {  	_ =	shalt  }
0x78: {  	_ =	shalt  }
0x79: {  	_ =	shalt  }
0x7a: {  	_ =	shalt  }
0x7b: {  	_ =	shalt  }
0x7c: {  	_ =	shalt  }
0x7d: {  	_ =	shalt  }
0x7e: {  	_ =	shalt  }
0x7f: {  	_ =	shalt  }
0x80: {  	_ =	shalt  }
0x81: {  	_ =	shalt  }
0x82: {  	_ =	shalt  }
0x83: {  	_ =	shalt  }
0x84: {  	_ =	shalt  }
0x85: {  	_ =	shalt  }
0x86: {  	_ =	shalt  }
0x87: {  	_ =	shalt  }
.Lfunc_end0:
.L_simem_size_0:
called_computation_lowered:
.L_overlay_start_0:
0x88: {  	s2 =	sld [smem:$0x3FD9]  }
0x89: {  	s3 =	sld [smem:$0x3FFE];
	_ =	sdelay $0x1  }
0x8a: {  	s1 =	srdreg.scid  }
0x8b: {  	s0 =	sand.u32 $0x1, s1  }
0x8c: {  	s17 =	sshll.u32 s0, $0xA;
	s2 =	sadd.s32 s3, s2  }
0x8d: {  	s2 =	sadd.s32 s2, s17  }
0x8e: {  	[smem:$0x3FC3] =	sst s2  }
0x8f: {  	_ = 	snop  }
0x90: {  	s2 =	sld [smem:$0x3FD0];
	(tm) =	ssettm $0x1  }
0x91: {  	s18 =	sld [smem:$0x3FFB];
	_ =	sdelay $0x3  }
0x92: {  	_ =	strace s18  }
0x93: {  	s3 =	sld [smem:$0x3FFC];
	_ =	sdelay $0x3  }
0x94: {  	_ =	strace s3  }
0x95: {  	s3 =	sld [smem:$0x3FFD];
	_ =	sdelay $0x3  }
0x96: {  	_ =	strace s3  }
0x97: {  	_ =	strace $0x8FFFFFFF  }
0x98: {  	s19 =	sld [smem:$0x3FDB];
	_ =	sdelay $0x1  }
0x99: {  	s4 =	simm.s32 $_scs_section_size  }
0x9a: {  	s5 =	simm.s32 $_size__tile_overlayer_lowered;
	s6 =	simm.s32 $_tile_overlayer_lowered  }
0x9b: {  	s22 =	simm.s32 $0x1BFF;
	s21 =	sshll.u32 s6, $0x1;
	s3 =	sadd.s32 s4, s19  }
0x9c: {  	s7 =	simm.s32 $0x0;
	s20 =	sshll.u32 s5, $0x1;
	s5 =	sadd.s32 s21, s3  }
0x9d: {  	[timem:s7], [sflag:s22] =	dma.local [hbm:s5], s20  }
0x9e: {  	_ =	swait.ge [sflag:s22], s20  }
0x9f: {  	s4 =	ssub.s32 $0x0, s20;
	[sflag:s22] =	ssyncset.done $0x0  }
0xa0: {  	[sflag:s22] =	ssyncadd.s32 s4;
	_ =	sdelay $0x1  }
0xa1: {  	s23 =	simm.s32 $0x1B8B  }
0xa2: {  	_ =	swait.ge [sflag:s23], $0x1  }
0xa3: {  	[sflag:s23] =	ssyncset.done $0x0  }
0xa4: {  	s25 =	simm.s32 $0x1B8E;
	s24 =	sld [smem:$0x3FFE];
	[sflag:s23] =	ssyncadd.s32 $0xFFFFFFFF  }
0xa5: {  	s26 =	simm.s32 $execute0_lowered;
	[smem:$0x3FD2] =	sst s25  }
0xa6: {  	s5 =	sshll.u32 s26, $0x1;
	_ =	strace $0x80000046;
	[dreg:$0x1] =	wrdreg $0xFFFFFFFF  }
0xa7: {  	s28 =	simm.s32 $_size_execute0_lowered;
	s3 =	sadd.s32 s3, s5;
	[dreg:$0x0] =	wrdreg $0x0  }
0xa8: {  	s5 =	sshll.u32 s28, $0x1;
	[dreg:$0x2] =	wrdreg s3  }
0xa9: {  	[dreg:$0x3] =	wrdreg s5  }
0xaa: {  	[dreg:$0x4] =	wrdreg $0xC0  }
0xab: {  	_ =	task [dreg:s7], $0x5FFFF  }
0xac: {  	[dreg:$0x1] =	wrdreg $0xFFFFFFFF  }
0xad: {  	[dreg:$0x0] =	wrdreg $0x60  }
0xae: {  	[dreg:$0x2] =	wrdreg s24  }
0xaf: {  	[dreg:$0x3] =	wrdreg s2  }
0xb0: {  	[dreg:$0x4] =	wrdreg $0x53000  }
0xb1: {  	[dreg:$0x5] =	wrdreg $0x55800  }
0xb2: {  	[dreg:$0x6] =	wrdreg $0x9  }
0xb3: {  	_ =	task.clear_ibuf [dreg:s7], $0x7FFFF;
	_ =	strace $0x90000046  }
0xb4: {  	s29 =	simm.s32 $0x9;
	_ =	strace $0x80000048  }
0xb5: {  	_ =	swait.ge [sflag:s29], $0x1  }
0xb6: {  	[sflag:s29] =	ssyncadd.s32 $0xFFFFFFFF  }
0xb7: {  	_ =	strace $0x90000048  }
0xb8: {  	_ =	sfence  }
0xb9: {  	s30 =	sld [smem:$0x0];
	_ =	sdelay $0x2  }
0xba: {  	s31 =	sshll.u32 s1, $0xD;
	s1 =	sshrl.u32 s1, $0x2  }
0xbb: {  	s3 =	sand.u32 $0x4000, s31;
	s1 =	sadd.s32 s1, s30  }
0xbc: {  	s0 =	sor.u32 s3, s0;
	s1 =	sshll.u32 s1, $0x11  }
0xbd: {  	s0 =	sor.u32 s1, s0  }
0xbe: {  	s0 =	sadd.s32 $0x8F2B, s0  }
0xbf: {  	[sflag:s0] =	ssyncadd.remote.s32 $0x1  }
0xc0: {  	_ =	sfence.sel $0xFFFF  }
0xc1: {  	[dreg:$0x0] =	wrdreg $0xFFFFFFFF;
	(pc) =	sbr.abs _section_cstart, $3  }
0xc2: {  	[dreg:$0x1] =	wrdreg $0xFFFFFFFF  }
0xc3: {  	_ =	task.clear_ibuf [dreg:s7], $0x2FFFF;
	_ =	strace $0x9FFFFFFF  }
0xc4: {  	(tm) =	ssettm $0x7FFFFFFF  }
0xc5: {  	_ =	shalt  }
tec
execute0_lowered:
.L_overlay_start_1:
0x0: {  	(tag) =	ssettag $0x1  }
0x1: {  	s5 =	rddreg [dreg:$0x0]  }
0x2: {  	s1 =	srdreg.scid;
	s8 =	rddreg [dreg:$0x1]  }
0x3: {  	s0 =	stileid.u32;
	s2 =	rddreg [dreg:$0x2]  }
0x4: {  	s3 =	rddreg [dreg:$0x3];
	s4 =	simm.s32 $0x0;
	s12 =	simm.s32 $0x3  }
0x5: {  	s13 =	simm.s32 $0x2800;
	s14 =	simm.s32 $0x5080;
	s15 =	simm.s32 $0x7D  }
0x6: {  	s16 =	simm.s32 $0x5000;
	s17 =	simm.s32 $0x1;
	s18 =	simm.s32 $0x2  }
0x7: {  	s22 =	simm.s32 $0x0;
	s6 =	sand.u32 $0x1, s1;
	s30 =	sshll.u32 s0, $0x1  }
0x8: {  	s9 =	smul.u32 $0x280, s0;
	[smem:$0x7FF] =	sst s4;
	s19 =	sshll.u32 s0, $0x6  }
0x9: {  	s1 =	sor.u32 s6, s30;
	s10 =	smul.u32 $0x5000, s6;
	s6 =	ssub.s32 $0x2, s6  }
0xa: {  	s19 =	sor.u32 $0x1C03, s19;
	s7 =	smul.u32 $0x500, s1;
	s1 =	rddreg [dreg:$0x4]  }
0xb: {  	_ =	strace $0x80000047;
	s31 =	sshrl.u32 s6, $0x1;
	s10 =	sadd.s32 s9, s10  }
0xc: {  	s11 =	ssub.s32 s6, s31;
	s7 =	sadd.s32 s7, s5;
	s10 =	sshrl.u32 s10, $0x3  }
0xd: {  	s11 =	smax.u32 s11, $0x1;
	s5 =	sadd.s32 $0xD200, s7;
	s6 =	sadd.s32 $0x3200, s7  }
0xe: {  	s7 =	sadd.s32 s9, s2;
	s8 =	sadd.s32 s8, s10;
	s9 =	sadd.s32 s9, s3  }
0xf: {  	v0 =	vimm.f32 $1.000000000e+00;
	v1 =	vimm.f32 $0.0e+00;
	s10 =	sadd.s32 $0x500, s8;
	s20 =	sshrl.u32 s7, $0x3;
	s21 =	sshrl.u32 s9, $0x3  }
.LBB2_1:
0x10: {  	[tilespmem:s4], [sflag:$0x3] =	stream.linear.gather [hbm4b:s5+s4], $0x2800, $0x38;
	[tilespmem:$0x5800] =	vst v63  }
0x11: {  	_ =	swait.ge [sflag:s12], $0x2800  }
0x12: {  	[sflag:s12] =	ssyncset.done $0x0  }
0x13: {  	[sflag:s12] =	ssyncadd.s32 $0xFFFFD800  }
0x14: {  	[tilespmem:s13], [sflag:$0x3] =	stream.linear.gather [hbm4b:s6+s4], $0x2800, $0x38;
	[tilespmem:$0x5800] =	vst v63  }
0x15: {  	_ =	swait.ge [sflag:s12], $0x2800  }
0x16: {  	[sflag:s12] =	ssyncset.done $0x0  }
0x17: {  	[sflag:s12] =	ssyncadd.s32 $0xFFFFD800  }
0x18: {  	[tilespmem:$0x5000] =	vst v0  }
0x19: {  	[tilespmem:$0x5010] =	vst v0  }
0x1a: {  	[tilespmem:$0x5020] =	vst v0  }
0x1b: {  	[tilespmem:$0x5030] =	vst v0  }
0x1c: {  	[tilespmem:$0x5040] =	vst v0  }
0x1d: {  	[tilespmem:$0x5050] =	vst v0  }
0x1e: {  	[tilespmem:$0x5060] =	vst v0  }
0x1f: {  	[tilespmem:$0x5070] =	vst v0  }
0x20: {  	[tilespmem:$0x5080] =	vst v1  }
0x21: {  	[tilespmem:$0x5090] =	vst v1  }
0x22: {  	[tilespmem:$0x50A0] =	vst v1  }
0x23: {  	[tilespmem:$0x50B0] =	vst v1  }
0x24: {  	[tilespmem:$0x50C0] =	vst v1  }
0x25: {  	[tilespmem:$0x50D0] =	vst v1  }
0x26: {  	[tilespmem:$0x50E0] =	vst v1  }
0x27: {  	[tilespmem:$0x50F0] =	vst v1  }
0x28: {  	[tilespmem:$0x5100] =	vst v1  }
0x29: {  	[tilespmem:$0x5110] =	vst v1  }
0x2a: {  	[tilespmem:$0x5120] =	vst v1  }
0x2b: {  	[tilespmem:$0x5130] =	vst v1  }
0x2c: {  	[tilespmem:$0x5140] =	vst v1  }
0x2d: {  	[tilespmem:$0x5150] =	vst v1  }
0x2e: {  	[tilespmem:$0x5160] =	vst v1  }
0x2f: {  	[tilespmem:$0x5170] =	vst v1  }
0x30: {  	[tilespmem:$0x5180] =	vst v1  }
0x31: {  	[tilespmem:$0x5190] =	vst v1  }
0x32: {  	[tilespmem:$0x51A0] =	vst v1  }
0x33: {  	[tilespmem:$0x51B0] =	vst v1  }
0x34: {  	[tilespmem:$0x51C0] =	vst v1  }
0x35: {  	[tilespmem:$0x51D0] =	vst v1  }
0x36: {  	[tilespmem:$0x51E0] =	vst v1  }
0x37: {  	[tilespmem:$0x51F0] =	vst v1  }
0x38: {  	[tilespmem:$0x5200] =	vst v1  }
0x39: {  	[tilespmem:$0x5210] =	vst v1  }
0x3a: {  	[tilespmem:$0x5220] =	vst v1  }
0x3b: {  	[tilespmem:$0x5230] =	vst v1  }
0x3c: {  	[tilespmem:$0x5240] =	vst v1  }
0x3d: {  	[tilespmem:$0x5250] =	vst v1  }
0x3e: {  	[tilespmem:$0x5260] =	vst v1  }
0x3f: {  	[tilespmem:$0x5270] =	vst v1  }
0x40: {  	[tilespmem:$0x5280] =	vst v1  }
0x41: {  	[tilespmem:$0x5290] =	vst v1  }
0x42: {  	[tilespmem:$0x52A0] =	vst v1  }
0x43: {  	[tilespmem:$0x52B0] =	vst v1  }
0x44: {  	[tilespmem:$0x52C0] =	vst v1  }
0x45: {  	[tilespmem:$0x52D0] =	vst v1  }
0x46: {  	[tilespmem:$0x52E0] =	vst v1  }
0x47: {  	[tilespmem:$0x52F0] =	vst v1  }
0x48: {  	[spmem:s7] =	stream.linear.scatter [tilespmem:s14], [sflag:$0x3], $0x280, $0x38;
	[tilespmem:$0x5800] =	vst v63  }
0x49: {  	_ =	swait.ge [sflag:s12], $0x280  }
0x4a: {  	[sflag:s12] =	ssyncset.done $0x0  }
0x4b: {  	[sflag:s12] =	ssyncadd.s32 $0xFFFFFD80  }
0x4c: {  	[spmem:s9] =	stream.linear.scatter [tilespmem:s14], [sflag:$0x3], $0x280, $0x38;
	[tilespmem:$0x5800] =	vst v63  }
0x4d: {  	_ =	swait.ge [sflag:s12], $0x280  }
0x4e: {  	[sflag:s12] =	ssyncset.done $0x0  }
0x4f: {  	[sflag:s12] =	ssyncadd.s32 $0xFFFFFD80  }
0x50: {  	s23 =	simm.s32 $0x0;
	[bflag:$0x0] =	sbarrier.arrive $0xFFFF  }
0x51: {  	[spmem:s2] =	stream.indirect.scatter.add.f32 [tilespmem:s16], [sflag:$0x1], $0x1, s23, s15, $0xb8;
	[tilespmem:$0x5800] =	vst v63  }
0x52: {  	s24 =	simm.s32 $0x2800;
	s23 =	simm.s32 $0x200  }
.LBB2_2:
0x53: {  	[spmem:s3] =	stream.indirect.scatter.add.f32 [tilespmem:s16], [sflag:$0x2], $0x1, s24, s15, $0xb8;
	[tilespmem:$0x5800] =	vst v63  }
0x54: {  	s24 =	smov.u32 s23;
	p0 =	sne.s32 s23, $0x9E00  }
.Ltmp0:
0x55: {  	s23 =	sadd.s32 $0x200, s23;
	(pc) =	sbr.rel @p0 .LBB2_2-.Ltmp0, $4  }
0x56: {  	_ = 	snop  }
0x57: {  	s24 =	sshra.s32 s24, $0x2  }
0x58: {  	[spmem:s2] =	stream.indirect.scatter.add.f32 [tilespmem:s16], [sflag:$0x1], $0x1, s24, s15, $0xb8;
	[tilespmem:$0x5800] =	vst v63  }
0x59: {  	s24 =	sadd.s32 $0x2800, s24  }
0x5a: {  	[spmem:s3] =	stream.indirect.scatter.add.f32 [tilespmem:s16], [sflag:$0x2], $0x1, s24, s15, $0xb8;
	[tilespmem:$0x5800] =	vst v63  }
0x5b: {  	_ =	swait.ge [sflag:s17], $0x7D  }
0x5c: {  	[sflag:s17] =	ssyncset.done $0x0  }
0x5d: {  	[sflag:s17] =	ssyncadd.s32 $0xFFFFFF83  }
0x5e: {  	_ =	swait.ge [sflag:s18], $0x7D  }
0x5f: {  	s23 =	simm.s32 $0x4F;
	[sflag:s18] =	ssyncset.done $0x0  }
.LBB2_4:
0x60: {  	p0 =	sne.s32 s23, $0x1;
	s23 =	sadd.s32 $0xFFFFFFFF, s23;
	[sflag:s18] =	ssyncadd.s32 $0xFFFFFF83  }
.Ltmp1:
0x61: {  	_ =	swait.ge [sflag:s17], $0x7D;
	(pc) =	sbr.rel @p0 .LBB2_4-.Ltmp1, $4  }
0x62: {  	[sflag:s17] =	ssyncset.done $0x0  }
0x63: {  	[sflag:s17] =	ssyncadd.s32 $0xFFFFFF83  }
0x64: {  	_ =	swait.ge [sflag:s18], $0x7D  }
0x65: {  	[sflag:s18] =	ssyncset.done $0x0  }
0x66: {  	[sflag:s18] =	ssyncadd.s32 $0xFFFFFF83  }
0x67: {  	[bflag:$0x0] =	sbarrier.arrive $0xFFFF  }
0x68: {  	[hbm:s8], [sflag:s19] =	dma.local [spmem:s20], $0x50  }
0x69: {  	s22 =	sadd.s32 $0x1, s22;
	_ =	swait.ge [sflag:s12], $0x50  }
0x6a: {  	p0 =	sne.s32 s22, s11;
	[sflag:s12] =	ssyncset.done $0x0  }
.Ltmp2:
0x6b: {  	[sflag:s12] =	ssyncadd.s32 $0xFFFFFFB0;
	(pc) =	sbr.rel @p0 .LBB2_1-.Ltmp2, $4  }
0x6c: {  	[hbm:s10], [sflag:s19] =	dma.local [spmem:s21], $0x50  }
0x6d: {  	_ =	swait.ge [sflag:s12], $0x50  }
0x6e: {  	[sflag:s12] =	ssyncset.done $0x0  }
0x6f: {  	[sflag:s12] =	ssyncadd.s32 $0xFFFFFFB0  }
0x70: {  	_ =	sfence.sel $0x180000  }
0x71: {  	[bflag:$0x0] =	sbarrier.arrive $0xFFFF  }
0x72: {  	p0 =	sne.s32 s0, $0x0;
	_ =	strace $0x90000047  }
0x73: {  	s0 =	sadd.s32 @!p0 $0x100000, s1;
	[bflag:$0x2] =	sbarrier.arrive $0xFFFF  }
0x74: {  	[sflag:s0] =	ssyncadd.tile.s32 @!p0 $0x1;
	_ =	shalt  }
.Lfunc_end2:
_tile_overlayer_lowered:
.L_overlay_start_2:
0x75: {  	(tag) =	ssettag $0x2  }
0x76: {  	s0 =	rddreg [dreg:$0x0];
	s2 =	stileid.u32  }
0x77: {  	s1 =	rddreg [dreg:$0x1];
	p0 =	sne.s32 s2, $0x0  }
0x78: {  	s3 =	rddreg [dreg:$0x2];
	[bflag:$0x3] =	sbarrier.arrive $0xFFFF;
	s2 =	simm.s32 @!p0 $0x1C03  }
0x79: {  	[timem:s3], [sflag:s2] =	dma.local @!p0 [hbm:s0], s1  }
0x7a: {  	s0 =	simm.s32 @!p0 $0x3  }
0x7b: {  	_ =	swait.ge @!p0 [sflag:s0], s1  }
0x7c: {  	s1 =	ssub.s32 @!p0 $0x0, s1;
	[sflag:s0] =	ssyncset.done @!p0 $0x0  }
0x7d: {  	[sflag:s0] =	ssyncadd.s32 @!p0 s1  }
0x7e: {  	[bflag:$0x3] =	sbarrier.arrive $0xFFFF  }
0x7f: {  	_ =	shalt  }

// kernel: kernel.15.cloned.1.call-start
scs
__scs_entry_jumppad:
0x0: {  	(pc) =	sbr.rel $0x88, $3  }
0x1: {  	(tag) =	ssettag $0x0;
	lr =	simm.s32 $0x1  }
0x2: {  	[smem:$0x3F9C] =	sst lr;
	_ =	strace $0xD0000000  }
0x3: {  	_ = 	snop  }
0x4: {  	_ = 	snop  }
0x5: {  	_ = 	snop  }
0x6: {  	_ = 	snop  }
0x7: {  	_ = 	snop  }
__scs_overlays_trampoline_lowered:
0x8: {  	[smem:$0x3FAB] =	sst s0  }
0x9: {  	[smem:$0x3FAC] =	sst s1  }
0xa: {  	[smem:$0x3FAD] =	sst s2  }
0xb: {  	[smem:$0x3FAE] =	sst s3  }
0xc: {  	[smem:$0x3FAF] =	sst s4  }
0xd: {  	[smem:$0x3FB0] =	sst s5  }
0xe: {  	[smem:$0x3FB1] =	sst s6  }
0xf: {  	[smem:$0x3FB2] =	sst s7  }
0x10: {  	[smem:$0x3FB3] =	sst s8  }
0x11: {  	[smem:$0x3FB4] =	sst s9;
	s0 =	simm.s32 @!p0 $0x0  }
0x12: {  	s1 =	sld [smem:$0x3F9A];
	s0 =	simm.s32 @p0 $0x1  }
0x13: {  	[smem:$0x3FB5] =	sst s0;
	s0 =	simm.s32 @!p1 $0x0  }
0x14: {  	s2 =	sld [smem:$0x3F99];
	s0 =	simm.s32 @p1 $0x1  }
0x15: {  	[smem:$0x3FB6] =	sst s0;
	s0 =	simm.s32 @!p2 $0x0  }
0x16: {  	s3 =	sld [smem:$0x3FDB];
	s0 =	simm.s32 @p2 $0x1  }
0x17: {  	s4 =	simm.s32 $0x1BF5;
	[smem:$0x3FB8] =	sst s0  }
0x18: {  	s0 =	sld [smem:$0x3F9B];
	_ =	swait.ge [sflag:s4], $0x0  }
0x19: {  	s7 =	sld [smem:$0x3F9C]  }
0x1a: {  	s8 =	sadd.s32 $0xFFFFE003, lr  }
0x1b: {  	s9 =	sadd.s32 $0xFFFFFEF7, lr;
	s5 =	simm.s32 $0xFFFFFFFF;
	p2 =	slt.u32 s8, $0xFFFFF086  }
0x1c: {  	p1 =	slt.u32 s9, $0xF7A;
	s5 =	simm.s32 @!p2 $0x0  }
0x1d: {  	s5 =	simm.s32 @p1 $0x1;
	p0 =	seq.s32 s7, s2  }
0x1e: {  	s7 =	smul.u32 @!p0 $0xF7A, s2;
	p2 =	seq.s32 @!p0 s5, $0x0  }
0x1f: {  	s9 =	smul.u32 $0xF7A, s1;
	s8 =	simm.s32 @!p0 $0x1BF5;
	p2 =	por !p2, p0  }
0x20: {  	[sflag:s8] =	ssyncset.s32 @!p0 $0xFFFFF086;
	s6 =	sadd.s32 @!p0 s3, s7;
	s7 =	simm.s32 @!p0 $0x108  }
0x21: {  	s3 =	sadd.s32 s3, s9;
	s6 =	sadd.s32 @!p0 $0x88, s6;
	s7 =	simm.s32 @p2 $0x1082  }
0x22: {  	[simem:s7], [sflag:s8] =	dma.local @!p0 [hbm:s6], $0xF7A  }
0x23: {  	s9 =	sor.u32 $0xD0000000, s2;
	s6 =	simm.s32 $0x108;
	_ =	swait.ge @!p0 [sflag:s8], $0x0  }
0x24: {  	s3 =	sadd.s32 $0x88, s3;
	s6 =	simm.s32 @!p1 $0x1082;
	[sflag:s4] =	ssyncset.s32 $0xFFFFF086  }
0x25: {  	[simem:s6], [sflag:s4] =	dma.local [hbm:s3], $0xF7A  }
0x26: {  	[smem:$0x3F9C] =	sst s1;
	(tag) =	ssettag s2;
	_ =	strace s9  }
0x27: {  	s1 =	sld [smem:$0x3FAC]  }
0x28: {  	s2 =	sld [smem:$0x3FAD]  }
0x29: {  	s4 =	sld [smem:$0x3FAF]  }
0x2a: {  	p0 =	seq.s32 s5, $0x0;
	s5 =	sld [smem:$0x3FB0]  }
0x2b: {  	s6 =	sld [smem:$0x3FB1]  }
0x2c: {  	s7 =	sld [smem:$0x3FB2]  }
0x2d: {  	s3 =	simm.s32 $0x108;
	s8 =	sld [smem:$0x3FB3]  }
0x2e: {  	s3 =	simm.s32 @!p0 $0x1082;
	s9 =	sld [smem:$0x3FB4]  }
0x2f: {  	lr =	sadd.s32 s0, s3;
	s0 =	sld [smem:$0x3FAB]  }
0x30: {  	s3 =	sld [smem:$0x3FAE]  }
0x31: {  	[smem:$0x3FB7] =	sst s10  }
0x32: {  	s10 =	sld [smem:$0x3FB5];
	_ =	sdelay $0x3  }
0x33: {  	p0 =	seq.s32 s10, $0x1;
	s10 =	sld [smem:$0x3FB7];
	_ =	sdelay $0x3  }
0x34: {  	[smem:$0x3FB7] =	sst s10  }
0x35: {  	s10 =	sld [smem:$0x3FB6];
	_ =	sdelay $0x3  }
0x36: {  	p1 =	seq.s32 s10, $0x1;
	s10 =	sld [smem:$0x3FB7];
	_ =	sdelay $0x3  }
0x37: {  	[smem:$0x3FB7] =	sst s10  }
0x38: {  	s10 =	sld [smem:$0x3FB8]  }
0x39: {  	_ = 	snop;
	(pc) =	sbr.ind lr, $3  }
0x3a: {  	_ = 	snop  }
0x3b: {  	_ = 	snop  }
0x3c: {  	p2 =	seq.s32 s10, $0x1;
	s10 =	sld [smem:$0x3FB7]  }
0x3d: {  	_ =	shalt  }
0x3e: {  	_ =	shalt  }
0x3f: {  	_ =	shalt  }
0x40: {  	_ =	shalt  }
0x41: {  	_ =	shalt  }
0x42: {  	_ =	shalt  }
0x43: {  	_ =	shalt  }
0x44: {  	_ =	shalt  }
0x45: {  	_ =	shalt  }
0x46: {  	_ =	shalt  }
0x47: {  	_ =	shalt  }
0x48: {  	_ =	shalt  }
0x49: {  	_ =	shalt  }
0x4a: {  	_ =	shalt  }
0x4b: {  	_ =	shalt  }
0x4c: {  	_ =	shalt  }
0x4d: {  	_ =	shalt  }
0x4e: {  	_ =	shalt  }
0x4f: {  	_ =	shalt  }
0x50: {  	_ =	shalt  }
0x51: {  	_ =	shalt  }
0x52: {  	_ =	shalt  }
0x53: {  	_ =	shalt  }
0x54: {  	_ =	shalt  }
0x55: {  	_ =	shalt  }
0x56: {  	_ =	shalt  }
0x57: {  	_ =	shalt  }
0x58: {  	_ =	shalt  }
0x59: {  	_ =	shalt  }
0x5a: {  	_ =	shalt  }
0x5b: {  	_ =	shalt  }
0x5c: {  	_ =	shalt  }
0x5d: {  	_ =	shalt  }
0x5e: {  	_ =	shalt  }
0x5f: {  	_ =	shalt  }
0x60: {  	_ =	shalt  }
0x61: {  	_ =	shalt  }
0x62: {  	_ =	shalt  }
0x63: {  	_ =	shalt  }
0x64: {  	_ =	shalt  }
0x65: {  	_ =	shalt  }
0x66: {  	_ =	shalt  }
0x67: {  	_ =	shalt  }
0x68: {  	_ =	shalt  }
0x69: {  	_ =	shalt  }
0x6a: {  	_ =	shalt  }
0x6b: {  	_ =	shalt  }
0x6c: {  	_ =	shalt  }
0x6d: {  	_ =	shalt  }
0x6e: {  	_ =	shalt  }
0x6f: {  	_ =	shalt  }
0x70: {  	_ =	shalt  }
0x71: {  	_ =	shalt  }
0x72: {  	_ =	shalt  }
0x73: {  	_ =	shalt  }
0x74: {  	_ =	shalt  }
0x75: {  	_ =	shalt  }
0x76: {  	_ =	shalt  }
0x77: {  	_ =	shalt  }
0x78: {  	_ =	shalt  }
0x79: {  	_ =	shalt  }
0x7a: {  	_ =	shalt  }
0x7b: {  	_ =	shalt  }
0x7c: {  	_ =	shalt  }
0x7d: {  	_ =	shalt  }
0x7e: {  	_ =	shalt  }
0x7f: {  	_ =	shalt  }
0x80: {  	_ =	shalt  }
0x81: {  	_ =	shalt  }
0x82: {  	_ =	shalt  }
0x83: {  	_ =	shalt  }
0x84: {  	_ =	shalt  }
0x85: {  	_ =	shalt  }
0x86: {  	_ =	shalt  }
0x87: {  	_ =	shalt  }
.Lfunc_end0:
.L_simem_size_0:
called_computation.1_lowered:
.L_overlay_start_0:
0x88: {  	s2 =	sld [smem:$0x3FD9]  }
0x89: {  	s3 =	sld [smem:$0x3FFE];
	_ =	sdelay $0x1  }
0x8a: {  	s1 =	srdreg.scid  }
0x8b: {  	s0 =	sand.u32 $0x1, s1  }
0x8c: {  	s16 =	sshll.u32 s0, $0xA;
	s2 =	sadd.s32 s3, s2  }
0x8d: {  	s2 =	sadd.s32 s2, s16  }
0x8e: {  	[smem:$0x3FC3] =	sst s2  }
0x8f: {  	_ = 	snop  }
0x90: {  	(tm) =	ssettm $0x1  }
0x91: {  	s17 =	sld [smem:$0x3FFB];
	_ =	sdelay $0x3  }
0x92: {  	_ =	strace s17  }
0x93: {  	s2 =	sld [smem:$0x3FFC];
	_ =	sdelay $0x3  }
0x94: {  	_ =	strace s2  }
0x95: {  	s2 =	sld [smem:$0x3FFD];
	_ =	sdelay $0x3  }
0x96: {  	_ =	strace s2  }
0x97: {  	_ =	strace $0x8FFFFFFF  }
0x98: {  	s18 =	sld [smem:$0x3FDB];
	_ =	sdelay $0x1  }
0x99: {  	s19 =	simm.s32 $_scs_section_size  }
0x9a: {  	s4 =	simm.s32 $_size__tile_overlayer_lowered;
	s5 =	simm.s32 $_tile_overlayer_lowered  }
0x9b: {  	s22 =	simm.s32 $0x1BFF;
	s21 =	sshll.u32 s5, $0x1;
	s2 =	sadd.s32 s19, s18  }
0x9c: {  	s6 =	simm.s32 $0x0;
	s20 =	sshll.u32 s4, $0x1;
	s4 =	sadd.s32 s21, s2  }
0x9d: {  	[timem:s6], [sflag:s22] =	dma.local [hbm:s4], s20  }
0x9e: {  	_ =	swait.ge [sflag:s22], s20  }
0x9f: {  	s3 =	ssub.s32 $0x0, s20;
	[sflag:s22] =	ssyncset.done $0x0  }
0xa0: {  	[sflag:s22] =	ssyncadd.s32 s3;
	_ =	sdelay $0x1  }
0xa1: {  	s23 =	simm.s32 $0x1B8B  }
0xa2: {  	_ =	swait.ge [sflag:s23], $0x1  }
0xa3: {  	[sflag:s23] =	ssyncset.done $0x0  }
0xa4: {  	s25 =	simm.s32 $0x1B8E;
	s24 =	sld [smem:$0x3FFE];
	[sflag:s23] =	ssyncadd.s32 $0xFFFFFFFF  }
0xa5: {  	s26 =	simm.s32 $execute0_lowered;
	[smem:$0x3FD2] =	sst s25  }
0xa6: {  	s4 =	sshll.u32 s26, $0x1;
	_ =	strace $0x80000049;
	[dreg:$0x1] =	wrdreg $0xFFFFFFFF  }
0xa7: {  	s28 =	simm.s32 $_size_execute0_lowered;
	s2 =	sadd.s32 s2, s4;
	[dreg:$0x0] =	wrdreg $0x0  }
0xa8: {  	s4 =	sshll.u32 s28, $0x1;
	[dreg:$0x2] =	wrdreg s2  }
0xa9: {  	[dreg:$0x3] =	wrdreg s4  }
0xaa: {  	[dreg:$0x4] =	wrdreg $0xC0  }
0xab: {  	_ =	task [dreg:s6], $0x5FFFF  }
0xac: {  	[dreg:$0x1] =	wrdreg $0xFFFFFFFF  }
0xad: {  	[dreg:$0x0] =	wrdreg $0x60  }
0xae: {  	[dreg:$0x2] =	wrdreg s24  }
0xaf: {  	[dreg:$0x3] =	wrdreg $0x15A000  }
0xb0: {  	[dreg:$0x4] =	wrdreg $0x9  }
0xb1: {  	_ =	task.clear_ibuf [dreg:s6], $0x5FFFF;
	_ =	strace $0x90000049  }
0xb2: {  	s29 =	simm.s32 $0x9;
	_ =	strace $0x8000004B  }
0xb3: {  	_ =	swait.ge [sflag:s29], $0x1  }
0xb4: {  	[sflag:s29] =	ssyncadd.s32 $0xFFFFFFFF  }
0xb5: {  	_ =	strace $0x9000004B  }
0xb6: {  	_ =	sfence  }
0xb7: {  	s30 =	sld [smem:$0x0];
	_ =	sdelay $0x2  }
0xb8: {  	s31 =	sshll.u32 s1, $0xD;
	s1 =	sshrl.u32 s1, $0x2  }
0xb9: {  	s3 =	sand.u32 $0x4000, s31;
	s1 =	sadd.s32 s1, s30  }
0xba: {  	s0 =	sor.u32 s3, s0;
	s1 =	sshll.u32 s1, $0x11  }
0xbb: {  	s0 =	sor.u32 s1, s0  }
0xbc: {  	s0 =	sadd.s32 $0x8F2B, s0  }
0xbd: {  	[sflag:s0] =	ssyncadd.remote.s32 $0x1  }
0xbe: {  	_ =	sfence.sel $0xFFFF  }
0xbf: {  	[dreg:$0x0] =	wrdreg $0xFFFFFFFF;
	(pc) =	sbr.abs _section_cstart, $3  }
0xc0: {  	[dreg:$0x1] =	wrdreg $0xFFFFFFFF  }
0xc1: {  	_ =	task.clear_ibuf [dreg:s6], $0x2FFFF;
	_ =	strace $0x9FFFFFFF  }
0xc2: {  	(tm) =	ssettm $0x7FFFFFFF  }
0xc3: {  	_ =	shalt  }
tec
execute0_lowered:
.L_overlay_start_1:
0x0: {  	(tag) =	ssettag $0x1  }
0x1: {  	s0 =	rddreg [dreg:$0x0]  }
0x2: {  	s1 =	rddreg [dreg:$0x1]  }
0x3: {  	s2 =	srdreg.scid;
	s3 =	simm.s32 $0x0;
	s9 =	stileid.u32  }
0x4: {  	s19 =	simm.s32 $0x9;
	s29 =	simm.s32 $0x8E80;
	s28 =	simm.s32 $0x10B80  }
0x5: {  	s31 =	simm.s32 $0x12AC0;
	s30 =	simm.s32 $0x8;
	s8 =	smul.u32 $0xA000, s9  }
0x6: {  	s2 =	sand.u32 $0x1, s2;
	s6 =	sshll.u32 s9, $0x1;
	s9 =	smul.u32 $0x28000, s9  }
0x7: {  	s5 =	smul.u32 $0xA0000, s2;
	s6 =	sor.u32 s2, s6;
	s2 =	ssub.s32 $0x2, s2  }
0x8: {  	[smem:$0x7FF] =	sst s3;
	s4 =	sadd.s32 $0x3F200, s0;
	s7 =	sshrl.u32 s2, $0x1  }
0x9: {  	_ =	strace $0x8000004A;
	s15 =	sshrl.u32 s9, $0x2;
	s2 =	ssub.s32 s2, s7  }
0xa: {  	s6 =	smul.u32 $0x500, s6;
	s7 =	sadd.s32 s15, s1;
	s2 =	smax.u32 s2, $0x1  }
0xb: {  	s16 =	sadd.s32 s8, s1;
	s20 =	sadd.s32 $0x1000, s7;
	[dreg:$0x6] =	wrdreg s2  }
0xc: {  	s5 =	sadd.s32 s8, s5;
	s21 =	sadd.s32 $0x2000, s7;
	[dreg:$0x7] =	wrdreg s20  }
0xd: {  	s5 =	sshrl.u32 s5, $0x3;
	s22 =	sadd.s32 $0x3000, s7;
	[dreg:$0x8] =	wrdreg s21  }
0xe: {  	s6 =	sadd.s32 s6, s0;
	s23 =	sadd.s32 $0x4000, s7;
	[dreg:$0x9] =	wrdreg s22  }
0xf: {  	s24 =	sadd.s32 $0x5000, s7;
	s25 =	sadd.s32 $0x6000, s7;
	[dreg:$0xa] =	wrdreg s23  }
0x10: {  	s26 =	sadd.s32 $0x7000, s7;
	s17 =	sadd.s32 $0x8000, s7;
	[dreg:$0xb] =	wrdreg s24  }
0x11: {  	s18 =	sadd.s32 $0x9000, s7;
	s0 =	sadd.s32 s5, s0;
	[dreg:$0xc] =	wrdreg s25  }
0x12: {  	s13 =	sadd.s32 $0xD200, s6;
	s14 =	sadd.s32 $0x3200, s6;
	[dreg:$0xd] =	wrdreg s26  }
.Ltmp0:
0x13: {  	s21 =	simm.s32 $0x14A00;
	s22 =	simm.s32 $0x7D;
	(pc) =	sbr.rel .LBB2_1-.Ltmp0, $4  }
0x14: {  	s23 =	simm.s32 $0x5000;
	s25 =	sshrl.u32 s16, $0x3;
	s2 =	simm.s32 $0xCD00  }
0x15: {  	s20 =	simm.s32 $0x3;
	s24 =	simm.s32 $0x5;
	[dreg:$0x3] =	wrdreg s13  }
0x16: {  	s26 =	simm.s32 $0x7;
	[dreg:$0x4] =	wrdreg s14;
	s0 =	sadd.s32 $0x53200, s0  }
0x17: {  	v0 =	vimm.f32 $0.0e+00;
	s5 =	simm.s32 $0x0;
	[dreg:$0x5] =	wrdreg s0;
	s0 =	simm.s32 $0x1  }
.LBB2_6:
0x18: {  	_ =	swait.ge [sflag:s30], $0x1F40  }
0x19: {  	[sflag:s30] =	ssyncset.done $0x0  }
0x1a: {  	[sflag:s30] =	ssyncadd.s32 $0xFFFFE0C0  }
0x1b: {  	[spmem:s1] =	stream.indirect.scatter.add.f32 [tilespmem:s31], [sflag:$0x9], $0x40, s9, s22, $0xb8;
	[tilespmem:$0x1FA00] =	vst v63  }
0x1c: {  	_ =	swait.ge [sflag:s19], $0x1F40  }
0x1d: {  	[sflag:s19] =	ssyncset.done $0x0  }
0x1e: {  	s6 =	stileid.u32;
	[sflag:s19] =	ssyncadd.s32 $0xFFFFE0C0  }
0x1f: {  	s6 =	sshll.u32 s6, $0x6;
	[bflag:$0x0] =	sbarrier.arrive $0xFFFF  }
0x20: {  	s6 =	sor.u32 $0x1C09, s6;
	s8 =	rddreg [dreg:$0x5]  }
0x21: {  	[hbm:s8], [sflag:s6] =	dma.local [spmem:s25], $0x1400  }
0x22: {  	_ =	swait.ge [sflag:s19], $0x1400  }
0x23: {  	s5 =	sadd.s32 $0x1, s5;
	s16 =	rddreg [dreg:$0x6]  }
0x24: {  	p0 =	sne.s32 s5, s16  }
.Ltmp1:
0x25: {  	_ = 	snop;
	(pc) =	sbr.rel @!p0 .LBB2_7-.Ltmp1, $3  }
0x26: {  	_ =	sdelay $0x1  }
0x27: {  	[sflag:s19] =	ssyncset.done $0x0  }
0x28: {  	[sflag:s19] =	ssyncadd.s32 $0xFFFFEC00  }
.LBB2_1:
0x29: {  	s6 =	rddreg [dreg:$0x3]  }
0x2a: {  	[tilespmem:s3], [sflag:$0x9] =	stream.linear.gather [hbm4b:s6+s3], $0x2800, $0x38;
	[tilespmem:$0x1FA00] =	vst v63  }
0x2b: {  	_ =	swait.ge [sflag:s19], $0x2800  }
0x2c: {  	[sflag:s19] =	ssyncset.done $0x0  }
0x2d: {  	s8 =	simm.s32 $0x2800;
	s14 =	rddreg [dreg:$0x4];
	[sflag:s19] =	ssyncadd.s32 $0xFFFFD800  }
0x2e: {  	[tilespmem:s8], [sflag:$0x9] =	stream.linear.gather [hbm4b:s14+s3], $0x2800, $0x38;
	[tilespmem:$0x1FA00] =	vst v63  }
0x2f: {  	s15 =	sand.u32 $0x3F00, s3;
	s16 =	sand.u32 $0x30, s3;
	_ =	swait.ge [sflag:s19], $0x2800  }
0x30: {  	s9 =	sshrl.u32 s15, $0x2;
	s6 =	simm.s32 $0x40;
	[sflag:s19] =	ssyncset.done $0x0  }
0x31: {  	s9 =	sor.u32 s16, s9;
	s8 =	simm.s32 $0x0;
	[sflag:s19] =	ssyncadd.s32 $0xFFFFD800  }
.LBB2_2:
0x32: {  	p0 =	sne.s32 s6, $0x3FC0  }
0x33: {  	[tilespmem:s9+$0x14A00] =	vst v0;
	s8 =	sadd.s32 $0x10, s8;
	s9 =	smov.u32 s6;
	s6 =	sadd.s32 $0x40, s6  }
.Ltmp2:
0x34: {  	(pc) =	sbr.rel @p0 .LBB2_2-.Ltmp2, $4  }
0x35: {  	_ = 	snop  }
0x36: {  	s9 =	sand.u32 $0x3F00, s9  }
0x37: {  	s10 =	sand.u32 $0x30, s8;
	s9 =	sshrl.u32 s9, $0x2  }
0x38: {  	s9 =	sor.u32 s10, s9  }
0x39: {  	[tilespmem:s9+$0x14A00] =	vst v0  }
0x3a: {  	[spmem:s7] =	stream.linear.scatter [tilespmem:s21], [sflag:$0x9], $0x1000, $0x38;
	[tilespmem:$0x1FA00] =	vst v63  }
0x3b: {  	_ =	swait.ge [sflag:s19], $0x1000  }
0x3c: {  	[sflag:s19] =	ssyncset.done $0x0  }
0x3d: {  	s6 =	rddreg [dreg:$0x7];
	[sflag:s19] =	ssyncadd.s32 $0xFFFFF000  }
0x3e: {  	[spmem:s6] =	stream.linear.scatter [tilespmem:s21], [sflag:$0x9], $0x1000, $0x38;
	[tilespmem:$0x1FA00] =	vst v63  }
0x3f: {  	_ =	swait.ge [sflag:s19], $0x1000  }
0x40: {  	[sflag:s19] =	ssyncset.done $0x0  }
0x41: {  	s10 =	rddreg [dreg:$0x8];
	[sflag:s19] =	ssyncadd.s32 $0xFFFFF000  }
0x42: {  	[spmem:s10] =	stream.linear.scatter [tilespmem:s21], [sflag:$0x9], $0x1000, $0x38;
	[tilespmem:$0x1FA00] =	vst v63  }
0x43: {  	_ =	swait.ge [sflag:s19], $0x1000  }
0x44: {  	[sflag:s19] =	ssyncset.done $0x0  }
0x45: {  	s11 =	rddreg [dreg:$0x9];
	[sflag:s19] =	ssyncadd.s32 $0xFFFFF000  }
0x46: {  	[spmem:s11] =	stream.linear.scatter [tilespmem:s21], [sflag:$0x9], $0x1000, $0x38;
	[tilespmem:$0x1FA00] =	vst v63  }
0x47: {  	_ =	swait.ge [sflag:s19], $0x1000  }
0x48: {  	[sflag:s19] =	ssyncset.done $0x0  }
0x49: {  	s12 =	rddreg [dreg:$0xa];
	[sflag:s19] =	ssyncadd.s32 $0xFFFFF000  }
0x4a: {  	[spmem:s12] =	stream.linear.scatter [tilespmem:s21], [sflag:$0x9], $0x1000, $0x38;
	[tilespmem:$0x1FA00] =	vst v63  }
0x4b: {  	_ =	swait.ge [sflag:s19], $0x1000  }
0x4c: {  	[sflag:s19] =	ssyncset.done $0x0  }
0x4d: {  	s13 =	rddreg [dreg:$0xb];
	[sflag:s19] =	ssyncadd.s32 $0xFFFFF000  }
0x4e: {  	[spmem:s13] =	stream.linear.scatter [tilespmem:s21], [sflag:$0x9], $0x1000, $0x38;
	[tilespmem:$0x1FA00] =	vst v63  }
0x4f: {  	_ =	swait.ge [sflag:s19], $0x1000  }
0x50: {  	[sflag:s19] =	ssyncset.done $0x0  }
0x51: {  	s14 =	rddreg [dreg:$0xc];
	[sflag:s19] =	ssyncadd.s32 $0xFFFFF000  }
0x52: {  	[spmem:s14] =	stream.linear.scatter [tilespmem:s21], [sflag:$0x9], $0x1000, $0x38;
	[tilespmem:$0x1FA00] =	vst v63  }
0x53: {  	_ =	swait.ge [sflag:s19], $0x1000  }
0x54: {  	[sflag:s19] =	ssyncset.done $0x0  }
0x55: {  	s15 =	rddreg [dreg:$0xd];
	[sflag:s19] =	ssyncadd.s32 $0xFFFFF000  }
0x56: {  	[spmem:s15] =	stream.linear.scatter [tilespmem:s21], [sflag:$0x9], $0x1000, $0x38;
	[tilespmem:$0x1FA00] =	vst v63  }
0x57: {  	_ =	swait.ge [sflag:s19], $0x1000  }
0x58: {  	[sflag:s19] =	ssyncset.done $0x0  }
0x59: {  	[sflag:s19] =	ssyncadd.s32 $0xFFFFF000  }
0x5a: {  	[spmem:s17] =	stream.linear.scatter [tilespmem:s21], [sflag:$0x9], $0x1000, $0x38;
	[tilespmem:$0x1FA00] =	vst v63  }
0x5b: {  	_ =	swait.ge [sflag:s19], $0x1000  }
0x5c: {  	[sflag:s19] =	ssyncset.done $0x0  }
0x5d: {  	[sflag:s19] =	ssyncadd.s32 $0xFFFFF000  }
0x5e: {  	[spmem:s18] =	stream.linear.scatter [tilespmem:s21], [sflag:$0x9], $0x1000, $0x38;
	[tilespmem:$0x1FA00] =	vst v63  }
0x5f: {  	_ =	swait.ge [sflag:s19], $0x1000  }
0x60: {  	[sflag:s19] =	ssyncset.done $0x0  }
0x61: {  	[sflag:s19] =	ssyncadd.s32 $0xFFFFF000  }
0x62: {  	s6 =	simm.s32 $0x0;
	[bflag:$0x0] =	sbarrier.arrive $0xFFFF  }
0x63: {  	[tilespmem:s23], [sflag:$0x1] =	stream.indirect.gather [hbm4b:s4+s22], $0x40, s6, s22, $0xb8;
	[tilespmem:$0x1FA00] =	vst v63  }
0x64: {  	s8 =	simm.s32 $0x80;
	s16 =	simm.s32 $0x6F40  }
0x65: {  	[tilespmem:s16], [sflag:$0x2] =	stream.indirect.gather [hbm4b:s4+s22], $0x40, s8, s22, $0xb8;
	[tilespmem:$0x1FA00] =	vst v63  }
0x66: {  	s9 =	simm.s32 $0x100  }
0x67: {  	[tilespmem:s29], [sflag:$0x3] =	stream.indirect.gather [hbm4b:s4+s22], $0x40, s9, s22, $0xb8;
	[tilespmem:$0x1FA00] =	vst v63  }
0x68: {  	s10 =	simm.s32 $0x180;
	s11 =	simm.s32 $0xADC0  }
0x69: {  	[tilespmem:s11], [sflag:$0x4] =	stream.indirect.gather [hbm4b:s4+s22], $0x40, s10, s22, $0xb8;
	[tilespmem:$0x1FA00] =	vst v63  }
0x6a: {  	s12 =	simm.s32 $0x200  }
0x6b: {  	[tilespmem:s2], [sflag:$0x5] =	stream.indirect.gather [hbm4b:s4+s22], $0x40, s12, s22, $0xb8;
	[tilespmem:$0x1FA00] =	vst v63  }
0x6c: {  	s13 =	simm.s32 $0x280;
	s14 =	simm.s32 $0xEC40  }
0x6d: {  	[tilespmem:s14], [sflag:$0x6] =	stream.indirect.gather [hbm4b:s4+s22], $0x40, s13, s22, $0xb8;
	[tilespmem:$0x1FA00] =	vst v63  }
0x6e: {  	s15 =	simm.s32 $0x300  }
0x6f: {  	[tilespmem:s28], [sflag:$0x7] =	stream.indirect.gather [hbm4b:s4+s22], $0x40, s15, s22, $0xb8;
	[tilespmem:$0x1FA00] =	vst v63  }
0x70: {  	s16 =	simm.s32 $0x380  }
0x71: {  	[tilespmem:s31], [sflag:$0x8] =	stream.indirect.gather [hbm4b:s4+s22], $0x40, s16, s22, $0xb8;
	[tilespmem:$0x1FA00] =	vst v63  }
.LBB2_4:
0x72: {  	_ =	swait.ge [sflag:s0], $0x1F40  }
0x73: {  	s8 =	sshra.s32 s6, $0x2;
	[sflag:s0] =	ssyncset.done $0x0  }
0x74: {  	s9 =	sadd.s32 $0x2800, s8;
	[sflag:s0] =	ssyncadd.s32 $0xFFFFE0C0  }
0x75: {  	[spmem:s1] =	stream.indirect.scatter.add.f32 [tilespmem:s23], [sflag:$0x9], $0x40, s9, s22, $0xb8;
	[tilespmem:$0x1FA00] =	vst v63  }
0x76: {  	_ =	swait.ge [sflag:s19], $0x1F40  }
0x77: {  	p0 =	seq.s32 s6, $0x9000;
	[sflag:s19] =	ssyncset.done $0x0  }
0x78: {  	s9 =	simm.s32 @p0 $0x2;
	[sflag:s19] =	ssyncadd.s32 $0xFFFFE0C0  }
0x79: {  	s11 =	sshra.s32 @p0 s6, $0x2;
	_ =	swait.ge @p0 [sflag:s9], $0x1F40  }
0x7a: {  	s12 =	simm.s32 @p0 $0x7D;
	s10 =	simm.s32 @p0 $0x6F40;
	[sflag:s9] =	ssyncset.done @p0 $0x0  }
0x7b: {  	s13 =	simm.s32 @p0 $0x9;
	[sflag:s9] =	ssyncadd.s32 @p0 $0xFFFFE0C0;
	s9 =	sadd.s32 @p0 $0x2880, s11  }
0x7c: {  	[spmem:s1] =	stream.indirect.scatter.add.f32 @p0 [tilespmem:s10], [sflag:$0x9], $0x40, s9, s12, $0xb8;
	[tilespmem:$0x1FA00] =	vst v63  }
0x7d: {  	_ =	swait.ge @p0 [sflag:s13], $0x1F40  }
0x7e: {  	s15 =	simm.s32 @!p0 $0x5000;
	s9 =	sshra.s32 @!p0 s6, $0x2;
	[sflag:s13] =	ssyncset.done @p0 $0x0  }
0x7f: {  	s10 =	simm.s32 @!p0 $0x7D;
	s14 =	sadd.s32 @!p0 $0x400, s9;
	[sflag:s13] =	ssyncadd.s32 @p0 $0xFFFFE0C0  }
0x80: {  	[tilespmem:s15], [sflag:$0x1] =	stream.indirect.gather @!p0 [hbm4b:s4+s10], $0x40, s14, s10, $0xb8;
	[tilespmem:$0x1FA00] =	vst v63  }
0x81: {  	s14 =	simm.s32 @!p0 $0x2  }
0x82: {  	_ =	swait.ge @!p0 [sflag:s14], $0x1F40  }
0x83: {  	[sflag:s14] =	ssyncset.done @!p0 $0x0  }
0x84: {  	s15 =	simm.s32 @!p0 $0x6F40;
	[sflag:s14] =	ssyncadd.s32 @!p0 $0xFFFFE0C0;
	s14 =	sadd.s32 @!p0 $0x2880, s9  }
0x85: {  	[spmem:s1] =	stream.indirect.scatter.add.f32 @!p0 [tilespmem:s15], [sflag:$0x9], $0x40, s14, s10, $0xb8;
	[tilespmem:$0x1FA00] =	vst v63  }
0x86: {  	s14 =	simm.s32 @!p0 $0x9  }
0x87: {  	_ =	swait.ge @!p0 [sflag:s14], $0x1F40  }
0x88: {  	[sflag:s14] =	ssyncset.done @!p0 $0x0  }
0x89: {  	s16 =	sadd.s32 @!p0 $0x480, s9;
	[sflag:s14] =	ssyncadd.s32 @!p0 $0xFFFFE0C0  }
0x8a: {  	[tilespmem:s15], [sflag:$0x2] =	stream.indirect.gather @!p0 [hbm4b:s4+s10], $0x40, s16, s10, $0xb8;
	[tilespmem:$0x1FA00] =	vst v63  }
0x8b: {  	_ =	swait.ge [sflag:s20], $0x1F40  }
0x8c: {  	[sflag:s20] =	ssyncset.done $0x0  }
0x8d: {  	s16 =	sadd.s32 $0x2900, s8;
	[sflag:s20] =	ssyncadd.s32 $0xFFFFE0C0  }
0x8e: {  	[spmem:s1] =	stream.indirect.scatter.add.f32 [tilespmem:s29], [sflag:$0x9], $0x40, s16, s22, $0xb8;
	[tilespmem:$0x1FA00] =	vst v63  }
0x8f: {  	_ =	swait.ge [sflag:s19], $0x1F40  }
0x90: {  	[sflag:s19] =	ssyncset.done $0x0  }
0x91: {  	s15 =	simm.s32 @p0 $0x4;
	[sflag:s19] =	ssyncadd.s32 $0xFFFFE0C0  }
0x92: {  	_ =	swait.ge @p0 [sflag:s15], $0x1F40  }
0x93: {  	[sflag:s15] =	ssyncset.done @p0 $0x0  }
0x94: {  	s16 =	simm.s32 @p0 $0xADC0;
	[sflag:s15] =	ssyncadd.s32 @p0 $0xFFFFE0C0;
	s15 =	sadd.s32 @p0 $0x2980, s11  }
0x95: {  	[spmem:s1] =	stream.indirect.scatter.add.f32 @p0 [tilespmem:s16], [sflag:$0x9], $0x40, s15, s12, $0xb8;
	[tilespmem:$0x1FA00] =	vst v63  }
0x96: {  	_ =	swait.ge @p0 [sflag:s13], $0x1F40  }
0x97: {  	[sflag:s13] =	ssyncset.done @p0 $0x0  }
0x98: {  	s15 =	sadd.s32 @!p0 $0x500, s9;
	s16 =	simm.s32 @!p0 $0x8E80;
	[sflag:s13] =	ssyncadd.s32 @p0 $0xFFFFE0C0  }
0x99: {  	[tilespmem:s16], [sflag:$0x3] =	stream.indirect.gather @!p0 [hbm4b:s4+s10], $0x40, s15, s10, $0xb8;
	[tilespmem:$0x1FA00] =	vst v63  }
0x9a: {  	s15 =	simm.s32 @!p0 $0x4  }
0x9b: {  	_ =	swait.ge @!p0 [sflag:s15], $0x1F40  }
0x9c: {  	[sflag:s15] =	ssyncset.done @!p0 $0x0  }
0x9d: {  	s16 =	simm.s32 @!p0 $0xADC0;
	[sflag:s15] =	ssyncadd.s32 @!p0 $0xFFFFE0C0;
	s15 =	sadd.s32 @!p0 $0x2980, s9  }
0x9e: {  	[spmem:s1] =	stream.indirect.scatter.add.f32 @!p0 [tilespmem:s16], [sflag:$0x9], $0x40, s15, s10, $0xb8;
	[tilespmem:$0x1FA00] =	vst v63  }
0x9f: {  	_ =	swait.ge @!p0 [sflag:s14], $0x1F40  }
0xa0: {  	[sflag:s14] =	ssyncset.done @!p0 $0x0  }
0xa1: {  	s15 =	sadd.s32 @!p0 $0x580, s9;
	[sflag:s14] =	ssyncadd.s32 @!p0 $0xFFFFE0C0  }
0xa2: {  	[tilespmem:s16], [sflag:$0x4] =	stream.indirect.gather @!p0 [hbm4b:s4+s10], $0x40, s15, s10, $0xb8;
	[tilespmem:$0x1FA00] =	vst v63  }
0xa3: {  	_ =	swait.ge [sflag:s24], $0x1F40  }
0xa4: {  	[sflag:s24] =	ssyncset.done $0x0  }
0xa5: {  	s16 =	sadd.s32 $0x2A00, s8;
	[sflag:s24] =	ssyncadd.s32 $0xFFFFE0C0  }
0xa6: {  	[spmem:s1] =	stream.indirect.scatter.add.f32 [tilespmem:s2], [sflag:$0x9], $0x40, s16, s22, $0xb8;
	[tilespmem:$0x1FA00] =	vst v63  }
0xa7: {  	_ =	swait.ge [sflag:s19], $0x1F40  }
0xa8: {  	[sflag:s19] =	ssyncset.done $0x0  }
0xa9: {  	s15 =	simm.s32 @p0 $0x6;
	[sflag:s19] =	ssyncadd.s32 $0xFFFFE0C0  }
0xaa: {  	_ =	swait.ge @p0 [sflag:s15], $0x1F40  }
0xab: {  	[sflag:s15] =	ssyncset.done @p0 $0x0  }
0xac: {  	s11 =	sadd.s32 @p0 $0x2A80, s11;
	[sflag:s15] =	ssyncadd.s32 @p0 $0xFFFFE0C0;
	s15 =	simm.s32 @p0 $0xEC40  }
0xad: {  	[spmem:s1] =	stream.indirect.scatter.add.f32 @p0 [tilespmem:s15], [sflag:$0x9], $0x40, s11, s12, $0xb8;
	[tilespmem:$0x1FA00] =	vst v63  }
0xae: {  	_ =	swait.ge @p0 [sflag:s13], $0x1F40  }
0xaf: {  	[sflag:s13] =	ssyncset.done @p0 $0x0  }
0xb0: {  	s11 =	sadd.s32 @!p0 $0x600, s9;
	s12 =	simm.s32 @!p0 $0xCD00;
	[sflag:s13] =	ssyncadd.s32 @p0 $0xFFFFE0C0  }
0xb1: {  	[tilespmem:s12], [sflag:$0x5] =	stream.indirect.gather @!p0 [hbm4b:s4+s10], $0x40, s11, s10, $0xb8;
	[tilespmem:$0x1FA00] =	vst v63  }
0xb2: {  	s11 =	simm.s32 @!p0 $0x6  }
0xb3: {  	_ =	swait.ge @!p0 [sflag:s11], $0x1F40  }
0xb4: {  	[sflag:s11] =	ssyncset.done @!p0 $0x0  }
0xb5: {  	s12 =	simm.s32 @!p0 $0xEC40;
	[sflag:s11] =	ssyncadd.s32 @!p0 $0xFFFFE0C0;
	s11 =	sadd.s32 @!p0 $0x2A80, s9  }
0xb6: {  	[spmem:s1] =	stream.indirect.scatter.add.f32 @!p0 [tilespmem:s12], [sflag:$0x9], $0x40, s11, s10, $0xb8;
	[tilespmem:$0x1FA00] =	vst v63  }
0xb7: {  	_ =	swait.ge @!p0 [sflag:s14], $0x1F40  }
0xb8: {  	[sflag:s14] =	ssyncset.done @!p0 $0x0  }
0xb9: {  	s9 =	sadd.s32 @!p0 $0x680, s9;
	[sflag:s14] =	ssyncadd.s32 @!p0 $0xFFFFE0C0  }
0xba: {  	[tilespmem:s12], [sflag:$0x6] =	stream.indirect.gather @!p0 [hbm4b:s4+s10], $0x40, s9, s10, $0xb8;
	[tilespmem:$0x1FA00] =	vst v63  }
0xbb: {  	_ =	swait.ge [sflag:s26], $0x1F40  }
0xbc: {  	[sflag:s26] =	ssyncset.done $0x0  }
.Ltmp3:
0xbd: {  	s16 =	sadd.s32 $0x2B00, s8;
	[sflag:s26] =	ssyncadd.s32 $0xFFFFE0C0;
	(pc) =	sbr.rel @p0 .LBB2_6-.Ltmp3, $4  }
0xbe: {  	[spmem:s1] =	stream.indirect.scatter.add.f32 [tilespmem:s28], [sflag:$0x9], $0x40, s16, s22, $0xb8;
	[tilespmem:$0x1FA00] =	vst v63  }
0xbf: {  	_ =	swait.ge [sflag:s19], $0x1F40  }
0xc0: {  	[sflag:s19] =	ssyncset.done $0x0  }
0xc1: {  	s9 =	sadd.s32 $0x2B80, s8;
	[sflag:s19] =	ssyncadd.s32 $0xFFFFE0C0  }
0xc2: {  	s10 =	sadd.s32 $0x700, s8  }
0xc3: {  	[tilespmem:s28], [sflag:$0x7] =	stream.indirect.gather [hbm4b:s4+s22], $0x40, s10, s22, $0xb8;
	[tilespmem:$0x1FA00] =	vst v63  }
0xc4: {  	_ =	swait.ge [sflag:s30], $0x1F40  }
0xc5: {  	[sflag:s30] =	ssyncset.done $0x0  }
0xc6: {  	[sflag:s30] =	ssyncadd.s32 $0xFFFFE0C0  }
0xc7: {  	[spmem:s1] =	stream.indirect.scatter.add.f32 [tilespmem:s31], [sflag:$0x9], $0x40, s9, s22, $0xb8;
	[tilespmem:$0x1FA00] =	vst v63  }
.Ltmp4:
0xc8: {  	_ = 	snop;
	(pc) =	sbr.rel .LBB2_4-.Ltmp4, $4  }
0xc9: {  	_ =	swait.ge [sflag:s19], $0x1F40  }
0xca: {  	[sflag:s19] =	ssyncset.done $0x0  }
0xcb: {  	s16 =	sadd.s32 $0x780, s8;
	s6 =	sadd.s32 $0x1000, s6;
	[sflag:s19] =	ssyncadd.s32 $0xFFFFE0C0  }
0xcc: {  	[tilespmem:s31], [sflag:$0x8] =	stream.indirect.gather [hbm4b:s4+s22], $0x40, s16, s22, $0xb8;
	[tilespmem:$0x1FA00] =	vst v63  }
.LBB2_7:
0xcd: {  	_ =	sfence.sel $0x180000  }
0xce: {  	[bflag:$0x0] =	sbarrier.arrive $0xFFFF  }
0xcf: {  	_ =	strace $0x9000004A  }
0xd0: {  	s0 =	stileid.u32;
	[bflag:$0x2] =	sbarrier.arrive $0xFFFF  }
0xd1: {  	p0 =	sne.s32 s0, $0x0;
	s0 =	rddreg [dreg:$0x2]  }
0xd2: {  	s0 =	sadd.s32 @!p0 $0x100000, s0  }
0xd3: {  	[sflag:s0] =	ssyncadd.tile.s32 @!p0 $0x1;
	_ =	shalt  }
.Lfunc_end2:
_tile_overlayer_lowered:
.L_overlay_start_2:
0xd4: {  	(tag) =	ssettag $0x2  }
0xd5: {  	s0 =	rddreg [dreg:$0x0];
	s2 =	stileid.u32  }
0xd6: {  	s1 =	rddreg [dreg:$0x1];
	p0 =	sne.s32 s2, $0x0  }
0xd7: {  	s3 =	rddreg [dreg:$0x2];
	[bflag:$0x3] =	sbarrier.arrive $0xFFFF;
	s2 =	simm.s32 @!p0 $0x1C09  }
0xd8: {  	[timem:s3], [sflag:s2] =	dma.local @!p0 [hbm:s0], s1  }
0xd9: {  	s0 =	simm.s32 @!p0 $0x9  }
0xda: {  	_ =	swait.ge @!p0 [sflag:s0], s1  }
0xdb: {  	s1 =	ssub.s32 @!p0 $0x0, s1;
	[sflag:s0] =	ssyncset.done @!p0 $0x0  }
0xdc: {  	[sflag:s0] =	ssyncadd.s32 @!p0 s1  }
0xdd: {  	[bflag:$0x3] =	sbarrier.arrive $0xFFFF  }
0xde: {  	_ =	shalt  }

// kernel: kernel.18.cloned.1.call-start
scs
__scs_entry_jumppad:
0x0: {  	(pc) =	sbr.rel $0x88, $3  }
0x1: {  	(tag) =	ssettag $0x0;
	lr =	simm.s32 $0x1  }
0x2: {  	[smem:$0x3F9C] =	sst lr;
	_ =	strace $0xD0000000  }
0x3: {  	_ = 	snop  }
0x4: {  	_ = 	snop  }
0x5: {  	_ = 	snop  }
0x6: {  	_ = 	snop  }
0x7: {  	_ = 	snop  }
__scs_overlays_trampoline_lowered:
0x8: {  	[smem:$0x3FAB] =	sst s0  }
0x9: {  	[smem:$0x3FAC] =	sst s1  }
0xa: {  	[smem:$0x3FAD] =	sst s2  }
0xb: {  	[smem:$0x3FAE] =	sst s3  }
0xc: {  	[smem:$0x3FAF] =	sst s4  }
0xd: {  	[smem:$0x3FB0] =	sst s5  }
0xe: {  	[smem:$0x3FB1] =	sst s6  }
0xf: {  	[smem:$0x3FB2] =	sst s7  }
0x10: {  	[smem:$0x3FB3] =	sst s8  }
0x11: {  	[smem:$0x3FB4] =	sst s9;
	s0 =	simm.s32 @!p0 $0x0  }
0x12: {  	s1 =	sld [smem:$0x3F9A];
	s0 =	simm.s32 @p0 $0x1  }
0x13: {  	[smem:$0x3FB5] =	sst s0;
	s0 =	simm.s32 @!p1 $0x0  }
0x14: {  	s2 =	sld [smem:$0x3F99];
	s0 =	simm.s32 @p1 $0x1  }
0x15: {  	[smem:$0x3FB6] =	sst s0;
	s0 =	simm.s32 @!p2 $0x0  }
0x16: {  	s3 =	sld [smem:$0x3FDB];
	s0 =	simm.s32 @p2 $0x1  }
0x17: {  	s4 =	simm.s32 $0x1BF5;
	[smem:$0x3FB8] =	sst s0  }
0x18: {  	s0 =	sld [smem:$0x3F9B];
	_ =	swait.ge [sflag:s4], $0x0  }
0x19: {  	s7 =	sld [smem:$0x3F9C]  }
0x1a: {  	s8 =	sadd.s32 $0xFFFFE003, lr  }
0x1b: {  	s9 =	sadd.s32 $0xFFFFFEF7, lr;
	s5 =	simm.s32 $0xFFFFFFFF;
	p2 =	slt.u32 s8, $0xFFFFF086  }
0x1c: {  	p1 =	slt.u32 s9, $0xF7A;
	s5 =	simm.s32 @!p2 $0x0  }
0x1d: {  	s5 =	simm.s32 @p1 $0x1;
	p0 =	seq.s32 s7, s2  }
0x1e: {  	s7 =	smul.u32 @!p0 $0xF7A, s2;
	p2 =	seq.s32 @!p0 s5, $0x0  }
0x1f: {  	s9 =	smul.u32 $0xF7A, s1;
	s8 =	simm.s32 @!p0 $0x1BF5;
	p2 =	por !p2, p0  }
0x20: {  	[sflag:s8] =	ssyncset.s32 @!p0 $0xFFFFF086;
	s6 =	sadd.s32 @!p0 s3, s7;
	s7 =	simm.s32 @!p0 $0x108  }
0x21: {  	s3 =	sadd.s32 s3, s9;
	s6 =	sadd.s32 @!p0 $0x88, s6;
	s7 =	simm.s32 @p2 $0x1082  }
0x22: {  	[simem:s7], [sflag:s8] =	dma.local @!p0 [hbm:s6], $0xF7A  }
0x23: {  	s9 =	sor.u32 $0xD0000000, s2;
	s6 =	simm.s32 $0x108;
	_ =	swait.ge @!p0 [sflag:s8], $0x0  }
0x24: {  	s3 =	sadd.s32 $0x88, s3;
	s6 =	simm.s32 @!p1 $0x1082;
	[sflag:s4] =	ssyncset.s32 $0xFFFFF086  }
0x25: {  	[simem:s6], [sflag:s4] =	dma.local [hbm:s3], $0xF7A  }
0x26: {  	[smem:$0x3F9C] =	sst s1;
	(tag) =	ssettag s2;
	_ =	strace s9  }
0x27: {  	s1 =	sld [smem:$0x3FAC]  }
0x28: {  	s2 =	sld [smem:$0x3FAD]  }
0x29: {  	s4 =	sld [smem:$0x3FAF]  }
0x2a: {  	p0 =	seq.s32 s5, $0x0;
	s5 =	sld [smem:$0x3FB0]  }
0x2b: {  	s6 =	sld [smem:$0x3FB1]  }
0x2c: {  	s7 =	sld [smem:$0x3FB2]  }
0x2d: {  	s3 =	simm.s32 $0x108;
	s8 =	sld [smem:$0x3FB3]  }
0x2e: {  	s3 =	simm.s32 @!p0 $0x1082;
	s9 =	sld [smem:$0x3FB4]  }
0x2f: {  	lr =	sadd.s32 s0, s3;
	s0 =	sld [smem:$0x3FAB]  }
0x30: {  	s3 =	sld [smem:$0x3FAE]  }
0x31: {  	[smem:$0x3FB7] =	sst s10  }
0x32: {  	s10 =	sld [smem:$0x3FB5];
	_ =	sdelay $0x3  }
0x33: {  	p0 =	seq.s32 s10, $0x1;
	s10 =	sld [smem:$0x3FB7];
	_ =	sdelay $0x3  }
0x34: {  	[smem:$0x3FB7] =	sst s10  }
0x35: {  	s10 =	sld [smem:$0x3FB6];
	_ =	sdelay $0x3  }
0x36: {  	p1 =	seq.s32 s10, $0x1;
	s10 =	sld [smem:$0x3FB7];
	_ =	sdelay $0x3  }
0x37: {  	[smem:$0x3FB7] =	sst s10  }
0x38: {  	s10 =	sld [smem:$0x3FB8]  }
0x39: {  	_ = 	snop;
	(pc) =	sbr.ind lr, $3  }
0x3a: {  	_ = 	snop  }
0x3b: {  	_ = 	snop  }
0x3c: {  	p2 =	seq.s32 s10, $0x1;
	s10 =	sld [smem:$0x3FB7]  }
0x3d: {  	_ =	shalt  }
0x3e: {  	_ =	shalt  }
0x3f: {  	_ =	shalt  }
0x40: {  	_ =	shalt  }
0x41: {  	_ =	shalt  }
0x42: {  	_ =	shalt  }
0x43: {  	_ =	shalt  }
0x44: {  	_ =	shalt  }
0x45: {  	_ =	shalt  }
0x46: {  	_ =	shalt  }
0x47: {  	_ =	shalt  }
0x48: {  	_ =	shalt  }
0x49: {  	_ =	shalt  }
0x4a: {  	_ =	shalt  }
0x4b: {  	_ =	shalt  }
0x4c: {  	_ =	shalt  }
0x4d: {  	_ =	shalt  }
0x4e: {  	_ =	shalt  }
0x4f: {  	_ =	shalt  }
0x50: {  	_ =	shalt  }
0x51: {  	_ =	shalt  }
0x52: {  	_ =	shalt  }
0x53: {  	_ =	shalt  }
0x54: {  	_ =	shalt  }
0x55: {  	_ =	shalt  }
0x56: {  	_ =	shalt  }
0x57: {  	_ =	shalt  }
0x58: {  	_ =	shalt  }
0x59: {  	_ =	shalt  }
0x5a: {  	_ =	shalt  }
0x5b: {  	_ =	shalt  }
0x5c: {  	_ =	shalt  }
0x5d: {  	_ =	shalt  }
0x5e: {  	_ =	shalt  }
0x5f: {  	_ =	shalt  }
0x60: {  	_ =	shalt  }
0x61: {  	_ =	shalt  }
0x62: {  	_ =	shalt  }
0x63: {  	_ =	shalt  }
0x64: {  	_ =	shalt  }
0x65: {  	_ =	shalt  }
0x66: {  	_ =	shalt  }
0x67: {  	_ =	shalt  }
0x68: {  	_ =	shalt  }
0x69: {  	_ =	shalt  }
0x6a: {  	_ =	shalt  }
0x6b: {  	_ =	shalt  }
0x6c: {  	_ =	shalt  }
0x6d: {  	_ =	shalt  }
0x6e: {  	_ =	shalt  }
0x6f: {  	_ =	shalt  }
0x70: {  	_ =	shalt  }
0x71: {  	_ =	shalt  }
0x72: {  	_ =	shalt  }
0x73: {  	_ =	shalt  }
0x74: {  	_ =	shalt  }
0x75: {  	_ =	shalt  }
0x76: {  	_ =	shalt  }
0x77: {  	_ =	shalt  }
0x78: {  	_ =	shalt  }
0x79: {  	_ =	shalt  }
0x7a: {  	_ =	shalt  }
0x7b: {  	_ =	shalt  }
0x7c: {  	_ =	shalt  }
0x7d: {  	_ =	shalt  }
0x7e: {  	_ =	shalt  }
0x7f: {  	_ =	shalt  }
0x80: {  	_ =	shalt  }
0x81: {  	_ =	shalt  }
0x82: {  	_ =	shalt  }
0x83: {  	_ =	shalt  }
0x84: {  	_ =	shalt  }
0x85: {  	_ =	shalt  }
0x86: {  	_ =	shalt  }
0x87: {  	_ =	shalt  }
.Lfunc_end0:
.L_simem_size_0:
called_computation.2_lowered:
.L_overlay_start_0:
0x88: {  	s2 =	sld [smem:$0x3FD9]  }
0x89: {  	s3 =	sld [smem:$0x3FFE];
	_ =	sdelay $0x1  }
0x8a: {  	s1 =	srdreg.scid  }
0x8b: {  	s0 =	sand.u32 $0x1, s1  }
0x8c: {  	s16 =	sshll.u32 s0, $0xA;
	s2 =	sadd.s32 s3, s2  }
0x8d: {  	s2 =	sadd.s32 s2, s16  }
0x8e: {  	[smem:$0x3FC3] =	sst s2  }
0x8f: {  	_ = 	snop  }
0x90: {  	(tm) =	ssettm $0x1  }
0x91: {  	s17 =	sld [smem:$0x3FFB];
	_ =	sdelay $0x3  }
0x92: {  	_ =	strace s17  }
0x93: {  	s2 =	sld [smem:$0x3FFC];
	_ =	sdelay $0x3  }
0x94: {  	_ =	strace s2  }
0x95: {  	s2 =	sld [smem:$0x3FFD];
	_ =	sdelay $0x3  }
0x96: {  	_ =	strace s2  }
0x97: {  	_ =	strace $0x8FFFFFFF  }
0x98: {  	s18 =	sld [smem:$0x3FDB];
	_ =	sdelay $0x1  }
0x99: {  	s19 =	simm.s32 $_scs_section_size  }
0x9a: {  	s4 =	simm.s32 $_size__tile_overlayer_lowered;
	s5 =	simm.s32 $_tile_overlayer_lowered  }
0x9b: {  	s22 =	simm.s32 $0x1BFF;
	s21 =	sshll.u32 s5, $0x1;
	s2 =	sadd.s32 s19, s18  }
0x9c: {  	s6 =	simm.s32 $0x0;
	s20 =	sshll.u32 s4, $0x1;
	s4 =	sadd.s32 s21, s2  }
0x9d: {  	[timem:s6], [sflag:s22] =	dma.local [hbm:s4], s20  }
0x9e: {  	_ =	swait.ge [sflag:s22], s20  }
0x9f: {  	s3 =	ssub.s32 $0x0, s20;
	[sflag:s22] =	ssyncset.done $0x0  }
0xa0: {  	[sflag:s22] =	ssyncadd.s32 s3;
	_ =	sdelay $0x1  }
0xa1: {  	s23 =	simm.s32 $0x1B8B  }
0xa2: {  	_ =	swait.ge [sflag:s23], $0x1  }
0xa3: {  	[sflag:s23] =	ssyncset.done $0x0  }
0xa4: {  	s25 =	simm.s32 $0x1B8E;
	s24 =	sld [smem:$0x3FFE];
	[sflag:s23] =	ssyncadd.s32 $0xFFFFFFFF  }
0xa5: {  	s26 =	simm.s32 $execute0_lowered;
	[smem:$0x3FD2] =	sst s25  }
0xa6: {  	s4 =	sshll.u32 s26, $0x1;
	_ =	strace $0x8000004C;
	[dreg:$0x1] =	wrdreg $0xFFFFFFFF  }
0xa7: {  	s28 =	simm.s32 $_size_execute0_lowered;
	s2 =	sadd.s32 s2, s4;
	[dreg:$0x0] =	wrdreg $0x0  }
0xa8: {  	s4 =	sshll.u32 s28, $0x1;
	[dreg:$0x2] =	wrdreg s2  }
0xa9: {  	[dreg:$0x3] =	wrdreg s4  }
0xaa: {  	[dreg:$0x4] =	wrdreg $0xC0  }
0xab: {  	_ =	task [dreg:s6], $0x5FFFF  }
0xac: {  	[dreg:$0x1] =	wrdreg $0xFFFFFFFF  }
0xad: {  	[dreg:$0x0] =	wrdreg $0x60  }
0xae: {  	[dreg:$0x2] =	wrdreg s24  }
0xaf: {  	[dreg:$0x3] =	wrdreg $0x15A000  }
0xb0: {  	[dreg:$0x4] =	wrdreg $0x9  }
0xb1: {  	_ =	task.clear_ibuf [dreg:s6], $0x5FFFF;
	_ =	strace $0x9000004C  }
0xb2: {  	s29 =	simm.s32 $0x9;
	_ =	strace $0x8000004E  }
0xb3: {  	_ =	swait.ge [sflag:s29], $0x1  }
0xb4: {  	[sflag:s29] =	ssyncadd.s32 $0xFFFFFFFF  }
0xb5: {  	_ =	strace $0x9000004E  }
0xb6: {  	_ =	sfence  }
0xb7: {  	s30 =	sld [smem:$0x0];
	_ =	sdelay $0x2  }
0xb8: {  	s31 =	sshll.u32 s1, $0xD;
	s1 =	sshrl.u32 s1, $0x2  }
0xb9: {  	s3 =	sand.u32 $0x4000, s31;
	s1 =	sadd.s32 s1, s30  }
0xba: {  	s0 =	sor.u32 s3, s0;
	s1 =	sshll.u32 s1, $0x11  }
0xbb: {  	s0 =	sor.u32 s1, s0  }
0xbc: {  	s0 =	sadd.s32 $0x8F2B, s0  }
0xbd: {  	[sflag:s0] =	ssyncadd.remote.s32 $0x1  }
0xbe: {  	_ =	sfence.sel $0xFFFF  }
0xbf: {  	[dreg:$0x0] =	wrdreg $0xFFFFFFFF;
	(pc) =	sbr.abs _section_cstart, $3  }
0xc0: {  	[dreg:$0x1] =	wrdreg $0xFFFFFFFF  }
0xc1: {  	_ =	task.clear_ibuf [dreg:s6], $0x2FFFF;
	_ =	strace $0x9FFFFFFF  }
0xc2: {  	(tm) =	ssettm $0x7FFFFFFF  }
0xc3: {  	_ =	shalt  }
tec
execute0_lowered:
.L_overlay_start_1:
0x0: {  	(tag) =	ssettag $0x1  }
0x1: {  	s0 =	rddreg [dreg:$0x0]  }
0x2: {  	s1 =	rddreg [dreg:$0x1]  }
0x3: {  	s2 =	srdreg.scid;
	s3 =	simm.s32 $0x0;
	s9 =	stileid.u32  }
0x4: {  	s19 =	simm.s32 $0x9;
	s29 =	simm.s32 $0x8E80;
	s28 =	simm.s32 $0x10B80  }
0x5: {  	s31 =	simm.s32 $0x12AC0;
	s30 =	simm.s32 $0x8;
	s8 =	smul.u32 $0xA000, s9  }
0x6: {  	s2 =	sand.u32 $0x1, s2;
	s6 =	sshll.u32 s9, $0x1;
	s9 =	smul.u32 $0x28000, s9  }
0x7: {  	s5 =	smul.u32 $0xA0000, s2;
	s6 =	sor.u32 s2, s6;
	s2 =	ssub.s32 $0x2, s2  }
0x8: {  	[smem:$0x7FF] =	sst s3;
	s4 =	sadd.s32 $0x67200, s0;
	s7 =	sshrl.u32 s2, $0x1  }
0x9: {  	_ =	strace $0x8000004D;
	s15 =	sshrl.u32 s9, $0x2;
	s2 =	ssub.s32 s2, s7  }
0xa: {  	s6 =	smul.u32 $0x500, s6;
	s7 =	sadd.s32 s15, s1;
	s2 =	smax.u32 s2, $0x1  }
0xb: {  	s16 =	sadd.s32 s8, s1;
	s20 =	sadd.s32 $0x1000, s7;
	[dreg:$0x6] =	wrdreg s2  }
0xc: {  	s5 =	sadd.s32 s8, s5;
	s21 =	sadd.s32 $0x2000, s7;
	[dreg:$0x7] =	wrdreg s20  }
0xd: {  	s5 =	sshrl.u32 s5, $0x3;
	s22 =	sadd.s32 $0x3000, s7;
	[dreg:$0x8] =	wrdreg s21  }
0xe: {  	s6 =	sadd.s32 s6, s0;
	s23 =	sadd.s32 $0x4000, s7;
	[dreg:$0x9] =	wrdreg s22  }
0xf: {  	s24 =	sadd.s32 $0x5000, s7;
	s25 =	sadd.s32 $0x6000, s7;
	[dreg:$0xa] =	wrdreg s23  }
0x10: {  	s26 =	sadd.s32 $0x7000, s7;
	s17 =	sadd.s32 $0x8000, s7;
	[dreg:$0xb] =	wrdreg s24  }
0x11: {  	s18 =	sadd.s32 $0x9000, s7;
	s0 =	sadd.s32 s5, s0;
	[dreg:$0xc] =	wrdreg s25  }
0x12: {  	s13 =	sadd.s32 $0xD200, s6;
	s14 =	sadd.s32 $0x3200, s6;
	[dreg:$0xd] =	wrdreg s26  }
.Ltmp0:
0x13: {  	s21 =	simm.s32 $0x14A00;
	s22 =	simm.s32 $0x7D;
	(pc) =	sbr.rel .LBB2_1-.Ltmp0, $4  }
0x14: {  	s23 =	simm.s32 $0x5000;
	s25 =	sshrl.u32 s16, $0x3;
	s2 =	simm.s32 $0xCD00  }
0x15: {  	s20 =	simm.s32 $0x3;
	s24 =	simm.s32 $0x5;
	[dreg:$0x3] =	wrdreg s13  }
0x16: {  	s26 =	simm.s32 $0x7;
	[dreg:$0x4] =	wrdreg s14;
	s0 =	sadd.s32 $0x7B200, s0  }
0x17: {  	v0 =	vimm.f32 $0.0e+00;
	s5 =	simm.s32 $0x0;
	[dreg:$0x5] =	wrdreg s0;
	s0 =	simm.s32 $0x1  }
.LBB2_6:
0x18: {  	_ =	swait.ge [sflag:s30], $0x1F40  }
0x19: {  	[sflag:s30] =	ssyncset.done $0x0  }
0x1a: {  	[sflag:s30] =	ssyncadd.s32 $0xFFFFE0C0  }
0x1b: {  	[spmem:s1] =	stream.indirect.scatter.add.f32 [tilespmem:s31], [sflag:$0x9], $0x40, s9, s22, $0xb8;
	[tilespmem:$0x1FA00] =	vst v63  }
0x1c: {  	_ =	swait.ge [sflag:s19], $0x1F40  }
0x1d: {  	[sflag:s19] =	ssyncset.done $0x0  }
0x1e: {  	s6 =	stileid.u32;
	[sflag:s19] =	ssyncadd.s32 $0xFFFFE0C0  }
0x1f: {  	s6 =	sshll.u32 s6, $0x6;
	[bflag:$0x0] =	sbarrier.arrive $0xFFFF  }
0x20: {  	s6 =	sor.u32 $0x1C09, s6;
	s8 =	rddreg [dreg:$0x5]  }
0x21: {  	[hbm:s8], [sflag:s6] =	dma.local [spmem:s25], $0x1400  }
0x22: {  	_ =	swait.ge [sflag:s19], $0x1400  }
0x23: {  	s5 =	sadd.s32 $0x1, s5;
	s16 =	rddreg [dreg:$0x6]  }
0x24: {  	p0 =	sne.s32 s5, s16  }
.Ltmp1:
0x25: {  	_ = 	snop;
	(pc) =	sbr.rel @!p0 .LBB2_7-.Ltmp1, $3  }
0x26: {  	_ =	sdelay $0x1  }
0x27: {  	[sflag:s19] =	ssyncset.done $0x0  }
0x28: {  	[sflag:s19] =	ssyncadd.s32 $0xFFFFEC00  }
.LBB2_1:
0x29: {  	s6 =	rddreg [dreg:$0x3]  }
0x2a: {  	[tilespmem:s3], [sflag:$0x9] =	stream.linear.gather [hbm4b:s6+s3], $0x2800, $0x38;
	[tilespmem:$0x1FA00] =	vst v63  }
0x2b: {  	_ =	swait.ge [sflag:s19], $0x2800  }
0x2c: {  	[sflag:s19] =	ssyncset.done $0x0  }
0x2d: {  	s8 =	simm.s32 $0x2800;
	s14 =	rddreg [dreg:$0x4];
	[sflag:s19] =	ssyncadd.s32 $0xFFFFD800  }
0x2e: {  	[tilespmem:s8], [sflag:$0x9] =	stream.linear.gather [hbm4b:s14+s3], $0x2800, $0x38;
	[tilespmem:$0x1FA00] =	vst v63  }
0x2f: {  	s15 =	sand.u32 $0x3F00, s3;
	s16 =	sand.u32 $0x30, s3;
	_ =	swait.ge [sflag:s19], $0x2800  }
0x30: {  	s9 =	sshrl.u32 s15, $0x2;
	s6 =	simm.s32 $0x40;
	[sflag:s19] =	ssyncset.done $0x0  }
0x31: {  	s9 =	sor.u32 s16, s9;
	s8 =	simm.s32 $0x0;
	[sflag:s19] =	ssyncadd.s32 $0xFFFFD800  }
.LBB2_2:
0x32: {  	p0 =	sne.s32 s6, $0x3FC0  }
0x33: {  	[tilespmem:s9+$0x14A00] =	vst v0;
	s8 =	sadd.s32 $0x10, s8;
	s9 =	smov.u32 s6;
	s6 =	sadd.s32 $0x40, s6  }
.Ltmp2:
0x34: {  	(pc) =	sbr.rel @p0 .LBB2_2-.Ltmp2, $4  }
0x35: {  	_ = 	snop  }
0x36: {  	s9 =	sand.u32 $0x3F00, s9  }
0x37: {  	s10 =	sand.u32 $0x30, s8;
	s9 =	sshrl.u32 s9, $0x2  }
0x38: {  	s9 =	sor.u32 s10, s9  }
0x39: {  	[tilespmem:s9+$0x14A00] =	vst v0  }
0x3a: {  	[spmem:s7] =	stream.linear.scatter [tilespmem:s21], [sflag:$0x9], $0x1000, $0x38;
	[tilespmem:$0x1FA00] =	vst v63  }
0x3b: {  	_ =	swait.ge [sflag:s19], $0x1000  }
0x3c: {  	[sflag:s19] =	ssyncset.done $0x0  }
0x3d: {  	s6 =	rddreg [dreg:$0x7];
	[sflag:s19] =	ssyncadd.s32 $0xFFFFF000  }
0x3e: {  	[spmem:s6] =	stream.linear.scatter [tilespmem:s21], [sflag:$0x9], $0x1000, $0x38;
	[tilespmem:$0x1FA00] =	vst v63  }
0x3f: {  	_ =	swait.ge [sflag:s19], $0x1000  }
0x40: {  	[sflag:s19] =	ssyncset.done $0x0  }
0x41: {  	s10 =	rddreg [dreg:$0x8];
	[sflag:s19] =	ssyncadd.s32 $0xFFFFF000  }
0x42: {  	[spmem:s10] =	stream.linear.scatter [tilespmem:s21], [sflag:$0x9], $0x1000, $0x38;
	[tilespmem:$0x1FA00] =	vst v63  }
0x43: {  	_ =	swait.ge [sflag:s19], $0x1000  }
0x44: {  	[sflag:s19] =	ssyncset.done $0x0  }
0x45: {  	s11 =	rddreg [dreg:$0x9];
	[sflag:s19] =	ssyncadd.s32 $0xFFFFF000  }
0x46: {  	[spmem:s11] =	stream.linear.scatter [tilespmem:s21], [sflag:$0x9], $0x1000, $0x38;
	[tilespmem:$0x1FA00] =	vst v63  }
0x47: {  	_ =	swait.ge [sflag:s19], $0x1000  }
0x48: {  	[sflag:s19] =	ssyncset.done $0x0  }
0x49: {  	s12 =	rddreg [dreg:$0xa];
	[sflag:s19] =	ssyncadd.s32 $0xFFFFF000  }
0x4a: {  	[spmem:s12] =	stream.linear.scatter [tilespmem:s21], [sflag:$0x9], $0x1000, $0x38;
	[tilespmem:$0x1FA00] =	vst v63  }
0x4b: {  	_ =	swait.ge [sflag:s19], $0x1000  }
0x4c: {  	[sflag:s19] =	ssyncset.done $0x0  }
0x4d: {  	s13 =	rddreg [dreg:$0xb];
	[sflag:s19] =	ssyncadd.s32 $0xFFFFF000  }
0x4e: {  	[spmem:s13] =	stream.linear.scatter [tilespmem:s21], [sflag:$0x9], $0x1000, $0x38;
	[tilespmem:$0x1FA00] =	vst v63  }
0x4f: {  	_ =	swait.ge [sflag:s19], $0x1000  }
0x50: {  	[sflag:s19] =	ssyncset.done $0x0  }
0x51: {  	s14 =	rddreg [dreg:$0xc];
	[sflag:s19] =	ssyncadd.s32 $0xFFFFF000  }
0x52: {  	[spmem:s14] =	stream.linear.scatter [tilespmem:s21], [sflag:$0x9], $0x1000, $0x38;
	[tilespmem:$0x1FA00] =	vst v63  }
0x53: {  	_ =	swait.ge [sflag:s19], $0x1000  }
0x54: {  	[sflag:s19] =	ssyncset.done $0x0  }
0x55: {  	s15 =	rddreg [dreg:$0xd];
	[sflag:s19] =	ssyncadd.s32 $0xFFFFF000  }
0x56: {  	[spmem:s15] =	stream.linear.scatter [tilespmem:s21], [sflag:$0x9], $0x1000, $0x38;
	[tilespmem:$0x1FA00] =	vst v63  }
0x57: {  	_ =	swait.ge [sflag:s19], $0x1000  }
0x58: {  	[sflag:s19] =	ssyncset.done $0x0  }
0x59: {  	[sflag:s19] =	ssyncadd.s32 $0xFFFFF000  }
0x5a: {  	[spmem:s17] =	stream.linear.scatter [tilespmem:s21], [sflag:$0x9], $0x1000, $0x38;
	[tilespmem:$0x1FA00] =	vst v63  }
0x5b: {  	_ =	swait.ge [sflag:s19], $0x1000  }
0x5c: {  	[sflag:s19] =	ssyncset.done $0x0  }
0x5d: {  	[sflag:s19] =	ssyncadd.s32 $0xFFFFF000  }
0x5e: {  	[spmem:s18] =	stream.linear.scatter [tilespmem:s21], [sflag:$0x9], $0x1000, $0x38;
	[tilespmem:$0x1FA00] =	vst v63  }
0x5f: {  	_ =	swait.ge [sflag:s19], $0x1000  }
0x60: {  	[sflag:s19] =	ssyncset.done $0x0  }
0x61: {  	[sflag:s19] =	ssyncadd.s32 $0xFFFFF000  }
0x62: {  	s6 =	simm.s32 $0x0;
	[bflag:$0x0] =	sbarrier.arrive $0xFFFF  }
0x63: {  	[tilespmem:s23], [sflag:$0x1] =	stream.indirect.gather [hbm4b:s4+s22], $0x40, s6, s22, $0xb8;
	[tilespmem:$0x1FA00] =	vst v63  }
0x64: {  	s8 =	simm.s32 $0x80;
	s16 =	simm.s32 $0x6F40  }
0x65: {  	[tilespmem:s16], [sflag:$0x2] =	stream.indirect.gather [hbm4b:s4+s22], $0x40, s8, s22, $0xb8;
	[tilespmem:$0x1FA00] =	vst v63  }
0x66: {  	s9 =	simm.s32 $0x100  }
0x67: {  	[tilespmem:s29], [sflag:$0x3] =	stream.indirect.gather [hbm4b:s4+s22], $0x40, s9, s22, $0xb8;
	[tilespmem:$0x1FA00] =	vst v63  }
0x68: {  	s10 =	simm.s32 $0x180;
	s11 =	simm.s32 $0xADC0  }
0x69: {  	[tilespmem:s11], [sflag:$0x4] =	stream.indirect.gather [hbm4b:s4+s22], $0x40, s10, s22, $0xb8;
	[tilespmem:$0x1FA00] =	vst v63  }
0x6a: {  	s12 =	simm.s32 $0x200  }
0x6b: {  	[tilespmem:s2], [sflag:$0x5] =	stream.indirect.gather [hbm4b:s4+s22], $0x40, s12, s22, $0xb8;
	[tilespmem:$0x1FA00] =	vst v63  }
0x6c: {  	s13 =	simm.s32 $0x280;
	s14 =	simm.s32 $0xEC40  }
0x6d: {  	[tilespmem:s14], [sflag:$0x6] =	stream.indirect.gather [hbm4b:s4+s22], $0x40, s13, s22, $0xb8;
	[tilespmem:$0x1FA00] =	vst v63  }
0x6e: {  	s15 =	simm.s32 $0x300  }
0x6f: {  	[tilespmem:s28], [sflag:$0x7] =	stream.indirect.gather [hbm4b:s4+s22], $0x40, s15, s22, $0xb8;
	[tilespmem:$0x1FA00] =	vst v63  }
0x70: {  	s16 =	simm.s32 $0x380  }
0x71: {  	[tilespmem:s31], [sflag:$0x8] =	stream.indirect.gather [hbm4b:s4+s22], $0x40, s16, s22, $0xb8;
	[tilespmem:$0x1FA00] =	vst v63  }
.LBB2_4:
0x72: {  	_ =	swait.ge [sflag:s0], $0x1F40  }
0x73: {  	s8 =	sshra.s32 s6, $0x2;
	[sflag:s0] =	ssyncset.done $0x0  }
0x74: {  	s9 =	sadd.s32 $0x2800, s8;
	[sflag:s0] =	ssyncadd.s32 $0xFFFFE0C0  }
0x75: {  	[spmem:s1] =	stream.indirect.scatter.add.f32 [tilespmem:s23], [sflag:$0x9], $0x40, s9, s22, $0xb8;
	[tilespmem:$0x1FA00] =	vst v63  }
0x76: {  	_ =	swait.ge [sflag:s19], $0x1F40  }
0x77: {  	p0 =	seq.s32 s6, $0x9000;
	[sflag:s19] =	ssyncset.done $0x0  }
0x78: {  	s9 =	simm.s32 @p0 $0x2;
	[sflag:s19] =	ssyncadd.s32 $0xFFFFE0C0  }
0x79: {  	s11 =	sshra.s32 @p0 s6, $0x2;
	_ =	swait.ge @p0 [sflag:s9], $0x1F40  }
0x7a: {  	s12 =	simm.s32 @p0 $0x7D;
	s10 =	simm.s32 @p0 $0x6F40;
	[sflag:s9] =	ssyncset.done @p0 $0x0  }
0x7b: {  	s13 =	simm.s32 @p0 $0x9;
	[sflag:s9] =	ssyncadd.s32 @p0 $0xFFFFE0C0;
	s9 =	sadd.s32 @p0 $0x2880, s11  }
0x7c: {  	[spmem:s1] =	stream.indirect.scatter.add.f32 @p0 [tilespmem:s10], [sflag:$0x9], $0x40, s9, s12, $0xb8;
	[tilespmem:$0x1FA00] =	vst v63  }
0x7d: {  	_ =	swait.ge @p0 [sflag:s13], $0x1F40  }
0x7e: {  	s15 =	simm.s32 @!p0 $0x5000;
	s9 =	sshra.s32 @!p0 s6, $0x2;
	[sflag:s13] =	ssyncset.done @p0 $0x0  }
0x7f: {  	s10 =	simm.s32 @!p0 $0x7D;
	s14 =	sadd.s32 @!p0 $0x400, s9;
	[sflag:s13] =	ssyncadd.s32 @p0 $0xFFFFE0C0  }
0x80: {  	[tilespmem:s15], [sflag:$0x1] =	stream.indirect.gather @!p0 [hbm4b:s4+s10], $0x40, s14, s10, $0xb8;
	[tilespmem:$0x1FA00] =	vst v63  }
0x81: {  	s14 =	simm.s32 @!p0 $0x2  }
0x82: {  	_ =	swait.ge @!p0 [sflag:s14], $0x1F40  }
0x83: {  	[sflag:s14] =	ssyncset.done @!p0 $0x0  }
0x84: {  	s15 =	simm.s32 @!p0 $0x6F40;
	[sflag:s14] =	ssyncadd.s32 @!p0 $0xFFFFE0C0;
	s14 =	sadd.s32 @!p0 $0x2880, s9  }
0x85: {  	[spmem:s1] =	stream.indirect.scatter.add.f32 @!p0 [tilespmem:s15], [sflag:$0x9], $0x40, s14, s10, $0xb8;
	[tilespmem:$0x1FA00] =	vst v63  }
0x86: {  	s14 =	simm.s32 @!p0 $0x9  }
0x87: {  	_ =	swait.ge @!p0 [sflag:s14], $0x1F40  }
0x88: {  	[sflag:s14] =	ssyncset.done @!p0 $0x0  }
0x89: {  	s16 =	sadd.s32 @!p0 $0x480, s9;
	[sflag:s14] =	ssyncadd.s32 @!p0 $0xFFFFE0C0  }
0x8a: {  	[tilespmem:s15], [sflag:$0x2] =	stream.indirect.gather @!p0 [hbm4b:s4+s10], $0x40, s16, s10, $0xb8;
	[tilespmem:$0x1FA00] =	vst v63  }
0x8b: {  	_ =	swait.ge [sflag:s20], $0x1F40  }
0x8c: {  	[sflag:s20] =	ssyncset.done $0x0  }
0x8d: {  	s16 =	sadd.s32 $0x2900, s8;
	[sflag:s20] =	ssyncadd.s32 $0xFFFFE0C0  }
0x8e: {  	[spmem:s1] =	stream.indirect.scatter.add.f32 [tilespmem:s29], [sflag:$0x9], $0x40, s16, s22, $0xb8;
	[tilespmem:$0x1FA00] =	vst v63  }
0x8f: {  	_ =	swait.ge [sflag:s19], $0x1F40  }
0x90: {  	[sflag:s19] =	ssyncset.done $0x0  }
0x91: {  	s15 =	simm.s32 @p0 $0x4;
	[sflag:s19] =	ssyncadd.s32 $0xFFFFE0C0  }
0x92: {  	_ =	swait.ge @p0 [sflag:s15], $0x1F40  }
0x93: {  	[sflag:s15] =	ssyncset.done @p0 $0x0  }
0x94: {  	s16 =	simm.s32 @p0 $0xADC0;
	[sflag:s15] =	ssyncadd.s32 @p0 $0xFFFFE0C0;
	s15 =	sadd.s32 @p0 $0x2980, s11  }
0x95: {  	[spmem:s1] =	stream.indirect.scatter.add.f32 @p0 [tilespmem:s16], [sflag:$0x9], $0x40, s15, s12, $0xb8;
	[tilespmem:$0x1FA00] =	vst v63  }
0x96: {  	_ =	swait.ge @p0 [sflag:s13], $0x1F40  }
0x97: {  	[sflag:s13] =	ssyncset.done @p0 $0x0  }
0x98: {  	s15 =	sadd.s32 @!p0 $0x500, s9;
	s16 =	simm.s32 @!p0 $0x8E80;
	[sflag:s13] =	ssyncadd.s32 @p0 $0xFFFFE0C0  }
0x99: {  	[tilespmem:s16], [sflag:$0x3] =	stream.indirect.gather @!p0 [hbm4b:s4+s10], $0x40, s15, s10, $0xb8;
	[tilespmem:$0x1FA00] =	vst v63  }
0x9a: {  	s15 =	simm.s32 @!p0 $0x4  }
0x9b: {  	_ =	swait.ge @!p0 [sflag:s15], $0x1F40  }
0x9c: {  	[sflag:s15] =	ssyncset.done @!p0 $0x0  }
0x9d: {  	s16 =	simm.s32 @!p0 $0xADC0;
	[sflag:s15] =	ssyncadd.s32 @!p0 $0xFFFFE0C0;
	s15 =	sadd.s32 @!p0 $0x2980, s9  }
0x9e: {  	[spmem:s1] =	stream.indirect.scatter.add.f32 @!p0 [tilespmem:s16], [sflag:$0x9], $0x40, s15, s10, $0xb8;
	[tilespmem:$0x1FA00] =	vst v63  }
0x9f: {  	_ =	swait.ge @!p0 [sflag:s14], $0x1F40  }
0xa0: {  	[sflag:s14] =	ssyncset.done @!p0 $0x0  }
0xa1: {  	s15 =	sadd.s32 @!p0 $0x580, s9;
	[sflag:s14] =	ssyncadd.s32 @!p0 $0xFFFFE0C0  }
0xa2: {  	[tilespmem:s16], [sflag:$0x4] =	stream.indirect.gather @!p0 [hbm4b:s4+s10], $0x40, s15, s10, $0xb8;
	[tilespmem:$0x1FA00] =	vst v63  }
0xa3: {  	_ =	swait.ge [sflag:s24], $0x1F40  }
0xa4: {  	[sflag:s24] =	ssyncset.done $0x0  }
0xa5: {  	s16 =	sadd.s32 $0x2A00, s8;
	[sflag:s24] =	ssyncadd.s32 $0xFFFFE0C0  }
0xa6: {  	[spmem:s1] =	stream.indirect.scatter.add.f32 [tilespmem:s2], [sflag:$0x9], $0x40, s16, s22, $0xb8;
	[tilespmem:$0x1FA00] =	vst v63  }
0xa7: {  	_ =	swait.ge [sflag:s19], $0x1F40  }
0xa8: {  	[sflag:s19] =	ssyncset.done $0x0  }
0xa9: {  	s15 =	simm.s32 @p0 $0x6;
	[sflag:s19] =	ssyncadd.s32 $0xFFFFE0C0  }
0xaa: {  	_ =	swait.ge @p0 [sflag:s15], $0x1F40  }
0xab: {  	[sflag:s15] =	ssyncset.done @p0 $0x0  }
0xac: {  	s11 =	sadd.s32 @p0 $0x2A80, s11;
	[sflag:s15] =	ssyncadd.s32 @p0 $0xFFFFE0C0;
	s15 =	simm.s32 @p0 $0xEC40  }
0xad: {  	[spmem:s1] =	stream.indirect.scatter.add.f32 @p0 [tilespmem:s15], [sflag:$0x9], $0x40, s11, s12, $0xb8;
	[tilespmem:$0x1FA00] =	vst v63  }
0xae: {  	_ =	swait.ge @p0 [sflag:s13], $0x1F40  }
0xaf: {  	[sflag:s13] =	ssyncset.done @p0 $0x0  }
0xb0: {  	s11 =	sadd.s32 @!p0 $0x600, s9;
	s12 =	simm.s32 @!p0 $0xCD00;
	[sflag:s13] =	ssyncadd.s32 @p0 $0xFFFFE0C0  }
0xb1: {  	[tilespmem:s12], [sflag:$0x5] =	stream.indirect.gather @!p0 [hbm4b:s4+s10], $0x40, s11, s10, $0xb8;
	[tilespmem:$0x1FA00] =	vst v63  }
0xb2: {  	s11 =	simm.s32 @!p0 $0x6  }
0xb3: {  	_ =	swait.ge @!p0 [sflag:s11], $0x1F40  }
0xb4: {  	[sflag:s11] =	ssyncset.done @!p0 $0x0  }
0xb5: {  	s12 =	simm.s32 @!p0 $0xEC40;
	[sflag:s11] =	ssyncadd.s32 @!p0 $0xFFFFE0C0;
	s11 =	sadd.s32 @!p0 $0x2A80, s9  }
0xb6: {  	[spmem:s1] =	stream.indirect.scatter.add.f32 @!p0 [tilespmem:s12], [sflag:$0x9], $0x40, s11, s10, $0xb8;
	[tilespmem:$0x1FA00] =	vst v63  }
0xb7: {  	_ =	swait.ge @!p0 [sflag:s14], $0x1F40  }
0xb8: {  	[sflag:s14] =	ssyncset.done @!p0 $0x0  }
0xb9: {  	s9 =	sadd.s32 @!p0 $0x680, s9;
	[sflag:s14] =	ssyncadd.s32 @!p0 $0xFFFFE0C0  }
0xba: {  	[tilespmem:s12], [sflag:$0x6] =	stream.indirect.gather @!p0 [hbm4b:s4+s10], $0x40, s9, s10, $0xb8;
	[tilespmem:$0x1FA00] =	vst v63  }
0xbb: {  	_ =	swait.ge [sflag:s26], $0x1F40  }
0xbc: {  	[sflag:s26] =	ssyncset.done $0x0  }
.Ltmp3:
0xbd: {  	s16 =	sadd.s32 $0x2B00, s8;
	[sflag:s26] =	ssyncadd.s32 $0xFFFFE0C0;
	(pc) =	sbr.rel @p0 .LBB2_6-.Ltmp3, $4  }
0xbe: {  	[spmem:s1] =	stream.indirect.scatter.add.f32 [tilespmem:s28], [sflag:$0x9], $0x40, s16, s22, $0xb8;
	[tilespmem:$0x1FA00] =	vst v63  }
0xbf: {  	_ =	swait.ge [sflag:s19], $0x1F40  }
0xc0: {  	[sflag:s19] =	ssyncset.done $0x0  }
0xc1: {  	s9 =	sadd.s32 $0x2B80, s8;
	[sflag:s19] =	ssyncadd.s32 $0xFFFFE0C0  }
0xc2: {  	s10 =	sadd.s32 $0x700, s8  }
0xc3: {  	[tilespmem:s28], [sflag:$0x7] =	stream.indirect.gather [hbm4b:s4+s22], $0x40, s10, s22, $0xb8;
	[tilespmem:$0x1FA00] =	vst v63  }
0xc4: {  	_ =	swait.ge [sflag:s30], $0x1F40  }
0xc5: {  	[sflag:s30] =	ssyncset.done $0x0  }
0xc6: {  	[sflag:s30] =	ssyncadd.s32 $0xFFFFE0C0  }
0xc7: {  	[spmem:s1] =	stream.indirect.scatter.add.f32 [tilespmem:s31], [sflag:$0x9], $0x40, s9, s22, $0xb8;
	[tilespmem:$0x1FA00] =	vst v63  }
.Ltmp4:
0xc8: {  	_ = 	snop;
	(pc) =	sbr.rel .LBB2_4-.Ltmp4, $4  }
0xc9: {  	_ =	swait.ge [sflag:s19], $0x1F40  }
0xca: {  	[sflag:s19] =	ssyncset.done $0x0  }
0xcb: {  	s16 =	sadd.s32 $0x780, s8;
	s6 =	sadd.s32 $0x1000, s6;
	[sflag:s19] =	ssyncadd.s32 $0xFFFFE0C0  }
0xcc: {  	[tilespmem:s31], [sflag:$0x8] =	stream.indirect.gather [hbm4b:s4+s22], $0x40, s16, s22, $0xb8;
	[tilespmem:$0x1FA00] =	vst v63  }
.LBB2_7:
0xcd: {  	_ =	sfence.sel $0x180000  }
0xce: {  	[bflag:$0x0] =	sbarrier.arrive $0xFFFF  }
0xcf: {  	_ =	strace $0x9000004D  }
0xd0: {  	s0 =	stileid.u32;
	[bflag:$0x2] =	sbarrier.arrive $0xFFFF  }
0xd1: {  	p0 =	sne.s32 s0, $0x0;
	s0 =	rddreg [dreg:$0x2]  }
0xd2: {  	s0 =	sadd.s32 @!p0 $0x100000, s0  }
0xd3: {  	[sflag:s0] =	ssyncadd.tile.s32 @!p0 $0x1;
	_ =	shalt  }
.Lfunc_end2:
_tile_overlayer_lowered:
.L_overlay_start_2:
0xd4: {  	(tag) =	ssettag $0x2  }
0xd5: {  	s0 =	rddreg [dreg:$0x0];
	s2 =	stileid.u32  }
0xd6: {  	s1 =	rddreg [dreg:$0x1];
	p0 =	sne.s32 s2, $0x0  }
0xd7: {  	s3 =	rddreg [dreg:$0x2];
	[bflag:$0x3] =	sbarrier.arrive $0xFFFF;
	s2 =	simm.s32 @!p0 $0x1C09  }
0xd8: {  	[timem:s3], [sflag:s2] =	dma.local @!p0 [hbm:s0], s1  }
0xd9: {  	s0 =	simm.s32 @!p0 $0x9  }
0xda: {  	_ =	swait.ge @!p0 [sflag:s0], s1  }
0xdb: {  	s1 =	ssub.s32 @!p0 $0x0, s1;
	[sflag:s0] =	ssyncset.done @!p0 $0x0  }
0xdc: {  	[sflag:s0] =	ssyncadd.s32 @!p0 s1  }
0xdd: {  	[bflag:$0x3] =	sbarrier.arrive $0xFFFF  }
0xde: {  	_ =	shalt  }

// kernel: kernel.21.cloned.1.call-start
scs
__scs_entry_jumppad:
0x0: {  	(pc) =	sbr.rel $0x88, $3  }
0x1: {  	(tag) =	ssettag $0x0;
	lr =	simm.s32 $0x1  }
0x2: {  	[smem:$0x3F9C] =	sst lr;
	_ =	strace $0xD0000000  }
0x3: {  	_ = 	snop  }
0x4: {  	_ = 	snop  }
0x5: {  	_ = 	snop  }
0x6: {  	_ = 	snop  }
0x7: {  	_ = 	snop  }
__scs_overlays_trampoline_lowered:
0x8: {  	[smem:$0x3FAB] =	sst s0  }
0x9: {  	[smem:$0x3FAC] =	sst s1  }
0xa: {  	[smem:$0x3FAD] =	sst s2  }
0xb: {  	[smem:$0x3FAE] =	sst s3  }
0xc: {  	[smem:$0x3FAF] =	sst s4  }
0xd: {  	[smem:$0x3FB0] =	sst s5  }
0xe: {  	[smem:$0x3FB1] =	sst s6  }
0xf: {  	[smem:$0x3FB2] =	sst s7  }
0x10: {  	[smem:$0x3FB3] =	sst s8  }
0x11: {  	[smem:$0x3FB4] =	sst s9;
	s0 =	simm.s32 @!p0 $0x0  }
0x12: {  	s1 =	sld [smem:$0x3F9A];
	s0 =	simm.s32 @p0 $0x1  }
0x13: {  	[smem:$0x3FB5] =	sst s0;
	s0 =	simm.s32 @!p1 $0x0  }
0x14: {  	s2 =	sld [smem:$0x3F99];
	s0 =	simm.s32 @p1 $0x1  }
0x15: {  	[smem:$0x3FB6] =	sst s0;
	s0 =	simm.s32 @!p2 $0x0  }
0x16: {  	s3 =	sld [smem:$0x3FDB];
	s0 =	simm.s32 @p2 $0x1  }
0x17: {  	s4 =	simm.s32 $0x1BF5;
	[smem:$0x3FB8] =	sst s0  }
0x18: {  	s0 =	sld [smem:$0x3F9B];
	_ =	swait.ge [sflag:s4], $0x0  }
0x19: {  	s7 =	sld [smem:$0x3F9C]  }
0x1a: {  	s8 =	sadd.s32 $0xFFFFE003, lr  }
0x1b: {  	s9 =	sadd.s32 $0xFFFFFEF7, lr;
	s5 =	simm.s32 $0xFFFFFFFF;
	p2 =	slt.u32 s8, $0xFFFFF086  }
0x1c: {  	p1 =	slt.u32 s9, $0xF7A;
	s5 =	simm.s32 @!p2 $0x0  }
0x1d: {  	s5 =	simm.s32 @p1 $0x1;
	p0 =	seq.s32 s7, s2  }
0x1e: {  	s7 =	smul.u32 @!p0 $0xF7A, s2;
	p2 =	seq.s32 @!p0 s5, $0x0  }
0x1f: {  	s9 =	smul.u32 $0xF7A, s1;
	s8 =	simm.s32 @!p0 $0x1BF5;
	p2 =	por !p2, p0  }
0x20: {  	[sflag:s8] =	ssyncset.s32 @!p0 $0xFFFFF086;
	s6 =	sadd.s32 @!p0 s3, s7;
	s7 =	simm.s32 @!p0 $0x108  }
0x21: {  	s3 =	sadd.s32 s3, s9;
	s6 =	sadd.s32 @!p0 $0x88, s6;
	s7 =	simm.s32 @p2 $0x1082  }
0x22: {  	[simem:s7], [sflag:s8] =	dma.local @!p0 [hbm:s6], $0xF7A  }
0x23: {  	s9 =	sor.u32 $0xD0000000, s2;
	s6 =	simm.s32 $0x108;
	_ =	swait.ge @!p0 [sflag:s8], $0x0  }
0x24: {  	s3 =	sadd.s32 $0x88, s3;
	s6 =	simm.s32 @!p1 $0x1082;
	[sflag:s4] =	ssyncset.s32 $0xFFFFF086  }
0x25: {  	[simem:s6], [sflag:s4] =	dma.local [hbm:s3], $0xF7A  }
0x26: {  	[smem:$0x3F9C] =	sst s1;
	(tag) =	ssettag s2;
	_ =	strace s9  }
0x27: {  	s1 =	sld [smem:$0x3FAC]  }
0x28: {  	s2 =	sld [smem:$0x3FAD]  }
0x29: {  	s4 =	sld [smem:$0x3FAF]  }
0x2a: {  	p0 =	seq.s32 s5, $0x0;
	s5 =	sld [smem:$0x3FB0]  }
0x2b: {  	s6 =	sld [smem:$0x3FB1]  }
0x2c: {  	s7 =	sld [smem:$0x3FB2]  }
0x2d: {  	s3 =	simm.s32 $0x108;
	s8 =	sld [smem:$0x3FB3]  }
0x2e: {  	s3 =	simm.s32 @!p0 $0x1082;
	s9 =	sld [smem:$0x3FB4]  }
0x2f: {  	lr =	sadd.s32 s0, s3;
	s0 =	sld [smem:$0x3FAB]  }
0x30: {  	s3 =	sld [smem:$0x3FAE]  }
0x31: {  	[smem:$0x3FB7] =	sst s10  }
0x32: {  	s10 =	sld [smem:$0x3FB5];
	_ =	sdelay $0x3  }
0x33: {  	p0 =	seq.s32 s10, $0x1;
	s10 =	sld [smem:$0x3FB7];
	_ =	sdelay $0x3  }
0x34: {  	[smem:$0x3FB7] =	sst s10  }
0x35: {  	s10 =	sld [smem:$0x3FB6];
	_ =	sdelay $0x3  }
0x36: {  	p1 =	seq.s32 s10, $0x1;
	s10 =	sld [smem:$0x3FB7];
	_ =	sdelay $0x3  }
0x37: {  	[smem:$0x3FB7] =	sst s10  }
0x38: {  	s10 =	sld [smem:$0x3FB8]  }
0x39: {  	_ = 	snop;
	(pc) =	sbr.ind lr, $3  }
0x3a: {  	_ = 	snop  }
0x3b: {  	_ = 	snop  }
0x3c: {  	p2 =	seq.s32 s10, $0x1;
	s10 =	sld [smem:$0x3FB7]  }
0x3d: {  	_ =	shalt  }
0x3e: {  	_ =	shalt  }
0x3f: {  	_ =	shalt  }
0x40: {  	_ =	shalt  }
0x41: {  	_ =	shalt  }
0x42: {  	_ =	shalt  }
0x43: {  	_ =	shalt  }
0x44: {  	_ =	shalt  }
0x45: {  	_ =	shalt  }
0x46: {  	_ =	shalt  }
0x47: {  	_ =	shalt  }
0x48: {  	_ =	shalt  }
0x49: {  	_ =	shalt  }
0x4a: {  	_ =	shalt  }
0x4b: {  	_ =	shalt  }
0x4c: {  	_ =	shalt  }
0x4d: {  	_ =	shalt  }
0x4e: {  	_ =	shalt  }
0x4f: {  	_ =	shalt  }
0x50: {  	_ =	shalt  }
0x51: {  	_ =	shalt  }
0x52: {  	_ =	shalt  }
0x53: {  	_ =	shalt  }
0x54: {  	_ =	shalt  }
0x55: {  	_ =	shalt  }
0x56: {  	_ =	shalt  }
0x57: {  	_ =	shalt  }
0x58: {  	_ =	shalt  }
0x59: {  	_ =	shalt  }
0x5a: {  	_ =	shalt  }
0x5b: {  	_ =	shalt  }
0x5c: {  	_ =	shalt  }
0x5d: {  	_ =	shalt  }
0x5e: {  	_ =	shalt  }
0x5f: {  	_ =	shalt  }
0x60: {  	_ =	shalt  }
0x61: {  	_ =	shalt  }
0x62: {  	_ =	shalt  }
0x63: {  	_ =	shalt  }
0x64: {  	_ =	shalt  }
0x65: {  	_ =	shalt  }
0x66: {  	_ =	shalt  }
0x67: {  	_ =	shalt  }
0x68: {  	_ =	shalt  }
0x69: {  	_ =	shalt  }
0x6a: {  	_ =	shalt  }
0x6b: {  	_ =	shalt  }
0x6c: {  	_ =	shalt  }
0x6d: {  	_ =	shalt  }
0x6e: {  	_ =	shalt  }
0x6f: {  	_ =	shalt  }
0x70: {  	_ =	shalt  }
0x71: {  	_ =	shalt  }
0x72: {  	_ =	shalt  }
0x73: {  	_ =	shalt  }
0x74: {  	_ =	shalt  }
0x75: {  	_ =	shalt  }
0x76: {  	_ =	shalt  }
0x77: {  	_ =	shalt  }
0x78: {  	_ =	shalt  }
0x79: {  	_ =	shalt  }
0x7a: {  	_ =	shalt  }
0x7b: {  	_ =	shalt  }
0x7c: {  	_ =	shalt  }
0x7d: {  	_ =	shalt  }
0x7e: {  	_ =	shalt  }
0x7f: {  	_ =	shalt  }
0x80: {  	_ =	shalt  }
0x81: {  	_ =	shalt  }
0x82: {  	_ =	shalt  }
0x83: {  	_ =	shalt  }
0x84: {  	_ =	shalt  }
0x85: {  	_ =	shalt  }
0x86: {  	_ =	shalt  }
0x87: {  	_ =	shalt  }
.Lfunc_end0:
.L_simem_size_0:
called_computation.3_lowered:
.L_overlay_start_0:
0x88: {  	s2 =	sld [smem:$0x3FD9]  }
0x89: {  	s3 =	sld [smem:$0x3FFE];
	_ =	sdelay $0x1  }
0x8a: {  	s1 =	srdreg.scid  }
0x8b: {  	s0 =	sand.u32 $0x1, s1  }
0x8c: {  	s16 =	sshll.u32 s0, $0xA;
	s2 =	sadd.s32 s3, s2  }
0x8d: {  	s2 =	sadd.s32 s2, s16  }
0x8e: {  	[smem:$0x3FC3] =	sst s2  }
0x8f: {  	_ = 	snop  }
0x90: {  	(tm) =	ssettm $0x1  }
0x91: {  	s17 =	sld [smem:$0x3FFB];
	_ =	sdelay $0x3  }
0x92: {  	_ =	strace s17  }
0x93: {  	s2 =	sld [smem:$0x3FFC];
	_ =	sdelay $0x3  }
0x94: {  	_ =	strace s2  }
0x95: {  	s2 =	sld [smem:$0x3FFD];
	_ =	sdelay $0x3  }
0x96: {  	_ =	strace s2  }
0x97: {  	_ =	strace $0x8FFFFFFF  }
0x98: {  	s18 =	sld [smem:$0x3FDB];
	_ =	sdelay $0x1  }
0x99: {  	s19 =	simm.s32 $_scs_section_size  }
0x9a: {  	s4 =	simm.s32 $_size__tile_overlayer_lowered;
	s5 =	simm.s32 $_tile_overlayer_lowered  }
0x9b: {  	s22 =	simm.s32 $0x1BFF;
	s21 =	sshll.u32 s5, $0x1;
	s2 =	sadd.s32 s19, s18  }
0x9c: {  	s6 =	simm.s32 $0x0;
	s20 =	sshll.u32 s4, $0x1;
	s4 =	sadd.s32 s21, s2  }
0x9d: {  	[timem:s6], [sflag:s22] =	dma.local [hbm:s4], s20  }
0x9e: {  	_ =	swait.ge [sflag:s22], s20  }
0x9f: {  	s3 =	ssub.s32 $0x0, s20;
	[sflag:s22] =	ssyncset.done $0x0  }
0xa0: {  	[sflag:s22] =	ssyncadd.s32 s3;
	_ =	sdelay $0x1  }
0xa1: {  	s23 =	simm.s32 $0x1B8B  }
0xa2: {  	_ =	swait.ge [sflag:s23], $0x1  }
0xa3: {  	[sflag:s23] =	ssyncset.done $0x0  }
0xa4: {  	s25 =	simm.s32 $0x1B8E;
	s24 =	sld [smem:$0x3FFE];
	[sflag:s23] =	ssyncadd.s32 $0xFFFFFFFF  }
0xa5: {  	s26 =	simm.s32 $execute0_lowered;
	[smem:$0x3FD2] =	sst s25  }
0xa6: {  	s4 =	sshll.u32 s26, $0x1;
	_ =	strace $0x8000004F;
	[dreg:$0x1] =	wrdreg $0xFFFFFFFF  }
0xa7: {  	s28 =	simm.s32 $_size_execute0_lowered;
	s2 =	sadd.s32 s2, s4;
	[dreg:$0x0] =	wrdreg $0x0  }
0xa8: {  	s4 =	sshll.u32 s28, $0x1;
	[dreg:$0x2] =	wrdreg s2  }
0xa9: {  	[dreg:$0x3] =	wrdreg s4  }
0xaa: {  	[dreg:$0x4] =	wrdreg $0xC0  }
0xab: {  	_ =	task [dreg:s6], $0x5FFFF  }
0xac: {  	[dreg:$0x1] =	wrdreg $0xFFFFFFFF  }
0xad: {  	[dreg:$0x0] =	wrdreg $0x60  }
0xae: {  	[dreg:$0x2] =	wrdreg s24  }
0xaf: {  	[dreg:$0x3] =	wrdreg $0x15A000  }
0xb0: {  	[dreg:$0x4] =	wrdreg $0x9  }
0xb1: {  	_ =	task.clear_ibuf [dreg:s6], $0x5FFFF;
	_ =	strace $0x9000004F  }
0xb2: {  	s29 =	simm.s32 $0x9;
	_ =	strace $0x80000051  }
0xb3: {  	_ =	swait.ge [sflag:s29], $0x1  }
0xb4: {  	[sflag:s29] =	ssyncadd.s32 $0xFFFFFFFF  }
0xb5: {  	_ =	strace $0x90000051  }
0xb6: {  	_ =	sfence  }
0xb7: {  	s30 =	sld [smem:$0x0];
	_ =	sdelay $0x2  }
0xb8: {  	s31 =	sshll.u32 s1, $0xD;
	s1 =	sshrl.u32 s1, $0x2  }
0xb9: {  	s3 =	sand.u32 $0x4000, s31;
	s1 =	sadd.s32 s1, s30  }
0xba: {  	s0 =	sor.u32 s3, s0;
	s1 =	sshll.u32 s1, $0x11  }
0xbb: {  	s0 =	sor.u32 s1, s0  }
0xbc: {  	s0 =	sadd.s32 $0x8F2B, s0  }
0xbd: {  	[sflag:s0] =	ssyncadd.remote.s32 $0x1  }
0xbe: {  	_ =	sfence.sel $0xFFFF  }
0xbf: {  	[dreg:$0x0] =	wrdreg $0xFFFFFFFF;
	(pc) =	sbr.abs _section_cstart, $3  }
0xc0: {  	[dreg:$0x1] =	wrdreg $0xFFFFFFFF  }
0xc1: {  	_ =	task.clear_ibuf [dreg:s6], $0x2FFFF;
	_ =	strace $0x9FFFFFFF  }
0xc2: {  	(tm) =	ssettm $0x7FFFFFFF  }
0xc3: {  	_ =	shalt  }
tec
execute0_lowered:
.L_overlay_start_1:
0x0: {  	(tag) =	ssettag $0x1  }
0x1: {  	s0 =	rddreg [dreg:$0x0]  }
0x2: {  	s1 =	rddreg [dreg:$0x1]  }
0x3: {  	s2 =	srdreg.scid;
	s3 =	simm.s32 $0x0;
	s9 =	stileid.u32  }
0x4: {  	s19 =	simm.s32 $0x9;
	s29 =	simm.s32 $0x8E80;
	s28 =	simm.s32 $0x10B80  }
0x5: {  	s31 =	simm.s32 $0x12AC0;
	s30 =	simm.s32 $0x8;
	s8 =	smul.u32 $0xA000, s9  }
0x6: {  	s2 =	sand.u32 $0x1, s2;
	s6 =	sshll.u32 s9, $0x1;
	s9 =	smul.u32 $0x28000, s9  }
0x7: {  	s5 =	smul.u32 $0xA0000, s2;
	s6 =	sor.u32 s2, s6;
	s2 =	ssub.s32 $0x2, s2  }
0x8: {  	[smem:$0x7FF] =	sst s3;
	s4 =	sadd.s32 $0x8F200, s0;
	s7 =	sshrl.u32 s2, $0x1  }
0x9: {  	_ =	strace $0x80000050;
	s15 =	sshrl.u32 s9, $0x2;
	s2 =	ssub.s32 s2, s7  }
0xa: {  	s6 =	smul.u32 $0x500, s6;
	s7 =	sadd.s32 s15, s1;
	s2 =	smax.u32 s2, $0x1  }
0xb: {  	s16 =	sadd.s32 s8, s1;
	s20 =	sadd.s32 $0x1000, s7;
	[dreg:$0x6] =	wrdreg s2  }
0xc: {  	s5 =	sadd.s32 s8, s5;
	s21 =	sadd.s32 $0x2000, s7;
	[dreg:$0x7] =	wrdreg s20  }
0xd: {  	s5 =	sshrl.u32 s5, $0x3;
	s22 =	sadd.s32 $0x3000, s7;
	[dreg:$0x8] =	wrdreg s21  }
0xe: {  	s6 =	sadd.s32 s6, s0;
	s23 =	sadd.s32 $0x4000, s7;
	[dreg:$0x9] =	wrdreg s22  }
0xf: {  	s24 =	sadd.s32 $0x5000, s7;
	s25 =	sadd.s32 $0x6000, s7;
	[dreg:$0xa] =	wrdreg s23  }
0x10: {  	s26 =	sadd.s32 $0x7000, s7;
	s17 =	sadd.s32 $0x8000, s7;
	[dreg:$0xb] =	wrdreg s24  }
0x11: {  	s18 =	sadd.s32 $0x9000, s7;
	s0 =	sadd.s32 s5, s0;
	[dreg:$0xc] =	wrdreg s25  }
0x12: {  	s13 =	sadd.s32 $0xD200, s6;
	s14 =	sadd.s32 $0x3200, s6;
	[dreg:$0xd] =	wrdreg s26  }
.Ltmp0:
0x13: {  	s21 =	simm.s32 $0x14A00;
	s22 =	simm.s32 $0x7D;
	(pc) =	sbr.rel .LBB2_1-.Ltmp0, $4  }
0x14: {  	s23 =	simm.s32 $0x5000;
	s25 =	sshrl.u32 s16, $0x3;
	s2 =	simm.s32 $0xCD00  }
0x15: {  	s20 =	simm.s32 $0x3;
	s24 =	simm.s32 $0x5;
	[dreg:$0x3] =	wrdreg s13  }
0x16: {  	s26 =	simm.s32 $0x7;
	[dreg:$0x4] =	wrdreg s14;
	s0 =	sadd.s32 $0xA3200, s0  }
0x17: {  	v0 =	vimm.f32 $0.0e+00;
	s5 =	simm.s32 $0x0;
	[dreg:$0x5] =	wrdreg s0;
	s0 =	simm.s32 $0x1  }
.LBB2_6:
0x18: {  	_ =	swait.ge [sflag:s30], $0x1F40  }
0x19: {  	[sflag:s30] =	ssyncset.done $0x0  }
0x1a: {  	[sflag:s30] =	ssyncadd.s32 $0xFFFFE0C0  }
0x1b: {  	[spmem:s1] =	stream.indirect.scatter.add.f32 [tilespmem:s31], [sflag:$0x9], $0x40, s9, s22, $0xb8;
	[tilespmem:$0x1FA00] =	vst v63  }
0x1c: {  	_ =	swait.ge [sflag:s19], $0x1F40  }
0x1d: {  	[sflag:s19] =	ssyncset.done $0x0  }
0x1e: {  	s6 =	stileid.u32;
	[sflag:s19] =	ssyncadd.s32 $0xFFFFE0C0  }
0x1f: {  	s6 =	sshll.u32 s6, $0x6;
	[bflag:$0x0] =	sbarrier.arrive $0xFFFF  }
0x20: {  	s6 =	sor.u32 $0x1C09, s6;
	s8 =	rddreg [dreg:$0x5]  }
0x21: {  	[hbm:s8], [sflag:s6] =	dma.local [spmem:s25], $0x1400  }
0x22: {  	_ =	swait.ge [sflag:s19], $0x1400  }
0x23: {  	s5 =	sadd.s32 $0x1, s5;
	s16 =	rddreg [dreg:$0x6]  }
0x24: {  	p0 =	sne.s32 s5, s16  }
.Ltmp1:
0x25: {  	_ = 	snop;
	(pc) =	sbr.rel @!p0 .LBB2_7-.Ltmp1, $3  }
0x26: {  	_ =	sdelay $0x1  }
0x27: {  	[sflag:s19] =	ssyncset.done $0x0  }
0x28: {  	[sflag:s19] =	ssyncadd.s32 $0xFFFFEC00  }
.LBB2_1:
0x29: {  	s6 =	rddreg [dreg:$0x3]  }
0x2a: {  	[tilespmem:s3], [sflag:$0x9] =	stream.linear.gather [hbm4b:s6+s3], $0x2800, $0x38;
	[tilespmem:$0x1FA00] =	vst v63  }
0x2b: {  	_ =	swait.ge [sflag:s19], $0x2800  }
0x2c: {  	[sflag:s19] =	ssyncset.done $0x0  }
0x2d: {  	s8 =	simm.s32 $0x2800;
	s14 =	rddreg [dreg:$0x4];
	[sflag:s19] =	ssyncadd.s32 $0xFFFFD800  }
0x2e: {  	[tilespmem:s8], [sflag:$0x9] =	stream.linear.gather [hbm4b:s14+s3], $0x2800, $0x38;
	[tilespmem:$0x1FA00] =	vst v63  }
0x2f: {  	s15 =	sand.u32 $0x3F00, s3;
	s16 =	sand.u32 $0x30, s3;
	_ =	swait.ge [sflag:s19], $0x2800  }
0x30: {  	s9 =	sshrl.u32 s15, $0x2;
	s6 =	simm.s32 $0x40;
	[sflag:s19] =	ssyncset.done $0x0  }
0x31: {  	s9 =	sor.u32 s16, s9;
	s8 =	simm.s32 $0x0;
	[sflag:s19] =	ssyncadd.s32 $0xFFFFD800  }
.LBB2_2:
0x32: {  	p0 =	sne.s32 s6, $0x3FC0  }
0x33: {  	[tilespmem:s9+$0x14A00] =	vst v0;
	s8 =	sadd.s32 $0x10, s8;
	s9 =	smov.u32 s6;
	s6 =	sadd.s32 $0x40, s6  }
.Ltmp2:
0x34: {  	(pc) =	sbr.rel @p0 .LBB2_2-.Ltmp2, $4  }
0x35: {  	_ = 	snop  }
0x36: {  	s9 =	sand.u32 $0x3F00, s9  }
0x37: {  	s10 =	sand.u32 $0x30, s8;
	s9 =	sshrl.u32 s9, $0x2  }
0x38: {  	s9 =	sor.u32 s10, s9  }
0x39: {  	[tilespmem:s9+$0x14A00] =	vst v0  }
0x3a: {  	[spmem:s7] =	stream.linear.scatter [tilespmem:s21], [sflag:$0x9], $0x1000, $0x38;
	[tilespmem:$0x1FA00] =	vst v63  }
0x3b: {  	_ =	swait.ge [sflag:s19], $0x1000  }
0x3c: {  	[sflag:s19] =	ssyncset.done $0x0  }
0x3d: {  	s6 =	rddreg [dreg:$0x7];
	[sflag:s19] =	ssyncadd.s32 $0xFFFFF000  }
0x3e: {  	[spmem:s6] =	stream.linear.scatter [tilespmem:s21], [sflag:$0x9], $0x1000, $0x38;
	[tilespmem:$0x1FA00] =	vst v63  }
0x3f: {  	_ =	swait.ge [sflag:s19], $0x1000  }
0x40: {  	[sflag:s19] =	ssyncset.done $0x0  }
0x41: {  	s10 =	rddreg [dreg:$0x8];
	[sflag:s19] =	ssyncadd.s32 $0xFFFFF000  }
0x42: {  	[spmem:s10] =	stream.linear.scatter [tilespmem:s21], [sflag:$0x9], $0x1000, $0x38;
	[tilespmem:$0x1FA00] =	vst v63  }
0x43: {  	_ =	swait.ge [sflag:s19], $0x1000  }
0x44: {  	[sflag:s19] =	ssyncset.done $0x0  }
0x45: {  	s11 =	rddreg [dreg:$0x9];
	[sflag:s19] =	ssyncadd.s32 $0xFFFFF000  }
0x46: {  	[spmem:s11] =	stream.linear.scatter [tilespmem:s21], [sflag:$0x9], $0x1000, $0x38;
	[tilespmem:$0x1FA00] =	vst v63  }
0x47: {  	_ =	swait.ge [sflag:s19], $0x1000  }
0x48: {  	[sflag:s19] =	ssyncset.done $0x0  }
0x49: {  	s12 =	rddreg [dreg:$0xa];
	[sflag:s19] =	ssyncadd.s32 $0xFFFFF000  }
0x4a: {  	[spmem:s12] =	stream.linear.scatter [tilespmem:s21], [sflag:$0x9], $0x1000, $0x38;
	[tilespmem:$0x1FA00] =	vst v63  }
0x4b: {  	_ =	swait.ge [sflag:s19], $0x1000  }
0x4c: {  	[sflag:s19] =	ssyncset.done $0x0  }
0x4d: {  	s13 =	rddreg [dreg:$0xb];
	[sflag:s19] =	ssyncadd.s32 $0xFFFFF000  }
0x4e: {  	[spmem:s13] =	stream.linear.scatter [tilespmem:s21], [sflag:$0x9], $0x1000, $0x38;
	[tilespmem:$0x1FA00] =	vst v63  }
0x4f: {  	_ =	swait.ge [sflag:s19], $0x1000  }
0x50: {  	[sflag:s19] =	ssyncset.done $0x0  }
0x51: {  	s14 =	rddreg [dreg:$0xc];
	[sflag:s19] =	ssyncadd.s32 $0xFFFFF000  }
0x52: {  	[spmem:s14] =	stream.linear.scatter [tilespmem:s21], [sflag:$0x9], $0x1000, $0x38;
	[tilespmem:$0x1FA00] =	vst v63  }
0x53: {  	_ =	swait.ge [sflag:s19], $0x1000  }
0x54: {  	[sflag:s19] =	ssyncset.done $0x0  }
0x55: {  	s15 =	rddreg [dreg:$0xd];
	[sflag:s19] =	ssyncadd.s32 $0xFFFFF000  }
0x56: {  	[spmem:s15] =	stream.linear.scatter [tilespmem:s21], [sflag:$0x9], $0x1000, $0x38;
	[tilespmem:$0x1FA00] =	vst v63  }
0x57: {  	_ =	swait.ge [sflag:s19], $0x1000  }
0x58: {  	[sflag:s19] =	ssyncset.done $0x0  }
0x59: {  	[sflag:s19] =	ssyncadd.s32 $0xFFFFF000  }
0x5a: {  	[spmem:s17] =	stream.linear.scatter [tilespmem:s21], [sflag:$0x9], $0x1000, $0x38;
	[tilespmem:$0x1FA00] =	vst v63  }
0x5b: {  	_ =	swait.ge [sflag:s19], $0x1000  }
0x5c: {  	[sflag:s19] =	ssyncset.done $0x0  }
0x5d: {  	[sflag:s19] =	ssyncadd.s32 $0xFFFFF000  }
0x5e: {  	[spmem:s18] =	stream.linear.scatter [tilespmem:s21], [sflag:$0x9], $0x1000, $0x38;
	[tilespmem:$0x1FA00] =	vst v63  }
0x5f: {  	_ =	swait.ge [sflag:s19], $0x1000  }
0x60: {  	[sflag:s19] =	ssyncset.done $0x0  }
0x61: {  	[sflag:s19] =	ssyncadd.s32 $0xFFFFF000  }
0x62: {  	s6 =	simm.s32 $0x0;
	[bflag:$0x0] =	sbarrier.arrive $0xFFFF  }
0x63: {  	[tilespmem:s23], [sflag:$0x1] =	stream.indirect.gather [hbm4b:s4+s22], $0x40, s6, s22, $0xb8;
	[tilespmem:$0x1FA00] =	vst v63  }
0x64: {  	s8 =	simm.s32 $0x80;
	s16 =	simm.s32 $0x6F40  }
0x65: {  	[tilespmem:s16], [sflag:$0x2] =	stream.indirect.gather [hbm4b:s4+s22], $0x40, s8, s22, $0xb8;
	[tilespmem:$0x1FA00] =	vst v63  }
0x66: {  	s9 =	simm.s32 $0x100  }
0x67: {  	[tilespmem:s29], [sflag:$0x3] =	stream.indirect.gather [hbm4b:s4+s22], $0x40, s9, s22, $0xb8;
	[tilespmem:$0x1FA00] =	vst v63  }
0x68: {  	s10 =	simm.s32 $0x180;
	s11 =	simm.s32 $0xADC0  }
0x69: {  	[tilespmem:s11], [sflag:$0x4] =	stream.indirect.gather [hbm4b:s4+s22], $0x40, s10, s22, $0xb8;
	[tilespmem:$0x1FA00] =	vst v63  }
0x6a: {  	s12 =	simm.s32 $0x200  }
0x6b: {  	[tilespmem:s2], [sflag:$0x5] =	stream.indirect.gather [hbm4b:s4+s22], $0x40, s12, s22, $0xb8;
	[tilespmem:$0x1FA00] =	vst v63  }
0x6c: {  	s13 =	simm.s32 $0x280;
	s14 =	simm.s32 $0xEC40  }
0x6d: {  	[tilespmem:s14], [sflag:$0x6] =	stream.indirect.gather [hbm4b:s4+s22], $0x40, s13, s22, $0xb8;
	[tilespmem:$0x1FA00] =	vst v63  }
0x6e: {  	s15 =	simm.s32 $0x300  }
0x6f: {  	[tilespmem:s28], [sflag:$0x7] =	stream.indirect.gather [hbm4b:s4+s22], $0x40, s15, s22, $0xb8;
	[tilespmem:$0x1FA00] =	vst v63  }
0x70: {  	s16 =	simm.s32 $0x380  }
0x71: {  	[tilespmem:s31], [sflag:$0x8] =	stream.indirect.gather [hbm4b:s4+s22], $0x40, s16, s22, $0xb8;
	[tilespmem:$0x1FA00] =	vst v63  }
.LBB2_4:
0x72: {  	_ =	swait.ge [sflag:s0], $0x1F40  }
0x73: {  	s8 =	sshra.s32 s6, $0x2;
	[sflag:s0] =	ssyncset.done $0x0  }
0x74: {  	s9 =	sadd.s32 $0x2800, s8;
	[sflag:s0] =	ssyncadd.s32 $0xFFFFE0C0  }
0x75: {  	[spmem:s1] =	stream.indirect.scatter.add.f32 [tilespmem:s23], [sflag:$0x9], $0x40, s9, s22, $0xb8;
	[tilespmem:$0x1FA00] =	vst v63  }
0x76: {  	_ =	swait.ge [sflag:s19], $0x1F40  }
0x77: {  	p0 =	seq.s32 s6, $0x9000;
	[sflag:s19] =	ssyncset.done $0x0  }
0x78: {  	s9 =	simm.s32 @p0 $0x2;
	[sflag:s19] =	ssyncadd.s32 $0xFFFFE0C0  }
0x79: {  	s11 =	sshra.s32 @p0 s6, $0x2;
	_ =	swait.ge @p0 [sflag:s9], $0x1F40  }
0x7a: {  	s12 =	simm.s32 @p0 $0x7D;
	s10 =	simm.s32 @p0 $0x6F40;
	[sflag:s9] =	ssyncset.done @p0 $0x0  }
0x7b: {  	s13 =	simm.s32 @p0 $0x9;
	[sflag:s9] =	ssyncadd.s32 @p0 $0xFFFFE0C0;
	s9 =	sadd.s32 @p0 $0x2880, s11  }
0x7c: {  	[spmem:s1] =	stream.indirect.scatter.add.f32 @p0 [tilespmem:s10], [sflag:$0x9], $0x40, s9, s12, $0xb8;
	[tilespmem:$0x1FA00] =	vst v63  }
0x7d: {  	_ =	swait.ge @p0 [sflag:s13], $0x1F40  }
0x7e: {  	s15 =	simm.s32 @!p0 $0x5000;
	s9 =	sshra.s32 @!p0 s6, $0x2;
	[sflag:s13] =	ssyncset.done @p0 $0x0  }
0x7f: {  	s10 =	simm.s32 @!p0 $0x7D;
	s14 =	sadd.s32 @!p0 $0x400, s9;
	[sflag:s13] =	ssyncadd.s32 @p0 $0xFFFFE0C0  }
0x80: {  	[tilespmem:s15], [sflag:$0x1] =	stream.indirect.gather @!p0 [hbm4b:s4+s10], $0x40, s14, s10, $0xb8;
	[tilespmem:$0x1FA00] =	vst v63  }
0x81: {  	s14 =	simm.s32 @!p0 $0x2  }
0x82: {  	_ =	swait.ge @!p0 [sflag:s14], $0x1F40  }
0x83: {  	[sflag:s14] =	ssyncset.done @!p0 $0x0  }
0x84: {  	s15 =	simm.s32 @!p0 $0x6F40;
	[sflag:s14] =	ssyncadd.s32 @!p0 $0xFFFFE0C0;
	s14 =	sadd.s32 @!p0 $0x2880, s9  }
0x85: {  	[spmem:s1] =	stream.indirect.scatter.add.f32 @!p0 [tilespmem:s15], [sflag:$0x9], $0x40, s14, s10, $0xb8;
	[tilespmem:$0x1FA00] =	vst v63  }
0x86: {  	s14 =	simm.s32 @!p0 $0x9  }
0x87: {  	_ =	swait.ge @!p0 [sflag:s14], $0x1F40  }
0x88: {  	[sflag:s14] =	ssyncset.done @!p0 $0x0  }
0x89: {  	s16 =	sadd.s32 @!p0 $0x480, s9;
	[sflag:s14] =	ssyncadd.s32 @!p0 $0xFFFFE0C0  }
0x8a: {  	[tilespmem:s15], [sflag:$0x2] =	stream.indirect.gather @!p0 [hbm4b:s4+s10], $0x40, s16, s10, $0xb8;
	[tilespmem:$0x1FA00] =	vst v63  }
0x8b: {  	_ =	swait.ge [sflag:s20], $0x1F40  }
0x8c: {  	[sflag:s20] =	ssyncset.done $0x0  }
0x8d: {  	s16 =	sadd.s32 $0x2900, s8;
	[sflag:s20] =	ssyncadd.s32 $0xFFFFE0C0  }
0x8e: {  	[spmem:s1] =	stream.indirect.scatter.add.f32 [tilespmem:s29], [sflag:$0x9], $0x40, s16, s22, $0xb8;
	[tilespmem:$0x1FA00] =	vst v63  }
0x8f: {  	_ =	swait.ge [sflag:s19], $0x1F40  }
0x90: {  	[sflag:s19] =	ssyncset.done $0x0  }
0x91: {  	s15 =	simm.s32 @p0 $0x4;
	[sflag:s19] =	ssyncadd.s32 $0xFFFFE0C0  }
0x92: {  	_ =	swait.ge @p0 [sflag:s15], $0x1F40  }
0x93: {  	[sflag:s15] =	ssyncset.done @p0 $0x0  }
0x94: {  	s16 =	simm.s32 @p0 $0xADC0;
	[sflag:s15] =	ssyncadd.s32 @p0 $0xFFFFE0C0;
	s15 =	sadd.s32 @p0 $0x2980, s11  }
0x95: {  	[spmem:s1] =	stream.indirect.scatter.add.f32 @p0 [tilespmem:s16], [sflag:$0x9], $0x40, s15, s12, $0xb8;
	[tilespmem:$0x1FA00] =	vst v63  }
0x96: {  	_ =	swait.ge @p0 [sflag:s13], $0x1F40  }
0x97: {  	[sflag:s13] =	ssyncset.done @p0 $0x0  }
0x98: {  	s15 =	sadd.s32 @!p0 $0x500, s9;
	s16 =	simm.s32 @!p0 $0x8E80;
	[sflag:s13] =	ssyncadd.s32 @p0 $0xFFFFE0C0  }
0x99: {  	[tilespmem:s16], [sflag:$0x3] =	stream.indirect.gather @!p0 [hbm4b:s4+s10], $0x40, s15, s10, $0xb8;
	[tilespmem:$0x1FA00] =	vst v63  }
0x9a: {  	s15 =	simm.s32 @!p0 $0x4  }
0x9b: {  	_ =	swait.ge @!p0 [sflag:s15], $0x1F40  }
0x9c: {  	[sflag:s15] =	ssyncset.done @!p0 $0x0  }
0x9d: {  	s16 =	simm.s32 @!p0 $0xADC0;
	[sflag:s15] =	ssyncadd.s32 @!p0 $0xFFFFE0C0;
	s15 =	sadd.s32 @!p0 $0x2980, s9  }
0x9e: {  	[spmem:s1] =	stream.indirect.scatter.add.f32 @!p0 [tilespmem:s16], [sflag:$0x9], $0x40, s15, s10, $0xb8;
	[tilespmem:$0x1FA00] =	vst v63  }
0x9f: {  	_ =	swait.ge @!p0 [sflag:s14], $0x1F40  }
0xa0: {  	[sflag:s14] =	ssyncset.done @!p0 $0x0  }
0xa1: {  	s15 =	sadd.s32 @!p0 $0x580, s9;
	[sflag:s14] =	ssyncadd.s32 @!p0 $0xFFFFE0C0  }
0xa2: {  	[tilespmem:s16], [sflag:$0x4] =	stream.indirect.gather @!p0 [hbm4b:s4+s10], $0x40, s15, s10, $0xb8;
	[tilespmem:$0x1FA00] =	vst v63  }
0xa3: {  	_ =	swait.ge [sflag:s24], $0x1F40  }
0xa4: {  	[sflag:s24] =	ssyncset.done $0x0  }
0xa5: {  	s16 =	sadd.s32 $0x2A00, s8;
	[sflag:s24] =	ssyncadd.s32 $0xFFFFE0C0  }
0xa6: {  	[spmem:s1] =	stream.indirect.scatter.add.f32 [tilespmem:s2], [sflag:$0x9], $0x40, s16, s22, $0xb8;
	[tilespmem:$0x1FA00] =	vst v63  }
0xa7: {  	_ =	swait.ge [sflag:s19], $0x1F40  }
0xa8: {  	[sflag:s19] =	ssyncset.done $0x0  }
0xa9: {  	s15 =	simm.s32 @p0 $0x6;
	[sflag:s19] =	ssyncadd.s32 $0xFFFFE0C0  }
0xaa: {  	_ =	swait.ge @p0 [sflag:s15], $0x1F40  }
0xab: {  	[sflag:s15] =	ssyncset.done @p0 $0x0  }
0xac: {  	s11 =	sadd.s32 @p0 $0x2A80, s11;
	[sflag:s15] =	ssyncadd.s32 @p0 $0xFFFFE0C0;
	s15 =	simm.s32 @p0 $0xEC40  }
0xad: {  	[spmem:s1] =	stream.indirect.scatter.add.f32 @p0 [tilespmem:s15], [sflag:$0x9], $0x40, s11, s12, $0xb8;
	[tilespmem:$0x1FA00] =	vst v63  }
0xae: {  	_ =	swait.ge @p0 [sflag:s13], $0x1F40  }
0xaf: {  	[sflag:s13] =	ssyncset.done @p0 $0x0  }
0xb0: {  	s11 =	sadd.s32 @!p0 $0x600, s9;
	s12 =	simm.s32 @!p0 $0xCD00;
	[sflag:s13] =	ssyncadd.s32 @p0 $0xFFFFE0C0  }
0xb1: {  	[tilespmem:s12], [sflag:$0x5] =	stream.indirect.gather @!p0 [hbm4b:s4+s10], $0x40, s11, s10, $0xb8;
	[tilespmem:$0x1FA00] =	vst v63  }
0xb2: {  	s11 =	simm.s32 @!p0 $0x6  }
0xb3: {  	_ =	swait.ge @!p0 [sflag:s11], $0x1F40  }
0xb4: {  	[sflag:s11] =	ssyncset.done @!p0 $0x0  }
0xb5: {  	s12 =	simm.s32 @!p0 $0xEC40;
	[sflag:s11] =	ssyncadd.s32 @!p0 $0xFFFFE0C0;
	s11 =	sadd.s32 @!p0 $0x2A80, s9  }
0xb6: {  	[spmem:s1] =	stream.indirect.scatter.add.f32 @!p0 [tilespmem:s12], [sflag:$0x9], $0x40, s11, s10, $0xb8;
	[tilespmem:$0x1FA00] =	vst v63  }
0xb7: {  	_ =	swait.ge @!p0 [sflag:s14], $0x1F40  }
0xb8: {  	[sflag:s14] =	ssyncset.done @!p0 $0x0  }
0xb9: {  	s9 =	sadd.s32 @!p0 $0x680, s9;
	[sflag:s14] =	ssyncadd.s32 @!p0 $0xFFFFE0C0  }
0xba: {  	[tilespmem:s12], [sflag:$0x6] =	stream.indirect.gather @!p0 [hbm4b:s4+s10], $0x40, s9, s10, $0xb8;
	[tilespmem:$0x1FA00] =	vst v63  }
0xbb: {  	_ =	swait.ge [sflag:s26], $0x1F40  }
0xbc: {  	[sflag:s26] =	ssyncset.done $0x0  }
.Ltmp3:
0xbd: {  	s16 =	sadd.s32 $0x2B00, s8;
	[sflag:s26] =	ssyncadd.s32 $0xFFFFE0C0;
	(pc) =	sbr.rel @p0 .LBB2_6-.Ltmp3, $4  }
0xbe: {  	[spmem:s1] =	stream.indirect.scatter.add.f32 [tilespmem:s28], [sflag:$0x9], $0x40, s16, s22, $0xb8;
	[tilespmem:$0x1FA00] =	vst v63  }
0xbf: {  	_ =	swait.ge [sflag:s19], $0x1F40  }
0xc0: {  	[sflag:s19] =	ssyncset.done $0x0  }
0xc1: {  	s9 =	sadd.s32 $0x2B80, s8;
	[sflag:s19] =	ssyncadd.s32 $0xFFFFE0C0  }
0xc2: {  	s10 =	sadd.s32 $0x700, s8  }
0xc3: {  	[tilespmem:s28], [sflag:$0x7] =	stream.indirect.gather [hbm4b:s4+s22], $0x40, s10, s22, $0xb8;
	[tilespmem:$0x1FA00] =	vst v63  }
0xc4: {  	_ =	swait.ge [sflag:s30], $0x1F40  }
0xc5: {  	[sflag:s30] =	ssyncset.done $0x0  }
0xc6: {  	[sflag:s30] =	ssyncadd.s32 $0xFFFFE0C0  }
0xc7: {  	[spmem:s1] =	stream.indirect.scatter.add.f32 [tilespmem:s31], [sflag:$0x9], $0x40, s9, s22, $0xb8;
	[tilespmem:$0x1FA00] =	vst v63  }
.Ltmp4:
0xc8: {  	_ = 	snop;
	(pc) =	sbr.rel .LBB2_4-.Ltmp4, $4  }
0xc9: {  	_ =	swait.ge [sflag:s19], $0x1F40  }
0xca: {  	[sflag:s19] =	ssyncset.done $0x0  }
0xcb: {  	s16 =	sadd.s32 $0x780, s8;
	s6 =	sadd.s32 $0x1000, s6;
	[sflag:s19] =	ssyncadd.s32 $0xFFFFE0C0  }
0xcc: {  	[tilespmem:s31], [sflag:$0x8] =	stream.indirect.gather [hbm4b:s4+s22], $0x40, s16, s22, $0xb8;
	[tilespmem:$0x1FA00] =	vst v63  }
.LBB2_7:
0xcd: {  	_ =	sfence.sel $0x180000  }
0xce: {  	[bflag:$0x0] =	sbarrier.arrive $0xFFFF  }
0xcf: {  	_ =	strace $0x90000050  }
0xd0: {  	s0 =	stileid.u32;
	[bflag:$0x2] =	sbarrier.arrive $0xFFFF  }
0xd1: {  	p0 =	sne.s32 s0, $0x0;
	s0 =	rddreg [dreg:$0x2]  }
0xd2: {  	s0 =	sadd.s32 @!p0 $0x100000, s0  }
0xd3: {  	[sflag:s0] =	ssyncadd.tile.s32 @!p0 $0x1;
	_ =	shalt  }
.Lfunc_end2:
_tile_overlayer_lowered:
.L_overlay_start_2:
0xd4: {  	(tag) =	ssettag $0x2  }
0xd5: {  	s0 =	rddreg [dreg:$0x0];
	s2 =	stileid.u32  }
0xd6: {  	s1 =	rddreg [dreg:$0x1];
	p0 =	sne.s32 s2, $0x0  }
0xd7: {  	s3 =	rddreg [dreg:$0x2];
	[bflag:$0x3] =	sbarrier.arrive $0xFFFF;
	s2 =	simm.s32 @!p0 $0x1C09  }
0xd8: {  	[timem:s3], [sflag:s2] =	dma.local @!p0 [hbm:s0], s1  }
0xd9: {  	s0 =	simm.s32 @!p0 $0x9  }
0xda: {  	_ =	swait.ge @!p0 [sflag:s0], s1  }
0xdb: {  	s1 =	ssub.s32 @!p0 $0x0, s1;
	[sflag:s0] =	ssyncset.done @!p0 $0x0  }
0xdc: {  	[sflag:s0] =	ssyncadd.s32 @!p0 s1  }
0xdd: {  	[bflag:$0x3] =	sbarrier.arrive $0xFFFF  }
0xde: {  	_ =	shalt  }

// kernel: kernel.24.cloned.1.call-start
scs
__scs_entry_jumppad:
0x0: {  	(pc) =	sbr.rel $0x88, $3  }
0x1: {  	(tag) =	ssettag $0x0;
	lr =	simm.s32 $0x1  }
0x2: {  	[smem:$0x3F9C] =	sst lr;
	_ =	strace $0xD0000000  }
0x3: {  	_ = 	snop  }
0x4: {  	_ = 	snop  }
0x5: {  	_ = 	snop  }
0x6: {  	_ = 	snop  }
0x7: {  	_ = 	snop  }
__scs_overlays_trampoline_lowered:
0x8: {  	[smem:$0x3FAB] =	sst s0  }
0x9: {  	[smem:$0x3FAC] =	sst s1  }
0xa: {  	[smem:$0x3FAD] =	sst s2  }
0xb: {  	[smem:$0x3FAE] =	sst s3  }
0xc: {  	[smem:$0x3FAF] =	sst s4  }
0xd: {  	[smem:$0x3FB0] =	sst s5  }
0xe: {  	[smem:$0x3FB1] =	sst s6  }
0xf: {  	[smem:$0x3FB2] =	sst s7  }
0x10: {  	[smem:$0x3FB3] =	sst s8  }
0x11: {  	[smem:$0x3FB4] =	sst s9;
	s0 =	simm.s32 @!p0 $0x0  }
0x12: {  	s1 =	sld [smem:$0x3F9A];
	s0 =	simm.s32 @p0 $0x1  }
0x13: {  	[smem:$0x3FB5] =	sst s0;
	s0 =	simm.s32 @!p1 $0x0  }
0x14: {  	s2 =	sld [smem:$0x3F99];
	s0 =	simm.s32 @p1 $0x1  }
0x15: {  	[smem:$0x3FB6] =	sst s0;
	s0 =	simm.s32 @!p2 $0x0  }
0x16: {  	s3 =	sld [smem:$0x3FDB];
	s0 =	simm.s32 @p2 $0x1  }
0x17: {  	s4 =	simm.s32 $0x1BF5;
	[smem:$0x3FB8] =	sst s0  }
0x18: {  	s0 =	sld [smem:$0x3F9B];
	_ =	swait.ge [sflag:s4], $0x0  }
0x19: {  	s7 =	sld [smem:$0x3F9C]  }
0x1a: {  	s8 =	sadd.s32 $0xFFFFE003, lr  }
0x1b: {  	s9 =	sadd.s32 $0xFFFFFEF7, lr;
	s5 =	simm.s32 $0xFFFFFFFF;
	p2 =	slt.u32 s8, $0xFFFFF086  }
0x1c: {  	p1 =	slt.u32 s9, $0xF7A;
	s5 =	simm.s32 @!p2 $0x0  }
0x1d: {  	s5 =	simm.s32 @p1 $0x1;
	p0 =	seq.s32 s7, s2  }
0x1e: {  	s7 =	smul.u32 @!p0 $0xF7A, s2;
	p2 =	seq.s32 @!p0 s5, $0x0  }
0x1f: {  	s9 =	smul.u32 $0xF7A, s1;
	s8 =	simm.s32 @!p0 $0x1BF5;
	p2 =	por !p2, p0  }
0x20: {  	[sflag:s8] =	ssyncset.s32 @!p0 $0xFFFFF086;
	s6 =	sadd.s32 @!p0 s3, s7;
	s7 =	simm.s32 @!p0 $0x108  }
0x21: {  	s3 =	sadd.s32 s3, s9;
	s6 =	sadd.s32 @!p0 $0x88, s6;
	s7 =	simm.s32 @p2 $0x1082  }
0x22: {  	[simem:s7], [sflag:s8] =	dma.local @!p0 [hbm:s6], $0xF7A  }
0x23: {  	s9 =	sor.u32 $0xD0000000, s2;
	s6 =	simm.s32 $0x108;
	_ =	swait.ge @!p0 [sflag:s8], $0x0  }
0x24: {  	s3 =	sadd.s32 $0x88, s3;
	s6 =	simm.s32 @!p1 $0x1082;
	[sflag:s4] =	ssyncset.s32 $0xFFFFF086  }
0x25: {  	[simem:s6], [sflag:s4] =	dma.local [hbm:s3], $0xF7A  }
0x26: {  	[smem:$0x3F9C] =	sst s1;
	(tag) =	ssettag s2;
	_ =	strace s9  }
0x27: {  	s1 =	sld [smem:$0x3FAC]  }
0x28: {  	s2 =	sld [smem:$0x3FAD]  }
0x29: {  	s4 =	sld [smem:$0x3FAF]  }
0x2a: {  	p0 =	seq.s32 s5, $0x0;
	s5 =	sld [smem:$0x3FB0]  }
0x2b: {  	s6 =	sld [smem:$0x3FB1]  }
0x2c: {  	s7 =	sld [smem:$0x3FB2]  }
0x2d: {  	s3 =	simm.s32 $0x108;
	s8 =	sld [smem:$0x3FB3]  }
0x2e: {  	s3 =	simm.s32 @!p0 $0x1082;
	s9 =	sld [smem:$0x3FB4]  }
0x2f: {  	lr =	sadd.s32 s0, s3;
	s0 =	sld [smem:$0x3FAB]  }
0x30: {  	s3 =	sld [smem:$0x3FAE]  }
0x31: {  	[smem:$0x3FB7] =	sst s10  }
0x32: {  	s10 =	sld [smem:$0x3FB5];
	_ =	sdelay $0x3  }
0x33: {  	p0 =	seq.s32 s10, $0x1;
	s10 =	sld [smem:$0x3FB7];
	_ =	sdelay $0x3  }
0x34: {  	[smem:$0x3FB7] =	sst s10  }
0x35: {  	s10 =	sld [smem:$0x3FB6];
	_ =	sdelay $0x3  }
0x36: {  	p1 =	seq.s32 s10, $0x1;
	s10 =	sld [smem:$0x3FB7];
	_ =	sdelay $0x3  }
0x37: {  	[smem:$0x3FB7] =	sst s10  }
0x38: {  	s10 =	sld [smem:$0x3FB8]  }
0x39: {  	_ = 	snop;
	(pc) =	sbr.ind lr, $3  }
0x3a: {  	_ = 	snop  }
0x3b: {  	_ = 	snop  }
0x3c: {  	p2 =	seq.s32 s10, $0x1;
	s10 =	sld [smem:$0x3FB7]  }
0x3d: {  	_ =	shalt  }
0x3e: {  	_ =	shalt  }
0x3f: {  	_ =	shalt  }
0x40: {  	_ =	shalt  }
0x41: {  	_ =	shalt  }
0x42: {  	_ =	shalt  }
0x43: {  	_ =	shalt  }
0x44: {  	_ =	shalt  }
0x45: {  	_ =	shalt  }
0x46: {  	_ =	shalt  }
0x47: {  	_ =	shalt  }
0x48: {  	_ =	shalt  }
0x49: {  	_ =	shalt  }
0x4a: {  	_ =	shalt  }
0x4b: {  	_ =	shalt  }
0x4c: {  	_ =	shalt  }
0x4d: {  	_ =	shalt  }
0x4e: {  	_ =	shalt  }
0x4f: {  	_ =	shalt  }
0x50: {  	_ =	shalt  }
0x51: {  	_ =	shalt  }
0x52: {  	_ =	shalt  }
0x53: {  	_ =	shalt  }
0x54: {  	_ =	shalt  }
0x55: {  	_ =	shalt  }
0x56: {  	_ =	shalt  }
0x57: {  	_ =	shalt  }
0x58: {  	_ =	shalt  }
0x59: {  	_ =	shalt  }
0x5a: {  	_ =	shalt  }
0x5b: {  	_ =	shalt  }
0x5c: {  	_ =	shalt  }
0x5d: {  	_ =	shalt  }
0x5e: {  	_ =	shalt  }
0x5f: {  	_ =	shalt  }
0x60: {  	_ =	shalt  }
0x61: {  	_ =	shalt  }
0x62: {  	_ =	shalt  }
0x63: {  	_ =	shalt  }
0x64: {  	_ =	shalt  }
0x65: {  	_ =	shalt  }
0x66: {  	_ =	shalt  }
0x67: {  	_ =	shalt  }
0x68: {  	_ =	shalt  }
0x69: {  	_ =	shalt  }
0x6a: {  	_ =	shalt  }
0x6b: {  	_ =	shalt  }
0x6c: {  	_ =	shalt  }
0x6d: {  	_ =	shalt  }
0x6e: {  	_ =	shalt  }
0x6f: {  	_ =	shalt  }
0x70: {  	_ =	shalt  }
0x71: {  	_ =	shalt  }
0x72: {  	_ =	shalt  }
0x73: {  	_ =	shalt  }
0x74: {  	_ =	shalt  }
0x75: {  	_ =	shalt  }
0x76: {  	_ =	shalt  }
0x77: {  	_ =	shalt  }
0x78: {  	_ =	shalt  }
0x79: {  	_ =	shalt  }
0x7a: {  	_ =	shalt  }
0x7b: {  	_ =	shalt  }
0x7c: {  	_ =	shalt  }
0x7d: {  	_ =	shalt  }
0x7e: {  	_ =	shalt  }
0x7f: {  	_ =	shalt  }
0x80: {  	_ =	shalt  }
0x81: {  	_ =	shalt  }
0x82: {  	_ =	shalt  }
0x83: {  	_ =	shalt  }
0x84: {  	_ =	shalt  }
0x85: {  	_ =	shalt  }
0x86: {  	_ =	shalt  }
0x87: {  	_ =	shalt  }
.Lfunc_end0:
.L_simem_size_0:
called_computation.4_lowered:
.L_overlay_start_0:
0x88: {  	s2 =	sld [smem:$0x3FD9]  }
0x89: {  	s3 =	sld [smem:$0x3FFE];
	_ =	sdelay $0x1  }
0x8a: {  	s1 =	srdreg.scid  }
0x8b: {  	s0 =	sand.u32 $0x1, s1  }
0x8c: {  	s16 =	sshll.u32 s0, $0xA;
	s2 =	sadd.s32 s3, s2  }
0x8d: {  	s2 =	sadd.s32 s2, s16  }
0x8e: {  	[smem:$0x3FC3] =	sst s2  }
0x8f: {  	_ = 	snop  }
0x90: {  	(tm) =	ssettm $0x1  }
0x91: {  	s17 =	sld [smem:$0x3FFB];
	_ =	sdelay $0x3  }
0x92: {  	_ =	strace s17  }
0x93: {  	s2 =	sld [smem:$0x3FFC];
	_ =	sdelay $0x3  }
0x94: {  	_ =	strace s2  }
0x95: {  	s2 =	sld [smem:$0x3FFD];
	_ =	sdelay $0x3  }
0x96: {  	_ =	strace s2  }
0x97: {  	_ =	strace $0x8FFFFFFF  }
0x98: {  	s18 =	sld [smem:$0x3FDB];
	_ =	sdelay $0x1  }
0x99: {  	s19 =	simm.s32 $_scs_section_size  }
0x9a: {  	s4 =	simm.s32 $_size__tile_overlayer_lowered;
	s5 =	simm.s32 $_tile_overlayer_lowered  }
0x9b: {  	s22 =	simm.s32 $0x1BFF;
	s21 =	sshll.u32 s5, $0x1;
	s2 =	sadd.s32 s19, s18  }
0x9c: {  	s6 =	simm.s32 $0x0;
	s20 =	sshll.u32 s4, $0x1;
	s4 =	sadd.s32 s21, s2  }
0x9d: {  	[timem:s6], [sflag:s22] =	dma.local [hbm:s4], s20  }
0x9e: {  	_ =	swait.ge [sflag:s22], s20  }
0x9f: {  	s3 =	ssub.s32 $0x0, s20;
	[sflag:s22] =	ssyncset.done $0x0  }
0xa0: {  	[sflag:s22] =	ssyncadd.s32 s3;
	_ =	sdelay $0x1  }
0xa1: {  	s23 =	simm.s32 $0x1B8B  }
0xa2: {  	_ =	swait.ge [sflag:s23], $0x1  }
0xa3: {  	[sflag:s23] =	ssyncset.done $0x0  }
0xa4: {  	s25 =	simm.s32 $0x1B8E;
	s24 =	sld [smem:$0x3FFE];
	[sflag:s23] =	ssyncadd.s32 $0xFFFFFFFF  }
0xa5: {  	s26 =	simm.s32 $execute0_lowered;
	[smem:$0x3FD2] =	sst s25  }
0xa6: {  	s4 =	sshll.u32 s26, $0x1;
	_ =	strace $0x80000052;
	[dreg:$0x1] =	wrdreg $0xFFFFFFFF  }
0xa7: {  	s28 =	simm.s32 $_size_execute0_lowered;
	s2 =	sadd.s32 s2, s4;
	[dreg:$0x0] =	wrdreg $0x0  }
0xa8: {  	s4 =	sshll.u32 s28, $0x1;
	[dreg:$0x2] =	wrdreg s2  }
0xa9: {  	[dreg:$0x3] =	wrdreg s4  }
0xaa: {  	[dreg:$0x4] =	wrdreg $0xC0  }
0xab: {  	_ =	task [dreg:s6], $0x5FFFF  }
0xac: {  	[dreg:$0x1] =	wrdreg $0xFFFFFFFF  }
0xad: {  	[dreg:$0x0] =	wrdreg $0x60  }
0xae: {  	[dreg:$0x2] =	wrdreg s24  }
0xaf: {  	[dreg:$0x3] =	wrdreg $0x15A000  }
0xb0: {  	[dreg:$0x4] =	wrdreg $0x9  }
0xb1: {  	_ =	task.clear_ibuf [dreg:s6], $0x5FFFF;
	_ =	strace $0x90000052  }
0xb2: {  	s29 =	simm.s32 $0x9;
	_ =	strace $0x80000054  }
0xb3: {  	_ =	swait.ge [sflag:s29], $0x1  }
0xb4: {  	[sflag:s29] =	ssyncadd.s32 $0xFFFFFFFF  }
0xb5: {  	_ =	strace $0x90000054  }
0xb6: {  	_ =	sfence  }
0xb7: {  	s30 =	sld [smem:$0x0];
	_ =	sdelay $0x2  }
0xb8: {  	s31 =	sshll.u32 s1, $0xD;
	s1 =	sshrl.u32 s1, $0x2  }
0xb9: {  	s3 =	sand.u32 $0x4000, s31;
	s1 =	sadd.s32 s1, s30  }
0xba: {  	s0 =	sor.u32 s3, s0;
	s1 =	sshll.u32 s1, $0x11  }
0xbb: {  	s0 =	sor.u32 s1, s0  }
0xbc: {  	s0 =	sadd.s32 $0x8F2B, s0  }
0xbd: {  	[sflag:s0] =	ssyncadd.remote.s32 $0x1  }
0xbe: {  	_ =	sfence.sel $0xFFFF  }
0xbf: {  	[dreg:$0x0] =	wrdreg $0xFFFFFFFF;
	(pc) =	sbr.abs _section_cstart, $3  }
0xc0: {  	[dreg:$0x1] =	wrdreg $0xFFFFFFFF  }
0xc1: {  	_ =	task.clear_ibuf [dreg:s6], $0x2FFFF;
	_ =	strace $0x9FFFFFFF  }
0xc2: {  	(tm) =	ssettm $0x7FFFFFFF  }
0xc3: {  	_ =	shalt  }
tec
execute0_lowered:
.L_overlay_start_1:
0x0: {  	(tag) =	ssettag $0x1  }
0x1: {  	s0 =	rddreg [dreg:$0x0]  }
0x2: {  	s1 =	rddreg [dreg:$0x1]  }
0x3: {  	s2 =	srdreg.scid;
	s3 =	simm.s32 $0x0;
	s9 =	stileid.u32  }
0x4: {  	s19 =	simm.s32 $0x9;
	s29 =	simm.s32 $0x8E80;
	s28 =	simm.s32 $0x10B80  }
0x5: {  	s31 =	simm.s32 $0x12AC0;
	s30 =	simm.s32 $0x8;
	s8 =	smul.u32 $0xA000, s9  }
0x6: {  	s2 =	sand.u32 $0x1, s2;
	s6 =	sshll.u32 s9, $0x1;
	s9 =	smul.u32 $0x28000, s9  }
0x7: {  	s5 =	smul.u32 $0xA0000, s2;
	s6 =	sor.u32 s2, s6;
	s2 =	ssub.s32 $0x2, s2  }
0x8: {  	[smem:$0x7FF] =	sst s3;
	s4 =	sadd.s32 $0xB7200, s0;
	s7 =	sshrl.u32 s2, $0x1  }
0x9: {  	_ =	strace $0x80000053;
	s15 =	sshrl.u32 s9, $0x2;
	s2 =	ssub.s32 s2, s7  }
0xa: {  	s6 =	smul.u32 $0x500, s6;
	s7 =	sadd.s32 s15, s1;
	s2 =	smax.u32 s2, $0x1  }
0xb: {  	s16 =	sadd.s32 s8, s1;
	s20 =	sadd.s32 $0x1000, s7;
	[dreg:$0x6] =	wrdreg s2  }
0xc: {  	s5 =	sadd.s32 s8, s5;
	s21 =	sadd.s32 $0x2000, s7;
	[dreg:$0x7] =	wrdreg s20  }
0xd: {  	s5 =	sshrl.u32 s5, $0x3;
	s22 =	sadd.s32 $0x3000, s7;
	[dreg:$0x8] =	wrdreg s21  }
0xe: {  	s6 =	sadd.s32 s6, s0;
	s23 =	sadd.s32 $0x4000, s7;
	[dreg:$0x9] =	wrdreg s22  }
0xf: {  	s24 =	sadd.s32 $0x5000, s7;
	s25 =	sadd.s32 $0x6000, s7;
	[dreg:$0xa] =	wrdreg s23  }
0x10: {  	s26 =	sadd.s32 $0x7000, s7;
	s17 =	sadd.s32 $0x8000, s7;
	[dreg:$0xb] =	wrdreg s24  }
0x11: {  	s18 =	sadd.s32 $0x9000, s7;
	s0 =	sadd.s32 s5, s0;
	[dreg:$0xc] =	wrdreg s25  }
0x12: {  	s13 =	sadd.s32 $0xD200, s6;
	s14 =	sadd.s32 $0x3200, s6;
	[dreg:$0xd] =	wrdreg s26  }
.Ltmp0:
0x13: {  	s21 =	simm.s32 $0x14A00;
	s22 =	simm.s32 $0x7D;
	(pc) =	sbr.rel .LBB2_1-.Ltmp0, $4  }
0x14: {  	s23 =	simm.s32 $0x5000;
	s25 =	sshrl.u32 s16, $0x3;
	s2 =	simm.s32 $0xCD00  }
0x15: {  	s20 =	simm.s32 $0x3;
	s24 =	simm.s32 $0x5;
	[dreg:$0x3] =	wrdreg s13  }
0x16: {  	s26 =	simm.s32 $0x7;
	[dreg:$0x4] =	wrdreg s14;
	s0 =	sadd.s32 $0xCB200, s0  }
0x17: {  	v0 =	vimm.f32 $0.0e+00;
	s5 =	simm.s32 $0x0;
	[dreg:$0x5] =	wrdreg s0;
	s0 =	simm.s32 $0x1  }
.LBB2_6:
0x18: {  	_ =	swait.ge [sflag:s30], $0x1F40  }
0x19: {  	[sflag:s30] =	ssyncset.done $0x0  }
0x1a: {  	[sflag:s30] =	ssyncadd.s32 $0xFFFFE0C0  }
0x1b: {  	[spmem:s1] =	stream.indirect.scatter.add.f32 [tilespmem:s31], [sflag:$0x9], $0x40, s9, s22, $0xb8;
	[tilespmem:$0x1FA00] =	vst v63  }
0x1c: {  	_ =	swait.ge [sflag:s19], $0x1F40  }
0x1d: {  	[sflag:s19] =	ssyncset.done $0x0  }
0x1e: {  	s6 =	stileid.u32;
	[sflag:s19] =	ssyncadd.s32 $0xFFFFE0C0  }
0x1f: {  	s6 =	sshll.u32 s6, $0x6;
	[bflag:$0x0] =	sbarrier.arrive $0xFFFF  }
0x20: {  	s6 =	sor.u32 $0x1C09, s6;
	s8 =	rddreg [dreg:$0x5]  }
0x21: {  	[hbm:s8], [sflag:s6] =	dma.local [spmem:s25], $0x1400  }
0x22: {  	_ =	swait.ge [sflag:s19], $0x1400  }
0x23: {  	s5 =	sadd.s32 $0x1, s5;
	s16 =	rddreg [dreg:$0x6]  }
0x24: {  	p0 =	sne.s32 s5, s16  }
.Ltmp1:
0x25: {  	_ = 	snop;
	(pc) =	sbr.rel @!p0 .LBB2_7-.Ltmp1, $3  }
0x26: {  	_ =	sdelay $0x1  }
0x27: {  	[sflag:s19] =	ssyncset.done $0x0  }
0x28: {  	[sflag:s19] =	ssyncadd.s32 $0xFFFFEC00  }
.LBB2_1:
0x29: {  	s6 =	rddreg [dreg:$0x3]  }
0x2a: {  	[tilespmem:s3], [sflag:$0x9] =	stream.linear.gather [hbm4b:s6+s3], $0x2800, $0x38;
	[tilespmem:$0x1FA00] =	vst v63  }
0x2b: {  	_ =	swait.ge [sflag:s19], $0x2800  }
0x2c: {  	[sflag:s19] =	ssyncset.done $0x0  }
0x2d: {  	s8 =	simm.s32 $0x2800;
	s14 =	rddreg [dreg:$0x4];
	[sflag:s19] =	ssyncadd.s32 $0xFFFFD800  }
0x2e: {  	[tilespmem:s8], [sflag:$0x9] =	stream.linear.gather [hbm4b:s14+s3], $0x2800, $0x38;
	[tilespmem:$0x1FA00] =	vst v63  }
0x2f: {  	s15 =	sand.u32 $0x3F00, s3;
	s16 =	sand.u32 $0x30, s3;
	_ =	swait.ge [sflag:s19], $0x2800  }
0x30: {  	s9 =	sshrl.u32 s15, $0x2;
	s6 =	simm.s32 $0x40;
	[sflag:s19] =	ssyncset.done $0x0  }
0x31: {  	s9 =	sor.u32 s16, s9;
	s8 =	simm.s32 $0x0;
	[sflag:s19] =	ssyncadd.s32 $0xFFFFD800  }
.LBB2_2:
0x32: {  	p0 =	sne.s32 s6, $0x3FC0  }
0x33: {  	[tilespmem:s9+$0x14A00] =	vst v0;
	s8 =	sadd.s32 $0x10, s8;
	s9 =	smov.u32 s6;
	s6 =	sadd.s32 $0x40, s6  }
.Ltmp2:
0x34: {  	(pc) =	sbr.rel @p0 .LBB2_2-.Ltmp2, $4  }
0x35: {  	_ = 	snop  }
0x36: {  	s9 =	sand.u32 $0x3F00, s9  }
0x37: {  	s10 =	sand.u32 $0x30, s8;
	s9 =	sshrl.u32 s9, $0x2  }
0x38: {  	s9 =	sor.u32 s10, s9  }
0x39: {  	[tilespmem:s9+$0x14A00] =	vst v0  }
0x3a: {  	[spmem:s7] =	stream.linear.scatter [tilespmem:s21], [sflag:$0x9], $0x1000, $0x38;
	[tilespmem:$0x1FA00] =	vst v63  }
0x3b: {  	_ =	swait.ge [sflag:s19], $0x1000  }
0x3c: {  	[sflag:s19] =	ssyncset.done $0x0  }
0x3d: {  	s6 =	rddreg [dreg:$0x7];
	[sflag:s19] =	ssyncadd.s32 $0xFFFFF000  }
0x3e: {  	[spmem:s6] =	stream.linear.scatter [tilespmem:s21], [sflag:$0x9], $0x1000, $0x38;
	[tilespmem:$0x1FA00] =	vst v63  }
0x3f: {  	_ =	swait.ge [sflag:s19], $0x1000  }
0x40: {  	[sflag:s19] =	ssyncset.done $0x0  }
0x41: {  	s10 =	rddreg [dreg:$0x8];
	[sflag:s19] =	ssyncadd.s32 $0xFFFFF000  }
0x42: {  	[spmem:s10] =	stream.linear.scatter [tilespmem:s21], [sflag:$0x9], $0x1000, $0x38;
	[tilespmem:$0x1FA00] =	vst v63  }
0x43: {  	_ =	swait.ge [sflag:s19], $0x1000  }
0x44: {  	[sflag:s19] =	ssyncset.done $0x0  }
0x45: {  	s11 =	rddreg [dreg:$0x9];
	[sflag:s19] =	ssyncadd.s32 $0xFFFFF000  }
0x46: {  	[spmem:s11] =	stream.linear.scatter [tilespmem:s21], [sflag:$0x9], $0x1000, $0x38;
	[tilespmem:$0x1FA00] =	vst v63  }
0x47: {  	_ =	swait.ge [sflag:s19], $0x1000  }
0x48: {  	[sflag:s19] =	ssyncset.done $0x0  }
0x49: {  	s12 =	rddreg [dreg:$0xa];
	[sflag:s19] =	ssyncadd.s32 $0xFFFFF000  }
0x4a: {  	[spmem:s12] =	stream.linear.scatter [tilespmem:s21], [sflag:$0x9], $0x1000, $0x38;
	[tilespmem:$0x1FA00] =	vst v63  }
0x4b: {  	_ =	swait.ge [sflag:s19], $0x1000  }
0x4c: {  	[sflag:s19] =	ssyncset.done $0x0  }
0x4d: {  	s13 =	rddreg [dreg:$0xb];
	[sflag:s19] =	ssyncadd.s32 $0xFFFFF000  }
0x4e: {  	[spmem:s13] =	stream.linear.scatter [tilespmem:s21], [sflag:$0x9], $0x1000, $0x38;
	[tilespmem:$0x1FA00] =	vst v63  }
0x4f: {  	_ =	swait.ge [sflag:s19], $0x1000  }
0x50: {  	[sflag:s19] =	ssyncset.done $0x0  }
0x51: {  	s14 =	rddreg [dreg:$0xc];
	[sflag:s19] =	ssyncadd.s32 $0xFFFFF000  }
0x52: {  	[spmem:s14] =	stream.linear.scatter [tilespmem:s21], [sflag:$0x9], $0x1000, $0x38;
	[tilespmem:$0x1FA00] =	vst v63  }
0x53: {  	_ =	swait.ge [sflag:s19], $0x1000  }
0x54: {  	[sflag:s19] =	ssyncset.done $0x0  }
0x55: {  	s15 =	rddreg [dreg:$0xd];
	[sflag:s19] =	ssyncadd.s32 $0xFFFFF000  }
0x56: {  	[spmem:s15] =	stream.linear.scatter [tilespmem:s21], [sflag:$0x9], $0x1000, $0x38;
	[tilespmem:$0x1FA00] =	vst v63  }
0x57: {  	_ =	swait.ge [sflag:s19], $0x1000  }
0x58: {  	[sflag:s19] =	ssyncset.done $0x0  }
0x59: {  	[sflag:s19] =	ssyncadd.s32 $0xFFFFF000  }
0x5a: {  	[spmem:s17] =	stream.linear.scatter [tilespmem:s21], [sflag:$0x9], $0x1000, $0x38;
	[tilespmem:$0x1FA00] =	vst v63  }
0x5b: {  	_ =	swait.ge [sflag:s19], $0x1000  }
0x5c: {  	[sflag:s19] =	ssyncset.done $0x0  }
0x5d: {  	[sflag:s19] =	ssyncadd.s32 $0xFFFFF000  }
0x5e: {  	[spmem:s18] =	stream.linear.scatter [tilespmem:s21], [sflag:$0x9], $0x1000, $0x38;
	[tilespmem:$0x1FA00] =	vst v63  }
0x5f: {  	_ =	swait.ge [sflag:s19], $0x1000  }
0x60: {  	[sflag:s19] =	ssyncset.done $0x0  }
0x61: {  	[sflag:s19] =	ssyncadd.s32 $0xFFFFF000  }
0x62: {  	s6 =	simm.s32 $0x0;
	[bflag:$0x0] =	sbarrier.arrive $0xFFFF  }
0x63: {  	[tilespmem:s23], [sflag:$0x1] =	stream.indirect.gather [hbm4b:s4+s22], $0x40, s6, s22, $0xb8;
	[tilespmem:$0x1FA00] =	vst v63  }
0x64: {  	s8 =	simm.s32 $0x80;
	s16 =	simm.s32 $0x6F40  }
0x65: {  	[tilespmem:s16], [sflag:$0x2] =	stream.indirect.gather [hbm4b:s4+s22], $0x40, s8, s22, $0xb8;
	[tilespmem:$0x1FA00] =	vst v63  }
0x66: {  	s9 =	simm.s32 $0x100  }
0x67: {  	[tilespmem:s29], [sflag:$0x3] =	stream.indirect.gather [hbm4b:s4+s22], $0x40, s9, s22, $0xb8;
	[tilespmem:$0x1FA00] =	vst v63  }
0x68: {  	s10 =	simm.s32 $0x180;
	s11 =	simm.s32 $0xADC0  }
0x69: {  	[tilespmem:s11], [sflag:$0x4] =	stream.indirect.gather [hbm4b:s4+s22], $0x40, s10, s22, $0xb8;
	[tilespmem:$0x1FA00] =	vst v63  }
0x6a: {  	s12 =	simm.s32 $0x200  }
0x6b: {  	[tilespmem:s2], [sflag:$0x5] =	stream.indirect.gather [hbm4b:s4+s22], $0x40, s12, s22, $0xb8;
	[tilespmem:$0x1FA00] =	vst v63  }
0x6c: {  	s13 =	simm.s32 $0x280;
	s14 =	simm.s32 $0xEC40  }
0x6d: {  	[tilespmem:s14], [sflag:$0x6] =	stream.indirect.gather [hbm4b:s4+s22], $0x40, s13, s22, $0xb8;
	[tilespmem:$0x1FA00] =	vst v63  }
0x6e: {  	s15 =	simm.s32 $0x300  }
0x6f: {  	[tilespmem:s28], [sflag:$0x7] =	stream.indirect.gather [hbm4b:s4+s22], $0x40, s15, s22, $0xb8;
	[tilespmem:$0x1FA00] =	vst v63  }
0x70: {  	s16 =	simm.s32 $0x380  }
0x71: {  	[tilespmem:s31], [sflag:$0x8] =	stream.indirect.gather [hbm4b:s4+s22], $0x40, s16, s22, $0xb8;
	[tilespmem:$0x1FA00] =	vst v63  }
.LBB2_4:
0x72: {  	_ =	swait.ge [sflag:s0], $0x1F40  }
0x73: {  	s8 =	sshra.s32 s6, $0x2;
	[sflag:s0] =	ssyncset.done $0x0  }
0x74: {  	s9 =	sadd.s32 $0x2800, s8;
	[sflag:s0] =	ssyncadd.s32 $0xFFFFE0C0  }
0x75: {  	[spmem:s1] =	stream.indirect.scatter.add.f32 [tilespmem:s23], [sflag:$0x9], $0x40, s9, s22, $0xb8;
	[tilespmem:$0x1FA00] =	vst v63  }
0x76: {  	_ =	swait.ge [sflag:s19], $0x1F40  }
0x77: {  	p0 =	seq.s32 s6, $0x9000;
	[sflag:s19] =	ssyncset.done $0x0  }
0x78: {  	s9 =	simm.s32 @p0 $0x2;
	[sflag:s19] =	ssyncadd.s32 $0xFFFFE0C0  }
0x79: {  	s11 =	sshra.s32 @p0 s6, $0x2;
	_ =	swait.ge @p0 [sflag:s9], $0x1F40  }
0x7a: {  	s12 =	simm.s32 @p0 $0x7D;
	s10 =	simm.s32 @p0 $0x6F40;
	[sflag:s9] =	ssyncset.done @p0 $0x0  }
0x7b: {  	s13 =	simm.s32 @p0 $0x9;
	[sflag:s9] =	ssyncadd.s32 @p0 $0xFFFFE0C0;
	s9 =	sadd.s32 @p0 $0x2880, s11  }
0x7c: {  	[spmem:s1] =	stream.indirect.scatter.add.f32 @p0 [tilespmem:s10], [sflag:$0x9], $0x40, s9, s12, $0xb8;
	[tilespmem:$0x1FA00] =	vst v63  }
0x7d: {  	_ =	swait.ge @p0 [sflag:s13], $0x1F40  }
0x7e: {  	s15 =	simm.s32 @!p0 $0x5000;
	s9 =	sshra.s32 @!p0 s6, $0x2;
	[sflag:s13] =	ssyncset.done @p0 $0x0  }
0x7f: {  	s10 =	simm.s32 @!p0 $0x7D;
	s14 =	sadd.s32 @!p0 $0x400, s9;
	[sflag:s13] =	ssyncadd.s32 @p0 $0xFFFFE0C0  }
0x80: {  	[tilespmem:s15], [sflag:$0x1] =	stream.indirect.gather @!p0 [hbm4b:s4+s10], $0x40, s14, s10, $0xb8;
	[tilespmem:$0x1FA00] =	vst v63  }
0x81: {  	s14 =	simm.s32 @!p0 $0x2  }
0x82: {  	_ =	swait.ge @!p0 [sflag:s14], $0x1F40  }
0x83: {  	[sflag:s14] =	ssyncset.done @!p0 $0x0  }
0x84: {  	s15 =	simm.s32 @!p0 $0x6F40;
	[sflag:s14] =	ssyncadd.s32 @!p0 $0xFFFFE0C0;
	s14 =	sadd.s32 @!p0 $0x2880, s9  }
0x85: {  	[spmem:s1] =	stream.indirect.scatter.add.f32 @!p0 [tilespmem:s15], [sflag:$0x9], $0x40, s14, s10, $0xb8;
	[tilespmem:$0x1FA00] =	vst v63  }
0x86: {  	s14 =	simm.s32 @!p0 $0x9  }
0x87: {  	_ =	swait.ge @!p0 [sflag:s14], $0x1F40  }
0x88: {  	[sflag:s14] =	ssyncset.done @!p0 $0x0  }
0x89: {  	s16 =	sadd.s32 @!p0 $0x480, s9;
	[sflag:s14] =	ssyncadd.s32 @!p0 $0xFFFFE0C0  }
0x8a: {  	[tilespmem:s15], [sflag:$0x2] =	stream.indirect.gather @!p0 [hbm4b:s4+s10], $0x40, s16, s10, $0xb8;
	[tilespmem:$0x1FA00] =	vst v63  }
0x8b: {  	_ =	swait.ge [sflag:s20], $0x1F40  }
0x8c: {  	[sflag:s20] =	ssyncset.done $0x0  }
0x8d: {  	s16 =	sadd.s32 $0x2900, s8;
	[sflag:s20] =	ssyncadd.s32 $0xFFFFE0C0  }
0x8e: {  	[spmem:s1] =	stream.indirect.scatter.add.f32 [tilespmem:s29], [sflag:$0x9], $0x40, s16, s22, $0xb8;
	[tilespmem:$0x1FA00] =	vst v63  }
0x8f: {  	_ =	swait.ge [sflag:s19], $0x1F40  }
0x90: {  	[sflag:s19] =	ssyncset.done $0x0  }
0x91: {  	s15 =	simm.s32 @p0 $0x4;
	[sflag:s19] =	ssyncadd.s32 $0xFFFFE0C0  }
0x92: {  	_ =	swait.ge @p0 [sflag:s15], $0x1F40  }
0x93: {  	[sflag:s15] =	ssyncset.done @p0 $0x0  }
0x94: {  	s16 =	simm.s32 @p0 $0xADC0;
	[sflag:s15] =	ssyncadd.s32 @p0 $0xFFFFE0C0;
	s15 =	sadd.s32 @p0 $0x2980, s11  }
0x95: {  	[spmem:s1] =	stream.indirect.scatter.add.f32 @p0 [tilespmem:s16], [sflag:$0x9], $0x40, s15, s12, $0xb8;
	[tilespmem:$0x1FA00] =	vst v63  }
0x96: {  	_ =	swait.ge @p0 [sflag:s13], $0x1F40  }
0x97: {  	[sflag:s13] =	ssyncset.done @p0 $0x0  }
0x98: {  	s15 =	sadd.s32 @!p0 $0x500, s9;
	s16 =	simm.s32 @!p0 $0x8E80;
	[sflag:s13] =	ssyncadd.s32 @p0 $0xFFFFE0C0  }
0x99: {  	[tilespmem:s16], [sflag:$0x3] =	stream.indirect.gather @!p0 [hbm4b:s4+s10], $0x40, s15, s10, $0xb8;
	[tilespmem:$0x1FA00] =	vst v63  }
0x9a: {  	s15 =	simm.s32 @!p0 $0x4  }
0x9b: {  	_ =	swait.ge @!p0 [sflag:s15], $0x1F40  }
0x9c: {  	[sflag:s15] =	ssyncset.done @!p0 $0x0  }
0x9d: {  	s16 =	simm.s32 @!p0 $0xADC0;
	[sflag:s15] =	ssyncadd.s32 @!p0 $0xFFFFE0C0;
	s15 =	sadd.s32 @!p0 $0x2980, s9  }
0x9e: {  	[spmem:s1] =	stream.indirect.scatter.add.f32 @!p0 [tilespmem:s16], [sflag:$0x9], $0x40, s15, s10, $0xb8;
	[tilespmem:$0x1FA00] =	vst v63  }
0x9f: {  	_ =	swait.ge @!p0 [sflag:s14], $0x1F40  }
0xa0: {  	[sflag:s14] =	ssyncset.done @!p0 $0x0  }
0xa1: {  	s15 =	sadd.s32 @!p0 $0x580, s9;
	[sflag:s14] =	ssyncadd.s32 @!p0 $0xFFFFE0C0  }
0xa2: {  	[tilespmem:s16], [sflag:$0x4] =	stream.indirect.gather @!p0 [hbm4b:s4+s10], $0x40, s15, s10, $0xb8;
	[tilespmem:$0x1FA00] =	vst v63  }
0xa3: {  	_ =	swait.ge [sflag:s24], $0x1F40  }
0xa4: {  	[sflag:s24] =	ssyncset.done $0x0  }
0xa5: {  	s16 =	sadd.s32 $0x2A00, s8;
	[sflag:s24] =	ssyncadd.s32 $0xFFFFE0C0  }
0xa6: {  	[spmem:s1] =	stream.indirect.scatter.add.f32 [tilespmem:s2], [sflag:$0x9], $0x40, s16, s22, $0xb8;
	[tilespmem:$0x1FA00] =	vst v63  }
0xa7: {  	_ =	swait.ge [sflag:s19], $0x1F40  }
0xa8: {  	[sflag:s19] =	ssyncset.done $0x0  }
0xa9: {  	s15 =	simm.s32 @p0 $0x6;
	[sflag:s19] =	ssyncadd.s32 $0xFFFFE0C0  }
0xaa: {  	_ =	swait.ge @p0 [sflag:s15], $0x1F40  }
0xab: {  	[sflag:s15] =	ssyncset.done @p0 $0x0  }
0xac: {  	s11 =	sadd.s32 @p0 $0x2A80, s11;
	[sflag:s15] =	ssyncadd.s32 @p0 $0xFFFFE0C0;
	s15 =	simm.s32 @p0 $0xEC40  }
0xad: {  	[spmem:s1] =	stream.indirect.scatter.add.f32 @p0 [tilespmem:s15], [sflag:$0x9], $0x40, s11, s12, $0xb8;
	[tilespmem:$0x1FA00] =	vst v63  }
0xae: {  	_ =	swait.ge @p0 [sflag:s13], $0x1F40  }
0xaf: {  	[sflag:s13] =	ssyncset.done @p0 $0x0  }
0xb0: {  	s11 =	sadd.s32 @!p0 $0x600, s9;
	s12 =	simm.s32 @!p0 $0xCD00;
	[sflag:s13] =	ssyncadd.s32 @p0 $0xFFFFE0C0  }
0xb1: {  	[tilespmem:s12], [sflag:$0x5] =	stream.indirect.gather @!p0 [hbm4b:s4+s10], $0x40, s11, s10, $0xb8;
	[tilespmem:$0x1FA00] =	vst v63  }
0xb2: {  	s11 =	simm.s32 @!p0 $0x6  }
0xb3: {  	_ =	swait.ge @!p0 [sflag:s11], $0x1F40  }
0xb4: {  	[sflag:s11] =	ssyncset.done @!p0 $0x0  }
0xb5: {  	s12 =	simm.s32 @!p0 $0xEC40;
	[sflag:s11] =	ssyncadd.s32 @!p0 $0xFFFFE0C0;
	s11 =	sadd.s32 @!p0 $0x2A80, s9  }
0xb6: {  	[spmem:s1] =	stream.indirect.scatter.add.f32 @!p0 [tilespmem:s12], [sflag:$0x9], $0x40, s11, s10, $0xb8;
	[tilespmem:$0x1FA00] =	vst v63  }
0xb7: {  	_ =	swait.ge @!p0 [sflag:s14], $0x1F40  }
0xb8: {  	[sflag:s14] =	ssyncset.done @!p0 $0x0  }
0xb9: {  	s9 =	sadd.s32 @!p0 $0x680, s9;
	[sflag:s14] =	ssyncadd.s32 @!p0 $0xFFFFE0C0  }
0xba: {  	[tilespmem:s12], [sflag:$0x6] =	stream.indirect.gather @!p0 [hbm4b:s4+s10], $0x40, s9, s10, $0xb8;
	[tilespmem:$0x1FA00] =	vst v63  }
0xbb: {  	_ =	swait.ge [sflag:s26], $0x1F40  }
0xbc: {  	[sflag:s26] =	ssyncset.done $0x0  }
.Ltmp3:
0xbd: {  	s16 =	sadd.s32 $0x2B00, s8;
	[sflag:s26] =	ssyncadd.s32 $0xFFFFE0C0;
	(pc) =	sbr.rel @p0 .LBB2_6-.Ltmp3, $4  }
0xbe: {  	[spmem:s1] =	stream.indirect.scatter.add.f32 [tilespmem:s28], [sflag:$0x9], $0x40, s16, s22, $0xb8;
	[tilespmem:$0x1FA00] =	vst v63  }
0xbf: {  	_ =	swait.ge [sflag:s19], $0x1F40  }
0xc0: {  	[sflag:s19] =	ssyncset.done $0x0  }
0xc1: {  	s9 =	sadd.s32 $0x2B80, s8;
	[sflag:s19] =	ssyncadd.s32 $0xFFFFE0C0  }
0xc2: {  	s10 =	sadd.s32 $0x700, s8  }
0xc3: {  	[tilespmem:s28], [sflag:$0x7] =	stream.indirect.gather [hbm4b:s4+s22], $0x40, s10, s22, $0xb8;
	[tilespmem:$0x1FA00] =	vst v63  }
0xc4: {  	_ =	swait.ge [sflag:s30], $0x1F40  }
0xc5: {  	[sflag:s30] =	ssyncset.done $0x0  }
0xc6: {  	[sflag:s30] =	ssyncadd.s32 $0xFFFFE0C0  }
0xc7: {  	[spmem:s1] =	stream.indirect.scatter.add.f32 [tilespmem:s31], [sflag:$0x9], $0x40, s9, s22, $0xb8;
	[tilespmem:$0x1FA00] =	vst v63  }
.Ltmp4:
0xc8: {  	_ = 	snop;
	(pc) =	sbr.rel .LBB2_4-.Ltmp4, $4  }
0xc9: {  	_ =	swait.ge [sflag:s19], $0x1F40  }
0xca: {  	[sflag:s19] =	ssyncset.done $0x0  }
0xcb: {  	s16 =	sadd.s32 $0x780, s8;
	s6 =	sadd.s32 $0x1000, s6;
	[sflag:s19] =	ssyncadd.s32 $0xFFFFE0C0  }
0xcc: {  	[tilespmem:s31], [sflag:$0x8] =	stream.indirect.gather [hbm4b:s4+s22], $0x40, s16, s22, $0xb8;
	[tilespmem:$0x1FA00] =	vst v63  }
.LBB2_7:
0xcd: {  	_ =	sfence.sel $0x180000  }
0xce: {  	[bflag:$0x0] =	sbarrier.arrive $0xFFFF  }
0xcf: {  	_ =	strace $0x90000053  }
0xd0: {  	s0 =	stileid.u32;
	[bflag:$0x2] =	sbarrier.arrive $0xFFFF  }
0xd1: {  	p0 =	sne.s32 s0, $0x0;
	s0 =	rddreg [dreg:$0x2]  }
0xd2: {  	s0 =	sadd.s32 @!p0 $0x100000, s0  }
0xd3: {  	[sflag:s0] =	ssyncadd.tile.s32 @!p0 $0x1;
	_ =	shalt  }
.Lfunc_end2:
_tile_overlayer_lowered:
.L_overlay_start_2:
0xd4: {  	(tag) =	ssettag $0x2  }
0xd5: {  	s0 =	rddreg [dreg:$0x0];
	s2 =	stileid.u32  }
0xd6: {  	s1 =	rddreg [dreg:$0x1];
	p0 =	sne.s32 s2, $0x0  }
0xd7: {  	s3 =	rddreg [dreg:$0x2];
	[bflag:$0x3] =	sbarrier.arrive $0xFFFF;
	s2 =	simm.s32 @!p0 $0x1C09  }
0xd8: {  	[timem:s3], [sflag:s2] =	dma.local @!p0 [hbm:s0], s1  }
0xd9: {  	s0 =	simm.s32 @!p0 $0x9  }
0xda: {  	_ =	swait.ge @!p0 [sflag:s0], s1  }
0xdb: {  	s1 =	ssub.s32 @!p0 $0x0, s1;
	[sflag:s0] =	ssyncset.done @!p0 $0x0  }
0xdc: {  	[sflag:s0] =	ssyncadd.s32 @!p0 s1  }
0xdd: {  	[bflag:$0x3] =	sbarrier.arrive $0xFFFF  }
0xde: {  	_ =	shalt  }

</sc_bundles>
